<compile_context>
chip_gen: v7x
topology: tpu7x:2x2x1
jax: 0.10.2.dev20260603
libtpu: 0.0.44.dev20260713+nightly
codegen_flags: <defaults>
</compile_context>

<pallas_src>
import functools

import jax
import jax.numpy as jnp
from jax import lax
from jax.experimental import pallas as pl
from jax.experimental.pallas import tpu as pltpu
from jax.experimental.pallas import tpu_sc as plsc

_N = 1_000_000
_HIST = 200
_HIST_PAD = 208
_NCHUNK = _HIST_PAD // 16
_NW = 32
_CHUNK = 31_264
_LAST = _N - 31 * _CHUNK

_mesh = plsc.VectorSubcoreMesh(core_axis_name="c", subcore_axis_name="s")


@functools.partial(
    pl.kernel,
    out_type=(
        jax.ShapeDtypeStruct((_N,), jnp.float32),
        jax.ShapeDtypeStruct((_N,), jnp.float32),
    ),
    mesh=_mesh,
    scratch_types=[
        pltpu.VMEM((_HIST_PAD,), jnp.int32),
        pltpu.VMEM((_HIST_PAD,), jnp.float32),
        pltpu.VMEM((_HIST_PAD,), jnp.int32),
        pltpu.VMEM((_HIST_PAD,), jnp.float32),
        pltpu.VMEM((_CHUNK,), jnp.float32),
        pltpu.VMEM((_CHUNK,), jnp.float32),
    ],
    compiler_params=pltpu.CompilerParams(needs_layout_passes=False),
)
def _flat_input_sc(item_h, rating_h, titem_h, trating_h, out0_h, out1_h,
                   idx_v, val_v, tidx_v, tval_v, buf0, buf1):
    c = lax.axis_index("c")
    s = lax.axis_index("s")
    wid = s * 2 + c
    base = wid * _CHUNK
    end = jnp.minimum(base + _CHUNK, _N)
    nvec = (end - base) // 16

    pltpu.sync_copy(item_h, idx_v)
    pltpu.sync_copy(rating_h, val_v)
    pltpu.sync_copy(titem_h, tidx_v)
    pltpu.sync_copy(trating_h, tval_v)

    zeros = jnp.zeros((16,), jnp.float32)
    nans = jnp.full((16,), jnp.nan, jnp.float32)

    def fill_body(i, carry):
        o = i * 64
        buf0[pl.ds(o, 16)] = zeros
        buf0[pl.ds(o + 16, 16)] = zeros
        buf0[pl.ds(o + 32, 16)] = zeros
        buf0[pl.ds(o + 48, 16)] = zeros
        buf1[pl.ds(o, 16)] = nans
        buf1[pl.ds(o + 16, 16)] = nans
        buf1[pl.ds(o + 32, 16)] = nans
        buf1[pl.ds(o + 48, 16)] = nans
        return carry

    nv4 = nvec // 4
    lax.fori_loop(0, nv4, fill_body, None)

    def fill_tail(i, carry):
        o = i * 16
        buf0[pl.ds(o, 16)] = zeros
        buf1[pl.ds(o, 16)] = nans
        return carry

    lax.fori_loop(nv4 * 4, nvec, fill_tail, None)

    lane = lax.iota(jnp.int32, 16)

    def scatter_all(idxref, valref, buf):
        for k in range(_NCHUNK):
            idx = idxref[pl.ds(k * 16, 16)]
            val = valref[pl.ds(k * 16, 16)]
            inr = (idx >= base) & (idx < end)
            if (k + 1) * 16 > _HIST:
                inr = inr & (lane < (_HIST - k * 16))
            local = jnp.clip(idx - base, 0, _CHUNK - 1)
            for l in range(16):
                plsc.store_scatter(buf, [local], val, mask=inr & (lane == l))

    scatter_all(idx_v, val_v, buf0)
    scatter_all(tidx_v, tval_v, buf1)

    @pl.when(wid < _NW - 1)
    def _():
        pltpu.sync_copy(buf0.at[pl.ds(0, _CHUNK)], out0_h.at[pl.ds(base, _CHUNK)])
        pltpu.sync_copy(buf1.at[pl.ds(0, _CHUNK)], out1_h.at[pl.ds(base, _CHUNK)])

    @pl.when(wid == _NW - 1)
    def _():
        pltpu.sync_copy(buf0.at[pl.ds(0, _LAST)], out0_h.at[pl.ds(base, _LAST)])
        pltpu.sync_copy(buf1.at[pl.ds(0, _LAST)], out1_h.at[pl.ds(base, _LAST)])


@jax.jit
def kernel(item, rating, target_item, target_rating):
    pad = _HIST_PAD - _HIST
    item_p = jnp.pad(item.astype(jnp.int32), (0, pad))
    rating_p = jnp.pad(rating, (0, pad))
    titem_p = jnp.pad(target_item.astype(jnp.int32), (0, pad))
    trating_p = jnp.pad(target_rating, (0, pad))
    return _flat_input_sc(item_p, rating_p, titem_p, trating_p)

# --- scband reference (transcript-rebuilt; emitter-appended) ---
"""Pipeline reference for scband-flat-input-62500364091433 (READ-ONLY COPY).

The authoritative reference and input builder live on the scoring server;
editing this copy changes nothing except your own understanding.
"""

import jax, jax.numpy as jnp
import numpy as np

NUM_ITEMS = 1000000
HIST_LEN = 200


def setup_inputs(seed: int = 0) -> dict:
    key = jax.random.key(seed)
    k1, k2, k3, k4 = jax.random.split(key, 4)
    item = jax.random.randint(k1, (HIST_LEN,), 0, NUM_ITEMS, dtype=jnp.int64) if jax.config.read('jax_enable_x64') else jax.random.randint(k1, (HIST_LEN,), 0, NUM_ITEMS).astype(jnp.int32)
    rating = jax.random.normal(k2, (HIST_LEN,), dtype=jnp.float32)
    target_item = jax.random.randint(k3, (HIST_LEN,), 0, NUM_ITEMS).astype(item.dtype)
    target_rating = jax.random.normal(k4, (HIST_LEN,), dtype=jnp.float32)
    return {"item": item, "rating": rating, "target_item": target_item, "target_rating": target_rating}


def reference(item, rating, target_item, target_rating):
    # FlatInput.forward with num_negatives == 0:
    #   rating_full = zeros(num_items); rating_full[item] = rating
    #   target_full = full(num_items, nan); target_full[target_item] = target_rating
    rating_full = jnp.zeros((NUM_ITEMS,), dtype=rating.dtype).at[item].set(rating)
    target_full = jnp.full((NUM_ITEMS,), jnp.nan, dtype=target_rating.dtype).at[target_item].set(target_rating)
    return rating_full, target_full

if __name__ == "__main__":
    import jax
    _d = setup_inputs()
    print(jax.jit(kernel)(*tuple(_d.values())))

</pallas_src>

<mosaic_0001>
#map = affine_map<(d0, d1) -> (0)>
module attributes {stable_mosaic.version = 14 : i64} {
  func.func @_flat_input_sc(%arg0: i32, %arg1: i32, %arg2: memref<208xi32, #tpu.memory_space<hbm>>, %arg3: memref<208xf32, #tpu.memory_space<hbm>>, %arg4: memref<208xi32, #tpu.memory_space<hbm>>, %arg5: memref<208xf32, #tpu.memory_space<hbm>>, %arg6: memref<1000000xf32, #tpu.memory_space<hbm>>, %arg7: memref<1000000xf32, #tpu.memory_space<hbm>>, %arg8: memref<208xi32, #tpu.memory_space<vmem>>, %arg9: memref<208xf32, #tpu.memory_space<vmem>>, %arg10: memref<208xi32, #tpu.memory_space<vmem>>, %arg11: memref<208xf32, #tpu.memory_space<vmem>>, %arg12: memref<31264xf32, #tpu.memory_space<vmem>>, %arg13: memref<31264xf32, #tpu.memory_space<vmem>>) attributes {dimension_semantics = [#tpu.dimension_semantics<core_parallel>, #tpu.dimension_semantics<subcore_parallel>], iteration_bounds = array<i64: 2, 16>, scalar_prefetch = 0 : i64, scratch_operands = 6 : i64, tpu.core_type = #tpu.core_type<sc_vector_subcore>, window_params = [{transform_indices = #map}, {transform_indices = #map}, {transform_indices = #map}, {transform_indices = #map}, {transform_indices = #map}, {transform_indices = #map}]} {
    %mul3A = arith.constant 2 : i32
    %mul3A_0 = arith.muli %arg1, %mul3A : i32
    %add3A = arith.addi %mul3A_0, %arg0 : i32
    %mul3A_1 = arith.constant 31264 : i32
    %mul3A_2 = arith.muli %add3A, %mul3A_1 : i32
    %add3A_3 = arith.constant 31264 : i32
    %add3A_4 = arith.addi %mul3A_2, %add3A_3 : i32
    %min3A = arith.constant 1000000 : i32
    %min3A_5 = arith.minsi %add3A_4, %min3A : i32
    %sub3A = arith.subi %min3A_5, %mul3A_2 : i32
    %jit3A = arith.constant 16 : i32
    %div3A = arith.divsi %sub3A, %jit3A : i32
    %sign3A = arith.constant 0 : i32
    %sign3A_6 = arith.cmpi sgt, %sub3A, %sign3A : i32
    %sign3A_7 = arith.extui %sign3A_6 : i1 to i32
    %sign3A_8 = arith.constant 0 : i32
    %sign3A_9 = arith.cmpi slt, %sub3A, %sign3A_8 : i32
    %sign3A_10 = arith.extui %sign3A_9 : i1 to i32
    %sign3A_11 = arith.subi %sign3A_7, %sign3A_10 : i32
    %sign3A_12 = arith.constant 0 : i32
    %sign3A_13 = arith.cmpi sgt, %jit3A, %sign3A_12 : i32
    %sign3A_14 = arith.extui %sign3A_13 : i1 to i32
    %sign3A_15 = arith.constant 0 : i32
    %sign3A_16 = arith.cmpi slt, %jit3A, %sign3A_15 : i32
    %sign3A_17 = arith.extui %sign3A_16 : i1 to i32
    %sign3A_18 = arith.subi %sign3A_14, %sign3A_17 : i32
    %ne3A = arith.cmpi ne, %sign3A_11, %sign3A_18 : i32
    %rem3A = arith.remsi %sub3A, %jit3A : i32
    %ne3A_19 = arith.constant 0 : i32
    %ne3A_20 = arith.cmpi ne, %rem3A, %ne3A_19 : i32
    %and3A = arith.andi %ne3A, %ne3A_20 : i1
    %sub3A_21 = arith.constant 1 : i32
    %sub3A_22 = arith.subi %div3A, %sub3A_21 : i32
    %select_n3A = arith.select %and3A, %sub3A_22, %div3A : i32
    "tpu.region"() ({
      %run_scoped3A = tpu.sem_alloc : memref<!tpu.dma_semaphore, #tpu.memory_space<semaphore_mem>>
      tpu.enqueue_dma source(%arg2 : memref<208xi32, #tpu.memory_space<hbm>>) target(%arg8 : memref<208xi32, #tpu.memory_space<vmem>>) target_semaphore(%run_scoped3A : memref<!tpu.dma_semaphore, #tpu.memory_space<semaphore_mem>>)
      tpu.wait_dma2 semaphore(%run_scoped3A : memref<!tpu.dma_semaphore, #tpu.memory_space<semaphore_mem>>) src(%arg2 : memref<208xi32, #tpu.memory_space<hbm>>) dst(%arg8 : memref<208xi32, #tpu.memory_space<vmem>>)
      tpu.yield
    }) : () -> ()
    "tpu.region"() ({
      %run_scoped3A = tpu.sem_alloc : memref<!tpu.dma_semaphore, #tpu.memory_space<semaphore_mem>>
      tpu.enqueue_dma source(%arg3 : memref<208xf32, #tpu.memory_space<hbm>>) target(%arg9 : memref<208xf32, #tpu.memory_space<vmem>>) target_semaphore(%run_scoped3A : memref<!tpu.dma_semaphore, #tpu.memory_space<semaphore_mem>>)
      tpu.wait_dma2 semaphore(%run_scoped3A : memref<!tpu.dma_semaphore, #tpu.memory_space<semaphore_mem>>) src(%arg3 : memref<208xf32, #tpu.memory_space<hbm>>) dst(%arg9 : memref<208xf32, #tpu.memory_space<vmem>>)
      tpu.yield
    }) : () -> ()
    "tpu.region"() ({
      %run_scoped3A = tpu.sem_alloc : memref<!tpu.dma_semaphore, #tpu.memory_space<semaphore_mem>>
      tpu.enqueue_dma source(%arg4 : memref<208xi32, #tpu.memory_space<hbm>>) target(%arg10 : memref<208xi32, #tpu.memory_space<vmem>>) target_semaphore(%run_scoped3A : memref<!tpu.dma_semaphore, #tpu.memory_space<semaphore_mem>>)
      tpu.wait_dma2 semaphore(%run_scoped3A : memref<!tpu.dma_semaphore, #tpu.memory_space<semaphore_mem>>) src(%arg4 : memref<208xi32, #tpu.memory_space<hbm>>) dst(%arg10 : memref<208xi32, #tpu.memory_space<vmem>>)
      tpu.yield
    }) : () -> ()
    "tpu.region"() ({
      %run_scoped3A = tpu.sem_alloc : memref<!tpu.dma_semaphore, #tpu.memory_space<semaphore_mem>>
      tpu.enqueue_dma source(%arg5 : memref<208xf32, #tpu.memory_space<hbm>>) target(%arg11 : memref<208xf32, #tpu.memory_space<vmem>>) target_semaphore(%run_scoped3A : memref<!tpu.dma_semaphore, #tpu.memory_space<semaphore_mem>>)
      tpu.wait_dma2 semaphore(%run_scoped3A : memref<!tpu.dma_semaphore, #tpu.memory_space<semaphore_mem>>) src(%arg5 : memref<208xf32, #tpu.memory_space<hbm>>) dst(%arg11 : memref<208xf32, #tpu.memory_space<vmem>>)
      tpu.yield
    }) : () -> ()
    %broadcast_in_dim3A = arith.constant 0.000000e+00 : f32
    %broadcast_in_dim3A_23 = vector.broadcast %broadcast_in_dim3A : f32 to vector<16xf32>
    %broadcast_in_dim3A_24 = arith.constant 0x7FC00000 : f32
    %broadcast_in_dim3A_25 = vector.broadcast %broadcast_in_dim3A_24 : f32 to vector<16xf32>
    %jit3A_26 = arith.constant 4 : i32
    %div3A_27 = arith.divsi %select_n3A, %jit3A_26 : i32
    %sign3A_28 = arith.constant 0 : i32
    %sign3A_29 = arith.cmpi sgt, %select_n3A, %sign3A_28 : i32
    %sign3A_30 = arith.extui %sign3A_29 : i1 to i32
    %sign3A_31 = arith.constant 0 : i32
    %sign3A_32 = arith.cmpi slt, %select_n3A, %sign3A_31 : i32
    %sign3A_33 = arith.extui %sign3A_32 : i1 to i32
    %sign3A_34 = arith.subi %sign3A_30, %sign3A_33 : i32
    %sign3A_35 = arith.constant 0 : i32
    %sign3A_36 = arith.cmpi sgt, %jit3A_26, %sign3A_35 : i32
    %sign3A_37 = arith.extui %sign3A_36 : i1 to i32
    %sign3A_38 = arith.constant 0 : i32
    %sign3A_39 = arith.cmpi slt, %jit3A_26, %sign3A_38 : i32
    %sign3A_40 = arith.extui %sign3A_39 : i1 to i32
    %sign3A_41 = arith.subi %sign3A_37, %sign3A_40 : i32
    %ne3A_42 = arith.cmpi ne, %sign3A_34, %sign3A_41 : i32
    %rem3A_43 = arith.remsi %select_n3A, %jit3A_26 : i32
    %ne3A_44 = arith.constant 0 : i32
    %ne3A_45 = arith.cmpi ne, %rem3A_43, %ne3A_44 : i32
    %and3A_46 = arith.andi %ne3A_42, %ne3A_45 : i1
    %sub3A_47 = arith.constant 1 : i32
    %sub3A_48 = arith.subi %div3A_27, %sub3A_47 : i32
    %select_n3A_49 = arith.select %and3A_46, %sub3A_48, %div3A_27 : i32
    %while3A = arith.constant 0 : i32
    %while3A_50 = arith.subi %select_n3A_49, %while3A : i32
    %while3A_51 = arith.addi %while3A, %while3A_50 : i32
    %while3A_52 = arith.constant 1 : i32
    %while3A_53 = arith.divsi %while3A_50, %while3A_52 : i32
    %while3A_54 = arith.muli %while3A_53, %while3A_52 : i32
    %while3A_55 = arith.addi %while3A, %while3A_54 : i32
    %while3A_56 = arith.constant 1 : i32
    scf.for %while3A_2185 = %while3A to %while3A_55 step %while3A_56  : i32 {
      %mul3A_2186 = arith.constant 64 : i32
      %mul3A_2187 = arith.muli %while3A_2185, %mul3A_2186 : i32
      %swap3A = arith.index_cast %mul3A_2187 : i32 to index
      %swap3A_2188 = tpu.vector_load %arg12[%swap3A] {strides = array<i32>} : memref<31264xf32, #tpu.memory_space<vmem>>, vector<16xf32>,
      tpu.vector_store %arg12[%swap3A], %broadcast_in_dim3A_23 {strides = array<i32>} : memref<31264xf32, #tpu.memory_space<vmem>>, vector<16xf32>,
      %add3A_2189 = arith.constant 16 : i32
      %add3A_2190 = arith.addi %mul3A_2187, %add3A_2189 : i32
      %swap3A_2191 = arith.index_cast %add3A_2190 : i32 to index
      %swap3A_2192 = tpu.vector_load %arg12[%swap3A_2191] {strides = array<i32>} : memref<31264xf32, #tpu.memory_space<vmem>>, vector<16xf32>,
      tpu.vector_store %arg12[%swap3A_2191], %broadcast_in_dim3A_23 {strides = array<i32>} : memref<31264xf32, #tpu.memory_space<vmem>>, vector<16xf32>,
      %add3A_2193 = arith.constant 32 : i32
      %add3A_2194 = arith.addi %mul3A_2187, %add3A_2193 : i32
      %swap3A_2195 = arith.index_cast %add3A_2194 : i32 to index
      %swap3A_2196 = tpu.vector_load %arg12[%swap3A_2195] {strides = array<i32>} : memref<31264xf32, #tpu.memory_space<vmem>>, vector<16xf32>,
      tpu.vector_store %arg12[%swap3A_2195], %broadcast_in_dim3A_23 {strides = array<i32>} : memref<31264xf32, #tpu.memory_space<vmem>>, vector<16xf32>,
      %add3A_2197 = arith.constant 48 : i32
      %add3A_2198 = arith.addi %mul3A_2187, %add3A_2197 : i32
      %swap3A_2199 = arith.index_cast %add3A_2198 : i32 to index
      %swap3A_2200 = tpu.vector_load %arg12[%swap3A_2199] {strides = array<i32>} : memref<31264xf32, #tpu.memory_space<vmem>>, vector<16xf32>,
      tpu.vector_store %arg12[%swap3A_2199], %broadcast_in_dim3A_23 {strides = array<i32>} : memref<31264xf32, #tpu.memory_space<vmem>>, vector<16xf32>,
      %swap3A_2201 = arith.index_cast %mul3A_2187 : i32 to index
      %swap3A_2202 = tpu.vector_load %arg13[%swap3A_2201] {strides = array<i32>} : memref<31264xf32, #tpu.memory_space<vmem>>, vector<16xf32>,
      tpu.vector_store %arg13[%swap3A_2201], %broadcast_in_dim3A_25 {strides = array<i32>} : memref<31264xf32, #tpu.memory_space<vmem>>, vector<16xf32>,
      %add3A_2203 = arith.constant 16 : i32
      %add3A_2204 = arith.addi %mul3A_2187, %add3A_2203 : i32
      %swap3A_2205 = arith.index_cast %add3A_2204 : i32 to index
      %swap3A_2206 = tpu.vector_load %arg13[%swap3A_2205] {strides = array<i32>} : memref<31264xf32, #tpu.memory_space<vmem>>, vector<16xf32>,
      tpu.vector_store %arg13[%swap3A_2205], %broadcast_in_dim3A_25 {strides = array<i32>} : memref<31264xf32, #tpu.memory_space<vmem>>, vector<16xf32>,
      %add3A_2207 = arith.constant 32 : i32
      %add3A_2208 = arith.addi %mul3A_2187, %add3A_2207 : i32
      %swap3A_2209 = arith.index_cast %add3A_2208 : i32 to index
      %swap3A_2210 = tpu.vector_load %arg13[%swap3A_2209] {strides = array<i32>} : memref<31264xf32, #tpu.memory_space<vmem>>, vector<16xf32>,
      tpu.vector_store %arg13[%swap3A_2209], %broadcast_in_dim3A_25 {strides = array<i32>} : memref<31264xf32, #tpu.memory_space<vmem>>, vector<16xf32>,
      %add3A_2211 = arith.constant 48 : i32
      %add3A_2212 = arith.addi %mul3A_2187, %add3A_2211 : i32
      %swap3A_2213 = arith.index_cast %add3A_2212 : i32 to index
      %swap3A_2214 = tpu.vector_load %arg13[%swap3A_2213] {strides = array<i32>} : memref<31264xf32, #tpu.memory_space<vmem>>, vector<16xf32>,
      tpu.vector_store %arg13[%swap3A_2213], %broadcast_in_dim3A_25 {strides = array<i32>} : memref<31264xf32, #tpu.memory_space<vmem>>, vector<16xf32>,
    }
    %while3A_57 = arith.constant 1 : i32
    scf.for %while3A_2185 = %while3A_55 to %while3A_51 step %while3A_57  : i32 {
      %mul3A_2186 = arith.constant 64 : i32
      %mul3A_2187 = arith.muli %while3A_2185, %mul3A_2186 : i32
      %swap3A = arith.index_cast %mul3A_2187 : i32 to index
      %swap3A_2188 = tpu.vector_load %arg12[%swap3A] {strides = array<i32>} : memref<31264xf32, #tpu.memory_space<vmem>>, vector<16xf32>,
      tpu.vector_store %arg12[%swap3A], %broadcast_in_dim3A_23 {strides = array<i32>} : memref<31264xf32, #tpu.memory_space<vmem>>, vector<16xf32>,
      %add3A_2189 = arith.constant 16 : i32
      %add3A_2190 = arith.addi %mul3A_2187, %add3A_2189 : i32
      %swap3A_2191 = arith.index_cast %add3A_2190 : i32 to index
      %swap3A_2192 = tpu.vector_load %arg12[%swap3A_2191] {strides = array<i32>} : memref<31264xf32, #tpu.memory_space<vmem>>, vector<16xf32>,
      tpu.vector_store %arg12[%swap3A_2191], %broadcast_in_dim3A_23 {strides = array<i32>} : memref<31264xf32, #tpu.memory_space<vmem>>, vector<16xf32>,
      %add3A_2193 = arith.constant 32 : i32
      %add3A_2194 = arith.addi %mul3A_2187, %add3A_2193 : i32
      %swap3A_2195 = arith.index_cast %add3A_2194 : i32 to index
      %swap3A_2196 = tpu.vector_load %arg12[%swap3A_2195] {strides = array<i32>} : memref<31264xf32, #tpu.memory_space<vmem>>, vector<16xf32>,
      tpu.vector_store %arg12[%swap3A_2195], %broadcast_in_dim3A_23 {strides = array<i32>} : memref<31264xf32, #tpu.memory_space<vmem>>, vector<16xf32>,
      %add3A_2197 = arith.constant 48 : i32
      %add3A_2198 = arith.addi %mul3A_2187, %add3A_2197 : i32
      %swap3A_2199 = arith.index_cast %add3A_2198 : i32 to index
      %swap3A_2200 = tpu.vector_load %arg12[%swap3A_2199] {strides = array<i32>} : memref<31264xf32, #tpu.memory_space<vmem>>, vector<16xf32>,
      tpu.vector_store %arg12[%swap3A_2199], %broadcast_in_dim3A_23 {strides = array<i32>} : memref<31264xf32, #tpu.memory_space<vmem>>, vector<16xf32>,
      %swap3A_2201 = arith.index_cast %mul3A_2187 : i32 to index
      %swap3A_2202 = tpu.vector_load %arg13[%swap3A_2201] {strides = array<i32>} : memref<31264xf32, #tpu.memory_space<vmem>>, vector<16xf32>,
      tpu.vector_store %arg13[%swap3A_2201], %broadcast_in_dim3A_25 {strides = array<i32>} : memref<31264xf32, #tpu.memory_space<vmem>>, vector<16xf32>,
      %add3A_2203 = arith.constant 16 : i32
      %add3A_2204 = arith.addi %mul3A_2187, %add3A_2203 : i32
      %swap3A_2205 = arith.index_cast %add3A_2204 : i32 to index
      %swap3A_2206 = tpu.vector_load %arg13[%swap3A_2205] {strides = array<i32>} : memref<31264xf32, #tpu.memory_space<vmem>>, vector<16xf32>,
      tpu.vector_store %arg13[%swap3A_2205], %broadcast_in_dim3A_25 {strides = array<i32>} : memref<31264xf32, #tpu.memory_space<vmem>>, vector<16xf32>,
      %add3A_2207 = arith.constant 32 : i32
      %add3A_2208 = arith.addi %mul3A_2187, %add3A_2207 : i32
      %swap3A_2209 = arith.index_cast %add3A_2208 : i32 to index
      %swap3A_2210 = tpu.vector_load %arg13[%swap3A_2209] {strides = array<i32>} : memref<31264xf32, #tpu.memory_space<vmem>>, vector<16xf32>,
      tpu.vector_store %arg13[%swap3A_2209], %broadcast_in_dim3A_25 {strides = array<i32>} : memref<31264xf32, #tpu.memory_space<vmem>>, vector<16xf32>,
      %add3A_2211 = arith.constant 48 : i32
      %add3A_2212 = arith.addi %mul3A_2187, %add3A_2211 : i32
      %swap3A_2213 = arith.index_cast %add3A_2212 : i32 to index
      %swap3A_2214 = tpu.vector_load %arg13[%swap3A_2213] {strides = array<i32>} : memref<31264xf32, #tpu.memory_space<vmem>>, vector<16xf32>,
      tpu.vector_store %arg13[%swap3A_2213], %broadcast_in_dim3A_25 {strides = array<i32>} : memref<31264xf32, #tpu.memory_space<vmem>>, vector<16xf32>,
    }
    %mul3A_58 = arith.constant 4 : i32
    %mul3A_59 = arith.muli %select_n3A_49, %mul3A_58 : i32
    %while3A_60 = arith.subi %select_n3A, %mul3A_59 : i32
    %while3A_61 = arith.addi %mul3A_59, %while3A_60 : i32
    %while3A_62 = arith.constant 1 : i32
    %while3A_63 = arith.divsi %while3A_60, %while3A_62 : i32
    %while3A_64 = arith.muli %while3A_63, %while3A_62 : i32
    %while3A_65 = arith.addi %mul3A_59, %while3A_64 : i32
    %while3A_66 = arith.constant 1 : i32
    scf.for %while3A_2185 = %mul3A_59 to %while3A_65 step %while3A_66  : i32 {
      %mul3A_2186 = arith.constant 16 : i32
      %mul3A_2187 = arith.muli %while3A_2185, %mul3A_2186 : i32
      %swap3A = arith.index_cast %mul3A_2187 : i32 to index
      %swap3A_2188 = tpu.vector_load %arg12[%swap3A] {strides = array<i32>} : memref<31264xf32, #tpu.memory_space<vmem>>, vector<16xf32>,
      tpu.vector_store %arg12[%swap3A], %broadcast_in_dim3A_23 {strides = array<i32>} : memref<31264xf32, #tpu.memory_space<vmem>>, vector<16xf32>,
      %swap3A_2189 = arith.index_cast %mul3A_2187 : i32 to index
      %swap3A_2190 = tpu.vector_load %arg13[%swap3A_2189] {strides = array<i32>} : memref<31264xf32, #tpu.memory_space<vmem>>, vector<16xf32>,
      tpu.vector_store %arg13[%swap3A_2189], %broadcast_in_dim3A_25 {strides = array<i32>} : memref<31264xf32, #tpu.memory_space<vmem>>, vector<16xf32>,
    }
    %while3A_67 = arith.constant 1 : i32
    scf.for %while3A_2185 = %while3A_65 to %while3A_61 step %while3A_67  : i32 {
      %mul3A_2186 = arith.constant 16 : i32
      %mul3A_2187 = arith.muli %while3A_2185, %mul3A_2186 : i32
      %swap3A = arith.index_cast %mul3A_2187 : i32 to index
      %swap3A_2188 = tpu.vector_load %arg12[%swap3A] {strides = array<i32>} : memref<31264xf32, #tpu.memory_space<vmem>>, vector<16xf32>,
      tpu.vector_store %arg12[%swap3A], %broadcast_in_dim3A_23 {strides = array<i32>} : memref<31264xf32, #tpu.memory_space<vmem>>, vector<16xf32>,
      %swap3A_2189 = arith.index_cast %mul3A_2187 : i32 to index
      %swap3A_2190 = tpu.vector_load %arg13[%swap3A_2189] {strides = array<i32>} : memref<31264xf32, #tpu.memory_space<vmem>>, vector<16xf32>,
      tpu.vector_store %arg13[%swap3A_2189], %broadcast_in_dim3A_25 {strides = array<i32>} : memref<31264xf32, #tpu.memory_space<vmem>>, vector<16xf32>,
    }
    %iota3A = tpu.iota {dimensions = array<i32: 0>} : vector<16xi32>
    %get3A = arith.constant 0 : index
    %get3A_68 = tpu.vector_load %arg8[%get3A] {strides = array<i32>} : memref<208xi32, #tpu.memory_space<vmem>>, vector<16xi32>,
    %get3A_69 = arith.constant 0 : index
    %get3A_70 = tpu.vector_load %arg9[%get3A_69] {strides = array<i32>} : memref<208xf32, #tpu.memory_space<vmem>>, vector<16xf32>,
    %ge3A = vector.broadcast %mul3A_2 : i32 to vector<16xi32>
    %ge3A_71 = arith.cmpi sge, %get3A_68, %ge3A : vector<16xi32>
    %lt3A = vector.broadcast %min3A_5 : i32 to vector<16xi32>
    %lt3A_72 = arith.cmpi slt, %get3A_68, %lt3A : vector<16xi32>
    %and3A_73 = arith.andi %ge3A_71, %lt3A_72 : vector<16xi1>
    %sub3A_74 = vector.broadcast %mul3A_2 : i32 to vector<16xi32>
    %sub3A_75 = arith.subi %get3A_68, %sub3A_74 : vector<16xi32>
    %jit3A_76 = arith.constant 0 : i32
    %jit3A_77 = arith.constant 31263 : i32
    %max3A = vector.broadcast %jit3A_76 : i32 to vector<16xi32>
    %max3A_78 = arith.maxsi %max3A, %sub3A_75 : vector<16xi32>
    %min3A_79 = vector.broadcast %jit3A_77 : i32 to vector<16xi32>
    %min3A_80 = arith.minsi %min3A_79, %max3A_78 : vector<16xi32>
    %eq3A = arith.constant 0 : i32
    %eq3A_81 = vector.broadcast %eq3A : i32 to vector<16xi32>
    %eq3A_82 = arith.cmpi eq, %iota3A, %eq3A_81 : vector<16xi32>
    %and3A_83 = arith.andi %and3A_73, %eq3A_82 : vector<16xi1>
    tpu.vector_store_idx %arg12[%min3A_80], %get3A_70 masked %and3A_83 : memref<31264xf32, #tpu.memory_space<vmem>>[vector<16xi32>], vector<16xf32>, vector<16xi1>
    %eq3A_84 = arith.constant 1 : i32
    %eq3A_85 = vector.broadcast %eq3A_84 : i32 to vector<16xi32>
    %eq3A_86 = arith.cmpi eq, %iota3A, %eq3A_85 : vector<16xi32>
    %and3A_87 = arith.andi %and3A_73, %eq3A_86 : vector<16xi1>
    tpu.vector_store_idx %arg12[%min3A_80], %get3A_70 masked %and3A_87 : memref<31264xf32, #tpu.memory_space<vmem>>[vector<16xi32>], vector<16xf32>, vector<16xi1>
    %eq3A_88 = arith.constant 2 : i32
    %eq3A_89 = vector.broadcast %eq3A_88 : i32 to vector<16xi32>
    %eq3A_90 = arith.cmpi eq, %iota3A, %eq3A_89 : vector<16xi32>
    %and3A_91 = arith.andi %and3A_73, %eq3A_90 : vector<16xi1>
    tpu.vector_store_idx %arg12[%min3A_80], %get3A_70 masked %and3A_91 : memref<31264xf32, #tpu.memory_space<vmem>>[vector<16xi32>], vector<16xf32>, vector<16xi1>
    %eq3A_92 = arith.constant 3 : i32
    %eq3A_93 = vector.broadcast %eq3A_92 : i32 to vector<16xi32>
    %eq3A_94 = arith.cmpi eq, %iota3A, %eq3A_93 : vector<16xi32>
    %and3A_95 = arith.andi %and3A_73, %eq3A_94 : vector<16xi1>
    tpu.vector_store_idx %arg12[%min3A_80], %get3A_70 masked %and3A_95 : memref<31264xf32, #tpu.memory_space<vmem>>[vector<16xi32>], vector<16xf32>, vector<16xi1>
    %eq3A_96 = arith.constant 4 : i32
    %eq3A_97 = vector.broadcast %eq3A_96 : i32 to vector<16xi32>
    %eq3A_98 = arith.cmpi eq, %iota3A, %eq3A_97 : vector<16xi32>
    %and3A_99 = arith.andi %and3A_73, %eq3A_98 : vector<16xi1>
    tpu.vector_store_idx %arg12[%min3A_80], %get3A_70 masked %and3A_99 : memref<31264xf32, #tpu.memory_space<vmem>>[vector<16xi32>], vector<16xf32>, vector<16xi1>
    %eq3A_100 = arith.constant 5 : i32
    %eq3A_101 = vector.broadcast %eq3A_100 : i32 to vector<16xi32>
    %eq3A_102 = arith.cmpi eq, %iota3A, %eq3A_101 : vector<16xi32>
    %and3A_103 = arith.andi %and3A_73, %eq3A_102 : vector<16xi1>
    tpu.vector_store_idx %arg12[%min3A_80], %get3A_70 masked %and3A_103 : memref<31264xf32, #tpu.memory_space<vmem>>[vector<16xi32>], vector<16xf32>, vector<16xi1>
    %eq3A_104 = arith.constant 6 : i32
    %eq3A_105 = vector.broadcast %eq3A_104 : i32 to vector<16xi32>
    %eq3A_106 = arith.cmpi eq, %iota3A, %eq3A_105 : vector<16xi32>
    %and3A_107 = arith.andi %and3A_73, %eq3A_106 : vector<16xi1>
    tpu.vector_store_idx %arg12[%min3A_80], %get3A_70 masked %and3A_107 : memref<31264xf32, #tpu.memory_space<vmem>>[vector<16xi32>], vector<16xf32>, vector<16xi1>
    %eq3A_108 = arith.constant 7 : i32
    %eq3A_109 = vector.broadcast %eq3A_108 : i32 to vector<16xi32>
    %eq3A_110 = arith.cmpi eq, %iota3A, %eq3A_109 : vector<16xi32>
    %and3A_111 = arith.andi %and3A_73, %eq3A_110 : vector<16xi1>
    tpu.vector_store_idx %arg12[%min3A_80], %get3A_70 masked %and3A_111 : memref<31264xf32, #tpu.memory_space<vmem>>[vector<16xi32>], vector<16xf32>, vector<16xi1>
    %eq3A_112 = arith.constant 8 : i32
    %eq3A_113 = vector.broadcast %eq3A_112 : i32 to vector<16xi32>
    %eq3A_114 = arith.cmpi eq, %iota3A, %eq3A_113 : vector<16xi32>
    %and3A_115 = arith.andi %and3A_73, %eq3A_114 : vector<16xi1>
    tpu.vector_store_idx %arg12[%min3A_80], %get3A_70 masked %and3A_115 : memref<31264xf32, #tpu.memory_space<vmem>>[vector<16xi32>], vector<16xf32>, vector<16xi1>
    %eq3A_116 = arith.constant 9 : i32
    %eq3A_117 = vector.broadcast %eq3A_116 : i32 to vector<16xi32>
    %eq3A_118 = arith.cmpi eq, %iota3A, %eq3A_117 : vector<16xi32>
    %and3A_119 = arith.andi %and3A_73, %eq3A_118 : vector<16xi1>
    tpu.vector_store_idx %arg12[%min3A_80], %get3A_70 masked %and3A_119 : memref<31264xf32, #tpu.memory_space<vmem>>[vector<16xi32>], vector<16xf32>, vector<16xi1>
    %eq3A_120 = arith.constant 10 : i32
    %eq3A_121 = vector.broadcast %eq3A_120 : i32 to vector<16xi32>
    %eq3A_122 = arith.cmpi eq, %iota3A, %eq3A_121 : vector<16xi32>
    %and3A_123 = arith.andi %and3A_73, %eq3A_122 : vector<16xi1>
    tpu.vector_store_idx %arg12[%min3A_80], %get3A_70 masked %and3A_123 : memref<31264xf32, #tpu.memory_space<vmem>>[vector<16xi32>], vector<16xf32>, vector<16xi1>
    %eq3A_124 = arith.constant 11 : i32
    %eq3A_125 = vector.broadcast %eq3A_124 : i32 to vector<16xi32>
    %eq3A_126 = arith.cmpi eq, %iota3A, %eq3A_125 : vector<16xi32>
    %and3A_127 = arith.andi %and3A_73, %eq3A_126 : vector<16xi1>
    tpu.vector_store_idx %arg12[%min3A_80], %get3A_70 masked %and3A_127 : memref<31264xf32, #tpu.memory_space<vmem>>[vector<16xi32>], vector<16xf32>, vector<16xi1>
    %eq3A_128 = arith.constant 12 : i32
    %eq3A_129 = vector.broadcast %eq3A_128 : i32 to vector<16xi32>
    %eq3A_130 = arith.cmpi eq, %iota3A, %eq3A_129 : vector<16xi32>
    %and3A_131 = arith.andi %and3A_73, %eq3A_130 : vector<16xi1>
    tpu.vector_store_idx %arg12[%min3A_80], %get3A_70 masked %and3A_131 : memref<31264xf32, #tpu.memory_space<vmem>>[vector<16xi32>], vector<16xf32>, vector<16xi1>
    %eq3A_132 = arith.constant 13 : i32
    %eq3A_133 = vector.broadcast %eq3A_132 : i32 to vector<16xi32>
    %eq3A_134 = arith.cmpi eq, %iota3A, %eq3A_133 : vector<16xi32>
    %and3A_135 = arith.andi %and3A_73, %eq3A_134 : vector<16xi1>
    tpu.vector_store_idx %arg12[%min3A_80], %get3A_70 masked %and3A_135 : memref<31264xf32, #tpu.memory_space<vmem>>[vector<16xi32>], vector<16xf32>, vector<16xi1>
    %eq3A_136 = arith.constant 14 : i32
    %eq3A_137 = vector.broadcast %eq3A_136 : i32 to vector<16xi32>
    %eq3A_138 = arith.cmpi eq, %iota3A, %eq3A_137 : vector<16xi32>
    %and3A_139 = arith.andi %and3A_73, %eq3A_138 : vector<16xi1>
    tpu.vector_store_idx %arg12[%min3A_80], %get3A_70 masked %and3A_139 : memref<31264xf32, #tpu.memory_space<vmem>>[vector<16xi32>], vector<16xf32>, vector<16xi1>
    %eq3A_140 = arith.constant 15 : i32
    %eq3A_141 = vector.broadcast %eq3A_140 : i32 to vector<16xi32>
    %eq3A_142 = arith.cmpi eq, %iota3A, %eq3A_141 : vector<16xi32>
    %and3A_143 = arith.andi %and3A_73, %eq3A_142 : vector<16xi1>
    tpu.vector_store_idx %arg12[%min3A_80], %get3A_70 masked %and3A_143 : memref<31264xf32, #tpu.memory_space<vmem>>[vector<16xi32>], vector<16xf32>, vector<16xi1>
    %get3A_144 = arith.constant 16 : index
    %get3A_145 = tpu.vector_load %arg8[%get3A_144] {strides = array<i32>} : memref<208xi32, #tpu.memory_space<vmem>>, vector<16xi32>,
    %get3A_146 = arith.constant 16 : index
    %get3A_147 = tpu.vector_load %arg9[%get3A_146] {strides = array<i32>} : memref<208xf32, #tpu.memory_space<vmem>>, vector<16xf32>,
    %ge3A_148 = vector.broadcast %mul3A_2 : i32 to vector<16xi32>
    %ge3A_149 = arith.cmpi sge, %get3A_145, %ge3A_148 : vector<16xi32>
    %lt3A_150 = vector.broadcast %min3A_5 : i32 to vector<16xi32>
    %lt3A_151 = arith.cmpi slt, %get3A_145, %lt3A_150 : vector<16xi32>
    %and3A_152 = arith.andi %ge3A_149, %lt3A_151 : vector<16xi1>
    %sub3A_153 = vector.broadcast %mul3A_2 : i32 to vector<16xi32>
    %sub3A_154 = arith.subi %get3A_145, %sub3A_153 : vector<16xi32>
    %jit3A_155 = arith.constant 0 : i32
    %jit3A_156 = arith.constant 31263 : i32
    %max3A_157 = vector.broadcast %jit3A_155 : i32 to vector<16xi32>
    %max3A_158 = arith.maxsi %max3A_157, %sub3A_154 : vector<16xi32>
    %min3A_159 = vector.broadcast %jit3A_156 : i32 to vector<16xi32>
    %min3A_160 = arith.minsi %min3A_159, %max3A_158 : vector<16xi32>
    %eq3A_161 = arith.constant 0 : i32
    %eq3A_162 = vector.broadcast %eq3A_161 : i32 to vector<16xi32>
    %eq3A_163 = arith.cmpi eq, %iota3A, %eq3A_162 : vector<16xi32>
    %and3A_164 = arith.andi %and3A_152, %eq3A_163 : vector<16xi1>
    tpu.vector_store_idx %arg12[%min3A_160], %get3A_147 masked %and3A_164 : memref<31264xf32, #tpu.memory_space<vmem>>[vector<16xi32>], vector<16xf32>, vector<16xi1>
    %eq3A_165 = arith.constant 1 : i32
    %eq3A_166 = vector.broadcast %eq3A_165 : i32 to vector<16xi32>
    %eq3A_167 = arith.cmpi eq, %iota3A, %eq3A_166 : vector<16xi32>
    %and3A_168 = arith.andi %and3A_152, %eq3A_167 : vector<16xi1>
    tpu.vector_store_idx %arg12[%min3A_160], %get3A_147 masked %and3A_168 : memref<31264xf32, #tpu.memory_space<vmem>>[vector<16xi32>], vector<16xf32>, vector<16xi1>
    %eq3A_169 = arith.constant 2 : i32
    %eq3A_170 = vector.broadcast %eq3A_169 : i32 to vector<16xi32>
    %eq3A_171 = arith.cmpi eq, %iota3A, %eq3A_170 : vector<16xi32>
    %and3A_172 = arith.andi %and3A_152, %eq3A_171 : vector<16xi1>
    tpu.vector_store_idx %arg12[%min3A_160], %get3A_147 masked %and3A_172 : memref<31264xf32, #tpu.memory_space<vmem>>[vector<16xi32>], vector<16xf32>, vector<16xi1>
    %eq3A_173 = arith.constant 3 : i32
    %eq3A_174 = vector.broadcast %eq3A_173 : i32 to vector<16xi32>
    %eq3A_175 = arith.cmpi eq, %iota3A, %eq3A_174 : vector<16xi32>
    %and3A_176 = arith.andi %and3A_152, %eq3A_175 : vector<16xi1>
    tpu.vector_store_idx %arg12[%min3A_160], %get3A_147 masked %and3A_176 : memref<31264xf32, #tpu.memory_space<vmem>>[vector<16xi32>], vector<16xf32>, vector<16xi1>
    %eq3A_177 = arith.constant 4 : i32
    %eq3A_178 = vector.broadcast %eq3A_177 : i32 to vector<16xi32>
    %eq3A_179 = arith.cmpi eq, %iota3A, %eq3A_178 : vector<16xi32>
    %and3A_180 = arith.andi %and3A_152, %eq3A_179 : vector<16xi1>
    tpu.vector_store_idx %arg12[%min3A_160], %get3A_147 masked %and3A_180 : memref<31264xf32, #tpu.memory_space<vmem>>[vector<16xi32>], vector<16xf32>, vector<16xi1>
    %eq3A_181 = arith.constant 5 : i32
    %eq3A_182 = vector.broadcast %eq3A_181 : i32 to vector<16xi32>
    %eq3A_183 = arith.cmpi eq, %iota3A, %eq3A_182 : vector<16xi32>
    %and3A_184 = arith.andi %and3A_152, %eq3A_183 : vector<16xi1>
    tpu.vector_store_idx %arg12[%min3A_160], %get3A_147 masked %and3A_184 : memref<31264xf32, #tpu.memory_space<vmem>>[vector<16xi32>], vector<16xf32>, vector<16xi1>
    %eq3A_185 = arith.constant 6 : i32
    %eq3A_186 = vector.broadcast %eq3A_185 : i32 to vector<16xi32>
    %eq3A_187 = arith.cmpi eq, %iota3A, %eq3A_186 : vector<16xi32>
    %and3A_188 = arith.andi %and3A_152, %eq3A_187 : vector<16xi1>
    tpu.vector_store_idx %arg12[%min3A_160], %get3A_147 masked %and3A_188 : memref<31264xf32, #tpu.memory_space<vmem>>[vector<16xi32>], vector<16xf32>, vector<16xi1>
    %eq3A_189 = arith.constant 7 : i32
    %eq3A_190 = vector.broadcast %eq3A_189 : i32 to vector<16xi32>
    %eq3A_191 = arith.cmpi eq, %iota3A, %eq3A_190 : vector<16xi32>
    %and3A_192 = arith.andi %and3A_152, %eq3A_191 : vector<16xi1>
    tpu.vector_store_idx %arg12[%min3A_160], %get3A_147 masked %and3A_192 : memref<31264xf32, #tpu.memory_space<vmem>>[vector<16xi32>], vector<16xf32>, vector<16xi1>
    %eq3A_193 = arith.constant 8 : i32
    %eq3A_194 = vector.broadcast %eq3A_193 : i32 to vector<16xi32>
    %eq3A_195 = arith.cmpi eq, %iota3A, %eq3A_194 : vector<16xi32>
    %and3A_196 = arith.andi %and3A_152, %eq3A_195 : vector<16xi1>
    tpu.vector_store_idx %arg12[%min3A_160], %get3A_147 masked %and3A_196 : memref<31264xf32, #tpu.memory_space<vmem>>[vector<16xi32>], vector<16xf32>, vector<16xi1>
    %eq3A_197 = arith.constant 9 : i32
    %eq3A_198 = vector.broadcast %eq3A_197 : i32 to vector<16xi32>
    %eq3A_199 = arith.cmpi eq, %iota3A, %eq3A_198 : vector<16xi32>
    %and3A_200 = arith.andi %and3A_152, %eq3A_199 : vector<16xi1>
    tpu.vector_store_idx %arg12[%min3A_160], %get3A_147 masked %and3A_200 : memref<31264xf32, #tpu.memory_space<vmem>>[vector<16xi32>], vector<16xf32>, vector<16xi1>
    %eq3A_201 = arith.constant 10 : i32
    %eq3A_202 = vector.broadcast %eq3A_201 : i32 to vector<16xi32>
    %eq3A_203 = arith.cmpi eq, %iota3A, %eq3A_202 : vector<16xi32>
    %and3A_204 = arith.andi %and3A_152, %eq3A_203 : vector<16xi1>
    tpu.vector_store_idx %arg12[%min3A_160], %get3A_147 masked %and3A_204 : memref<31264xf32, #tpu.memory_space<vmem>>[vector<16xi32>], vector<16xf32>, vector<16xi1>
    %eq3A_205 = arith.constant 11 : i32
    %eq3A_206 = vector.broadcast %eq3A_205 : i32 to vector<16xi32>
    %eq3A_207 = arith.cmpi eq, %iota3A, %eq3A_206 : vector<16xi32>
    %and3A_208 = arith.andi %and3A_152, %eq3A_207 : vector<16xi1>
    tpu.vector_store_idx %arg12[%min3A_160], %get3A_147 masked %and3A_208 : memref<31264xf32, #tpu.memory_space<vmem>>[vector<16xi32>], vector<16xf32>, vector<16xi1>
    %eq3A_209 = arith.constant 12 : i32
    %eq3A_210 = vector.broadcast %eq3A_209 : i32 to vector<16xi32>
    %eq3A_211 = arith.cmpi eq, %iota3A, %eq3A_210 : vector<16xi32>
    %and3A_212 = arith.andi %and3A_152, %eq3A_211 : vector<16xi1>
    tpu.vector_store_idx %arg12[%min3A_160], %get3A_147 masked %and3A_212 : memref<31264xf32, #tpu.memory_space<vmem>>[vector<16xi32>], vector<16xf32>, vector<16xi1>
    %eq3A_213 = arith.constant 13 : i32
    %eq3A_214 = vector.broadcast %eq3A_213 : i32 to vector<16xi32>
    %eq3A_215 = arith.cmpi eq, %iota3A, %eq3A_214 : vector<16xi32>
    %and3A_216 = arith.andi %and3A_152, %eq3A_215 : vector<16xi1>
    tpu.vector_store_idx %arg12[%min3A_160], %get3A_147 masked %and3A_216 : memref<31264xf32, #tpu.memory_space<vmem>>[vector<16xi32>], vector<16xf32>, vector<16xi1>
    %eq3A_217 = arith.constant 14 : i32
    %eq3A_218 = vector.broadcast %eq3A_217 : i32 to vector<16xi32>
    %eq3A_219 = arith.cmpi eq, %iota3A, %eq3A_218 : vector<16xi32>
    %and3A_220 = arith.andi %and3A_152, %eq3A_219 : vector<16xi1>
    tpu.vector_store_idx %arg12[%min3A_160], %get3A_147 masked %and3A_220 : memref<31264xf32, #tpu.memory_space<vmem>>[vector<16xi32>], vector<16xf32>, vector<16xi1>
    %eq3A_221 = arith.constant 15 : i32
    %eq3A_222 = vector.broadcast %eq3A_221 : i32 to vector<16xi32>
    %eq3A_223 = arith.cmpi eq, %iota3A, %eq3A_222 : vector<16xi32>
    %and3A_224 = arith.andi %and3A_152, %eq3A_223 : vector<16xi1>
    tpu.vector_store_idx %arg12[%min3A_160], %get3A_147 masked %and3A_224 : memref<31264xf32, #tpu.memory_space<vmem>>[vector<16xi32>], vector<16xf32>, vector<16xi1>
    %get3A_225 = arith.constant 32 : index
    %get3A_226 = tpu.vector_load %arg8[%get3A_225] {strides = array<i32>} : memref<208xi32, #tpu.memory_space<vmem>>, vector<16xi32>,
    %get3A_227 = arith.constant 32 : index
    %get3A_228 = tpu.vector_load %arg9[%get3A_227] {strides = array<i32>} : memref<208xf32, #tpu.memory_space<vmem>>, vector<16xf32>,
    %ge3A_229 = vector.broadcast %mul3A_2 : i32 to vector<16xi32>
    %ge3A_230 = arith.cmpi sge, %get3A_226, %ge3A_229 : vector<16xi32>
    %lt3A_231 = vector.broadcast %min3A_5 : i32 to vector<16xi32>
    %lt3A_232 = arith.cmpi slt, %get3A_226, %lt3A_231 : vector<16xi32>
    %and3A_233 = arith.andi %ge3A_230, %lt3A_232 : vector<16xi1>
    %sub3A_234 = vector.broadcast %mul3A_2 : i32 to vector<16xi32>
    %sub3A_235 = arith.subi %get3A_226, %sub3A_234 : vector<16xi32>
    %jit3A_236 = arith.constant 0 : i32
    %jit3A_237 = arith.constant 31263 : i32
    %max3A_238 = vector.broadcast %jit3A_236 : i32 to vector<16xi32>
    %max3A_239 = arith.maxsi %max3A_238, %sub3A_235 : vector<16xi32>
    %min3A_240 = vector.broadcast %jit3A_237 : i32 to vector<16xi32>
    %min3A_241 = arith.minsi %min3A_240, %max3A_239 : vector<16xi32>
    %eq3A_242 = arith.constant 0 : i32
    %eq3A_243 = vector.broadcast %eq3A_242 : i32 to vector<16xi32>
    %eq3A_244 = arith.cmpi eq, %iota3A, %eq3A_243 : vector<16xi32>
    %and3A_245 = arith.andi %and3A_233, %eq3A_244 : vector<16xi1>
    tpu.vector_store_idx %arg12[%min3A_241], %get3A_228 masked %and3A_245 : memref<31264xf32, #tpu.memory_space<vmem>>[vector<16xi32>], vector<16xf32>, vector<16xi1>
    %eq3A_246 = arith.constant 1 : i32
    %eq3A_247 = vector.broadcast %eq3A_246 : i32 to vector<16xi32>
    %eq3A_248 = arith.cmpi eq, %iota3A, %eq3A_247 : vector<16xi32>
    %and3A_249 = arith.andi %and3A_233, %eq3A_248 : vector<16xi1>
    tpu.vector_store_idx %arg12[%min3A_241], %get3A_228 masked %and3A_249 : memref<31264xf32, #tpu.memory_space<vmem>>[vector<16xi32>], vector<16xf32>, vector<16xi1>
    %eq3A_250 = arith.constant 2 : i32
    %eq3A_251 = vector.broadcast %eq3A_250 : i32 to vector<16xi32>
    %eq3A_252 = arith.cmpi eq, %iota3A, %eq3A_251 : vector<16xi32>
    %and3A_253 = arith.andi %and3A_233, %eq3A_252 : vector<16xi1>
    tpu.vector_store_idx %arg12[%min3A_241], %get3A_228 masked %and3A_253 : memref<31264xf32, #tpu.memory_space<vmem>>[vector<16xi32>], vector<16xf32>, vector<16xi1>
    %eq3A_254 = arith.constant 3 : i32
    %eq3A_255 = vector.broadcast %eq3A_254 : i32 to vector<16xi32>
    %eq3A_256 = arith.cmpi eq, %iota3A, %eq3A_255 : vector<16xi32>
    %and3A_257 = arith.andi %and3A_233, %eq3A_256 : vector<16xi1>
    tpu.vector_store_idx %arg12[%min3A_241], %get3A_228 masked %and3A_257 : memref<31264xf32, #tpu.memory_space<vmem>>[vector<16xi32>], vector<16xf32>, vector<16xi1>
    %eq3A_258 = arith.constant 4 : i32
    %eq3A_259 = vector.broadcast %eq3A_258 : i32 to vector<16xi32>
    %eq3A_260 = arith.cmpi eq, %iota3A, %eq3A_259 : vector<16xi32>
    %and3A_261 = arith.andi %and3A_233, %eq3A_260 : vector<16xi1>
    tpu.vector_store_idx %arg12[%min3A_241], %get3A_228 masked %and3A_261 : memref<31264xf32, #tpu.memory_space<vmem>>[vector<16xi32>], vector<16xf32>, vector<16xi1>
    %eq3A_262 = arith.constant 5 : i32
    %eq3A_263 = vector.broadcast %eq3A_262 : i32 to vector<16xi32>
    %eq3A_264 = arith.cmpi eq, %iota3A, %eq3A_263 : vector<16xi32>
    %and3A_265 = arith.andi %and3A_233, %eq3A_264 : vector<16xi1>
    tpu.vector_store_idx %arg12[%min3A_241], %get3A_228 masked %and3A_265 : memref<31264xf32, #tpu.memory_space<vmem>>[vector<16xi32>], vector<16xf32>, vector<16xi1>
    %eq3A_266 = arith.constant 6 : i32
    %eq3A_267 = vector.broadcast %eq3A_266 : i32 to vector<16xi32>
    %eq3A_268 = arith.cmpi eq, %iota3A, %eq3A_267 : vector<16xi32>
    %and3A_269 = arith.andi %and3A_233, %eq3A_268 : vector<16xi1>
    tpu.vector_store_idx %arg12[%min3A_241], %get3A_228 masked %and3A_269 : memref<31264xf32, #tpu.memory_space<vmem>>[vector<16xi32>], vector<16xf32>, vector<16xi1>
    %eq3A_270 = arith.constant 7 : i32
    %eq3A_271 = vector.broadcast %eq3A_270 : i32 to vector<16xi32>
    %eq3A_272 = arith.cmpi eq, %iota3A, %eq3A_271 : vector<16xi32>
    %and3A_273 = arith.andi %and3A_233, %eq3A_272 : vector<16xi1>
    tpu.vector_store_idx %arg12[%min3A_241], %get3A_228 masked %and3A_273 : memref<31264xf32, #tpu.memory_space<vmem>>[vector<16xi32>], vector<16xf32>, vector<16xi1>
    %eq3A_274 = arith.constant 8 : i32
    %eq3A_275 = vector.broadcast %eq3A_274 : i32 to vector<16xi32>
    %eq3A_276 = arith.cmpi eq, %iota3A, %eq3A_275 : vector<16xi32>
    %and3A_277 = arith.andi %and3A_233, %eq3A_276 : vector<16xi1>
    tpu.vector_store_idx %arg12[%min3A_241], %get3A_228 masked %and3A_277 : memref<31264xf32, #tpu.memory_space<vmem>>[vector<16xi32>], vector<16xf32>, vector<16xi1>
    %eq3A_278 = arith.constant 9 : i32
    %eq3A_279 = vector.broadcast %eq3A_278 : i32 to vector<16xi32>
    %eq3A_280 = arith.cmpi eq, %iota3A, %eq3A_279 : vector<16xi32>
    %and3A_281 = arith.andi %and3A_233, %eq3A_280 : vector<16xi1>
    tpu.vector_store_idx %arg12[%min3A_241], %get3A_228 masked %and3A_281 : memref<31264xf32, #tpu.memory_space<vmem>>[vector<16xi32>], vector<16xf32>, vector<16xi1>
    %eq3A_282 = arith.constant 10 : i32
    %eq3A_283 = vector.broadcast %eq3A_282 : i32 to vector<16xi32>
    %eq3A_284 = arith.cmpi eq, %iota3A, %eq3A_283 : vector<16xi32>
    %and3A_285 = arith.andi %and3A_233, %eq3A_284 : vector<16xi1>
    tpu.vector_store_idx %arg12[%min3A_241], %get3A_228 masked %and3A_285 : memref<31264xf32, #tpu.memory_space<vmem>>[vector<16xi32>], vector<16xf32>, vector<16xi1>
    %eq3A_286 = arith.constant 11 : i32
    %eq3A_287 = vector.broadcast %eq3A_286 : i32 to vector<16xi32>
    %eq3A_288 = arith.cmpi eq, %iota3A, %eq3A_287 : vector<16xi32>
    %and3A_289 = arith.andi %and3A_233, %eq3A_288 : vector<16xi1>
    tpu.vector_store_idx %arg12[%min3A_241], %get3A_228 masked %and3A_289 : memref<31264xf32, #tpu.memory_space<vmem>>[vector<16xi32>], vector<16xf32>, vector<16xi1>
    %eq3A_290 = arith.constant 12 : i32
    %eq3A_291 = vector.broadcast %eq3A_290 : i32 to vector<16xi32>
    %eq3A_292 = arith.cmpi eq, %iota3A, %eq3A_291 : vector<16xi32>
    %and3A_293 = arith.andi %and3A_233, %eq3A_292 : vector<16xi1>
    tpu.vector_store_idx %arg12[%min3A_241], %get3A_228 masked %and3A_293 : memref<31264xf32, #tpu.memory_space<vmem>>[vector<16xi32>], vector<16xf32>, vector<16xi1>
    %eq3A_294 = arith.constant 13 : i32
    %eq3A_295 = vector.broadcast %eq3A_294 : i32 to vector<16xi32>
    %eq3A_296 = arith.cmpi eq, %iota3A, %eq3A_295 : vector<16xi32>
    %and3A_297 = arith.andi %and3A_233, %eq3A_296 : vector<16xi1>
    tpu.vector_store_idx %arg12[%min3A_241], %get3A_228 masked %and3A_297 : memref<31264xf32, #tpu.memory_space<vmem>>[vector<16xi32>], vector<16xf32>, vector<16xi1>
    %eq3A_298 = arith.constant 14 : i32
    %eq3A_299 = vector.broadcast %eq3A_298 : i32 to vector<16xi32>
    %eq3A_300 = arith.cmpi eq, %iota3A, %eq3A_299 : vector<16xi32>
    %and3A_301 = arith.andi %and3A_233, %eq3A_300 : vector<16xi1>
    tpu.vector_store_idx %arg12[%min3A_241], %get3A_228 masked %and3A_301 : memref<31264xf32, #tpu.memory_space<vmem>>[vector<16xi32>], vector<16xf32>, vector<16xi1>
    %eq3A_302 = arith.constant 15 : i32
    %eq3A_303 = vector.broadcast %eq3A_302 : i32 to vector<16xi32>
    %eq3A_304 = arith.cmpi eq, %iota3A, %eq3A_303 : vector<16xi32>
    %and3A_305 = arith.andi %and3A_233, %eq3A_304 : vector<16xi1>
    tpu.vector_store_idx %arg12[%min3A_241], %get3A_228 masked %and3A_305 : memref<31264xf32, #tpu.memory_space<vmem>>[vector<16xi32>], vector<16xf32>, vector<16xi1>
    %get3A_306 = arith.constant 48 : index
    %get3A_307 = tpu.vector_load %arg8[%get3A_306] {strides = array<i32>} : memref<208xi32, #tpu.memory_space<vmem>>, vector<16xi32>,
    %get3A_308 = arith.constant 48 : index
    %get3A_309 = tpu.vector_load %arg9[%get3A_308] {strides = array<i32>} : memref<208xf32, #tpu.memory_space<vmem>>, vector<16xf32>,
    %ge3A_310 = vector.broadcast %mul3A_2 : i32 to vector<16xi32>
    %ge3A_311 = arith.cmpi sge, %get3A_307, %ge3A_310 : vector<16xi32>
    %lt3A_312 = vector.broadcast %min3A_5 : i32 to vector<16xi32>
    %lt3A_313 = arith.cmpi slt, %get3A_307, %lt3A_312 : vector<16xi32>
    %and3A_314 = arith.andi %ge3A_311, %lt3A_313 : vector<16xi1>
    %sub3A_315 = vector.broadcast %mul3A_2 : i32 to vector<16xi32>
    %sub3A_316 = arith.subi %get3A_307, %sub3A_315 : vector<16xi32>
    %jit3A_317 = arith.constant 0 : i32
    %jit3A_318 = arith.constant 31263 : i32
    %max3A_319 = vector.broadcast %jit3A_317 : i32 to vector<16xi32>
    %max3A_320 = arith.maxsi %max3A_319, %sub3A_316 : vector<16xi32>
    %min3A_321 = vector.broadcast %jit3A_318 : i32 to vector<16xi32>
    %min3A_322 = arith.minsi %min3A_321, %max3A_320 : vector<16xi32>
    %eq3A_323 = arith.constant 0 : i32
    %eq3A_324 = vector.broadcast %eq3A_323 : i32 to vector<16xi32>
    %eq3A_325 = arith.cmpi eq, %iota3A, %eq3A_324 : vector<16xi32>
    %and3A_326 = arith.andi %and3A_314, %eq3A_325 : vector<16xi1>
    tpu.vector_store_idx %arg12[%min3A_322], %get3A_309 masked %and3A_326 : memref<31264xf32, #tpu.memory_space<vmem>>[vector<16xi32>], vector<16xf32>, vector<16xi1>
    %eq3A_327 = arith.constant 1 : i32
    %eq3A_328 = vector.broadcast %eq3A_327 : i32 to vector<16xi32>
    %eq3A_329 = arith.cmpi eq, %iota3A, %eq3A_328 : vector<16xi32>
    %and3A_330 = arith.andi %and3A_314, %eq3A_329 : vector<16xi1>
    tpu.vector_store_idx %arg12[%min3A_322], %get3A_309 masked %and3A_330 : memref<31264xf32, #tpu.memory_space<vmem>>[vector<16xi32>], vector<16xf32>, vector<16xi1>
    %eq3A_331 = arith.constant 2 : i32
    %eq3A_332 = vector.broadcast %eq3A_331 : i32 to vector<16xi32>
    %eq3A_333 = arith.cmpi eq, %iota3A, %eq3A_332 : vector<16xi32>
    %and3A_334 = arith.andi %and3A_314, %eq3A_333 : vector<16xi1>
    tpu.vector_store_idx %arg12[%min3A_322], %get3A_309 masked %and3A_334 : memref<31264xf32, #tpu.memory_space<vmem>>[vector<16xi32>], vector<16xf32>, vector<16xi1>
    %eq3A_335 = arith.constant 3 : i32
    %eq3A_336 = vector.broadcast %eq3A_335 : i32 to vector<16xi32>
    %eq3A_337 = arith.cmpi eq, %iota3A, %eq3A_336 : vector<16xi32>
    %and3A_338 = arith.andi %and3A_314, %eq3A_337 : vector<16xi1>
    tpu.vector_store_idx %arg12[%min3A_322], %get3A_309 masked %and3A_338 : memref<31264xf32, #tpu.memory_space<vmem>>[vector<16xi32>], vector<16xf32>, vector<16xi1>
    %eq3A_339 = arith.constant 4 : i32
    %eq3A_340 = vector.broadcast %eq3A_339 : i32 to vector<16xi32>
    %eq3A_341 = arith.cmpi eq, %iota3A, %eq3A_340 : vector<16xi32>
    %and3A_342 = arith.andi %and3A_314, %eq3A_341 : vector<16xi1>
    tpu.vector_store_idx %arg12[%min3A_322], %get3A_309 masked %and3A_342 : memref<31264xf32, #tpu.memory_space<vmem>>[vector<16xi32>], vector<16xf32>, vector<16xi1>
    %eq3A_343 = arith.constant 5 : i32
    %eq3A_344 = vector.broadcast %eq3A_343 : i32 to vector<16xi32>
    %eq3A_345 = arith.cmpi eq, %iota3A, %eq3A_344 : vector<16xi32>
    %and3A_346 = arith.andi %and3A_314, %eq3A_345 : vector<16xi1>
    tpu.vector_store_idx %arg12[%min3A_322], %get3A_309 masked %and3A_346 : memref<31264xf32, #tpu.memory_space<vmem>>[vector<16xi32>], vector<16xf32>, vector<16xi1>
    %eq3A_347 = arith.constant 6 : i32
    %eq3A_348 = vector.broadcast %eq3A_347 : i32 to vector<16xi32>
    %eq3A_349 = arith.cmpi eq, %iota3A, %eq3A_348 : vector<16xi32>
    %and3A_350 = arith.andi %and3A_314, %eq3A_349 : vector<16xi1>
    tpu.vector_store_idx %arg12[%min3A_322], %get3A_309 masked %and3A_350 : memref<31264xf32, #tpu.memory_space<vmem>>[vector<16xi32>], vector<16xf32>, vector<16xi1>
    %eq3A_351 = arith.constant 7 : i32
    %eq3A_352 = vector.broadcast %eq3A_351 : i32 to vector<16xi32>
    %eq3A_353 = arith.cmpi eq, %iota3A, %eq3A_352 : vector<16xi32>
    %and3A_354 = arith.andi %and3A_314, %eq3A_353 : vector<16xi1>
    tpu.vector_store_idx %arg12[%min3A_322], %get3A_309 masked %and3A_354 : memref<31264xf32, #tpu.memory_space<vmem>>[vector<16xi32>], vector<16xf32>, vector<16xi1>
    %eq3A_355 = arith.constant 8 : i32
    %eq3A_356 = vector.broadcast %eq3A_355 : i32 to vector<16xi32>
    %eq3A_357 = arith.cmpi eq, %iota3A, %eq3A_356 : vector<16xi32>
    %and3A_358 = arith.andi %and3A_314, %eq3A_357 : vector<16xi1>
    tpu.vector_store_idx %arg12[%min3A_322], %get3A_309 masked %and3A_358 : memref<31264xf32, #tpu.memory_space<vmem>>[vector<16xi32>], vector<16xf32>, vector<16xi1>
    %eq3A_359 = arith.constant 9 : i32
    %eq3A_360 = vector.broadcast %eq3A_359 : i32 to vector<16xi32>
    %eq3A_361 = arith.cmpi eq, %iota3A, %eq3A_360 : vector<16xi32>
    %and3A_362 = arith.andi %and3A_314, %eq3A_361 : vector<16xi1>
    tpu.vector_store_idx %arg12[%min3A_322], %get3A_309 masked %and3A_362 : memref<31264xf32, #tpu.memory_space<vmem>>[vector<16xi32>], vector<16xf32>, vector<16xi1>
    %eq3A_363 = arith.constant 10 : i32
    %eq3A_364 = vector.broadcast %eq3A_363 : i32 to vector<16xi32>
    %eq3A_365 = arith.cmpi eq, %iota3A, %eq3A_364 : vector<16xi32>
    %and3A_366 = arith.andi %and3A_314, %eq3A_365 : vector<16xi1>
    tpu.vector_store_idx %arg12[%min3A_322], %get3A_309 masked %and3A_366 : memref<31264xf32, #tpu.memory_space<vmem>>[vector<16xi32>], vector<16xf32>, vector<16xi1>
    %eq3A_367 = arith.constant 11 : i32
    %eq3A_368 = vector.broadcast %eq3A_367 : i32 to vector<16xi32>
    %eq3A_369 = arith.cmpi eq, %iota3A, %eq3A_368 : vector<16xi32>
    %and3A_370 = arith.andi %and3A_314, %eq3A_369 : vector<16xi1>
    tpu.vector_store_idx %arg12[%min3A_322], %get3A_309 masked %and3A_370 : memref<31264xf32, #tpu.memory_space<vmem>>[vector<16xi32>], vector<16xf32>, vector<16xi1>
    %eq3A_371 = arith.constant 12 : i32
    %eq3A_372 = vector.broadcast %eq3A_371 : i32 to vector<16xi32>
    %eq3A_373 = arith.cmpi eq, %iota3A, %eq3A_372 : vector<16xi32>
    %and3A_374 = arith.andi %and3A_314, %eq3A_373 : vector<16xi1>
    tpu.vector_store_idx %arg12[%min3A_322], %get3A_309 masked %and3A_374 : memref<31264xf32, #tpu.memory_space<vmem>>[vector<16xi32>], vector<16xf32>, vector<16xi1>
    %eq3A_375 = arith.constant 13 : i32
    %eq3A_376 = vector.broadcast %eq3A_375 : i32 to vector<16xi32>
    %eq3A_377 = arith.cmpi eq, %iota3A, %eq3A_376 : vector<16xi32>
    %and3A_378 = arith.andi %and3A_314, %eq3A_377 : vector<16xi1>
    tpu.vector_store_idx %arg12[%min3A_322], %get3A_309 masked %and3A_378 : memref<31264xf32, #tpu.memory_space<vmem>>[vector<16xi32>], vector<16xf32>, vector<16xi1>
    %eq3A_379 = arith.constant 14 : i32
    %eq3A_380 = vector.broadcast %eq3A_379 : i32 to vector<16xi32>
    %eq3A_381 = arith.cmpi eq, %iota3A, %eq3A_380 : vector<16xi32>
    %and3A_382 = arith.andi %and3A_314, %eq3A_381 : vector<16xi1>
    tpu.vector_store_idx %arg12[%min3A_322], %get3A_309 masked %and3A_382 : memref<31264xf32, #tpu.memory_space<vmem>>[vector<16xi32>], vector<16xf32>, vector<16xi1>
    %eq3A_383 = arith.constant 15 : i32
    %eq3A_384 = vector.broadcast %eq3A_383 : i32 to vector<16xi32>
    %eq3A_385 = arith.cmpi eq, %iota3A, %eq3A_384 : vector<16xi32>
    %and3A_386 = arith.andi %and3A_314, %eq3A_385 : vector<16xi1>
    tpu.vector_store_idx %arg12[%min3A_322], %get3A_309 masked %and3A_386 : memref<31264xf32, #tpu.memory_space<vmem>>[vector<16xi32>], vector<16xf32>, vector<16xi1>
    %get3A_387 = arith.constant 64 : index
    %get3A_388 = tpu.vector_load %arg8[%get3A_387] {strides = array<i32>} : memref<208xi32, #tpu.memory_space<vmem>>, vector<16xi32>,
    %get3A_389 = arith.constant 64 : index
    %get3A_390 = tpu.vector_load %arg9[%get3A_389] {strides = array<i32>} : memref<208xf32, #tpu.memory_space<vmem>>, vector<16xf32>,
    %ge3A_391 = vector.broadcast %mul3A_2 : i32 to vector<16xi32>
    %ge3A_392 = arith.cmpi sge, %get3A_388, %ge3A_391 : vector<16xi32>
    %lt3A_393 = vector.broadcast %min3A_5 : i32 to vector<16xi32>
    %lt3A_394 = arith.cmpi slt, %get3A_388, %lt3A_393 : vector<16xi32>
    %and3A_395 = arith.andi %ge3A_392, %lt3A_394 : vector<16xi1>
    %sub3A_396 = vector.broadcast %mul3A_2 : i32 to vector<16xi32>
    %sub3A_397 = arith.subi %get3A_388, %sub3A_396 : vector<16xi32>
    %jit3A_398 = arith.constant 0 : i32
    %jit3A_399 = arith.constant 31263 : i32
    %max3A_400 = vector.broadcast %jit3A_398 : i32 to vector<16xi32>
    %max3A_401 = arith.maxsi %max3A_400, %sub3A_397 : vector<16xi32>
    %min3A_402 = vector.broadcast %jit3A_399 : i32 to vector<16xi32>
    %min3A_403 = arith.minsi %min3A_402, %max3A_401 : vector<16xi32>
    %eq3A_404 = arith.constant 0 : i32
    %eq3A_405 = vector.broadcast %eq3A_404 : i32 to vector<16xi32>
    %eq3A_406 = arith.cmpi eq, %iota3A, %eq3A_405 : vector<16xi32>
    %and3A_407 = arith.andi %and3A_395, %eq3A_406 : vector<16xi1>
    tpu.vector_store_idx %arg12[%min3A_403], %get3A_390 masked %and3A_407 : memref<31264xf32, #tpu.memory_space<vmem>>[vector<16xi32>], vector<16xf32>, vector<16xi1>
    %eq3A_408 = arith.constant 1 : i32
    %eq3A_409 = vector.broadcast %eq3A_408 : i32 to vector<16xi32>
    %eq3A_410 = arith.cmpi eq, %iota3A, %eq3A_409 : vector<16xi32>
    %and3A_411 = arith.andi %and3A_395, %eq3A_410 : vector<16xi1>
    tpu.vector_store_idx %arg12[%min3A_403], %get3A_390 masked %and3A_411 : memref<31264xf32, #tpu.memory_space<vmem>>[vector<16xi32>], vector<16xf32>, vector<16xi1>
    %eq3A_412 = arith.constant 2 : i32
    %eq3A_413 = vector.broadcast %eq3A_412 : i32 to vector<16xi32>
    %eq3A_414 = arith.cmpi eq, %iota3A, %eq3A_413 : vector<16xi32>
    %and3A_415 = arith.andi %and3A_395, %eq3A_414 : vector<16xi1>
    tpu.vector_store_idx %arg12[%min3A_403], %get3A_390 masked %and3A_415 : memref<31264xf32, #tpu.memory_space<vmem>>[vector<16xi32>], vector<16xf32>, vector<16xi1>
    %eq3A_416 = arith.constant 3 : i32
    %eq3A_417 = vector.broadcast %eq3A_416 : i32 to vector<16xi32>
    %eq3A_418 = arith.cmpi eq, %iota3A, %eq3A_417 : vector<16xi32>
    %and3A_419 = arith.andi %and3A_395, %eq3A_418 : vector<16xi1>
    tpu.vector_store_idx %arg12[%min3A_403], %get3A_390 masked %and3A_419 : memref<31264xf32, #tpu.memory_space<vmem>>[vector<16xi32>], vector<16xf32>, vector<16xi1>
    %eq3A_420 = arith.constant 4 : i32
    %eq3A_421 = vector.broadcast %eq3A_420 : i32 to vector<16xi32>
    %eq3A_422 = arith.cmpi eq, %iota3A, %eq3A_421 : vector<16xi32>
    %and3A_423 = arith.andi %and3A_395, %eq3A_422 : vector<16xi1>
    tpu.vector_store_idx %arg12[%min3A_403], %get3A_390 masked %and3A_423 : memref<31264xf32, #tpu.memory_space<vmem>>[vector<16xi32>], vector<16xf32>, vector<16xi1>
    %eq3A_424 = arith.constant 5 : i32
    %eq3A_425 = vector.broadcast %eq3A_424 : i32 to vector<16xi32>
    %eq3A_426 = arith.cmpi eq, %iota3A, %eq3A_425 : vector<16xi32>
    %and3A_427 = arith.andi %and3A_395, %eq3A_426 : vector<16xi1>
    tpu.vector_store_idx %arg12[%min3A_403], %get3A_390 masked %and3A_427 : memref<31264xf32, #tpu.memory_space<vmem>>[vector<16xi32>], vector<16xf32>, vector<16xi1>
    %eq3A_428 = arith.constant 6 : i32
    %eq3A_429 = vector.broadcast %eq3A_428 : i32 to vector<16xi32>
    %eq3A_430 = arith.cmpi eq, %iota3A, %eq3A_429 : vector<16xi32>
    %and3A_431 = arith.andi %and3A_395, %eq3A_430 : vector<16xi1>
    tpu.vector_store_idx %arg12[%min3A_403], %get3A_390 masked %and3A_431 : memref<31264xf32, #tpu.memory_space<vmem>>[vector<16xi32>], vector<16xf32>, vector<16xi1>
    %eq3A_432 = arith.constant 7 : i32
    %eq3A_433 = vector.broadcast %eq3A_432 : i32 to vector<16xi32>
    %eq3A_434 = arith.cmpi eq, %iota3A, %eq3A_433 : vector<16xi32>
    %and3A_435 = arith.andi %and3A_395, %eq3A_434 : vector<16xi1>
    tpu.vector_store_idx %arg12[%min3A_403], %get3A_390 masked %and3A_435 : memref<31264xf32, #tpu.memory_space<vmem>>[vector<16xi32>], vector<16xf32>, vector<16xi1>
    %eq3A_436 = arith.constant 8 : i32
    %eq3A_437 = vector.broadcast %eq3A_436 : i32 to vector<16xi32>
    %eq3A_438 = arith.cmpi eq, %iota3A, %eq3A_437 : vector<16xi32>
    %and3A_439 = arith.andi %and3A_395, %eq3A_438 : vector<16xi1>
    tpu.vector_store_idx %arg12[%min3A_403], %get3A_390 masked %and3A_439 : memref<31264xf32, #tpu.memory_space<vmem>>[vector<16xi32>], vector<16xf32>, vector<16xi1>
    %eq3A_440 = arith.constant 9 : i32
    %eq3A_441 = vector.broadcast %eq3A_440 : i32 to vector<16xi32>
    %eq3A_442 = arith.cmpi eq, %iota3A, %eq3A_441 : vector<16xi32>
    %and3A_443 = arith.andi %and3A_395, %eq3A_442 : vector<16xi1>
    tpu.vector_store_idx %arg12[%min3A_403], %get3A_390 masked %and3A_443 : memref<31264xf32, #tpu.memory_space<vmem>>[vector<16xi32>], vector<16xf32>, vector<16xi1>
    %eq3A_444 = arith.constant 10 : i32
    %eq3A_445 = vector.broadcast %eq3A_444 : i32 to vector<16xi32>
    %eq3A_446 = arith.cmpi eq, %iota3A, %eq3A_445 : vector<16xi32>
    %and3A_447 = arith.andi %and3A_395, %eq3A_446 : vector<16xi1>
    tpu.vector_store_idx %arg12[%min3A_403], %get3A_390 masked %and3A_447 : memref<31264xf32, #tpu.memory_space<vmem>>[vector<16xi32>], vector<16xf32>, vector<16xi1>
    %eq3A_448 = arith.constant 11 : i32
    %eq3A_449 = vector.broadcast %eq3A_448 : i32 to vector<16xi32>
    %eq3A_450 = arith.cmpi eq, %iota3A, %eq3A_449 : vector<16xi32>
    %and3A_451 = arith.andi %and3A_395, %eq3A_450 : vector<16xi1>
    tpu.vector_store_idx %arg12[%min3A_403], %get3A_390 masked %and3A_451 : memref<31264xf32, #tpu.memory_space<vmem>>[vector<16xi32>], vector<16xf32>, vector<16xi1>
    %eq3A_452 = arith.constant 12 : i32
    %eq3A_453 = vector.broadcast %eq3A_452 : i32 to vector<16xi32>
    %eq3A_454 = arith.cmpi eq, %iota3A, %eq3A_453 : vector<16xi32>
    %and3A_455 = arith.andi %and3A_395, %eq3A_454 : vector<16xi1>
    tpu.vector_store_idx %arg12[%min3A_403], %get3A_390 masked %and3A_455 : memref<31264xf32, #tpu.memory_space<vmem>>[vector<16xi32>], vector<16xf32>, vector<16xi1>
    %eq3A_456 = arith.constant 13 : i32
    %eq3A_457 = vector.broadcast %eq3A_456 : i32 to vector<16xi32>
    %eq3A_458 = arith.cmpi eq, %iota3A, %eq3A_457 : vector<16xi32>
    %and3A_459 = arith.andi %and3A_395, %eq3A_458 : vector<16xi1>
    tpu.vector_store_idx %arg12[%min3A_403], %get3A_390 masked %and3A_459 : memref<31264xf32, #tpu.memory_space<vmem>>[vector<16xi32>], vector<16xf32>, vector<16xi1>
    %eq3A_460 = arith.constant 14 : i32
    %eq3A_461 = vector.broadcast %eq3A_460 : i32 to vector<16xi32>
    %eq3A_462 = arith.cmpi eq, %iota3A, %eq3A_461 : vector<16xi32>
    %and3A_463 = arith.andi %and3A_395, %eq3A_462 : vector<16xi1>
    tpu.vector_store_idx %arg12[%min3A_403], %get3A_390 masked %and3A_463 : memref<31264xf32, #tpu.memory_space<vmem>>[vector<16xi32>], vector<16xf32>, vector<16xi1>
    %eq3A_464 = arith.constant 15 : i32
    %eq3A_465 = vector.broadcast %eq3A_464 : i32 to vector<16xi32>
    %eq3A_466 = arith.cmpi eq, %iota3A, %eq3A_465 : vector<16xi32>
    %and3A_467 = arith.andi %and3A_395, %eq3A_466 : vector<16xi1>
    tpu.vector_store_idx %arg12[%min3A_403], %get3A_390 masked %and3A_467 : memref<31264xf32, #tpu.memory_space<vmem>>[vector<16xi32>], vector<16xf32>, vector<16xi1>
    %get3A_468 = arith.constant 80 : index
    %get3A_469 = tpu.vector_load %arg8[%get3A_468] {strides = array<i32>} : memref<208xi32, #tpu.memory_space<vmem>>, vector<16xi32>,
    %get3A_470 = arith.constant 80 : index
    %get3A_471 = tpu.vector_load %arg9[%get3A_470] {strides = array<i32>} : memref<208xf32, #tpu.memory_space<vmem>>, vector<16xf32>,
    %ge3A_472 = vector.broadcast %mul3A_2 : i32 to vector<16xi32>
    %ge3A_473 = arith.cmpi sge, %get3A_469, %ge3A_472 : vector<16xi32>
    %lt3A_474 = vector.broadcast %min3A_5 : i32 to vector<16xi32>
    %lt3A_475 = arith.cmpi slt, %get3A_469, %lt3A_474 : vector<16xi32>
    %and3A_476 = arith.andi %ge3A_473, %lt3A_475 : vector<16xi1>
    %sub3A_477 = vector.broadcast %mul3A_2 : i32 to vector<16xi32>
    %sub3A_478 = arith.subi %get3A_469, %sub3A_477 : vector<16xi32>
    %jit3A_479 = arith.constant 0 : i32
    %jit3A_480 = arith.constant 31263 : i32
    %max3A_481 = vector.broadcast %jit3A_479 : i32 to vector<16xi32>
    %max3A_482 = arith.maxsi %max3A_481, %sub3A_478 : vector<16xi32>
    %min3A_483 = vector.broadcast %jit3A_480 : i32 to vector<16xi32>
    %min3A_484 = arith.minsi %min3A_483, %max3A_482 : vector<16xi32>
    %eq3A_485 = arith.constant 0 : i32
    %eq3A_486 = vector.broadcast %eq3A_485 : i32 to vector<16xi32>
    %eq3A_487 = arith.cmpi eq, %iota3A, %eq3A_486 : vector<16xi32>
    %and3A_488 = arith.andi %and3A_476, %eq3A_487 : vector<16xi1>
    tpu.vector_store_idx %arg12[%min3A_484], %get3A_471 masked %and3A_488 : memref<31264xf32, #tpu.memory_space<vmem>>[vector<16xi32>], vector<16xf32>, vector<16xi1>
    %eq3A_489 = arith.constant 1 : i32
    %eq3A_490 = vector.broadcast %eq3A_489 : i32 to vector<16xi32>
    %eq3A_491 = arith.cmpi eq, %iota3A, %eq3A_490 : vector<16xi32>
    %and3A_492 = arith.andi %and3A_476, %eq3A_491 : vector<16xi1>
    tpu.vector_store_idx %arg12[%min3A_484], %get3A_471 masked %and3A_492 : memref<31264xf32, #tpu.memory_space<vmem>>[vector<16xi32>], vector<16xf32>, vector<16xi1>
    %eq3A_493 = arith.constant 2 : i32
    %eq3A_494 = vector.broadcast %eq3A_493 : i32 to vector<16xi32>
    %eq3A_495 = arith.cmpi eq, %iota3A, %eq3A_494 : vector<16xi32>
    %and3A_496 = arith.andi %and3A_476, %eq3A_495 : vector<16xi1>
    tpu.vector_store_idx %arg12[%min3A_484], %get3A_471 masked %and3A_496 : memref<31264xf32, #tpu.memory_space<vmem>>[vector<16xi32>], vector<16xf32>, vector<16xi1>
    %eq3A_497 = arith.constant 3 : i32
    %eq3A_498 = vector.broadcast %eq3A_497 : i32 to vector<16xi32>
    %eq3A_499 = arith.cmpi eq, %iota3A, %eq3A_498 : vector<16xi32>
    %and3A_500 = arith.andi %and3A_476, %eq3A_499 : vector<16xi1>
    tpu.vector_store_idx %arg12[%min3A_484], %get3A_471 masked %and3A_500 : memref<31264xf32, #tpu.memory_space<vmem>>[vector<16xi32>], vector<16xf32>, vector<16xi1>
    %eq3A_501 = arith.constant 4 : i32
    %eq3A_502 = vector.broadcast %eq3A_501 : i32 to vector<16xi32>
    %eq3A_503 = arith.cmpi eq, %iota3A, %eq3A_502 : vector<16xi32>
    %and3A_504 = arith.andi %and3A_476, %eq3A_503 : vector<16xi1>
    tpu.vector_store_idx %arg12[%min3A_484], %get3A_471 masked %and3A_504 : memref<31264xf32, #tpu.memory_space<vmem>>[vector<16xi32>], vector<16xf32>, vector<16xi1>
    %eq3A_505 = arith.constant 5 : i32
    %eq3A_506 = vector.broadcast %eq3A_505 : i32 to vector<16xi32>
    %eq3A_507 = arith.cmpi eq, %iota3A, %eq3A_506 : vector<16xi32>
    %and3A_508 = arith.andi %and3A_476, %eq3A_507 : vector<16xi1>
    tpu.vector_store_idx %arg12[%min3A_484], %get3A_471 masked %and3A_508 : memref<31264xf32, #tpu.memory_space<vmem>>[vector<16xi32>], vector<16xf32>, vector<16xi1>
    %eq3A_509 = arith.constant 6 : i32
    %eq3A_510 = vector.broadcast %eq3A_509 : i32 to vector<16xi32>
    %eq3A_511 = arith.cmpi eq, %iota3A, %eq3A_510 : vector<16xi32>
    %and3A_512 = arith.andi %and3A_476, %eq3A_511 : vector<16xi1>
    tpu.vector_store_idx %arg12[%min3A_484], %get3A_471 masked %and3A_512 : memref<31264xf32, #tpu.memory_space<vmem>>[vector<16xi32>], vector<16xf32>, vector<16xi1>
    %eq3A_513 = arith.constant 7 : i32
    %eq3A_514 = vector.broadcast %eq3A_513 : i32 to vector<16xi32>
    %eq3A_515 = arith.cmpi eq, %iota3A, %eq3A_514 : vector<16xi32>
    %and3A_516 = arith.andi %and3A_476, %eq3A_515 : vector<16xi1>
    tpu.vector_store_idx %arg12[%min3A_484], %get3A_471 masked %and3A_516 : memref<31264xf32, #tpu.memory_space<vmem>>[vector<16xi32>], vector<16xf32>, vector<16xi1>
    %eq3A_517 = arith.constant 8 : i32
    %eq3A_518 = vector.broadcast %eq3A_517 : i32 to vector<16xi32>
    %eq3A_519 = arith.cmpi eq, %iota3A, %eq3A_518 : vector<16xi32>
    %and3A_520 = arith.andi %and3A_476, %eq3A_519 : vector<16xi1>
    tpu.vector_store_idx %arg12[%min3A_484], %get3A_471 masked %and3A_520 : memref<31264xf32, #tpu.memory_space<vmem>>[vector<16xi32>], vector<16xf32>, vector<16xi1>
    %eq3A_521 = arith.constant 9 : i32
    %eq3A_522 = vector.broadcast %eq3A_521 : i32 to vector<16xi32>
    %eq3A_523 = arith.cmpi eq, %iota3A, %eq3A_522 : vector<16xi32>
    %and3A_524 = arith.andi %and3A_476, %eq3A_523 : vector<16xi1>
    tpu.vector_store_idx %arg12[%min3A_484], %get3A_471 masked %and3A_524 : memref<31264xf32, #tpu.memory_space<vmem>>[vector<16xi32>], vector<16xf32>, vector<16xi1>
    %eq3A_525 = arith.constant 10 : i32
    %eq3A_526 = vector.broadcast %eq3A_525 : i32 to vector<16xi32>
    %eq3A_527 = arith.cmpi eq, %iota3A, %eq3A_526 : vector<16xi32>
    %and3A_528 = arith.andi %and3A_476, %eq3A_527 : vector<16xi1>
    tpu.vector_store_idx %arg12[%min3A_484], %get3A_471 masked %and3A_528 : memref<31264xf32, #tpu.memory_space<vmem>>[vector<16xi32>], vector<16xf32>, vector<16xi1>
    %eq3A_529 = arith.constant 11 : i32
    %eq3A_530 = vector.broadcast %eq3A_529 : i32 to vector<16xi32>
    %eq3A_531 = arith.cmpi eq, %iota3A, %eq3A_530 : vector<16xi32>
    %and3A_532 = arith.andi %and3A_476, %eq3A_531 : vector<16xi1>
    tpu.vector_store_idx %arg12[%min3A_484], %get3A_471 masked %and3A_532 : memref<31264xf32, #tpu.memory_space<vmem>>[vector<16xi32>], vector<16xf32>, vector<16xi1>
    %eq3A_533 = arith.constant 12 : i32
    %eq3A_534 = vector.broadcast %eq3A_533 : i32 to vector<16xi32>
    %eq3A_535 = arith.cmpi eq, %iota3A, %eq3A_534 : vector<16xi32>
    %and3A_536 = arith.andi %and3A_476, %eq3A_535 : vector<16xi1>
    tpu.vector_store_idx %arg12[%min3A_484], %get3A_471 masked %and3A_536 : memref<31264xf32, #tpu.memory_space<vmem>>[vector<16xi32>], vector<16xf32>, vector<16xi1>
    %eq3A_537 = arith.constant 13 : i32
    %eq3A_538 = vector.broadcast %eq3A_537 : i32 to vector<16xi32>
    %eq3A_539 = arith.cmpi eq, %iota3A, %eq3A_538 : vector<16xi32>
    %and3A_540 = arith.andi %and3A_476, %eq3A_539 : vector<16xi1>
    tpu.vector_store_idx %arg12[%min3A_484], %get3A_471 masked %and3A_540 : memref<31264xf32, #tpu.memory_space<vmem>>[vector<16xi32>], vector<16xf32>, vector<16xi1>
    %eq3A_541 = arith.constant 14 : i32
    %eq3A_542 = vector.broadcast %eq3A_541 : i32 to vector<16xi32>
    %eq3A_543 = arith.cmpi eq, %iota3A, %eq3A_542 : vector<16xi32>
    %and3A_544 = arith.andi %and3A_476, %eq3A_543 : vector<16xi1>
    tpu.vector_store_idx %arg12[%min3A_484], %get3A_471 masked %and3A_544 : memref<31264xf32, #tpu.memory_space<vmem>>[vector<16xi32>], vector<16xf32>, vector<16xi1>
    %eq3A_545 = arith.constant 15 : i32
    %eq3A_546 = vector.broadcast %eq3A_545 : i32 to vector<16xi32>
    %eq3A_547 = arith.cmpi eq, %iota3A, %eq3A_546 : vector<16xi32>
    %and3A_548 = arith.andi %and3A_476, %eq3A_547 : vector<16xi1>
    tpu.vector_store_idx %arg12[%min3A_484], %get3A_471 masked %and3A_548 : memref<31264xf32, #tpu.memory_space<vmem>>[vector<16xi32>], vector<16xf32>, vector<16xi1>
    %get3A_549 = arith.constant 96 : index
    %get3A_550 = tpu.vector_load %arg8[%get3A_549] {strides = array<i32>} : memref<208xi32, #tpu.memory_space<vmem>>, vector<16xi32>,
    %get3A_551 = arith.constant 96 : index
    %get3A_552 = tpu.vector_load %arg9[%get3A_551] {strides = array<i32>} : memref<208xf32, #tpu.memory_space<vmem>>, vector<16xf32>,
    %ge3A_553 = vector.broadcast %mul3A_2 : i32 to vector<16xi32>
    %ge3A_554 = arith.cmpi sge, %get3A_550, %ge3A_553 : vector<16xi32>
    %lt3A_555 = vector.broadcast %min3A_5 : i32 to vector<16xi32>
    %lt3A_556 = arith.cmpi slt, %get3A_550, %lt3A_555 : vector<16xi32>
    %and3A_557 = arith.andi %ge3A_554, %lt3A_556 : vector<16xi1>
    %sub3A_558 = vector.broadcast %mul3A_2 : i32 to vector<16xi32>
    %sub3A_559 = arith.subi %get3A_550, %sub3A_558 : vector<16xi32>
    %jit3A_560 = arith.constant 0 : i32
    %jit3A_561 = arith.constant 31263 : i32
    %max3A_562 = vector.broadcast %jit3A_560 : i32 to vector<16xi32>
    %max3A_563 = arith.maxsi %max3A_562, %sub3A_559 : vector<16xi32>
    %min3A_564 = vector.broadcast %jit3A_561 : i32 to vector<16xi32>
    %min3A_565 = arith.minsi %min3A_564, %max3A_563 : vector<16xi32>
    %eq3A_566 = arith.constant 0 : i32
    %eq3A_567 = vector.broadcast %eq3A_566 : i32 to vector<16xi32>
    %eq3A_568 = arith.cmpi eq, %iota3A, %eq3A_567 : vector<16xi32>
    %and3A_569 = arith.andi %and3A_557, %eq3A_568 : vector<16xi1>
    tpu.vector_store_idx %arg12[%min3A_565], %get3A_552 masked %and3A_569 : memref<31264xf32, #tpu.memory_space<vmem>>[vector<16xi32>], vector<16xf32>, vector<16xi1>
    %eq3A_570 = arith.constant 1 : i32
    %eq3A_571 = vector.broadcast %eq3A_570 : i32 to vector<16xi32>
    %eq3A_572 = arith.cmpi eq, %iota3A, %eq3A_571 : vector<16xi32>
    %and3A_573 = arith.andi %and3A_557, %eq3A_572 : vector<16xi1>
    tpu.vector_store_idx %arg12[%min3A_565], %get3A_552 masked %and3A_573 : memref<31264xf32, #tpu.memory_space<vmem>>[vector<16xi32>], vector<16xf32>, vector<16xi1>
    %eq3A_574 = arith.constant 2 : i32
    %eq3A_575 = vector.broadcast %eq3A_574 : i32 to vector<16xi32>
    %eq3A_576 = arith.cmpi eq, %iota3A, %eq3A_575 : vector<16xi32>
    %and3A_577 = arith.andi %and3A_557, %eq3A_576 : vector<16xi1>
    tpu.vector_store_idx %arg12[%min3A_565], %get3A_552 masked %and3A_577 : memref<31264xf32, #tpu.memory_space<vmem>>[vector<16xi32>], vector<16xf32>, vector<16xi1>
    %eq3A_578 = arith.constant 3 : i32
    %eq3A_579 = vector.broadcast %eq3A_578 : i32 to vector<16xi32>
    %eq3A_580 = arith.cmpi eq, %iota3A, %eq3A_579 : vector<16xi32>
    %and3A_581 = arith.andi %and3A_557, %eq3A_580 : vector<16xi1>
    tpu.vector_store_idx %arg12[%min3A_565], %get3A_552 masked %and3A_581 : memref<31264xf32, #tpu.memory_space<vmem>>[vector<16xi32>], vector<16xf32>, vector<16xi1>
    %eq3A_582 = arith.constant 4 : i32
    %eq3A_583 = vector.broadcast %eq3A_582 : i32 to vector<16xi32>
    %eq3A_584 = arith.cmpi eq, %iota3A, %eq3A_583 : vector<16xi32>
    %and3A_585 = arith.andi %and3A_557, %eq3A_584 : vector<16xi1>
    tpu.vector_store_idx %arg12[%min3A_565], %get3A_552 masked %and3A_585 : memref<31264xf32, #tpu.memory_space<vmem>>[vector<16xi32>], vector<16xf32>, vector<16xi1>
    %eq3A_586 = arith.constant 5 : i32
    %eq3A_587 = vector.broadcast %eq3A_586 : i32 to vector<16xi32>
    %eq3A_588 = arith.cmpi eq, %iota3A, %eq3A_587 : vector<16xi32>
    %and3A_589 = arith.andi %and3A_557, %eq3A_588 : vector<16xi1>
    tpu.vector_store_idx %arg12[%min3A_565], %get3A_552 masked %and3A_589 : memref<31264xf32, #tpu.memory_space<vmem>>[vector<16xi32>], vector<16xf32>, vector<16xi1>
    %eq3A_590 = arith.constant 6 : i32
    %eq3A_591 = vector.broadcast %eq3A_590 : i32 to vector<16xi32>
    %eq3A_592 = arith.cmpi eq, %iota3A, %eq3A_591 : vector<16xi32>
    %and3A_593 = arith.andi %and3A_557, %eq3A_592 : vector<16xi1>
    tpu.vector_store_idx %arg12[%min3A_565], %get3A_552 masked %and3A_593 : memref<31264xf32, #tpu.memory_space<vmem>>[vector<16xi32>], vector<16xf32>, vector<16xi1>
    %eq3A_594 = arith.constant 7 : i32
    %eq3A_595 = vector.broadcast %eq3A_594 : i32 to vector<16xi32>
    %eq3A_596 = arith.cmpi eq, %iota3A, %eq3A_595 : vector<16xi32>
    %and3A_597 = arith.andi %and3A_557, %eq3A_596 : vector<16xi1>
    tpu.vector_store_idx %arg12[%min3A_565], %get3A_552 masked %and3A_597 : memref<31264xf32, #tpu.memory_space<vmem>>[vector<16xi32>], vector<16xf32>, vector<16xi1>
    %eq3A_598 = arith.constant 8 : i32
    %eq3A_599 = vector.broadcast %eq3A_598 : i32 to vector<16xi32>
    %eq3A_600 = arith.cmpi eq, %iota3A, %eq3A_599 : vector<16xi32>
    %and3A_601 = arith.andi %and3A_557, %eq3A_600 : vector<16xi1>
    tpu.vector_store_idx %arg12[%min3A_565], %get3A_552 masked %and3A_601 : memref<31264xf32, #tpu.memory_space<vmem>>[vector<16xi32>], vector<16xf32>, vector<16xi1>
    %eq3A_602 = arith.constant 9 : i32
    %eq3A_603 = vector.broadcast %eq3A_602 : i32 to vector<16xi32>
    %eq3A_604 = arith.cmpi eq, %iota3A, %eq3A_603 : vector<16xi32>
    %and3A_605 = arith.andi %and3A_557, %eq3A_604 : vector<16xi1>
    tpu.vector_store_idx %arg12[%min3A_565], %get3A_552 masked %and3A_605 : memref<31264xf32, #tpu.memory_space<vmem>>[vector<16xi32>], vector<16xf32>, vector<16xi1>
    %eq3A_606 = arith.constant 10 : i32
    %eq3A_607 = vector.broadcast %eq3A_606 : i32 to vector<16xi32>
    %eq3A_608 = arith.cmpi eq, %iota3A, %eq3A_607 : vector<16xi32>
    %and3A_609 = arith.andi %and3A_557, %eq3A_608 : vector<16xi1>
    tpu.vector_store_idx %arg12[%min3A_565], %get3A_552 masked %and3A_609 : memref<31264xf32, #tpu.memory_space<vmem>>[vector<16xi32>], vector<16xf32>, vector<16xi1>
    %eq3A_610 = arith.constant 11 : i32
    %eq3A_611 = vector.broadcast %eq3A_610 : i32 to vector<16xi32>
    %eq3A_612 = arith.cmpi eq, %iota3A, %eq3A_611 : vector<16xi32>
    %and3A_613 = arith.andi %and3A_557, %eq3A_612 : vector<16xi1>
    tpu.vector_store_idx %arg12[%min3A_565], %get3A_552 masked %and3A_613 : memref<31264xf32, #tpu.memory_space<vmem>>[vector<16xi32>], vector<16xf32>, vector<16xi1>
    %eq3A_614 = arith.constant 12 : i32
    %eq3A_615 = vector.broadcast %eq3A_614 : i32 to vector<16xi32>
    %eq3A_616 = arith.cmpi eq, %iota3A, %eq3A_615 : vector<16xi32>
    %and3A_617 = arith.andi %and3A_557, %eq3A_616 : vector<16xi1>
    tpu.vector_store_idx %arg12[%min3A_565], %get3A_552 masked %and3A_617 : memref<31264xf32, #tpu.memory_space<vmem>>[vector<16xi32>], vector<16xf32>, vector<16xi1>
    %eq3A_618 = arith.constant 13 : i32
    %eq3A_619 = vector.broadcast %eq3A_618 : i32 to vector<16xi32>
    %eq3A_620 = arith.cmpi eq, %iota3A, %eq3A_619 : vector<16xi32>
    %and3A_621 = arith.andi %and3A_557, %eq3A_620 : vector<16xi1>
    tpu.vector_store_idx %arg12[%min3A_565], %get3A_552 masked %and3A_621 : memref<31264xf32, #tpu.memory_space<vmem>>[vector<16xi32>], vector<16xf32>, vector<16xi1>
    %eq3A_622 = arith.constant 14 : i32
    %eq3A_623 = vector.broadcast %eq3A_622 : i32 to vector<16xi32>
    %eq3A_624 = arith.cmpi eq, %iota3A, %eq3A_623 : vector<16xi32>
    %and3A_625 = arith.andi %and3A_557, %eq3A_624 : vector<16xi1>
    tpu.vector_store_idx %arg12[%min3A_565], %get3A_552 masked %and3A_625 : memref<31264xf32, #tpu.memory_space<vmem>>[vector<16xi32>], vector<16xf32>, vector<16xi1>
    %eq3A_626 = arith.constant 15 : i32
    %eq3A_627 = vector.broadcast %eq3A_626 : i32 to vector<16xi32>
    %eq3A_628 = arith.cmpi eq, %iota3A, %eq3A_627 : vector<16xi32>
    %and3A_629 = arith.andi %and3A_557, %eq3A_628 : vector<16xi1>
    tpu.vector_store_idx %arg12[%min3A_565], %get3A_552 masked %and3A_629 : memref<31264xf32, #tpu.memory_space<vmem>>[vector<16xi32>], vector<16xf32>, vector<16xi1>
    %get3A_630 = arith.constant 112 : index
    %get3A_631 = tpu.vector_load %arg8[%get3A_630] {strides = array<i32>} : memref<208xi32, #tpu.memory_space<vmem>>, vector<16xi32>,
    %get3A_632 = arith.constant 112 : index
    %get3A_633 = tpu.vector_load %arg9[%get3A_632] {strides = array<i32>} : memref<208xf32, #tpu.memory_space<vmem>>, vector<16xf32>,
    %ge3A_634 = vector.broadcast %mul3A_2 : i32 to vector<16xi32>
    %ge3A_635 = arith.cmpi sge, %get3A_631, %ge3A_634 : vector<16xi32>
    %lt3A_636 = vector.broadcast %min3A_5 : i32 to vector<16xi32>
    %lt3A_637 = arith.cmpi slt, %get3A_631, %lt3A_636 : vector<16xi32>
    %and3A_638 = arith.andi %ge3A_635, %lt3A_637 : vector<16xi1>
    %sub3A_639 = vector.broadcast %mul3A_2 : i32 to vector<16xi32>
    %sub3A_640 = arith.subi %get3A_631, %sub3A_639 : vector<16xi32>
    %jit3A_641 = arith.constant 0 : i32
    %jit3A_642 = arith.constant 31263 : i32
    %max3A_643 = vector.broadcast %jit3A_641 : i32 to vector<16xi32>
    %max3A_644 = arith.maxsi %max3A_643, %sub3A_640 : vector<16xi32>
    %min3A_645 = vector.broadcast %jit3A_642 : i32 to vector<16xi32>
    %min3A_646 = arith.minsi %min3A_645, %max3A_644 : vector<16xi32>
    %eq3A_647 = arith.constant 0 : i32
    %eq3A_648 = vector.broadcast %eq3A_647 : i32 to vector<16xi32>
    %eq3A_649 = arith.cmpi eq, %iota3A, %eq3A_648 : vector<16xi32>
    %and3A_650 = arith.andi %and3A_638, %eq3A_649 : vector<16xi1>
    tpu.vector_store_idx %arg12[%min3A_646], %get3A_633 masked %and3A_650 : memref<31264xf32, #tpu.memory_space<vmem>>[vector<16xi32>], vector<16xf32>, vector<16xi1>
    %eq3A_651 = arith.constant 1 : i32
    %eq3A_652 = vector.broadcast %eq3A_651 : i32 to vector<16xi32>
    %eq3A_653 = arith.cmpi eq, %iota3A, %eq3A_652 : vector<16xi32>
    %and3A_654 = arith.andi %and3A_638, %eq3A_653 : vector<16xi1>
    tpu.vector_store_idx %arg12[%min3A_646], %get3A_633 masked %and3A_654 : memref<31264xf32, #tpu.memory_space<vmem>>[vector<16xi32>], vector<16xf32>, vector<16xi1>
    %eq3A_655 = arith.constant 2 : i32
    %eq3A_656 = vector.broadcast %eq3A_655 : i32 to vector<16xi32>
    %eq3A_657 = arith.cmpi eq, %iota3A, %eq3A_656 : vector<16xi32>
    %and3A_658 = arith.andi %and3A_638, %eq3A_657 : vector<16xi1>
    tpu.vector_store_idx %arg12[%min3A_646], %get3A_633 masked %and3A_658 : memref<31264xf32, #tpu.memory_space<vmem>>[vector<16xi32>], vector<16xf32>, vector<16xi1>
    %eq3A_659 = arith.constant 3 : i32
    %eq3A_660 = vector.broadcast %eq3A_659 : i32 to vector<16xi32>
    %eq3A_661 = arith.cmpi eq, %iota3A, %eq3A_660 : vector<16xi32>
    %and3A_662 = arith.andi %and3A_638, %eq3A_661 : vector<16xi1>
    tpu.vector_store_idx %arg12[%min3A_646], %get3A_633 masked %and3A_662 : memref<31264xf32, #tpu.memory_space<vmem>>[vector<16xi32>], vector<16xf32>, vector<16xi1>
    %eq3A_663 = arith.constant 4 : i32
    %eq3A_664 = vector.broadcast %eq3A_663 : i32 to vector<16xi32>
    %eq3A_665 = arith.cmpi eq, %iota3A, %eq3A_664 : vector<16xi32>
    %and3A_666 = arith.andi %and3A_638, %eq3A_665 : vector<16xi1>
    tpu.vector_store_idx %arg12[%min3A_646], %get3A_633 masked %and3A_666 : memref<31264xf32, #tpu.memory_space<vmem>>[vector<16xi32>], vector<16xf32>, vector<16xi1>
    %eq3A_667 = arith.constant 5 : i32
    %eq3A_668 = vector.broadcast %eq3A_667 : i32 to vector<16xi32>
    %eq3A_669 = arith.cmpi eq, %iota3A, %eq3A_668 : vector<16xi32>
    %and3A_670 = arith.andi %and3A_638, %eq3A_669 : vector<16xi1>
    tpu.vector_store_idx %arg12[%min3A_646], %get3A_633 masked %and3A_670 : memref<31264xf32, #tpu.memory_space<vmem>>[vector<16xi32>], vector<16xf32>, vector<16xi1>
    %eq3A_671 = arith.constant 6 : i32
    %eq3A_672 = vector.broadcast %eq3A_671 : i32 to vector<16xi32>
    %eq3A_673 = arith.cmpi eq, %iota3A, %eq3A_672 : vector<16xi32>
    %and3A_674 = arith.andi %and3A_638, %eq3A_673 : vector<16xi1>
    tpu.vector_store_idx %arg12[%min3A_646], %get3A_633 masked %and3A_674 : memref<31264xf32, #tpu.memory_space<vmem>>[vector<16xi32>], vector<16xf32>, vector<16xi1>
    %eq3A_675 = arith.constant 7 : i32
    %eq3A_676 = vector.broadcast %eq3A_675 : i32 to vector<16xi32>
    %eq3A_677 = arith.cmpi eq, %iota3A, %eq3A_676 : vector<16xi32>
    %and3A_678 = arith.andi %and3A_638, %eq3A_677 : vector<16xi1>
    tpu.vector_store_idx %arg12[%min3A_646], %get3A_633 masked %and3A_678 : memref<31264xf32, #tpu.memory_space<vmem>>[vector<16xi32>], vector<16xf32>, vector<16xi1>
    %eq3A_679 = arith.constant 8 : i32
    %eq3A_680 = vector.broadcast %eq3A_679 : i32 to vector<16xi32>
    %eq3A_681 = arith.cmpi eq, %iota3A, %eq3A_680 : vector<16xi32>
    %and3A_682 = arith.andi %and3A_638, %eq3A_681 : vector<16xi1>
    tpu.vector_store_idx %arg12[%min3A_646], %get3A_633 masked %and3A_682 : memref<31264xf32, #tpu.memory_space<vmem>>[vector<16xi32>], vector<16xf32>, vector<16xi1>
    %eq3A_683 = arith.constant 9 : i32
    %eq3A_684 = vector.broadcast %eq3A_683 : i32 to vector<16xi32>
    %eq3A_685 = arith.cmpi eq, %iota3A, %eq3A_684 : vector<16xi32>
    %and3A_686 = arith.andi %and3A_638, %eq3A_685 : vector<16xi1>
    tpu.vector_store_idx %arg12[%min3A_646], %get3A_633 masked %and3A_686 : memref<31264xf32, #tpu.memory_space<vmem>>[vector<16xi32>], vector<16xf32>, vector<16xi1>
    %eq3A_687 = arith.constant 10 : i32
    %eq3A_688 = vector.broadcast %eq3A_687 : i32 to vector<16xi32>
    %eq3A_689 = arith.cmpi eq, %iota3A, %eq3A_688 : vector<16xi32>
    %and3A_690 = arith.andi %and3A_638, %eq3A_689 : vector<16xi1>
    tpu.vector_store_idx %arg12[%min3A_646], %get3A_633 masked %and3A_690 : memref<31264xf32, #tpu.memory_space<vmem>>[vector<16xi32>], vector<16xf32>, vector<16xi1>
    %eq3A_691 = arith.constant 11 : i32
    %eq3A_692 = vector.broadcast %eq3A_691 : i32 to vector<16xi32>
    %eq3A_693 = arith.cmpi eq, %iota3A, %eq3A_692 : vector<16xi32>
    %and3A_694 = arith.andi %and3A_638, %eq3A_693 : vector<16xi1>
    tpu.vector_store_idx %arg12[%min3A_646], %get3A_633 masked %and3A_694 : memref<31264xf32, #tpu.memory_space<vmem>>[vector<16xi32>], vector<16xf32>, vector<16xi1>
    %eq3A_695 = arith.constant 12 : i32
    %eq3A_696 = vector.broadcast %eq3A_695 : i32 to vector<16xi32>
    %eq3A_697 = arith.cmpi eq, %iota3A, %eq3A_696 : vector<16xi32>
    %and3A_698 = arith.andi %and3A_638, %eq3A_697 : vector<16xi1>
    tpu.vector_store_idx %arg12[%min3A_646], %get3A_633 masked %and3A_698 : memref<31264xf32, #tpu.memory_space<vmem>>[vector<16xi32>], vector<16xf32>, vector<16xi1>
    %eq3A_699 = arith.constant 13 : i32
    %eq3A_700 = vector.broadcast %eq3A_699 : i32 to vector<16xi32>
    %eq3A_701 = arith.cmpi eq, %iota3A, %eq3A_700 : vector<16xi32>
    %and3A_702 = arith.andi %and3A_638, %eq3A_701 : vector<16xi1>
    tpu.vector_store_idx %arg12[%min3A_646], %get3A_633 masked %and3A_702 : memref<31264xf32, #tpu.memory_space<vmem>>[vector<16xi32>], vector<16xf32>, vector<16xi1>
    %eq3A_703 = arith.constant 14 : i32
    %eq3A_704 = vector.broadcast %eq3A_703 : i32 to vector<16xi32>
    %eq3A_705 = arith.cmpi eq, %iota3A, %eq3A_704 : vector<16xi32>
    %and3A_706 = arith.andi %and3A_638, %eq3A_705 : vector<16xi1>
    tpu.vector_store_idx %arg12[%min3A_646], %get3A_633 masked %and3A_706 : memref<31264xf32, #tpu.memory_space<vmem>>[vector<16xi32>], vector<16xf32>, vector<16xi1>
    %eq3A_707 = arith.constant 15 : i32
    %eq3A_708 = vector.broadcast %eq3A_707 : i32 to vector<16xi32>
    %eq3A_709 = arith.cmpi eq, %iota3A, %eq3A_708 : vector<16xi32>
    %and3A_710 = arith.andi %and3A_638, %eq3A_709 : vector<16xi1>
    tpu.vector_store_idx %arg12[%min3A_646], %get3A_633 masked %and3A_710 : memref<31264xf32, #tpu.memory_space<vmem>>[vector<16xi32>], vector<16xf32>, vector<16xi1>
    %get3A_711 = arith.constant 128 : index
    %get3A_712 = tpu.vector_load %arg8[%get3A_711] {strides = array<i32>} : memref<208xi32, #tpu.memory_space<vmem>>, vector<16xi32>,
    %get3A_713 = arith.constant 128 : index
    %get3A_714 = tpu.vector_load %arg9[%get3A_713] {strides = array<i32>} : memref<208xf32, #tpu.memory_space<vmem>>, vector<16xf32>,
    %ge3A_715 = vector.broadcast %mul3A_2 : i32 to vector<16xi32>
    %ge3A_716 = arith.cmpi sge, %get3A_712, %ge3A_715 : vector<16xi32>
    %lt3A_717 = vector.broadcast %min3A_5 : i32 to vector<16xi32>
    %lt3A_718 = arith.cmpi slt, %get3A_712, %lt3A_717 : vector<16xi32>
    %and3A_719 = arith.andi %ge3A_716, %lt3A_718 : vector<16xi1>
    %sub3A_720 = vector.broadcast %mul3A_2 : i32 to vector<16xi32>
    %sub3A_721 = arith.subi %get3A_712, %sub3A_720 : vector<16xi32>
    %jit3A_722 = arith.constant 0 : i32
    %jit3A_723 = arith.constant 31263 : i32
    %max3A_724 = vector.broadcast %jit3A_722 : i32 to vector<16xi32>
    %max3A_725 = arith.maxsi %max3A_724, %sub3A_721 : vector<16xi32>
    %min3A_726 = vector.broadcast %jit3A_723 : i32 to vector<16xi32>
    %min3A_727 = arith.minsi %min3A_726, %max3A_725 : vector<16xi32>
    %eq3A_728 = arith.constant 0 : i32
    %eq3A_729 = vector.broadcast %eq3A_728 : i32 to vector<16xi32>
    %eq3A_730 = arith.cmpi eq, %iota3A, %eq3A_729 : vector<16xi32>
    %and3A_731 = arith.andi %and3A_719, %eq3A_730 : vector<16xi1>
    tpu.vector_store_idx %arg12[%min3A_727], %get3A_714 masked %and3A_731 : memref<31264xf32, #tpu.memory_space<vmem>>[vector<16xi32>], vector<16xf32>, vector<16xi1>
    %eq3A_732 = arith.constant 1 : i32
    %eq3A_733 = vector.broadcast %eq3A_732 : i32 to vector<16xi32>
    %eq3A_734 = arith.cmpi eq, %iota3A, %eq3A_733 : vector<16xi32>
    %and3A_735 = arith.andi %and3A_719, %eq3A_734 : vector<16xi1>
    tpu.vector_store_idx %arg12[%min3A_727], %get3A_714 masked %and3A_735 : memref<31264xf32, #tpu.memory_space<vmem>>[vector<16xi32>], vector<16xf32>, vector<16xi1>
    %eq3A_736 = arith.constant 2 : i32
    %eq3A_737 = vector.broadcast %eq3A_736 : i32 to vector<16xi32>
    %eq3A_738 = arith.cmpi eq, %iota3A, %eq3A_737 : vector<16xi32>
    %and3A_739 = arith.andi %and3A_719, %eq3A_738 : vector<16xi1>
    tpu.vector_store_idx %arg12[%min3A_727], %get3A_714 masked %and3A_739 : memref<31264xf32, #tpu.memory_space<vmem>>[vector<16xi32>], vector<16xf32>, vector<16xi1>
    %eq3A_740 = arith.constant 3 : i32
    %eq3A_741 = vector.broadcast %eq3A_740 : i32 to vector<16xi32>
    %eq3A_742 = arith.cmpi eq, %iota3A, %eq3A_741 : vector<16xi32>
    %and3A_743 = arith.andi %and3A_719, %eq3A_742 : vector<16xi1>
    tpu.vector_store_idx %arg12[%min3A_727], %get3A_714 masked %and3A_743 : memref<31264xf32, #tpu.memory_space<vmem>>[vector<16xi32>], vector<16xf32>, vector<16xi1>
    %eq3A_744 = arith.constant 4 : i32
    %eq3A_745 = vector.broadcast %eq3A_744 : i32 to vector<16xi32>
    %eq3A_746 = arith.cmpi eq, %iota3A, %eq3A_745 : vector<16xi32>
    %and3A_747 = arith.andi %and3A_719, %eq3A_746 : vector<16xi1>
    tpu.vector_store_idx %arg12[%min3A_727], %get3A_714 masked %and3A_747 : memref<31264xf32, #tpu.memory_space<vmem>>[vector<16xi32>], vector<16xf32>, vector<16xi1>
    %eq3A_748 = arith.constant 5 : i32
    %eq3A_749 = vector.broadcast %eq3A_748 : i32 to vector<16xi32>
    %eq3A_750 = arith.cmpi eq, %iota3A, %eq3A_749 : vector<16xi32>
    %and3A_751 = arith.andi %and3A_719, %eq3A_750 : vector<16xi1>
    tpu.vector_store_idx %arg12[%min3A_727], %get3A_714 masked %and3A_751 : memref<31264xf32, #tpu.memory_space<vmem>>[vector<16xi32>], vector<16xf32>, vector<16xi1>
    %eq3A_752 = arith.constant 6 : i32
    %eq3A_753 = vector.broadcast %eq3A_752 : i32 to vector<16xi32>
    %eq3A_754 = arith.cmpi eq, %iota3A, %eq3A_753 : vector<16xi32>
    %and3A_755 = arith.andi %and3A_719, %eq3A_754 : vector<16xi1>
    tpu.vector_store_idx %arg12[%min3A_727], %get3A_714 masked %and3A_755 : memref<31264xf32, #tpu.memory_space<vmem>>[vector<16xi32>], vector<16xf32>, vector<16xi1>
    %eq3A_756 = arith.constant 7 : i32
    %eq3A_757 = vector.broadcast %eq3A_756 : i32 to vector<16xi32>
    %eq3A_758 = arith.cmpi eq, %iota3A, %eq3A_757 : vector<16xi32>
    %and3A_759 = arith.andi %and3A_719, %eq3A_758 : vector<16xi1>
    tpu.vector_store_idx %arg12[%min3A_727], %get3A_714 masked %and3A_759 : memref<31264xf32, #tpu.memory_space<vmem>>[vector<16xi32>], vector<16xf32>, vector<16xi1>
    %eq3A_760 = arith.constant 8 : i32
    %eq3A_761 = vector.broadcast %eq3A_760 : i32 to vector<16xi32>
    %eq3A_762 = arith.cmpi eq, %iota3A, %eq3A_761 : vector<16xi32>
    %and3A_763 = arith.andi %and3A_719, %eq3A_762 : vector<16xi1>
    tpu.vector_store_idx %arg12[%min3A_727], %get3A_714 masked %and3A_763 : memref<31264xf32, #tpu.memory_space<vmem>>[vector<16xi32>], vector<16xf32>, vector<16xi1>
    %eq3A_764 = arith.constant 9 : i32
    %eq3A_765 = vector.broadcast %eq3A_764 : i32 to vector<16xi32>
    %eq3A_766 = arith.cmpi eq, %iota3A, %eq3A_765 : vector<16xi32>
    %and3A_767 = arith.andi %and3A_719, %eq3A_766 : vector<16xi1>
    tpu.vector_store_idx %arg12[%min3A_727], %get3A_714 masked %and3A_767 : memref<31264xf32, #tpu.memory_space<vmem>>[vector<16xi32>], vector<16xf32>, vector<16xi1>
    %eq3A_768 = arith.constant 10 : i32
    %eq3A_769 = vector.broadcast %eq3A_768 : i32 to vector<16xi32>
    %eq3A_770 = arith.cmpi eq, %iota3A, %eq3A_769 : vector<16xi32>
    %and3A_771 = arith.andi %and3A_719, %eq3A_770 : vector<16xi1>
    tpu.vector_store_idx %arg12[%min3A_727], %get3A_714 masked %and3A_771 : memref<31264xf32, #tpu.memory_space<vmem>>[vector<16xi32>], vector<16xf32>, vector<16xi1>
    %eq3A_772 = arith.constant 11 : i32
    %eq3A_773 = vector.broadcast %eq3A_772 : i32 to vector<16xi32>
    %eq3A_774 = arith.cmpi eq, %iota3A, %eq3A_773 : vector<16xi32>
    %and3A_775 = arith.andi %and3A_719, %eq3A_774 : vector<16xi1>
    tpu.vector_store_idx %arg12[%min3A_727], %get3A_714 masked %and3A_775 : memref<31264xf32, #tpu.memory_space<vmem>>[vector<16xi32>], vector<16xf32>, vector<16xi1>
    %eq3A_776 = arith.constant 12 : i32
    %eq3A_777 = vector.broadcast %eq3A_776 : i32 to vector<16xi32>
    %eq3A_778 = arith.cmpi eq, %iota3A, %eq3A_777 : vector<16xi32>
    %and3A_779 = arith.andi %and3A_719, %eq3A_778 : vector<16xi1>
    tpu.vector_store_idx %arg12[%min3A_727], %get3A_714 masked %and3A_779 : memref<31264xf32, #tpu.memory_space<vmem>>[vector<16xi32>], vector<16xf32>, vector<16xi1>
    %eq3A_780 = arith.constant 13 : i32
    %eq3A_781 = vector.broadcast %eq3A_780 : i32 to vector<16xi32>
    %eq3A_782 = arith.cmpi eq, %iota3A, %eq3A_781 : vector<16xi32>
    %and3A_783 = arith.andi %and3A_719, %eq3A_782 : vector<16xi1>
    tpu.vector_store_idx %arg12[%min3A_727], %get3A_714 masked %and3A_783 : memref<31264xf32, #tpu.memory_space<vmem>>[vector<16xi32>], vector<16xf32>, vector<16xi1>
    %eq3A_784 = arith.constant 14 : i32
    %eq3A_785 = vector.broadcast %eq3A_784 : i32 to vector<16xi32>
    %eq3A_786 = arith.cmpi eq, %iota3A, %eq3A_785 : vector<16xi32>
    %and3A_787 = arith.andi %and3A_719, %eq3A_786 : vector<16xi1>
    tpu.vector_store_idx %arg12[%min3A_727], %get3A_714 masked %and3A_787 : memref<31264xf32, #tpu.memory_space<vmem>>[vector<16xi32>], vector<16xf32>, vector<16xi1>
    %eq3A_788 = arith.constant 15 : i32
    %eq3A_789 = vector.broadcast %eq3A_788 : i32 to vector<16xi32>
    %eq3A_790 = arith.cmpi eq, %iota3A, %eq3A_789 : vector<16xi32>
    %and3A_791 = arith.andi %and3A_719, %eq3A_790 : vector<16xi1>
    tpu.vector_store_idx %arg12[%min3A_727], %get3A_714 masked %and3A_791 : memref<31264xf32, #tpu.memory_space<vmem>>[vector<16xi32>], vector<16xf32>, vector<16xi1>
    %get3A_792 = arith.constant 144 : index
    %get3A_793 = tpu.vector_load %arg8[%get3A_792] {strides = array<i32>} : memref<208xi32, #tpu.memory_space<vmem>>, vector<16xi32>,
    %get3A_794 = arith.constant 144 : index
    %get3A_795 = tpu.vector_load %arg9[%get3A_794] {strides = array<i32>} : memref<208xf32, #tpu.memory_space<vmem>>, vector<16xf32>,
    %ge3A_796 = vector.broadcast %mul3A_2 : i32 to vector<16xi32>
    %ge3A_797 = arith.cmpi sge, %get3A_793, %ge3A_796 : vector<16xi32>
    %lt3A_798 = vector.broadcast %min3A_5 : i32 to vector<16xi32>
    %lt3A_799 = arith.cmpi slt, %get3A_793, %lt3A_798 : vector<16xi32>
    %and3A_800 = arith.andi %ge3A_797, %lt3A_799 : vector<16xi1>
    %sub3A_801 = vector.broadcast %mul3A_2 : i32 to vector<16xi32>
    %sub3A_802 = arith.subi %get3A_793, %sub3A_801 : vector<16xi32>
    %jit3A_803 = arith.constant 0 : i32
    %jit3A_804 = arith.constant 31263 : i32
    %max3A_805 = vector.broadcast %jit3A_803 : i32 to vector<16xi32>
    %max3A_806 = arith.maxsi %max3A_805, %sub3A_802 : vector<16xi32>
    %min3A_807 = vector.broadcast %jit3A_804 : i32 to vector<16xi32>
    %min3A_808 = arith.minsi %min3A_807, %max3A_806 : vector<16xi32>
    %eq3A_809 = arith.constant 0 : i32
    %eq3A_810 = vector.broadcast %eq3A_809 : i32 to vector<16xi32>
    %eq3A_811 = arith.cmpi eq, %iota3A, %eq3A_810 : vector<16xi32>
    %and3A_812 = arith.andi %and3A_800, %eq3A_811 : vector<16xi1>
    tpu.vector_store_idx %arg12[%min3A_808], %get3A_795 masked %and3A_812 : memref<31264xf32, #tpu.memory_space<vmem>>[vector<16xi32>], vector<16xf32>, vector<16xi1>
    %eq3A_813 = arith.constant 1 : i32
    %eq3A_814 = vector.broadcast %eq3A_813 : i32 to vector<16xi32>
    %eq3A_815 = arith.cmpi eq, %iota3A, %eq3A_814 : vector<16xi32>
    %and3A_816 = arith.andi %and3A_800, %eq3A_815 : vector<16xi1>
    tpu.vector_store_idx %arg12[%min3A_808], %get3A_795 masked %and3A_816 : memref<31264xf32, #tpu.memory_space<vmem>>[vector<16xi32>], vector<16xf32>, vector<16xi1>
    %eq3A_817 = arith.constant 2 : i32
    %eq3A_818 = vector.broadcast %eq3A_817 : i32 to vector<16xi32>
    %eq3A_819 = arith.cmpi eq, %iota3A, %eq3A_818 : vector<16xi32>
    %and3A_820 = arith.andi %and3A_800, %eq3A_819 : vector<16xi1>
    tpu.vector_store_idx %arg12[%min3A_808], %get3A_795 masked %and3A_820 : memref<31264xf32, #tpu.memory_space<vmem>>[vector<16xi32>], vector<16xf32>, vector<16xi1>
    %eq3A_821 = arith.constant 3 : i32
    %eq3A_822 = vector.broadcast %eq3A_821 : i32 to vector<16xi32>
    %eq3A_823 = arith.cmpi eq, %iota3A, %eq3A_822 : vector<16xi32>
    %and3A_824 = arith.andi %and3A_800, %eq3A_823 : vector<16xi1>
    tpu.vector_store_idx %arg12[%min3A_808], %get3A_795 masked %and3A_824 : memref<31264xf32, #tpu.memory_space<vmem>>[vector<16xi32>], vector<16xf32>, vector<16xi1>
    %eq3A_825 = arith.constant 4 : i32
    %eq3A_826 = vector.broadcast %eq3A_825 : i32 to vector<16xi32>
    %eq3A_827 = arith.cmpi eq, %iota3A, %eq3A_826 : vector<16xi32>
    %and3A_828 = arith.andi %and3A_800, %eq3A_827 : vector<16xi1>
    tpu.vector_store_idx %arg12[%min3A_808], %get3A_795 masked %and3A_828 : memref<31264xf32, #tpu.memory_space<vmem>>[vector<16xi32>], vector<16xf32>, vector<16xi1>
    %eq3A_829 = arith.constant 5 : i32
    %eq3A_830 = vector.broadcast %eq3A_829 : i32 to vector<16xi32>
    %eq3A_831 = arith.cmpi eq, %iota3A, %eq3A_830 : vector<16xi32>
    %and3A_832 = arith.andi %and3A_800, %eq3A_831 : vector<16xi1>
    tpu.vector_store_idx %arg12[%min3A_808], %get3A_795 masked %and3A_832 : memref<31264xf32, #tpu.memory_space<vmem>>[vector<16xi32>], vector<16xf32>, vector<16xi1>
    %eq3A_833 = arith.constant 6 : i32
    %eq3A_834 = vector.broadcast %eq3A_833 : i32 to vector<16xi32>
    %eq3A_835 = arith.cmpi eq, %iota3A, %eq3A_834 : vector<16xi32>
    %and3A_836 = arith.andi %and3A_800, %eq3A_835 : vector<16xi1>
    tpu.vector_store_idx %arg12[%min3A_808], %get3A_795 masked %and3A_836 : memref<31264xf32, #tpu.memory_space<vmem>>[vector<16xi32>], vector<16xf32>, vector<16xi1>
    %eq3A_837 = arith.constant 7 : i32
    %eq3A_838 = vector.broadcast %eq3A_837 : i32 to vector<16xi32>
    %eq3A_839 = arith.cmpi eq, %iota3A, %eq3A_838 : vector<16xi32>
    %and3A_840 = arith.andi %and3A_800, %eq3A_839 : vector<16xi1>
    tpu.vector_store_idx %arg12[%min3A_808], %get3A_795 masked %and3A_840 : memref<31264xf32, #tpu.memory_space<vmem>>[vector<16xi32>], vector<16xf32>, vector<16xi1>
    %eq3A_841 = arith.constant 8 : i32
    %eq3A_842 = vector.broadcast %eq3A_841 : i32 to vector<16xi32>
    %eq3A_843 = arith.cmpi eq, %iota3A, %eq3A_842 : vector<16xi32>
    %and3A_844 = arith.andi %and3A_800, %eq3A_843 : vector<16xi1>
    tpu.vector_store_idx %arg12[%min3A_808], %get3A_795 masked %and3A_844 : memref<31264xf32, #tpu.memory_space<vmem>>[vector<16xi32>], vector<16xf32>, vector<16xi1>
    %eq3A_845 = arith.constant 9 : i32
    %eq3A_846 = vector.broadcast %eq3A_845 : i32 to vector<16xi32>
    %eq3A_847 = arith.cmpi eq, %iota3A, %eq3A_846 : vector<16xi32>
    %and3A_848 = arith.andi %and3A_800, %eq3A_847 : vector<16xi1>
    tpu.vector_store_idx %arg12[%min3A_808], %get3A_795 masked %and3A_848 : memref<31264xf32, #tpu.memory_space<vmem>>[vector<16xi32>], vector<16xf32>, vector<16xi1>
    %eq3A_849 = arith.constant 10 : i32
    %eq3A_850 = vector.broadcast %eq3A_849 : i32 to vector<16xi32>
    %eq3A_851 = arith.cmpi eq, %iota3A, %eq3A_850 : vector<16xi32>
    %and3A_852 = arith.andi %and3A_800, %eq3A_851 : vector<16xi1>
    tpu.vector_store_idx %arg12[%min3A_808], %get3A_795 masked %and3A_852 : memref<31264xf32, #tpu.memory_space<vmem>>[vector<16xi32>], vector<16xf32>, vector<16xi1>
    %eq3A_853 = arith.constant 11 : i32
    %eq3A_854 = vector.broadcast %eq3A_853 : i32 to vector<16xi32>
    %eq3A_855 = arith.cmpi eq, %iota3A, %eq3A_854 : vector<16xi32>
    %and3A_856 = arith.andi %and3A_800, %eq3A_855 : vector<16xi1>
    tpu.vector_store_idx %arg12[%min3A_808], %get3A_795 masked %and3A_856 : memref<31264xf32, #tpu.memory_space<vmem>>[vector<16xi32>], vector<16xf32>, vector<16xi1>
    %eq3A_857 = arith.constant 12 : i32
    %eq3A_858 = vector.broadcast %eq3A_857 : i32 to vector<16xi32>
    %eq3A_859 = arith.cmpi eq, %iota3A, %eq3A_858 : vector<16xi32>
    %and3A_860 = arith.andi %and3A_800, %eq3A_859 : vector<16xi1>
    tpu.vector_store_idx %arg12[%min3A_808], %get3A_795 masked %and3A_860 : memref<31264xf32, #tpu.memory_space<vmem>>[vector<16xi32>], vector<16xf32>, vector<16xi1>
    %eq3A_861 = arith.constant 13 : i32
    %eq3A_862 = vector.broadcast %eq3A_861 : i32 to vector<16xi32>
    %eq3A_863 = arith.cmpi eq, %iota3A, %eq3A_862 : vector<16xi32>
    %and3A_864 = arith.andi %and3A_800, %eq3A_863 : vector<16xi1>
    tpu.vector_store_idx %arg12[%min3A_808], %get3A_795 masked %and3A_864 : memref<31264xf32, #tpu.memory_space<vmem>>[vector<16xi32>], vector<16xf32>, vector<16xi1>
    %eq3A_865 = arith.constant 14 : i32
    %eq3A_866 = vector.broadcast %eq3A_865 : i32 to vector<16xi32>
    %eq3A_867 = arith.cmpi eq, %iota3A, %eq3A_866 : vector<16xi32>
    %and3A_868 = arith.andi %and3A_800, %eq3A_867 : vector<16xi1>
    tpu.vector_store_idx %arg12[%min3A_808], %get3A_795 masked %and3A_868 : memref<31264xf32, #tpu.memory_space<vmem>>[vector<16xi32>], vector<16xf32>, vector<16xi1>
    %eq3A_869 = arith.constant 15 : i32
    %eq3A_870 = vector.broadcast %eq3A_869 : i32 to vector<16xi32>
    %eq3A_871 = arith.cmpi eq, %iota3A, %eq3A_870 : vector<16xi32>
    %and3A_872 = arith.andi %and3A_800, %eq3A_871 : vector<16xi1>
    tpu.vector_store_idx %arg12[%min3A_808], %get3A_795 masked %and3A_872 : memref<31264xf32, #tpu.memory_space<vmem>>[vector<16xi32>], vector<16xf32>, vector<16xi1>
    %get3A_873 = arith.constant 160 : index
    %get3A_874 = tpu.vector_load %arg8[%get3A_873] {strides = array<i32>} : memref<208xi32, #tpu.memory_space<vmem>>, vector<16xi32>,
    %get3A_875 = arith.constant 160 : index
    %get3A_876 = tpu.vector_load %arg9[%get3A_875] {strides = array<i32>} : memref<208xf32, #tpu.memory_space<vmem>>, vector<16xf32>,
    %ge3A_877 = vector.broadcast %mul3A_2 : i32 to vector<16xi32>
    %ge3A_878 = arith.cmpi sge, %get3A_874, %ge3A_877 : vector<16xi32>
    %lt3A_879 = vector.broadcast %min3A_5 : i32 to vector<16xi32>
    %lt3A_880 = arith.cmpi slt, %get3A_874, %lt3A_879 : vector<16xi32>
    %and3A_881 = arith.andi %ge3A_878, %lt3A_880 : vector<16xi1>
    %sub3A_882 = vector.broadcast %mul3A_2 : i32 to vector<16xi32>
    %sub3A_883 = arith.subi %get3A_874, %sub3A_882 : vector<16xi32>
    %jit3A_884 = arith.constant 0 : i32
    %jit3A_885 = arith.constant 31263 : i32
    %max3A_886 = vector.broadcast %jit3A_884 : i32 to vector<16xi32>
    %max3A_887 = arith.maxsi %max3A_886, %sub3A_883 : vector<16xi32>
    %min3A_888 = vector.broadcast %jit3A_885 : i32 to vector<16xi32>
    %min3A_889 = arith.minsi %min3A_888, %max3A_887 : vector<16xi32>
    %eq3A_890 = arith.constant 0 : i32
    %eq3A_891 = vector.broadcast %eq3A_890 : i32 to vector<16xi32>
    %eq3A_892 = arith.cmpi eq, %iota3A, %eq3A_891 : vector<16xi32>
    %and3A_893 = arith.andi %and3A_881, %eq3A_892 : vector<16xi1>
    tpu.vector_store_idx %arg12[%min3A_889], %get3A_876 masked %and3A_893 : memref<31264xf32, #tpu.memory_space<vmem>>[vector<16xi32>], vector<16xf32>, vector<16xi1>
    %eq3A_894 = arith.constant 1 : i32
    %eq3A_895 = vector.broadcast %eq3A_894 : i32 to vector<16xi32>
    %eq3A_896 = arith.cmpi eq, %iota3A, %eq3A_895 : vector<16xi32>
    %and3A_897 = arith.andi %and3A_881, %eq3A_896 : vector<16xi1>
    tpu.vector_store_idx %arg12[%min3A_889], %get3A_876 masked %and3A_897 : memref<31264xf32, #tpu.memory_space<vmem>>[vector<16xi32>], vector<16xf32>, vector<16xi1>
    %eq3A_898 = arith.constant 2 : i32
    %eq3A_899 = vector.broadcast %eq3A_898 : i32 to vector<16xi32>
    %eq3A_900 = arith.cmpi eq, %iota3A, %eq3A_899 : vector<16xi32>
    %and3A_901 = arith.andi %and3A_881, %eq3A_900 : vector<16xi1>
    tpu.vector_store_idx %arg12[%min3A_889], %get3A_876 masked %and3A_901 : memref<31264xf32, #tpu.memory_space<vmem>>[vector<16xi32>], vector<16xf32>, vector<16xi1>
    %eq3A_902 = arith.constant 3 : i32
    %eq3A_903 = vector.broadcast %eq3A_902 : i32 to vector<16xi32>
    %eq3A_904 = arith.cmpi eq, %iota3A, %eq3A_903 : vector<16xi32>
    %and3A_905 = arith.andi %and3A_881, %eq3A_904 : vector<16xi1>
    tpu.vector_store_idx %arg12[%min3A_889], %get3A_876 masked %and3A_905 : memref<31264xf32, #tpu.memory_space<vmem>>[vector<16xi32>], vector<16xf32>, vector<16xi1>
    %eq3A_906 = arith.constant 4 : i32
    %eq3A_907 = vector.broadcast %eq3A_906 : i32 to vector<16xi32>
    %eq3A_908 = arith.cmpi eq, %iota3A, %eq3A_907 : vector<16xi32>
    %and3A_909 = arith.andi %and3A_881, %eq3A_908 : vector<16xi1>
    tpu.vector_store_idx %arg12[%min3A_889], %get3A_876 masked %and3A_909 : memref<31264xf32, #tpu.memory_space<vmem>>[vector<16xi32>], vector<16xf32>, vector<16xi1>
    %eq3A_910 = arith.constant 5 : i32
    %eq3A_911 = vector.broadcast %eq3A_910 : i32 to vector<16xi32>
    %eq3A_912 = arith.cmpi eq, %iota3A, %eq3A_911 : vector<16xi32>
    %and3A_913 = arith.andi %and3A_881, %eq3A_912 : vector<16xi1>
    tpu.vector_store_idx %arg12[%min3A_889], %get3A_876 masked %and3A_913 : memref<31264xf32, #tpu.memory_space<vmem>>[vector<16xi32>], vector<16xf32>, vector<16xi1>
    %eq3A_914 = arith.constant 6 : i32
    %eq3A_915 = vector.broadcast %eq3A_914 : i32 to vector<16xi32>
    %eq3A_916 = arith.cmpi eq, %iota3A, %eq3A_915 : vector<16xi32>
    %and3A_917 = arith.andi %and3A_881, %eq3A_916 : vector<16xi1>
    tpu.vector_store_idx %arg12[%min3A_889], %get3A_876 masked %and3A_917 : memref<31264xf32, #tpu.memory_space<vmem>>[vector<16xi32>], vector<16xf32>, vector<16xi1>
    %eq3A_918 = arith.constant 7 : i32
    %eq3A_919 = vector.broadcast %eq3A_918 : i32 to vector<16xi32>
    %eq3A_920 = arith.cmpi eq, %iota3A, %eq3A_919 : vector<16xi32>
    %and3A_921 = arith.andi %and3A_881, %eq3A_920 : vector<16xi1>
    tpu.vector_store_idx %arg12[%min3A_889], %get3A_876 masked %and3A_921 : memref<31264xf32, #tpu.memory_space<vmem>>[vector<16xi32>], vector<16xf32>, vector<16xi1>
    %eq3A_922 = arith.constant 8 : i32
    %eq3A_923 = vector.broadcast %eq3A_922 : i32 to vector<16xi32>
    %eq3A_924 = arith.cmpi eq, %iota3A, %eq3A_923 : vector<16xi32>
    %and3A_925 = arith.andi %and3A_881, %eq3A_924 : vector<16xi1>
    tpu.vector_store_idx %arg12[%min3A_889], %get3A_876 masked %and3A_925 : memref<31264xf32, #tpu.memory_space<vmem>>[vector<16xi32>], vector<16xf32>, vector<16xi1>
    %eq3A_926 = arith.constant 9 : i32
    %eq3A_927 = vector.broadcast %eq3A_926 : i32 to vector<16xi32>
    %eq3A_928 = arith.cmpi eq, %iota3A, %eq3A_927 : vector<16xi32>
    %and3A_929 = arith.andi %and3A_881, %eq3A_928 : vector<16xi1>
    tpu.vector_store_idx %arg12[%min3A_889], %get3A_876 masked %and3A_929 : memref<31264xf32, #tpu.memory_space<vmem>>[vector<16xi32>], vector<16xf32>, vector<16xi1>
    %eq3A_930 = arith.constant 10 : i32
    %eq3A_931 = vector.broadcast %eq3A_930 : i32 to vector<16xi32>
    %eq3A_932 = arith.cmpi eq, %iota3A, %eq3A_931 : vector<16xi32>
    %and3A_933 = arith.andi %and3A_881, %eq3A_932 : vector<16xi1>
    tpu.vector_store_idx %arg12[%min3A_889], %get3A_876 masked %and3A_933 : memref<31264xf32, #tpu.memory_space<vmem>>[vector<16xi32>], vector<16xf32>, vector<16xi1>
    %eq3A_934 = arith.constant 11 : i32
    %eq3A_935 = vector.broadcast %eq3A_934 : i32 to vector<16xi32>
    %eq3A_936 = arith.cmpi eq, %iota3A, %eq3A_935 : vector<16xi32>
    %and3A_937 = arith.andi %and3A_881, %eq3A_936 : vector<16xi1>
    tpu.vector_store_idx %arg12[%min3A_889], %get3A_876 masked %and3A_937 : memref<31264xf32, #tpu.memory_space<vmem>>[vector<16xi32>], vector<16xf32>, vector<16xi1>
    %eq3A_938 = arith.constant 12 : i32
    %eq3A_939 = vector.broadcast %eq3A_938 : i32 to vector<16xi32>
    %eq3A_940 = arith.cmpi eq, %iota3A, %eq3A_939 : vector<16xi32>
    %and3A_941 = arith.andi %and3A_881, %eq3A_940 : vector<16xi1>
    tpu.vector_store_idx %arg12[%min3A_889], %get3A_876 masked %and3A_941 : memref<31264xf32, #tpu.memory_space<vmem>>[vector<16xi32>], vector<16xf32>, vector<16xi1>
    %eq3A_942 = arith.constant 13 : i32
    %eq3A_943 = vector.broadcast %eq3A_942 : i32 to vector<16xi32>
    %eq3A_944 = arith.cmpi eq, %iota3A, %eq3A_943 : vector<16xi32>
    %and3A_945 = arith.andi %and3A_881, %eq3A_944 : vector<16xi1>
    tpu.vector_store_idx %arg12[%min3A_889], %get3A_876 masked %and3A_945 : memref<31264xf32, #tpu.memory_space<vmem>>[vector<16xi32>], vector<16xf32>, vector<16xi1>
    %eq3A_946 = arith.constant 14 : i32
    %eq3A_947 = vector.broadcast %eq3A_946 : i32 to vector<16xi32>
    %eq3A_948 = arith.cmpi eq, %iota3A, %eq3A_947 : vector<16xi32>
    %and3A_949 = arith.andi %and3A_881, %eq3A_948 : vector<16xi1>
    tpu.vector_store_idx %arg12[%min3A_889], %get3A_876 masked %and3A_949 : memref<31264xf32, #tpu.memory_space<vmem>>[vector<16xi32>], vector<16xf32>, vector<16xi1>
    %eq3A_950 = arith.constant 15 : i32
    %eq3A_951 = vector.broadcast %eq3A_950 : i32 to vector<16xi32>
    %eq3A_952 = arith.cmpi eq, %iota3A, %eq3A_951 : vector<16xi32>
    %and3A_953 = arith.andi %and3A_881, %eq3A_952 : vector<16xi1>
    tpu.vector_store_idx %arg12[%min3A_889], %get3A_876 masked %and3A_953 : memref<31264xf32, #tpu.memory_space<vmem>>[vector<16xi32>], vector<16xf32>, vector<16xi1>
    %get3A_954 = arith.constant 176 : index
    %get3A_955 = tpu.vector_load %arg8[%get3A_954] {strides = array<i32>} : memref<208xi32, #tpu.memory_space<vmem>>, vector<16xi32>,
    %get3A_956 = arith.constant 176 : index
    %get3A_957 = tpu.vector_load %arg9[%get3A_956] {strides = array<i32>} : memref<208xf32, #tpu.memory_space<vmem>>, vector<16xf32>,
    %ge3A_958 = vector.broadcast %mul3A_2 : i32 to vector<16xi32>
    %ge3A_959 = arith.cmpi sge, %get3A_955, %ge3A_958 : vector<16xi32>
    %lt3A_960 = vector.broadcast %min3A_5 : i32 to vector<16xi32>
    %lt3A_961 = arith.cmpi slt, %get3A_955, %lt3A_960 : vector<16xi32>
    %and3A_962 = arith.andi %ge3A_959, %lt3A_961 : vector<16xi1>
    %sub3A_963 = vector.broadcast %mul3A_2 : i32 to vector<16xi32>
    %sub3A_964 = arith.subi %get3A_955, %sub3A_963 : vector<16xi32>
    %jit3A_965 = arith.constant 0 : i32
    %jit3A_966 = arith.constant 31263 : i32
    %max3A_967 = vector.broadcast %jit3A_965 : i32 to vector<16xi32>
    %max3A_968 = arith.maxsi %max3A_967, %sub3A_964 : vector<16xi32>
    %min3A_969 = vector.broadcast %jit3A_966 : i32 to vector<16xi32>
    %min3A_970 = arith.minsi %min3A_969, %max3A_968 : vector<16xi32>
    %eq3A_971 = arith.constant 0 : i32
    %eq3A_972 = vector.broadcast %eq3A_971 : i32 to vector<16xi32>
    %eq3A_973 = arith.cmpi eq, %iota3A, %eq3A_972 : vector<16xi32>
    %and3A_974 = arith.andi %and3A_962, %eq3A_973 : vector<16xi1>
    tpu.vector_store_idx %arg12[%min3A_970], %get3A_957 masked %and3A_974 : memref<31264xf32, #tpu.memory_space<vmem>>[vector<16xi32>], vector<16xf32>, vector<16xi1>
    %eq3A_975 = arith.constant 1 : i32
    %eq3A_976 = vector.broadcast %eq3A_975 : i32 to vector<16xi32>
    %eq3A_977 = arith.cmpi eq, %iota3A, %eq3A_976 : vector<16xi32>
    %and3A_978 = arith.andi %and3A_962, %eq3A_977 : vector<16xi1>
    tpu.vector_store_idx %arg12[%min3A_970], %get3A_957 masked %and3A_978 : memref<31264xf32, #tpu.memory_space<vmem>>[vector<16xi32>], vector<16xf32>, vector<16xi1>
    %eq3A_979 = arith.constant 2 : i32
    %eq3A_980 = vector.broadcast %eq3A_979 : i32 to vector<16xi32>
    %eq3A_981 = arith.cmpi eq, %iota3A, %eq3A_980 : vector<16xi32>
    %and3A_982 = arith.andi %and3A_962, %eq3A_981 : vector<16xi1>
    tpu.vector_store_idx %arg12[%min3A_970], %get3A_957 masked %and3A_982 : memref<31264xf32, #tpu.memory_space<vmem>>[vector<16xi32>], vector<16xf32>, vector<16xi1>
    %eq3A_983 = arith.constant 3 : i32
    %eq3A_984 = vector.broadcast %eq3A_983 : i32 to vector<16xi32>
    %eq3A_985 = arith.cmpi eq, %iota3A, %eq3A_984 : vector<16xi32>
    %and3A_986 = arith.andi %and3A_962, %eq3A_985 : vector<16xi1>
    tpu.vector_store_idx %arg12[%min3A_970], %get3A_957 masked %and3A_986 : memref<31264xf32, #tpu.memory_space<vmem>>[vector<16xi32>], vector<16xf32>, vector<16xi1>
    %eq3A_987 = arith.constant 4 : i32
    %eq3A_988 = vector.broadcast %eq3A_987 : i32 to vector<16xi32>
    %eq3A_989 = arith.cmpi eq, %iota3A, %eq3A_988 : vector<16xi32>
    %and3A_990 = arith.andi %and3A_962, %eq3A_989 : vector<16xi1>
    tpu.vector_store_idx %arg12[%min3A_970], %get3A_957 masked %and3A_990 : memref<31264xf32, #tpu.memory_space<vmem>>[vector<16xi32>], vector<16xf32>, vector<16xi1>
    %eq3A_991 = arith.constant 5 : i32
    %eq3A_992 = vector.broadcast %eq3A_991 : i32 to vector<16xi32>
    %eq3A_993 = arith.cmpi eq, %iota3A, %eq3A_992 : vector<16xi32>
    %and3A_994 = arith.andi %and3A_962, %eq3A_993 : vector<16xi1>
    tpu.vector_store_idx %arg12[%min3A_970], %get3A_957 masked %and3A_994 : memref<31264xf32, #tpu.memory_space<vmem>>[vector<16xi32>], vector<16xf32>, vector<16xi1>
    %eq3A_995 = arith.constant 6 : i32
    %eq3A_996 = vector.broadcast %eq3A_995 : i32 to vector<16xi32>
    %eq3A_997 = arith.cmpi eq, %iota3A, %eq3A_996 : vector<16xi32>
    %and3A_998 = arith.andi %and3A_962, %eq3A_997 : vector<16xi1>
    tpu.vector_store_idx %arg12[%min3A_970], %get3A_957 masked %and3A_998 : memref<31264xf32, #tpu.memory_space<vmem>>[vector<16xi32>], vector<16xf32>, vector<16xi1>
    %eq3A_999 = arith.constant 7 : i32
    %eq3A_1000 = vector.broadcast %eq3A_999 : i32 to vector<16xi32>
    %eq3A_1001 = arith.cmpi eq, %iota3A, %eq3A_1000 : vector<16xi32>
    %and3A_1002 = arith.andi %and3A_962, %eq3A_1001 : vector<16xi1>
    tpu.vector_store_idx %arg12[%min3A_970], %get3A_957 masked %and3A_1002 : memref<31264xf32, #tpu.memory_space<vmem>>[vector<16xi32>], vector<16xf32>, vector<16xi1>
    %eq3A_1003 = arith.constant 8 : i32
    %eq3A_1004 = vector.broadcast %eq3A_1003 : i32 to vector<16xi32>
    %eq3A_1005 = arith.cmpi eq, %iota3A, %eq3A_1004 : vector<16xi32>
    %and3A_1006 = arith.andi %and3A_962, %eq3A_1005 : vector<16xi1>
    tpu.vector_store_idx %arg12[%min3A_970], %get3A_957 masked %and3A_1006 : memref<31264xf32, #tpu.memory_space<vmem>>[vector<16xi32>], vector<16xf32>, vector<16xi1>
    %eq3A_1007 = arith.constant 9 : i32
    %eq3A_1008 = vector.broadcast %eq3A_1007 : i32 to vector<16xi32>
    %eq3A_1009 = arith.cmpi eq, %iota3A, %eq3A_1008 : vector<16xi32>
    %and3A_1010 = arith.andi %and3A_962, %eq3A_1009 : vector<16xi1>
    tpu.vector_store_idx %arg12[%min3A_970], %get3A_957 masked %and3A_1010 : memref<31264xf32, #tpu.memory_space<vmem>>[vector<16xi32>], vector<16xf32>, vector<16xi1>
    %eq3A_1011 = arith.constant 10 : i32
    %eq3A_1012 = vector.broadcast %eq3A_1011 : i32 to vector<16xi32>
    %eq3A_1013 = arith.cmpi eq, %iota3A, %eq3A_1012 : vector<16xi32>
    %and3A_1014 = arith.andi %and3A_962, %eq3A_1013 : vector<16xi1>
    tpu.vector_store_idx %arg12[%min3A_970], %get3A_957 masked %and3A_1014 : memref<31264xf32, #tpu.memory_space<vmem>>[vector<16xi32>], vector<16xf32>, vector<16xi1>
    %eq3A_1015 = arith.constant 11 : i32
    %eq3A_1016 = vector.broadcast %eq3A_1015 : i32 to vector<16xi32>
    %eq3A_1017 = arith.cmpi eq, %iota3A, %eq3A_1016 : vector<16xi32>
    %and3A_1018 = arith.andi %and3A_962, %eq3A_1017 : vector<16xi1>
    tpu.vector_store_idx %arg12[%min3A_970], %get3A_957 masked %and3A_1018 : memref<31264xf32, #tpu.memory_space<vmem>>[vector<16xi32>], vector<16xf32>, vector<16xi1>
    %eq3A_1019 = arith.constant 12 : i32
    %eq3A_1020 = vector.broadcast %eq3A_1019 : i32 to vector<16xi32>
    %eq3A_1021 = arith.cmpi eq, %iota3A, %eq3A_1020 : vector<16xi32>
    %and3A_1022 = arith.andi %and3A_962, %eq3A_1021 : vector<16xi1>
    tpu.vector_store_idx %arg12[%min3A_970], %get3A_957 masked %and3A_1022 : memref<31264xf32, #tpu.memory_space<vmem>>[vector<16xi32>], vector<16xf32>, vector<16xi1>
    %eq3A_1023 = arith.constant 13 : i32
    %eq3A_1024 = vector.broadcast %eq3A_1023 : i32 to vector<16xi32>
    %eq3A_1025 = arith.cmpi eq, %iota3A, %eq3A_1024 : vector<16xi32>
    %and3A_1026 = arith.andi %and3A_962, %eq3A_1025 : vector<16xi1>
    tpu.vector_store_idx %arg12[%min3A_970], %get3A_957 masked %and3A_1026 : memref<31264xf32, #tpu.memory_space<vmem>>[vector<16xi32>], vector<16xf32>, vector<16xi1>
    %eq3A_1027 = arith.constant 14 : i32
    %eq3A_1028 = vector.broadcast %eq3A_1027 : i32 to vector<16xi32>
    %eq3A_1029 = arith.cmpi eq, %iota3A, %eq3A_1028 : vector<16xi32>
    %and3A_1030 = arith.andi %and3A_962, %eq3A_1029 : vector<16xi1>
    tpu.vector_store_idx %arg12[%min3A_970], %get3A_957 masked %and3A_1030 : memref<31264xf32, #tpu.memory_space<vmem>>[vector<16xi32>], vector<16xf32>, vector<16xi1>
    %eq3A_1031 = arith.constant 15 : i32
    %eq3A_1032 = vector.broadcast %eq3A_1031 : i32 to vector<16xi32>
    %eq3A_1033 = arith.cmpi eq, %iota3A, %eq3A_1032 : vector<16xi32>
    %and3A_1034 = arith.andi %and3A_962, %eq3A_1033 : vector<16xi1>
    tpu.vector_store_idx %arg12[%min3A_970], %get3A_957 masked %and3A_1034 : memref<31264xf32, #tpu.memory_space<vmem>>[vector<16xi32>], vector<16xf32>, vector<16xi1>
    %get3A_1035 = arith.constant 192 : index
    %get3A_1036 = tpu.vector_load %arg8[%get3A_1035] {strides = array<i32>} : memref<208xi32, #tpu.memory_space<vmem>>, vector<16xi32>,
    %get3A_1037 = arith.constant 192 : index
    %get3A_1038 = tpu.vector_load %arg9[%get3A_1037] {strides = array<i32>} : memref<208xf32, #tpu.memory_space<vmem>>, vector<16xf32>,
    %ge3A_1039 = vector.broadcast %mul3A_2 : i32 to vector<16xi32>
    %ge3A_1040 = arith.cmpi sge, %get3A_1036, %ge3A_1039 : vector<16xi32>
    %lt3A_1041 = vector.broadcast %min3A_5 : i32 to vector<16xi32>
    %lt3A_1042 = arith.cmpi slt, %get3A_1036, %lt3A_1041 : vector<16xi32>
    %and3A_1043 = arith.andi %ge3A_1040, %lt3A_1042 : vector<16xi1>
    %lt3A_1044 = arith.constant 8 : i32
    %lt3A_1045 = vector.broadcast %lt3A_1044 : i32 to vector<16xi32>
    %lt3A_1046 = arith.cmpi slt, %iota3A, %lt3A_1045 : vector<16xi32>
    %and3A_1047 = arith.andi %and3A_1043, %lt3A_1046 : vector<16xi1>
    %sub3A_1048 = vector.broadcast %mul3A_2 : i32 to vector<16xi32>
    %sub3A_1049 = arith.subi %get3A_1036, %sub3A_1048 : vector<16xi32>
    %jit3A_1050 = arith.constant 0 : i32
    %jit3A_1051 = arith.constant 31263 : i32
    %max3A_1052 = vector.broadcast %jit3A_1050 : i32 to vector<16xi32>
    %max3A_1053 = arith.maxsi %max3A_1052, %sub3A_1049 : vector<16xi32>
    %min3A_1054 = vector.broadcast %jit3A_1051 : i32 to vector<16xi32>
    %min3A_1055 = arith.minsi %min3A_1054, %max3A_1053 : vector<16xi32>
    %eq3A_1056 = arith.constant 0 : i32
    %eq3A_1057 = vector.broadcast %eq3A_1056 : i32 to vector<16xi32>
    %eq3A_1058 = arith.cmpi eq, %iota3A, %eq3A_1057 : vector<16xi32>
    %and3A_1059 = arith.andi %and3A_1047, %eq3A_1058 : vector<16xi1>
    tpu.vector_store_idx %arg12[%min3A_1055], %get3A_1038 masked %and3A_1059 : memref<31264xf32, #tpu.memory_space<vmem>>[vector<16xi32>], vector<16xf32>, vector<16xi1>
    %eq3A_1060 = arith.constant 1 : i32
    %eq3A_1061 = vector.broadcast %eq3A_1060 : i32 to vector<16xi32>
    %eq3A_1062 = arith.cmpi eq, %iota3A, %eq3A_1061 : vector<16xi32>
    %and3A_1063 = arith.andi %and3A_1047, %eq3A_1062 : vector<16xi1>
    tpu.vector_store_idx %arg12[%min3A_1055], %get3A_1038 masked %and3A_1063 : memref<31264xf32, #tpu.memory_space<vmem>>[vector<16xi32>], vector<16xf32>, vector<16xi1>
    %eq3A_1064 = arith.constant 2 : i32
    %eq3A_1065 = vector.broadcast %eq3A_1064 : i32 to vector<16xi32>
    %eq3A_1066 = arith.cmpi eq, %iota3A, %eq3A_1065 : vector<16xi32>
    %and3A_1067 = arith.andi %and3A_1047, %eq3A_1066 : vector<16xi1>
    tpu.vector_store_idx %arg12[%min3A_1055], %get3A_1038 masked %and3A_1067 : memref<31264xf32, #tpu.memory_space<vmem>>[vector<16xi32>], vector<16xf32>, vector<16xi1>
    %eq3A_1068 = arith.constant 3 : i32
    %eq3A_1069 = vector.broadcast %eq3A_1068 : i32 to vector<16xi32>
    %eq3A_1070 = arith.cmpi eq, %iota3A, %eq3A_1069 : vector<16xi32>
    %and3A_1071 = arith.andi %and3A_1047, %eq3A_1070 : vector<16xi1>
    tpu.vector_store_idx %arg12[%min3A_1055], %get3A_1038 masked %and3A_1071 : memref<31264xf32, #tpu.memory_space<vmem>>[vector<16xi32>], vector<16xf32>, vector<16xi1>
    %eq3A_1072 = arith.constant 4 : i32
    %eq3A_1073 = vector.broadcast %eq3A_1072 : i32 to vector<16xi32>
    %eq3A_1074 = arith.cmpi eq, %iota3A, %eq3A_1073 : vector<16xi32>
    %and3A_1075 = arith.andi %and3A_1047, %eq3A_1074 : vector<16xi1>
    tpu.vector_store_idx %arg12[%min3A_1055], %get3A_1038 masked %and3A_1075 : memref<31264xf32, #tpu.memory_space<vmem>>[vector<16xi32>], vector<16xf32>, vector<16xi1>
    %eq3A_1076 = arith.constant 5 : i32
    %eq3A_1077 = vector.broadcast %eq3A_1076 : i32 to vector<16xi32>
    %eq3A_1078 = arith.cmpi eq, %iota3A, %eq3A_1077 : vector<16xi32>
    %and3A_1079 = arith.andi %and3A_1047, %eq3A_1078 : vector<16xi1>
    tpu.vector_store_idx %arg12[%min3A_1055], %get3A_1038 masked %and3A_1079 : memref<31264xf32, #tpu.memory_space<vmem>>[vector<16xi32>], vector<16xf32>, vector<16xi1>
    %eq3A_1080 = arith.constant 6 : i32
    %eq3A_1081 = vector.broadcast %eq3A_1080 : i32 to vector<16xi32>
    %eq3A_1082 = arith.cmpi eq, %iota3A, %eq3A_1081 : vector<16xi32>
    %and3A_1083 = arith.andi %and3A_1047, %eq3A_1082 : vector<16xi1>
    tpu.vector_store_idx %arg12[%min3A_1055], %get3A_1038 masked %and3A_1083 : memref<31264xf32, #tpu.memory_space<vmem>>[vector<16xi32>], vector<16xf32>, vector<16xi1>
    %eq3A_1084 = arith.constant 7 : i32
    %eq3A_1085 = vector.broadcast %eq3A_1084 : i32 to vector<16xi32>
    %eq3A_1086 = arith.cmpi eq, %iota3A, %eq3A_1085 : vector<16xi32>
    %and3A_1087 = arith.andi %and3A_1047, %eq3A_1086 : vector<16xi1>
    tpu.vector_store_idx %arg12[%min3A_1055], %get3A_1038 masked %and3A_1087 : memref<31264xf32, #tpu.memory_space<vmem>>[vector<16xi32>], vector<16xf32>, vector<16xi1>
    %eq3A_1088 = arith.constant 8 : i32
    %eq3A_1089 = vector.broadcast %eq3A_1088 : i32 to vector<16xi32>
    %eq3A_1090 = arith.cmpi eq, %iota3A, %eq3A_1089 : vector<16xi32>
    %and3A_1091 = arith.andi %and3A_1047, %eq3A_1090 : vector<16xi1>
    tpu.vector_store_idx %arg12[%min3A_1055], %get3A_1038 masked %and3A_1091 : memref<31264xf32, #tpu.memory_space<vmem>>[vector<16xi32>], vector<16xf32>, vector<16xi1>
    %eq3A_1092 = arith.constant 9 : i32
    %eq3A_1093 = vector.broadcast %eq3A_1092 : i32 to vector<16xi32>
    %eq3A_1094 = arith.cmpi eq, %iota3A, %eq3A_1093 : vector<16xi32>
    %and3A_1095 = arith.andi %and3A_1047, %eq3A_1094 : vector<16xi1>
    tpu.vector_store_idx %arg12[%min3A_1055], %get3A_1038 masked %and3A_1095 : memref<31264xf32, #tpu.memory_space<vmem>>[vector<16xi32>], vector<16xf32>, vector<16xi1>
    %eq3A_1096 = arith.constant 10 : i32
    %eq3A_1097 = vector.broadcast %eq3A_1096 : i32 to vector<16xi32>
    %eq3A_1098 = arith.cmpi eq, %iota3A, %eq3A_1097 : vector<16xi32>
    %and3A_1099 = arith.andi %and3A_1047, %eq3A_1098 : vector<16xi1>
    tpu.vector_store_idx %arg12[%min3A_1055], %get3A_1038 masked %and3A_1099 : memref<31264xf32, #tpu.memory_space<vmem>>[vector<16xi32>], vector<16xf32>, vector<16xi1>
    %eq3A_1100 = arith.constant 11 : i32
    %eq3A_1101 = vector.broadcast %eq3A_1100 : i32 to vector<16xi32>
    %eq3A_1102 = arith.cmpi eq, %iota3A, %eq3A_1101 : vector<16xi32>
    %and3A_1103 = arith.andi %and3A_1047, %eq3A_1102 : vector<16xi1>
    tpu.vector_store_idx %arg12[%min3A_1055], %get3A_1038 masked %and3A_1103 : memref<31264xf32, #tpu.memory_space<vmem>>[vector<16xi32>], vector<16xf32>, vector<16xi1>
    %eq3A_1104 = arith.constant 12 : i32
    %eq3A_1105 = vector.broadcast %eq3A_1104 : i32 to vector<16xi32>
    %eq3A_1106 = arith.cmpi eq, %iota3A, %eq3A_1105 : vector<16xi32>
    %and3A_1107 = arith.andi %and3A_1047, %eq3A_1106 : vector<16xi1>
    tpu.vector_store_idx %arg12[%min3A_1055], %get3A_1038 masked %and3A_1107 : memref<31264xf32, #tpu.memory_space<vmem>>[vector<16xi32>], vector<16xf32>, vector<16xi1>
    %eq3A_1108 = arith.constant 13 : i32
    %eq3A_1109 = vector.broadcast %eq3A_1108 : i32 to vector<16xi32>
    %eq3A_1110 = arith.cmpi eq, %iota3A, %eq3A_1109 : vector<16xi32>
    %and3A_1111 = arith.andi %and3A_1047, %eq3A_1110 : vector<16xi1>
    tpu.vector_store_idx %arg12[%min3A_1055], %get3A_1038 masked %and3A_1111 : memref<31264xf32, #tpu.memory_space<vmem>>[vector<16xi32>], vector<16xf32>, vector<16xi1>
    %eq3A_1112 = arith.constant 14 : i32
    %eq3A_1113 = vector.broadcast %eq3A_1112 : i32 to vector<16xi32>
    %eq3A_1114 = arith.cmpi eq, %iota3A, %eq3A_1113 : vector<16xi32>
    %and3A_1115 = arith.andi %and3A_1047, %eq3A_1114 : vector<16xi1>
    tpu.vector_store_idx %arg12[%min3A_1055], %get3A_1038 masked %and3A_1115 : memref<31264xf32, #tpu.memory_space<vmem>>[vector<16xi32>], vector<16xf32>, vector<16xi1>
    %eq3A_1116 = arith.constant 15 : i32
    %eq3A_1117 = vector.broadcast %eq3A_1116 : i32 to vector<16xi32>
    %eq3A_1118 = arith.cmpi eq, %iota3A, %eq3A_1117 : vector<16xi32>
    %and3A_1119 = arith.andi %and3A_1047, %eq3A_1118 : vector<16xi1>
    tpu.vector_store_idx %arg12[%min3A_1055], %get3A_1038 masked %and3A_1119 : memref<31264xf32, #tpu.memory_space<vmem>>[vector<16xi32>], vector<16xf32>, vector<16xi1>
    %get3A_1120 = arith.constant 0 : index
    %get3A_1121 = tpu.vector_load %arg10[%get3A_1120] {strides = array<i32>} : memref<208xi32, #tpu.memory_space<vmem>>, vector<16xi32>,
    %get3A_1122 = arith.constant 0 : index
    %get3A_1123 = tpu.vector_load %arg11[%get3A_1122] {strides = array<i32>} : memref<208xf32, #tpu.memory_space<vmem>>, vector<16xf32>,
    %ge3A_1124 = vector.broadcast %mul3A_2 : i32 to vector<16xi32>
    %ge3A_1125 = arith.cmpi sge, %get3A_1121, %ge3A_1124 : vector<16xi32>
    %lt3A_1126 = vector.broadcast %min3A_5 : i32 to vector<16xi32>
    %lt3A_1127 = arith.cmpi slt, %get3A_1121, %lt3A_1126 : vector<16xi32>
    %and3A_1128 = arith.andi %ge3A_1125, %lt3A_1127 : vector<16xi1>
    %sub3A_1129 = vector.broadcast %mul3A_2 : i32 to vector<16xi32>
    %sub3A_1130 = arith.subi %get3A_1121, %sub3A_1129 : vector<16xi32>
    %jit3A_1131 = arith.constant 0 : i32
    %jit3A_1132 = arith.constant 31263 : i32
    %max3A_1133 = vector.broadcast %jit3A_1131 : i32 to vector<16xi32>
    %max3A_1134 = arith.maxsi %max3A_1133, %sub3A_1130 : vector<16xi32>
    %min3A_1135 = vector.broadcast %jit3A_1132 : i32 to vector<16xi32>
    %min3A_1136 = arith.minsi %min3A_1135, %max3A_1134 : vector<16xi32>
    %eq3A_1137 = arith.constant 0 : i32
    %eq3A_1138 = vector.broadcast %eq3A_1137 : i32 to vector<16xi32>
    %eq3A_1139 = arith.cmpi eq, %iota3A, %eq3A_1138 : vector<16xi32>
    %and3A_1140 = arith.andi %and3A_1128, %eq3A_1139 : vector<16xi1>
    tpu.vector_store_idx %arg13[%min3A_1136], %get3A_1123 masked %and3A_1140 : memref<31264xf32, #tpu.memory_space<vmem>>[vector<16xi32>], vector<16xf32>, vector<16xi1>
    %eq3A_1141 = arith.constant 1 : i32
    %eq3A_1142 = vector.broadcast %eq3A_1141 : i32 to vector<16xi32>
    %eq3A_1143 = arith.cmpi eq, %iota3A, %eq3A_1142 : vector<16xi32>
    %and3A_1144 = arith.andi %and3A_1128, %eq3A_1143 : vector<16xi1>
    tpu.vector_store_idx %arg13[%min3A_1136], %get3A_1123 masked %and3A_1144 : memref<31264xf32, #tpu.memory_space<vmem>>[vector<16xi32>], vector<16xf32>, vector<16xi1>
    %eq3A_1145 = arith.constant 2 : i32
    %eq3A_1146 = vector.broadcast %eq3A_1145 : i32 to vector<16xi32>
    %eq3A_1147 = arith.cmpi eq, %iota3A, %eq3A_1146 : vector<16xi32>
    %and3A_1148 = arith.andi %and3A_1128, %eq3A_1147 : vector<16xi1>
    tpu.vector_store_idx %arg13[%min3A_1136], %get3A_1123 masked %and3A_1148 : memref<31264xf32, #tpu.memory_space<vmem>>[vector<16xi32>], vector<16xf32>, vector<16xi1>
    %eq3A_1149 = arith.constant 3 : i32
    %eq3A_1150 = vector.broadcast %eq3A_1149 : i32 to vector<16xi32>
    %eq3A_1151 = arith.cmpi eq, %iota3A, %eq3A_1150 : vector<16xi32>
    %and3A_1152 = arith.andi %and3A_1128, %eq3A_1151 : vector<16xi1>
    tpu.vector_store_idx %arg13[%min3A_1136], %get3A_1123 masked %and3A_1152 : memref<31264xf32, #tpu.memory_space<vmem>>[vector<16xi32>], vector<16xf32>, vector<16xi1>
    %eq3A_1153 = arith.constant 4 : i32
    %eq3A_1154 = vector.broadcast %eq3A_1153 : i32 to vector<16xi32>
    %eq3A_1155 = arith.cmpi eq, %iota3A, %eq3A_1154 : vector<16xi32>
    %and3A_1156 = arith.andi %and3A_1128, %eq3A_1155 : vector<16xi1>
    tpu.vector_store_idx %arg13[%min3A_1136], %get3A_1123 masked %and3A_1156 : memref<31264xf32, #tpu.memory_space<vmem>>[vector<16xi32>], vector<16xf32>, vector<16xi1>
    %eq3A_1157 = arith.constant 5 : i32
    %eq3A_1158 = vector.broadcast %eq3A_1157 : i32 to vector<16xi32>
    %eq3A_1159 = arith.cmpi eq, %iota3A, %eq3A_1158 : vector<16xi32>
    %and3A_1160 = arith.andi %and3A_1128, %eq3A_1159 : vector<16xi1>
    tpu.vector_store_idx %arg13[%min3A_1136], %get3A_1123 masked %and3A_1160 : memref<31264xf32, #tpu.memory_space<vmem>>[vector<16xi32>], vector<16xf32>, vector<16xi1>
    %eq3A_1161 = arith.constant 6 : i32
    %eq3A_1162 = vector.broadcast %eq3A_1161 : i32 to vector<16xi32>
    %eq3A_1163 = arith.cmpi eq, %iota3A, %eq3A_1162 : vector<16xi32>
    %and3A_1164 = arith.andi %and3A_1128, %eq3A_1163 : vector<16xi1>
    tpu.vector_store_idx %arg13[%min3A_1136], %get3A_1123 masked %and3A_1164 : memref<31264xf32, #tpu.memory_space<vmem>>[vector<16xi32>], vector<16xf32>, vector<16xi1>
    %eq3A_1165 = arith.constant 7 : i32
    %eq3A_1166 = vector.broadcast %eq3A_1165 : i32 to vector<16xi32>
    %eq3A_1167 = arith.cmpi eq, %iota3A, %eq3A_1166 : vector<16xi32>
    %and3A_1168 = arith.andi %and3A_1128, %eq3A_1167 : vector<16xi1>
    tpu.vector_store_idx %arg13[%min3A_1136], %get3A_1123 masked %and3A_1168 : memref<31264xf32, #tpu.memory_space<vmem>>[vector<16xi32>], vector<16xf32>, vector<16xi1>
    %eq3A_1169 = arith.constant 8 : i32
    %eq3A_1170 = vector.broadcast %eq3A_1169 : i32 to vector<16xi32>
    %eq3A_1171 = arith.cmpi eq, %iota3A, %eq3A_1170 : vector<16xi32>
    %and3A_1172 = arith.andi %and3A_1128, %eq3A_1171 : vector<16xi1>
    tpu.vector_store_idx %arg13[%min3A_1136], %get3A_1123 masked %and3A_1172 : memref<31264xf32, #tpu.memory_space<vmem>>[vector<16xi32>], vector<16xf32>, vector<16xi1>
    %eq3A_1173 = arith.constant 9 : i32
    %eq3A_1174 = vector.broadcast %eq3A_1173 : i32 to vector<16xi32>
    %eq3A_1175 = arith.cmpi eq, %iota3A, %eq3A_1174 : vector<16xi32>
    %and3A_1176 = arith.andi %and3A_1128, %eq3A_1175 : vector<16xi1>
    tpu.vector_store_idx %arg13[%min3A_1136], %get3A_1123 masked %and3A_1176 : memref<31264xf32, #tpu.memory_space<vmem>>[vector<16xi32>], vector<16xf32>, vector<16xi1>
    %eq3A_1177 = arith.constant 10 : i32
    %eq3A_1178 = vector.broadcast %eq3A_1177 : i32 to vector<16xi32>
    %eq3A_1179 = arith.cmpi eq, %iota3A, %eq3A_1178 : vector<16xi32>
    %and3A_1180 = arith.andi %and3A_1128, %eq3A_1179 : vector<16xi1>
    tpu.vector_store_idx %arg13[%min3A_1136], %get3A_1123 masked %and3A_1180 : memref<31264xf32, #tpu.memory_space<vmem>>[vector<16xi32>], vector<16xf32>, vector<16xi1>
    %eq3A_1181 = arith.constant 11 : i32
    %eq3A_1182 = vector.broadcast %eq3A_1181 : i32 to vector<16xi32>
    %eq3A_1183 = arith.cmpi eq, %iota3A, %eq3A_1182 : vector<16xi32>
    %and3A_1184 = arith.andi %and3A_1128, %eq3A_1183 : vector<16xi1>
    tpu.vector_store_idx %arg13[%min3A_1136], %get3A_1123 masked %and3A_1184 : memref<31264xf32, #tpu.memory_space<vmem>>[vector<16xi32>], vector<16xf32>, vector<16xi1>
    %eq3A_1185 = arith.constant 12 : i32
    %eq3A_1186 = vector.broadcast %eq3A_1185 : i32 to vector<16xi32>
    %eq3A_1187 = arith.cmpi eq, %iota3A, %eq3A_1186 : vector<16xi32>
    %and3A_1188 = arith.andi %and3A_1128, %eq3A_1187 : vector<16xi1>
    tpu.vector_store_idx %arg13[%min3A_1136], %get3A_1123 masked %and3A_1188 : memref<31264xf32, #tpu.memory_space<vmem>>[vector<16xi32>], vector<16xf32>, vector<16xi1>
    %eq3A_1189 = arith.constant 13 : i32
    %eq3A_1190 = vector.broadcast %eq3A_1189 : i32 to vector<16xi32>
    %eq3A_1191 = arith.cmpi eq, %iota3A, %eq3A_1190 : vector<16xi32>
    %and3A_1192 = arith.andi %and3A_1128, %eq3A_1191 : vector<16xi1>
    tpu.vector_store_idx %arg13[%min3A_1136], %get3A_1123 masked %and3A_1192 : memref<31264xf32, #tpu.memory_space<vmem>>[vector<16xi32>], vector<16xf32>, vector<16xi1>
    %eq3A_1193 = arith.constant 14 : i32
    %eq3A_1194 = vector.broadcast %eq3A_1193 : i32 to vector<16xi32>
    %eq3A_1195 = arith.cmpi eq, %iota3A, %eq3A_1194 : vector<16xi32>
    %and3A_1196 = arith.andi %and3A_1128, %eq3A_1195 : vector<16xi1>
    tpu.vector_store_idx %arg13[%min3A_1136], %get3A_1123 masked %and3A_1196 : memref<31264xf32, #tpu.memory_space<vmem>>[vector<16xi32>], vector<16xf32>, vector<16xi1>
    %eq3A_1197 = arith.constant 15 : i32
    %eq3A_1198 = vector.broadcast %eq3A_1197 : i32 to vector<16xi32>
    %eq3A_1199 = arith.cmpi eq, %iota3A, %eq3A_1198 : vector<16xi32>
    %and3A_1200 = arith.andi %and3A_1128, %eq3A_1199 : vector<16xi1>
    tpu.vector_store_idx %arg13[%min3A_1136], %get3A_1123 masked %and3A_1200 : memref<31264xf32, #tpu.memory_space<vmem>>[vector<16xi32>], vector<16xf32>, vector<16xi1>
    %get3A_1201 = arith.constant 16 : index
    %get3A_1202 = tpu.vector_load %arg10[%get3A_1201] {strides = array<i32>} : memref<208xi32, #tpu.memory_space<vmem>>, vector<16xi32>,
    %get3A_1203 = arith.constant 16 : index
    %get3A_1204 = tpu.vector_load %arg11[%get3A_1203] {strides = array<i32>} : memref<208xf32, #tpu.memory_space<vmem>>, vector<16xf32>,
    %ge3A_1205 = vector.broadcast %mul3A_2 : i32 to vector<16xi32>
    %ge3A_1206 = arith.cmpi sge, %get3A_1202, %ge3A_1205 : vector<16xi32>
    %lt3A_1207 = vector.broadcast %min3A_5 : i32 to vector<16xi32>
    %lt3A_1208 = arith.cmpi slt, %get3A_1202, %lt3A_1207 : vector<16xi32>
    %and3A_1209 = arith.andi %ge3A_1206, %lt3A_1208 : vector<16xi1>
    %sub3A_1210 = vector.broadcast %mul3A_2 : i32 to vector<16xi32>
    %sub3A_1211 = arith.subi %get3A_1202, %sub3A_1210 : vector<16xi32>
    %jit3A_1212 = arith.constant 0 : i32
    %jit3A_1213 = arith.constant 31263 : i32
    %max3A_1214 = vector.broadcast %jit3A_1212 : i32 to vector<16xi32>
    %max3A_1215 = arith.maxsi %max3A_1214, %sub3A_1211 : vector<16xi32>
    %min3A_1216 = vector.broadcast %jit3A_1213 : i32 to vector<16xi32>
    %min3A_1217 = arith.minsi %min3A_1216, %max3A_1215 : vector<16xi32>
    %eq3A_1218 = arith.constant 0 : i32
    %eq3A_1219 = vector.broadcast %eq3A_1218 : i32 to vector<16xi32>
    %eq3A_1220 = arith.cmpi eq, %iota3A, %eq3A_1219 : vector<16xi32>
    %and3A_1221 = arith.andi %and3A_1209, %eq3A_1220 : vector<16xi1>
    tpu.vector_store_idx %arg13[%min3A_1217], %get3A_1204 masked %and3A_1221 : memref<31264xf32, #tpu.memory_space<vmem>>[vector<16xi32>], vector<16xf32>, vector<16xi1>
    %eq3A_1222 = arith.constant 1 : i32
    %eq3A_1223 = vector.broadcast %eq3A_1222 : i32 to vector<16xi32>
    %eq3A_1224 = arith.cmpi eq, %iota3A, %eq3A_1223 : vector<16xi32>
    %and3A_1225 = arith.andi %and3A_1209, %eq3A_1224 : vector<16xi1>
    tpu.vector_store_idx %arg13[%min3A_1217], %get3A_1204 masked %and3A_1225 : memref<31264xf32, #tpu.memory_space<vmem>>[vector<16xi32>], vector<16xf32>, vector<16xi1>
    %eq3A_1226 = arith.constant 2 : i32
    %eq3A_1227 = vector.broadcast %eq3A_1226 : i32 to vector<16xi32>
    %eq3A_1228 = arith.cmpi eq, %iota3A, %eq3A_1227 : vector<16xi32>
    %and3A_1229 = arith.andi %and3A_1209, %eq3A_1228 : vector<16xi1>
    tpu.vector_store_idx %arg13[%min3A_1217], %get3A_1204 masked %and3A_1229 : memref<31264xf32, #tpu.memory_space<vmem>>[vector<16xi32>], vector<16xf32>, vector<16xi1>
    %eq3A_1230 = arith.constant 3 : i32
    %eq3A_1231 = vector.broadcast %eq3A_1230 : i32 to vector<16xi32>
    %eq3A_1232 = arith.cmpi eq, %iota3A, %eq3A_1231 : vector<16xi32>
    %and3A_1233 = arith.andi %and3A_1209, %eq3A_1232 : vector<16xi1>
    tpu.vector_store_idx %arg13[%min3A_1217], %get3A_1204 masked %and3A_1233 : memref<31264xf32, #tpu.memory_space<vmem>>[vector<16xi32>], vector<16xf32>, vector<16xi1>
    %eq3A_1234 = arith.constant 4 : i32
    %eq3A_1235 = vector.broadcast %eq3A_1234 : i32 to vector<16xi32>
    %eq3A_1236 = arith.cmpi eq, %iota3A, %eq3A_1235 : vector<16xi32>
    %and3A_1237 = arith.andi %and3A_1209, %eq3A_1236 : vector<16xi1>
    tpu.vector_store_idx %arg13[%min3A_1217], %get3A_1204 masked %and3A_1237 : memref<31264xf32, #tpu.memory_space<vmem>>[vector<16xi32>], vector<16xf32>, vector<16xi1>
    %eq3A_1238 = arith.constant 5 : i32
    %eq3A_1239 = vector.broadcast %eq3A_1238 : i32 to vector<16xi32>
    %eq3A_1240 = arith.cmpi eq, %iota3A, %eq3A_1239 : vector<16xi32>
    %and3A_1241 = arith.andi %and3A_1209, %eq3A_1240 : vector<16xi1>
    tpu.vector_store_idx %arg13[%min3A_1217], %get3A_1204 masked %and3A_1241 : memref<31264xf32, #tpu.memory_space<vmem>>[vector<16xi32>], vector<16xf32>, vector<16xi1>
    %eq3A_1242 = arith.constant 6 : i32
    %eq3A_1243 = vector.broadcast %eq3A_1242 : i32 to vector<16xi32>
    %eq3A_1244 = arith.cmpi eq, %iota3A, %eq3A_1243 : vector<16xi32>
    %and3A_1245 = arith.andi %and3A_1209, %eq3A_1244 : vector<16xi1>
    tpu.vector_store_idx %arg13[%min3A_1217], %get3A_1204 masked %and3A_1245 : memref<31264xf32, #tpu.memory_space<vmem>>[vector<16xi32>], vector<16xf32>, vector<16xi1>
    %eq3A_1246 = arith.constant 7 : i32
    %eq3A_1247 = vector.broadcast %eq3A_1246 : i32 to vector<16xi32>
    %eq3A_1248 = arith.cmpi eq, %iota3A, %eq3A_1247 : vector<16xi32>
    %and3A_1249 = arith.andi %and3A_1209, %eq3A_1248 : vector<16xi1>
    tpu.vector_store_idx %arg13[%min3A_1217], %get3A_1204 masked %and3A_1249 : memref<31264xf32, #tpu.memory_space<vmem>>[vector<16xi32>], vector<16xf32>, vector<16xi1>
    %eq3A_1250 = arith.constant 8 : i32
    %eq3A_1251 = vector.broadcast %eq3A_1250 : i32 to vector<16xi32>
    %eq3A_1252 = arith.cmpi eq, %iota3A, %eq3A_1251 : vector<16xi32>
    %and3A_1253 = arith.andi %and3A_1209, %eq3A_1252 : vector<16xi1>
    tpu.vector_store_idx %arg13[%min3A_1217], %get3A_1204 masked %and3A_1253 : memref<31264xf32, #tpu.memory_space<vmem>>[vector<16xi32>], vector<16xf32>, vector<16xi1>
    %eq3A_1254 = arith.constant 9 : i32
    %eq3A_1255 = vector.broadcast %eq3A_1254 : i32 to vector<16xi32>
    %eq3A_1256 = arith.cmpi eq, %iota3A, %eq3A_1255 : vector<16xi32>
    %and3A_1257 = arith.andi %and3A_1209, %eq3A_1256 : vector<16xi1>
    tpu.vector_store_idx %arg13[%min3A_1217], %get3A_1204 masked %and3A_1257 : memref<31264xf32, #tpu.memory_space<vmem>>[vector<16xi32>], vector<16xf32>, vector<16xi1>
    %eq3A_1258 = arith.constant 10 : i32
    %eq3A_1259 = vector.broadcast %eq3A_1258 : i32 to vector<16xi32>
    %eq3A_1260 = arith.cmpi eq, %iota3A, %eq3A_1259 : vector<16xi32>
    %and3A_1261 = arith.andi %and3A_1209, %eq3A_1260 : vector<16xi1>
    tpu.vector_store_idx %arg13[%min3A_1217], %get3A_1204 masked %and3A_1261 : memref<31264xf32, #tpu.memory_space<vmem>>[vector<16xi32>], vector<16xf32>, vector<16xi1>
    %eq3A_1262 = arith.constant 11 : i32
    %eq3A_1263 = vector.broadcast %eq3A_1262 : i32 to vector<16xi32>
    %eq3A_1264 = arith.cmpi eq, %iota3A, %eq3A_1263 : vector<16xi32>
    %and3A_1265 = arith.andi %and3A_1209, %eq3A_1264 : vector<16xi1>
    tpu.vector_store_idx %arg13[%min3A_1217], %get3A_1204 masked %and3A_1265 : memref<31264xf32, #tpu.memory_space<vmem>>[vector<16xi32>], vector<16xf32>, vector<16xi1>
    %eq3A_1266 = arith.constant 12 : i32
    %eq3A_1267 = vector.broadcast %eq3A_1266 : i32 to vector<16xi32>
    %eq3A_1268 = arith.cmpi eq, %iota3A, %eq3A_1267 : vector<16xi32>
    %and3A_1269 = arith.andi %and3A_1209, %eq3A_1268 : vector<16xi1>
    tpu.vector_store_idx %arg13[%min3A_1217], %get3A_1204 masked %and3A_1269 : memref<31264xf32, #tpu.memory_space<vmem>>[vector<16xi32>], vector<16xf32>, vector<16xi1>
    %eq3A_1270 = arith.constant 13 : i32
    %eq3A_1271 = vector.broadcast %eq3A_1270 : i32 to vector<16xi32>
    %eq3A_1272 = arith.cmpi eq, %iota3A, %eq3A_1271 : vector<16xi32>
    %and3A_1273 = arith.andi %and3A_1209, %eq3A_1272 : vector<16xi1>
    tpu.vector_store_idx %arg13[%min3A_1217], %get3A_1204 masked %and3A_1273 : memref<31264xf32, #tpu.memory_space<vmem>>[vector<16xi32>], vector<16xf32>, vector<16xi1>
    %eq3A_1274 = arith.constant 14 : i32
    %eq3A_1275 = vector.broadcast %eq3A_1274 : i32 to vector<16xi32>
    %eq3A_1276 = arith.cmpi eq, %iota3A, %eq3A_1275 : vector<16xi32>
    %and3A_1277 = arith.andi %and3A_1209, %eq3A_1276 : vector<16xi1>
    tpu.vector_store_idx %arg13[%min3A_1217], %get3A_1204 masked %and3A_1277 : memref<31264xf32, #tpu.memory_space<vmem>>[vector<16xi32>], vector<16xf32>, vector<16xi1>
    %eq3A_1278 = arith.constant 15 : i32
    %eq3A_1279 = vector.broadcast %eq3A_1278 : i32 to vector<16xi32>
    %eq3A_1280 = arith.cmpi eq, %iota3A, %eq3A_1279 : vector<16xi32>
    %and3A_1281 = arith.andi %and3A_1209, %eq3A_1280 : vector<16xi1>
    tpu.vector_store_idx %arg13[%min3A_1217], %get3A_1204 masked %and3A_1281 : memref<31264xf32, #tpu.memory_space<vmem>>[vector<16xi32>], vector<16xf32>, vector<16xi1>
    %get3A_1282 = arith.constant 32 : index
    %get3A_1283 = tpu.vector_load %arg10[%get3A_1282] {strides = array<i32>} : memref<208xi32, #tpu.memory_space<vmem>>, vector<16xi32>,
    %get3A_1284 = arith.constant 32 : index
    %get3A_1285 = tpu.vector_load %arg11[%get3A_1284] {strides = array<i32>} : memref<208xf32, #tpu.memory_space<vmem>>, vector<16xf32>,
    %ge3A_1286 = vector.broadcast %mul3A_2 : i32 to vector<16xi32>
    %ge3A_1287 = arith.cmpi sge, %get3A_1283, %ge3A_1286 : vector<16xi32>
    %lt3A_1288 = vector.broadcast %min3A_5 : i32 to vector<16xi32>
    %lt3A_1289 = arith.cmpi slt, %get3A_1283, %lt3A_1288 : vector<16xi32>
    %and3A_1290 = arith.andi %ge3A_1287, %lt3A_1289 : vector<16xi1>
    %sub3A_1291 = vector.broadcast %mul3A_2 : i32 to vector<16xi32>
    %sub3A_1292 = arith.subi %get3A_1283, %sub3A_1291 : vector<16xi32>
    %jit3A_1293 = arith.constant 0 : i32
    %jit3A_1294 = arith.constant 31263 : i32
    %max3A_1295 = vector.broadcast %jit3A_1293 : i32 to vector<16xi32>
    %max3A_1296 = arith.maxsi %max3A_1295, %sub3A_1292 : vector<16xi32>
    %min3A_1297 = vector.broadcast %jit3A_1294 : i32 to vector<16xi32>
    %min3A_1298 = arith.minsi %min3A_1297, %max3A_1296 : vector<16xi32>
    %eq3A_1299 = arith.constant 0 : i32
    %eq3A_1300 = vector.broadcast %eq3A_1299 : i32 to vector<16xi32>
    %eq3A_1301 = arith.cmpi eq, %iota3A, %eq3A_1300 : vector<16xi32>
    %and3A_1302 = arith.andi %and3A_1290, %eq3A_1301 : vector<16xi1>
    tpu.vector_store_idx %arg13[%min3A_1298], %get3A_1285 masked %and3A_1302 : memref<31264xf32, #tpu.memory_space<vmem>>[vector<16xi32>], vector<16xf32>, vector<16xi1>
    %eq3A_1303 = arith.constant 1 : i32
    %eq3A_1304 = vector.broadcast %eq3A_1303 : i32 to vector<16xi32>
    %eq3A_1305 = arith.cmpi eq, %iota3A, %eq3A_1304 : vector<16xi32>
    %and3A_1306 = arith.andi %and3A_1290, %eq3A_1305 : vector<16xi1>
    tpu.vector_store_idx %arg13[%min3A_1298], %get3A_1285 masked %and3A_1306 : memref<31264xf32, #tpu.memory_space<vmem>>[vector<16xi32>], vector<16xf32>, vector<16xi1>
    %eq3A_1307 = arith.constant 2 : i32
    %eq3A_1308 = vector.broadcast %eq3A_1307 : i32 to vector<16xi32>
    %eq3A_1309 = arith.cmpi eq, %iota3A, %eq3A_1308 : vector<16xi32>
    %and3A_1310 = arith.andi %and3A_1290, %eq3A_1309 : vector<16xi1>
    tpu.vector_store_idx %arg13[%min3A_1298], %get3A_1285 masked %and3A_1310 : memref<31264xf32, #tpu.memory_space<vmem>>[vector<16xi32>], vector<16xf32>, vector<16xi1>
    %eq3A_1311 = arith.constant 3 : i32
    %eq3A_1312 = vector.broadcast %eq3A_1311 : i32 to vector<16xi32>
    %eq3A_1313 = arith.cmpi eq, %iota3A, %eq3A_1312 : vector<16xi32>
    %and3A_1314 = arith.andi %and3A_1290, %eq3A_1313 : vector<16xi1>
    tpu.vector_store_idx %arg13[%min3A_1298], %get3A_1285 masked %and3A_1314 : memref<31264xf32, #tpu.memory_space<vmem>>[vector<16xi32>], vector<16xf32>, vector<16xi1>
    %eq3A_1315 = arith.constant 4 : i32
    %eq3A_1316 = vector.broadcast %eq3A_1315 : i32 to vector<16xi32>
    %eq3A_1317 = arith.cmpi eq, %iota3A, %eq3A_1316 : vector<16xi32>
    %and3A_1318 = arith.andi %and3A_1290, %eq3A_1317 : vector<16xi1>
    tpu.vector_store_idx %arg13[%min3A_1298], %get3A_1285 masked %and3A_1318 : memref<31264xf32, #tpu.memory_space<vmem>>[vector<16xi32>], vector<16xf32>, vector<16xi1>
    %eq3A_1319 = arith.constant 5 : i32
    %eq3A_1320 = vector.broadcast %eq3A_1319 : i32 to vector<16xi32>
    %eq3A_1321 = arith.cmpi eq, %iota3A, %eq3A_1320 : vector<16xi32>
    %and3A_1322 = arith.andi %and3A_1290, %eq3A_1321 : vector<16xi1>
    tpu.vector_store_idx %arg13[%min3A_1298], %get3A_1285 masked %and3A_1322 : memref<31264xf32, #tpu.memory_space<vmem>>[vector<16xi32>], vector<16xf32>, vector<16xi1>
    %eq3A_1323 = arith.constant 6 : i32
    %eq3A_1324 = vector.broadcast %eq3A_1323 : i32 to vector<16xi32>
    %eq3A_1325 = arith.cmpi eq, %iota3A, %eq3A_1324 : vector<16xi32>
    %and3A_1326 = arith.andi %and3A_1290, %eq3A_1325 : vector<16xi1>
    tpu.vector_store_idx %arg13[%min3A_1298], %get3A_1285 masked %and3A_1326 : memref<31264xf32, #tpu.memory_space<vmem>>[vector<16xi32>], vector<16xf32>, vector<16xi1>
    %eq3A_1327 = arith.constant 7 : i32
    %eq3A_1328 = vector.broadcast %eq3A_1327 : i32 to vector<16xi32>
    %eq3A_1329 = arith.cmpi eq, %iota3A, %eq3A_1328 : vector<16xi32>
    %and3A_1330 = arith.andi %and3A_1290, %eq3A_1329 : vector<16xi1>
    tpu.vector_store_idx %arg13[%min3A_1298], %get3A_1285 masked %and3A_1330 : memref<31264xf32, #tpu.memory_space<vmem>>[vector<16xi32>], vector<16xf32>, vector<16xi1>
    %eq3A_1331 = arith.constant 8 : i32
    %eq3A_1332 = vector.broadcast %eq3A_1331 : i32 to vector<16xi32>
    %eq3A_1333 = arith.cmpi eq, %iota3A, %eq3A_1332 : vector<16xi32>
    %and3A_1334 = arith.andi %and3A_1290, %eq3A_1333 : vector<16xi1>
    tpu.vector_store_idx %arg13[%min3A_1298], %get3A_1285 masked %and3A_1334 : memref<31264xf32, #tpu.memory_space<vmem>>[vector<16xi32>], vector<16xf32>, vector<16xi1>
    %eq3A_1335 = arith.constant 9 : i32
    %eq3A_1336 = vector.broadcast %eq3A_1335 : i32 to vector<16xi32>
    %eq3A_1337 = arith.cmpi eq, %iota3A, %eq3A_1336 : vector<16xi32>
    %and3A_1338 = arith.andi %and3A_1290, %eq3A_1337 : vector<16xi1>
    tpu.vector_store_idx %arg13[%min3A_1298], %get3A_1285 masked %and3A_1338 : memref<31264xf32, #tpu.memory_space<vmem>>[vector<16xi32>], vector<16xf32>, vector<16xi1>
    %eq3A_1339 = arith.constant 10 : i32
    %eq3A_1340 = vector.broadcast %eq3A_1339 : i32 to vector<16xi32>
    %eq3A_1341 = arith.cmpi eq, %iota3A, %eq3A_1340 : vector<16xi32>
    %and3A_1342 = arith.andi %and3A_1290, %eq3A_1341 : vector<16xi1>
    tpu.vector_store_idx %arg13[%min3A_1298], %get3A_1285 masked %and3A_1342 : memref<31264xf32, #tpu.memory_space<vmem>>[vector<16xi32>], vector<16xf32>, vector<16xi1>
    %eq3A_1343 = arith.constant 11 : i32
    %eq3A_1344 = vector.broadcast %eq3A_1343 : i32 to vector<16xi32>
    %eq3A_1345 = arith.cmpi eq, %iota3A, %eq3A_1344 : vector<16xi32>
    %and3A_1346 = arith.andi %and3A_1290, %eq3A_1345 : vector<16xi1>
    tpu.vector_store_idx %arg13[%min3A_1298], %get3A_1285 masked %and3A_1346 : memref<31264xf32, #tpu.memory_space<vmem>>[vector<16xi32>], vector<16xf32>, vector<16xi1>
    %eq3A_1347 = arith.constant 12 : i32
    %eq3A_1348 = vector.broadcast %eq3A_1347 : i32 to vector<16xi32>
    %eq3A_1349 = arith.cmpi eq, %iota3A, %eq3A_1348 : vector<16xi32>
    %and3A_1350 = arith.andi %and3A_1290, %eq3A_1349 : vector<16xi1>
    tpu.vector_store_idx %arg13[%min3A_1298], %get3A_1285 masked %and3A_1350 : memref<31264xf32, #tpu.memory_space<vmem>>[vector<16xi32>], vector<16xf32>, vector<16xi1>
    %eq3A_1351 = arith.constant 13 : i32
    %eq3A_1352 = vector.broadcast %eq3A_1351 : i32 to vector<16xi32>
    %eq3A_1353 = arith.cmpi eq, %iota3A, %eq3A_1352 : vector<16xi32>
    %and3A_1354 = arith.andi %and3A_1290, %eq3A_1353 : vector<16xi1>
    tpu.vector_store_idx %arg13[%min3A_1298], %get3A_1285 masked %and3A_1354 : memref<31264xf32, #tpu.memory_space<vmem>>[vector<16xi32>], vector<16xf32>, vector<16xi1>
    %eq3A_1355 = arith.constant 14 : i32
    %eq3A_1356 = vector.broadcast %eq3A_1355 : i32 to vector<16xi32>
    %eq3A_1357 = arith.cmpi eq, %iota3A, %eq3A_1356 : vector<16xi32>
    %and3A_1358 = arith.andi %and3A_1290, %eq3A_1357 : vector<16xi1>
    tpu.vector_store_idx %arg13[%min3A_1298], %get3A_1285 masked %and3A_1358 : memref<31264xf32, #tpu.memory_space<vmem>>[vector<16xi32>], vector<16xf32>, vector<16xi1>
    %eq3A_1359 = arith.constant 15 : i32
    %eq3A_1360 = vector.broadcast %eq3A_1359 : i32 to vector<16xi32>
    %eq3A_1361 = arith.cmpi eq, %iota3A, %eq3A_1360 : vector<16xi32>
    %and3A_1362 = arith.andi %and3A_1290, %eq3A_1361 : vector<16xi1>
    tpu.vector_store_idx %arg13[%min3A_1298], %get3A_1285 masked %and3A_1362 : memref<31264xf32, #tpu.memory_space<vmem>>[vector<16xi32>], vector<16xf32>, vector<16xi1>
    %get3A_1363 = arith.constant 48 : index
    %get3A_1364 = tpu.vector_load %arg10[%get3A_1363] {strides = array<i32>} : memref<208xi32, #tpu.memory_space<vmem>>, vector<16xi32>,
    %get3A_1365 = arith.constant 48 : index
    %get3A_1366 = tpu.vector_load %arg11[%get3A_1365] {strides = array<i32>} : memref<208xf32, #tpu.memory_space<vmem>>, vector<16xf32>,
    %ge3A_1367 = vector.broadcast %mul3A_2 : i32 to vector<16xi32>
    %ge3A_1368 = arith.cmpi sge, %get3A_1364, %ge3A_1367 : vector<16xi32>
    %lt3A_1369 = vector.broadcast %min3A_5 : i32 to vector<16xi32>
    %lt3A_1370 = arith.cmpi slt, %get3A_1364, %lt3A_1369 : vector<16xi32>
    %and3A_1371 = arith.andi %ge3A_1368, %lt3A_1370 : vector<16xi1>
    %sub3A_1372 = vector.broadcast %mul3A_2 : i32 to vector<16xi32>
    %sub3A_1373 = arith.subi %get3A_1364, %sub3A_1372 : vector<16xi32>
    %jit3A_1374 = arith.constant 0 : i32
    %jit3A_1375 = arith.constant 31263 : i32
    %max3A_1376 = vector.broadcast %jit3A_1374 : i32 to vector<16xi32>
    %max3A_1377 = arith.maxsi %max3A_1376, %sub3A_1373 : vector<16xi32>
    %min3A_1378 = vector.broadcast %jit3A_1375 : i32 to vector<16xi32>
    %min3A_1379 = arith.minsi %min3A_1378, %max3A_1377 : vector<16xi32>
    %eq3A_1380 = arith.constant 0 : i32
    %eq3A_1381 = vector.broadcast %eq3A_1380 : i32 to vector<16xi32>
    %eq3A_1382 = arith.cmpi eq, %iota3A, %eq3A_1381 : vector<16xi32>
    %and3A_1383 = arith.andi %and3A_1371, %eq3A_1382 : vector<16xi1>
    tpu.vector_store_idx %arg13[%min3A_1379], %get3A_1366 masked %and3A_1383 : memref<31264xf32, #tpu.memory_space<vmem>>[vector<16xi32>], vector<16xf32>, vector<16xi1>
    %eq3A_1384 = arith.constant 1 : i32
    %eq3A_1385 = vector.broadcast %eq3A_1384 : i32 to vector<16xi32>
    %eq3A_1386 = arith.cmpi eq, %iota3A, %eq3A_1385 : vector<16xi32>
    %and3A_1387 = arith.andi %and3A_1371, %eq3A_1386 : vector<16xi1>
    tpu.vector_store_idx %arg13[%min3A_1379], %get3A_1366 masked %and3A_1387 : memref<31264xf32, #tpu.memory_space<vmem>>[vector<16xi32>], vector<16xf32>, vector<16xi1>
    %eq3A_1388 = arith.constant 2 : i32
    %eq3A_1389 = vector.broadcast %eq3A_1388 : i32 to vector<16xi32>
    %eq3A_1390 = arith.cmpi eq, %iota3A, %eq3A_1389 : vector<16xi32>
    %and3A_1391 = arith.andi %and3A_1371, %eq3A_1390 : vector<16xi1>
    tpu.vector_store_idx %arg13[%min3A_1379], %get3A_1366 masked %and3A_1391 : memref<31264xf32, #tpu.memory_space<vmem>>[vector<16xi32>], vector<16xf32>, vector<16xi1>
    %eq3A_1392 = arith.constant 3 : i32
    %eq3A_1393 = vector.broadcast %eq3A_1392 : i32 to vector<16xi32>
    %eq3A_1394 = arith.cmpi eq, %iota3A, %eq3A_1393 : vector<16xi32>
    %and3A_1395 = arith.andi %and3A_1371, %eq3A_1394 : vector<16xi1>
    tpu.vector_store_idx %arg13[%min3A_1379], %get3A_1366 masked %and3A_1395 : memref<31264xf32, #tpu.memory_space<vmem>>[vector<16xi32>], vector<16xf32>, vector<16xi1>
    %eq3A_1396 = arith.constant 4 : i32
    %eq3A_1397 = vector.broadcast %eq3A_1396 : i32 to vector<16xi32>
    %eq3A_1398 = arith.cmpi eq, %iota3A, %eq3A_1397 : vector<16xi32>
    %and3A_1399 = arith.andi %and3A_1371, %eq3A_1398 : vector<16xi1>
    tpu.vector_store_idx %arg13[%min3A_1379], %get3A_1366 masked %and3A_1399 : memref<31264xf32, #tpu.memory_space<vmem>>[vector<16xi32>], vector<16xf32>, vector<16xi1>
    %eq3A_1400 = arith.constant 5 : i32
    %eq3A_1401 = vector.broadcast %eq3A_1400 : i32 to vector<16xi32>
    %eq3A_1402 = arith.cmpi eq, %iota3A, %eq3A_1401 : vector<16xi32>
    %and3A_1403 = arith.andi %and3A_1371, %eq3A_1402 : vector<16xi1>
    tpu.vector_store_idx %arg13[%min3A_1379], %get3A_1366 masked %and3A_1403 : memref<31264xf32, #tpu.memory_space<vmem>>[vector<16xi32>], vector<16xf32>, vector<16xi1>
    %eq3A_1404 = arith.constant 6 : i32
    %eq3A_1405 = vector.broadcast %eq3A_1404 : i32 to vector<16xi32>
    %eq3A_1406 = arith.cmpi eq, %iota3A, %eq3A_1405 : vector<16xi32>
    %and3A_1407 = arith.andi %and3A_1371, %eq3A_1406 : vector<16xi1>
    tpu.vector_store_idx %arg13[%min3A_1379], %get3A_1366 masked %and3A_1407 : memref<31264xf32, #tpu.memory_space<vmem>>[vector<16xi32>], vector<16xf32>, vector<16xi1>
    %eq3A_1408 = arith.constant 7 : i32
    %eq3A_1409 = vector.broadcast %eq3A_1408 : i32 to vector<16xi32>
    %eq3A_1410 = arith.cmpi eq, %iota3A, %eq3A_1409 : vector<16xi32>
    %and3A_1411 = arith.andi %and3A_1371, %eq3A_1410 : vector<16xi1>
    tpu.vector_store_idx %arg13[%min3A_1379], %get3A_1366 masked %and3A_1411 : memref<31264xf32, #tpu.memory_space<vmem>>[vector<16xi32>], vector<16xf32>, vector<16xi1>
    %eq3A_1412 = arith.constant 8 : i32
    %eq3A_1413 = vector.broadcast %eq3A_1412 : i32 to vector<16xi32>
    %eq3A_1414 = arith.cmpi eq, %iota3A, %eq3A_1413 : vector<16xi32>
    %and3A_1415 = arith.andi %and3A_1371, %eq3A_1414 : vector<16xi1>
    tpu.vector_store_idx %arg13[%min3A_1379], %get3A_1366 masked %and3A_1415 : memref<31264xf32, #tpu.memory_space<vmem>>[vector<16xi32>], vector<16xf32>, vector<16xi1>
    %eq3A_1416 = arith.constant 9 : i32
    %eq3A_1417 = vector.broadcast %eq3A_1416 : i32 to vector<16xi32>
    %eq3A_1418 = arith.cmpi eq, %iota3A, %eq3A_1417 : vector<16xi32>
    %and3A_1419 = arith.andi %and3A_1371, %eq3A_1418 : vector<16xi1>
    tpu.vector_store_idx %arg13[%min3A_1379], %get3A_1366 masked %and3A_1419 : memref<31264xf32, #tpu.memory_space<vmem>>[vector<16xi32>], vector<16xf32>, vector<16xi1>
    %eq3A_1420 = arith.constant 10 : i32
    %eq3A_1421 = vector.broadcast %eq3A_1420 : i32 to vector<16xi32>
    %eq3A_1422 = arith.cmpi eq, %iota3A, %eq3A_1421 : vector<16xi32>
    %and3A_1423 = arith.andi %and3A_1371, %eq3A_1422 : vector<16xi1>
    tpu.vector_store_idx %arg13[%min3A_1379], %get3A_1366 masked %and3A_1423 : memref<31264xf32, #tpu.memory_space<vmem>>[vector<16xi32>], vector<16xf32>, vector<16xi1>
    %eq3A_1424 = arith.constant 11 : i32
    %eq3A_1425 = vector.broadcast %eq3A_1424 : i32 to vector<16xi32>
    %eq3A_1426 = arith.cmpi eq, %iota3A, %eq3A_1425 : vector<16xi32>
    %and3A_1427 = arith.andi %and3A_1371, %eq3A_1426 : vector<16xi1>
    tpu.vector_store_idx %arg13[%min3A_1379], %get3A_1366 masked %and3A_1427 : memref<31264xf32, #tpu.memory_space<vmem>>[vector<16xi32>], vector<16xf32>, vector<16xi1>
    %eq3A_1428 = arith.constant 12 : i32
    %eq3A_1429 = vector.broadcast %eq3A_1428 : i32 to vector<16xi32>
    %eq3A_1430 = arith.cmpi eq, %iota3A, %eq3A_1429 : vector<16xi32>
    %and3A_1431 = arith.andi %and3A_1371, %eq3A_1430 : vector<16xi1>
    tpu.vector_store_idx %arg13[%min3A_1379], %get3A_1366 masked %and3A_1431 : memref<31264xf32, #tpu.memory_space<vmem>>[vector<16xi32>], vector<16xf32>, vector<16xi1>
    %eq3A_1432 = arith.constant 13 : i32
    %eq3A_1433 = vector.broadcast %eq3A_1432 : i32 to vector<16xi32>
    %eq3A_1434 = arith.cmpi eq, %iota3A, %eq3A_1433 : vector<16xi32>
    %and3A_1435 = arith.andi %and3A_1371, %eq3A_1434 : vector<16xi1>
    tpu.vector_store_idx %arg13[%min3A_1379], %get3A_1366 masked %and3A_1435 : memref<31264xf32, #tpu.memory_space<vmem>>[vector<16xi32>], vector<16xf32>, vector<16xi1>
    %eq3A_1436 = arith.constant 14 : i32
    %eq3A_1437 = vector.broadcast %eq3A_1436 : i32 to vector<16xi32>
    %eq3A_1438 = arith.cmpi eq, %iota3A, %eq3A_1437 : vector<16xi32>
    %and3A_1439 = arith.andi %and3A_1371, %eq3A_1438 : vector<16xi1>
    tpu.vector_store_idx %arg13[%min3A_1379], %get3A_1366 masked %and3A_1439 : memref<31264xf32, #tpu.memory_space<vmem>>[vector<16xi32>], vector<16xf32>, vector<16xi1>
    %eq3A_1440 = arith.constant 15 : i32
    %eq3A_1441 = vector.broadcast %eq3A_1440 : i32 to vector<16xi32>
    %eq3A_1442 = arith.cmpi eq, %iota3A, %eq3A_1441 : vector<16xi32>
    %and3A_1443 = arith.andi %and3A_1371, %eq3A_1442 : vector<16xi1>
    tpu.vector_store_idx %arg13[%min3A_1379], %get3A_1366 masked %and3A_1443 : memref<31264xf32, #tpu.memory_space<vmem>>[vector<16xi32>], vector<16xf32>, vector<16xi1>
    %get3A_1444 = arith.constant 64 : index
    %get3A_1445 = tpu.vector_load %arg10[%get3A_1444] {strides = array<i32>} : memref<208xi32, #tpu.memory_space<vmem>>, vector<16xi32>,
    %get3A_1446 = arith.constant 64 : index
    %get3A_1447 = tpu.vector_load %arg11[%get3A_1446] {strides = array<i32>} : memref<208xf32, #tpu.memory_space<vmem>>, vector<16xf32>,
    %ge3A_1448 = vector.broadcast %mul3A_2 : i32 to vector<16xi32>
    %ge3A_1449 = arith.cmpi sge, %get3A_1445, %ge3A_1448 : vector<16xi32>
    %lt3A_1450 = vector.broadcast %min3A_5 : i32 to vector<16xi32>
    %lt3A_1451 = arith.cmpi slt, %get3A_1445, %lt3A_1450 : vector<16xi32>
    %and3A_1452 = arith.andi %ge3A_1449, %lt3A_1451 : vector<16xi1>
    %sub3A_1453 = vector.broadcast %mul3A_2 : i32 to vector<16xi32>
    %sub3A_1454 = arith.subi %get3A_1445, %sub3A_1453 : vector<16xi32>
    %jit3A_1455 = arith.constant 0 : i32
    %jit3A_1456 = arith.constant 31263 : i32
    %max3A_1457 = vector.broadcast %jit3A_1455 : i32 to vector<16xi32>
    %max3A_1458 = arith.maxsi %max3A_1457, %sub3A_1454 : vector<16xi32>
    %min3A_1459 = vector.broadcast %jit3A_1456 : i32 to vector<16xi32>
    %min3A_1460 = arith.minsi %min3A_1459, %max3A_1458 : vector<16xi32>
    %eq3A_1461 = arith.constant 0 : i32
    %eq3A_1462 = vector.broadcast %eq3A_1461 : i32 to vector<16xi32>
    %eq3A_1463 = arith.cmpi eq, %iota3A, %eq3A_1462 : vector<16xi32>
    %and3A_1464 = arith.andi %and3A_1452, %eq3A_1463 : vector<16xi1>
    tpu.vector_store_idx %arg13[%min3A_1460], %get3A_1447 masked %and3A_1464 : memref<31264xf32, #tpu.memory_space<vmem>>[vector<16xi32>], vector<16xf32>, vector<16xi1>
    %eq3A_1465 = arith.constant 1 : i32
    %eq3A_1466 = vector.broadcast %eq3A_1465 : i32 to vector<16xi32>
    %eq3A_1467 = arith.cmpi eq, %iota3A, %eq3A_1466 : vector<16xi32>
    %and3A_1468 = arith.andi %and3A_1452, %eq3A_1467 : vector<16xi1>
    tpu.vector_store_idx %arg13[%min3A_1460], %get3A_1447 masked %and3A_1468 : memref<31264xf32, #tpu.memory_space<vmem>>[vector<16xi32>], vector<16xf32>, vector<16xi1>
    %eq3A_1469 = arith.constant 2 : i32
    %eq3A_1470 = vector.broadcast %eq3A_1469 : i32 to vector<16xi32>
    %eq3A_1471 = arith.cmpi eq, %iota3A, %eq3A_1470 : vector<16xi32>
    %and3A_1472 = arith.andi %and3A_1452, %eq3A_1471 : vector<16xi1>
    tpu.vector_store_idx %arg13[%min3A_1460], %get3A_1447 masked %and3A_1472 : memref<31264xf32, #tpu.memory_space<vmem>>[vector<16xi32>], vector<16xf32>, vector<16xi1>
    %eq3A_1473 = arith.constant 3 : i32
    %eq3A_1474 = vector.broadcast %eq3A_1473 : i32 to vector<16xi32>
    %eq3A_1475 = arith.cmpi eq, %iota3A, %eq3A_1474 : vector<16xi32>
    %and3A_1476 = arith.andi %and3A_1452, %eq3A_1475 : vector<16xi1>
    tpu.vector_store_idx %arg13[%min3A_1460], %get3A_1447 masked %and3A_1476 : memref<31264xf32, #tpu.memory_space<vmem>>[vector<16xi32>], vector<16xf32>, vector<16xi1>
    %eq3A_1477 = arith.constant 4 : i32
    %eq3A_1478 = vector.broadcast %eq3A_1477 : i32 to vector<16xi32>
    %eq3A_1479 = arith.cmpi eq, %iota3A, %eq3A_1478 : vector<16xi32>
    %and3A_1480 = arith.andi %and3A_1452, %eq3A_1479 : vector<16xi1>
    tpu.vector_store_idx %arg13[%min3A_1460], %get3A_1447 masked %and3A_1480 : memref<31264xf32, #tpu.memory_space<vmem>>[vector<16xi32>], vector<16xf32>, vector<16xi1>
    %eq3A_1481 = arith.constant 5 : i32
    %eq3A_1482 = vector.broadcast %eq3A_1481 : i32 to vector<16xi32>
    %eq3A_1483 = arith.cmpi eq, %iota3A, %eq3A_1482 : vector<16xi32>
    %and3A_1484 = arith.andi %and3A_1452, %eq3A_1483 : vector<16xi1>
    tpu.vector_store_idx %arg13[%min3A_1460], %get3A_1447 masked %and3A_1484 : memref<31264xf32, #tpu.memory_space<vmem>>[vector<16xi32>], vector<16xf32>, vector<16xi1>
    %eq3A_1485 = arith.constant 6 : i32
    %eq3A_1486 = vector.broadcast %eq3A_1485 : i32 to vector<16xi32>
    %eq3A_1487 = arith.cmpi eq, %iota3A, %eq3A_1486 : vector<16xi32>
    %and3A_1488 = arith.andi %and3A_1452, %eq3A_1487 : vector<16xi1>
    tpu.vector_store_idx %arg13[%min3A_1460], %get3A_1447 masked %and3A_1488 : memref<31264xf32, #tpu.memory_space<vmem>>[vector<16xi32>], vector<16xf32>, vector<16xi1>
    %eq3A_1489 = arith.constant 7 : i32
    %eq3A_1490 = vector.broadcast %eq3A_1489 : i32 to vector<16xi32>
    %eq3A_1491 = arith.cmpi eq, %iota3A, %eq3A_1490 : vector<16xi32>
    %and3A_1492 = arith.andi %and3A_1452, %eq3A_1491 : vector<16xi1>
    tpu.vector_store_idx %arg13[%min3A_1460], %get3A_1447 masked %and3A_1492 : memref<31264xf32, #tpu.memory_space<vmem>>[vector<16xi32>], vector<16xf32>, vector<16xi1>
    %eq3A_1493 = arith.constant 8 : i32
    %eq3A_1494 = vector.broadcast %eq3A_1493 : i32 to vector<16xi32>
    %eq3A_1495 = arith.cmpi eq, %iota3A, %eq3A_1494 : vector<16xi32>
    %and3A_1496 = arith.andi %and3A_1452, %eq3A_1495 : vector<16xi1>
    tpu.vector_store_idx %arg13[%min3A_1460], %get3A_1447 masked %and3A_1496 : memref<31264xf32, #tpu.memory_space<vmem>>[vector<16xi32>], vector<16xf32>, vector<16xi1>
    %eq3A_1497 = arith.constant 9 : i32
    %eq3A_1498 = vector.broadcast %eq3A_1497 : i32 to vector<16xi32>
    %eq3A_1499 = arith.cmpi eq, %iota3A, %eq3A_1498 : vector<16xi32>
    %and3A_1500 = arith.andi %and3A_1452, %eq3A_1499 : vector<16xi1>
    tpu.vector_store_idx %arg13[%min3A_1460], %get3A_1447 masked %and3A_1500 : memref<31264xf32, #tpu.memory_space<vmem>>[vector<16xi32>], vector<16xf32>, vector<16xi1>
    %eq3A_1501 = arith.constant 10 : i32
    %eq3A_1502 = vector.broadcast %eq3A_1501 : i32 to vector<16xi32>
    %eq3A_1503 = arith.cmpi eq, %iota3A, %eq3A_1502 : vector<16xi32>
    %and3A_1504 = arith.andi %and3A_1452, %eq3A_1503 : vector<16xi1>
    tpu.vector_store_idx %arg13[%min3A_1460], %get3A_1447 masked %and3A_1504 : memref<31264xf32, #tpu.memory_space<vmem>>[vector<16xi32>], vector<16xf32>, vector<16xi1>
    %eq3A_1505 = arith.constant 11 : i32
    %eq3A_1506 = vector.broadcast %eq3A_1505 : i32 to vector<16xi32>
    %eq3A_1507 = arith.cmpi eq, %iota3A, %eq3A_1506 : vector<16xi32>
    %and3A_1508 = arith.andi %and3A_1452, %eq3A_1507 : vector<16xi1>
    tpu.vector_store_idx %arg13[%min3A_1460], %get3A_1447 masked %and3A_1508 : memref<31264xf32, #tpu.memory_space<vmem>>[vector<16xi32>], vector<16xf32>, vector<16xi1>
    %eq3A_1509 = arith.constant 12 : i32
    %eq3A_1510 = vector.broadcast %eq3A_1509 : i32 to vector<16xi32>
    %eq3A_1511 = arith.cmpi eq, %iota3A, %eq3A_1510 : vector<16xi32>
    %and3A_1512 = arith.andi %and3A_1452, %eq3A_1511 : vector<16xi1>
    tpu.vector_store_idx %arg13[%min3A_1460], %get3A_1447 masked %and3A_1512 : memref<31264xf32, #tpu.memory_space<vmem>>[vector<16xi32>], vector<16xf32>, vector<16xi1>
    %eq3A_1513 = arith.constant 13 : i32
    %eq3A_1514 = vector.broadcast %eq3A_1513 : i32 to vector<16xi32>
    %eq3A_1515 = arith.cmpi eq, %iota3A, %eq3A_1514 : vector<16xi32>
    %and3A_1516 = arith.andi %and3A_1452, %eq3A_1515 : vector<16xi1>
    tpu.vector_store_idx %arg13[%min3A_1460], %get3A_1447 masked %and3A_1516 : memref<31264xf32, #tpu.memory_space<vmem>>[vector<16xi32>], vector<16xf32>, vector<16xi1>
    %eq3A_1517 = arith.constant 14 : i32
    %eq3A_1518 = vector.broadcast %eq3A_1517 : i32 to vector<16xi32>
    %eq3A_1519 = arith.cmpi eq, %iota3A, %eq3A_1518 : vector<16xi32>
    %and3A_1520 = arith.andi %and3A_1452, %eq3A_1519 : vector<16xi1>
    tpu.vector_store_idx %arg13[%min3A_1460], %get3A_1447 masked %and3A_1520 : memref<31264xf32, #tpu.memory_space<vmem>>[vector<16xi32>], vector<16xf32>, vector<16xi1>
    %eq3A_1521 = arith.constant 15 : i32
    %eq3A_1522 = vector.broadcast %eq3A_1521 : i32 to vector<16xi32>
    %eq3A_1523 = arith.cmpi eq, %iota3A, %eq3A_1522 : vector<16xi32>
    %and3A_1524 = arith.andi %and3A_1452, %eq3A_1523 : vector<16xi1>
    tpu.vector_store_idx %arg13[%min3A_1460], %get3A_1447 masked %and3A_1524 : memref<31264xf32, #tpu.memory_space<vmem>>[vector<16xi32>], vector<16xf32>, vector<16xi1>
    %get3A_1525 = arith.constant 80 : index
    %get3A_1526 = tpu.vector_load %arg10[%get3A_1525] {strides = array<i32>} : memref<208xi32, #tpu.memory_space<vmem>>, vector<16xi32>,
    %get3A_1527 = arith.constant 80 : index
    %get3A_1528 = tpu.vector_load %arg11[%get3A_1527] {strides = array<i32>} : memref<208xf32, #tpu.memory_space<vmem>>, vector<16xf32>,
    %ge3A_1529 = vector.broadcast %mul3A_2 : i32 to vector<16xi32>
    %ge3A_1530 = arith.cmpi sge, %get3A_1526, %ge3A_1529 : vector<16xi32>
    %lt3A_1531 = vector.broadcast %min3A_5 : i32 to vector<16xi32>
    %lt3A_1532 = arith.cmpi slt, %get3A_1526, %lt3A_1531 : vector<16xi32>
    %and3A_1533 = arith.andi %ge3A_1530, %lt3A_1532 : vector<16xi1>
    %sub3A_1534 = vector.broadcast %mul3A_2 : i32 to vector<16xi32>
    %sub3A_1535 = arith.subi %get3A_1526, %sub3A_1534 : vector<16xi32>
    %jit3A_1536 = arith.constant 0 : i32
    %jit3A_1537 = arith.constant 31263 : i32
    %max3A_1538 = vector.broadcast %jit3A_1536 : i32 to vector<16xi32>
    %max3A_1539 = arith.maxsi %max3A_1538, %sub3A_1535 : vector<16xi32>
    %min3A_1540 = vector.broadcast %jit3A_1537 : i32 to vector<16xi32>
    %min3A_1541 = arith.minsi %min3A_1540, %max3A_1539 : vector<16xi32>
    %eq3A_1542 = arith.constant 0 : i32
    %eq3A_1543 = vector.broadcast %eq3A_1542 : i32 to vector<16xi32>
    %eq3A_1544 = arith.cmpi eq, %iota3A, %eq3A_1543 : vector<16xi32>
    %and3A_1545 = arith.andi %and3A_1533, %eq3A_1544 : vector<16xi1>
    tpu.vector_store_idx %arg13[%min3A_1541], %get3A_1528 masked %and3A_1545 : memref<31264xf32, #tpu.memory_space<vmem>>[vector<16xi32>], vector<16xf32>, vector<16xi1>
    %eq3A_1546 = arith.constant 1 : i32
    %eq3A_1547 = vector.broadcast %eq3A_1546 : i32 to vector<16xi32>
    %eq3A_1548 = arith.cmpi eq, %iota3A, %eq3A_1547 : vector<16xi32>
    %and3A_1549 = arith.andi %and3A_1533, %eq3A_1548 : vector<16xi1>
    tpu.vector_store_idx %arg13[%min3A_1541], %get3A_1528 masked %and3A_1549 : memref<31264xf32, #tpu.memory_space<vmem>>[vector<16xi32>], vector<16xf32>, vector<16xi1>
    %eq3A_1550 = arith.constant 2 : i32
    %eq3A_1551 = vector.broadcast %eq3A_1550 : i32 to vector<16xi32>
    %eq3A_1552 = arith.cmpi eq, %iota3A, %eq3A_1551 : vector<16xi32>
    %and3A_1553 = arith.andi %and3A_1533, %eq3A_1552 : vector<16xi1>
    tpu.vector_store_idx %arg13[%min3A_1541], %get3A_1528 masked %and3A_1553 : memref<31264xf32, #tpu.memory_space<vmem>>[vector<16xi32>], vector<16xf32>, vector<16xi1>
    %eq3A_1554 = arith.constant 3 : i32
    %eq3A_1555 = vector.broadcast %eq3A_1554 : i32 to vector<16xi32>
    %eq3A_1556 = arith.cmpi eq, %iota3A, %eq3A_1555 : vector<16xi32>
    %and3A_1557 = arith.andi %and3A_1533, %eq3A_1556 : vector<16xi1>
    tpu.vector_store_idx %arg13[%min3A_1541], %get3A_1528 masked %and3A_1557 : memref<31264xf32, #tpu.memory_space<vmem>>[vector<16xi32>], vector<16xf32>, vector<16xi1>
    %eq3A_1558 = arith.constant 4 : i32
    %eq3A_1559 = vector.broadcast %eq3A_1558 : i32 to vector<16xi32>
    %eq3A_1560 = arith.cmpi eq, %iota3A, %eq3A_1559 : vector<16xi32>
    %and3A_1561 = arith.andi %and3A_1533, %eq3A_1560 : vector<16xi1>
    tpu.vector_store_idx %arg13[%min3A_1541], %get3A_1528 masked %and3A_1561 : memref<31264xf32, #tpu.memory_space<vmem>>[vector<16xi32>], vector<16xf32>, vector<16xi1>
    %eq3A_1562 = arith.constant 5 : i32
    %eq3A_1563 = vector.broadcast %eq3A_1562 : i32 to vector<16xi32>
    %eq3A_1564 = arith.cmpi eq, %iota3A, %eq3A_1563 : vector<16xi32>
    %and3A_1565 = arith.andi %and3A_1533, %eq3A_1564 : vector<16xi1>
    tpu.vector_store_idx %arg13[%min3A_1541], %get3A_1528 masked %and3A_1565 : memref<31264xf32, #tpu.memory_space<vmem>>[vector<16xi32>], vector<16xf32>, vector<16xi1>
    %eq3A_1566 = arith.constant 6 : i32
    %eq3A_1567 = vector.broadcast %eq3A_1566 : i32 to vector<16xi32>
    %eq3A_1568 = arith.cmpi eq, %iota3A, %eq3A_1567 : vector<16xi32>
    %and3A_1569 = arith.andi %and3A_1533, %eq3A_1568 : vector<16xi1>
    tpu.vector_store_idx %arg13[%min3A_1541], %get3A_1528 masked %and3A_1569 : memref<31264xf32, #tpu.memory_space<vmem>>[vector<16xi32>], vector<16xf32>, vector<16xi1>
    %eq3A_1570 = arith.constant 7 : i32
    %eq3A_1571 = vector.broadcast %eq3A_1570 : i32 to vector<16xi32>
    %eq3A_1572 = arith.cmpi eq, %iota3A, %eq3A_1571 : vector<16xi32>
    %and3A_1573 = arith.andi %and3A_1533, %eq3A_1572 : vector<16xi1>
    tpu.vector_store_idx %arg13[%min3A_1541], %get3A_1528 masked %and3A_1573 : memref<31264xf32, #tpu.memory_space<vmem>>[vector<16xi32>], vector<16xf32>, vector<16xi1>
    %eq3A_1574 = arith.constant 8 : i32
    %eq3A_1575 = vector.broadcast %eq3A_1574 : i32 to vector<16xi32>
    %eq3A_1576 = arith.cmpi eq, %iota3A, %eq3A_1575 : vector<16xi32>
    %and3A_1577 = arith.andi %and3A_1533, %eq3A_1576 : vector<16xi1>
    tpu.vector_store_idx %arg13[%min3A_1541], %get3A_1528 masked %and3A_1577 : memref<31264xf32, #tpu.memory_space<vmem>>[vector<16xi32>], vector<16xf32>, vector<16xi1>
    %eq3A_1578 = arith.constant 9 : i32
    %eq3A_1579 = vector.broadcast %eq3A_1578 : i32 to vector<16xi32>
    %eq3A_1580 = arith.cmpi eq, %iota3A, %eq3A_1579 : vector<16xi32>
    %and3A_1581 = arith.andi %and3A_1533, %eq3A_1580 : vector<16xi1>
    tpu.vector_store_idx %arg13[%min3A_1541], %get3A_1528 masked %and3A_1581 : memref<31264xf32, #tpu.memory_space<vmem>>[vector<16xi32>], vector<16xf32>, vector<16xi1>
    %eq3A_1582 = arith.constant 10 : i32
    %eq3A_1583 = vector.broadcast %eq3A_1582 : i32 to vector<16xi32>
    %eq3A_1584 = arith.cmpi eq, %iota3A, %eq3A_1583 : vector<16xi32>
    %and3A_1585 = arith.andi %and3A_1533, %eq3A_1584 : vector<16xi1>
    tpu.vector_store_idx %arg13[%min3A_1541], %get3A_1528 masked %and3A_1585 : memref<31264xf32, #tpu.memory_space<vmem>>[vector<16xi32>], vector<16xf32>, vector<16xi1>
    %eq3A_1586 = arith.constant 11 : i32
    %eq3A_1587 = vector.broadcast %eq3A_1586 : i32 to vector<16xi32>
    %eq3A_1588 = arith.cmpi eq, %iota3A, %eq3A_1587 : vector<16xi32>
    %and3A_1589 = arith.andi %and3A_1533, %eq3A_1588 : vector<16xi1>
    tpu.vector_store_idx %arg13[%min3A_1541], %get3A_1528 masked %and3A_1589 : memref<31264xf32, #tpu.memory_space<vmem>>[vector<16xi32>], vector<16xf32>, vector<16xi1>
    %eq3A_1590 = arith.constant 12 : i32
    %eq3A_1591 = vector.broadcast %eq3A_1590 : i32 to vector<16xi32>
    %eq3A_1592 = arith.cmpi eq, %iota3A, %eq3A_1591 : vector<16xi32>
    %and3A_1593 = arith.andi %and3A_1533, %eq3A_1592 : vector<16xi1>
    tpu.vector_store_idx %arg13[%min3A_1541], %get3A_1528 masked %and3A_1593 : memref<31264xf32, #tpu.memory_space<vmem>>[vector<16xi32>], vector<16xf32>, vector<16xi1>
    %eq3A_1594 = arith.constant 13 : i32
    %eq3A_1595 = vector.broadcast %eq3A_1594 : i32 to vector<16xi32>
    %eq3A_1596 = arith.cmpi eq, %iota3A, %eq3A_1595 : vector<16xi32>
    %and3A_1597 = arith.andi %and3A_1533, %eq3A_1596 : vector<16xi1>
    tpu.vector_store_idx %arg13[%min3A_1541], %get3A_1528 masked %and3A_1597 : memref<31264xf32, #tpu.memory_space<vmem>>[vector<16xi32>], vector<16xf32>, vector<16xi1>
    %eq3A_1598 = arith.constant 14 : i32
    %eq3A_1599 = vector.broadcast %eq3A_1598 : i32 to vector<16xi32>
    %eq3A_1600 = arith.cmpi eq, %iota3A, %eq3A_1599 : vector<16xi32>
    %and3A_1601 = arith.andi %and3A_1533, %eq3A_1600 : vector<16xi1>
    tpu.vector_store_idx %arg13[%min3A_1541], %get3A_1528 masked %and3A_1601 : memref<31264xf32, #tpu.memory_space<vmem>>[vector<16xi32>], vector<16xf32>, vector<16xi1>
    %eq3A_1602 = arith.constant 15 : i32
    %eq3A_1603 = vector.broadcast %eq3A_1602 : i32 to vector<16xi32>
    %eq3A_1604 = arith.cmpi eq, %iota3A, %eq3A_1603 : vector<16xi32>
    %and3A_1605 = arith.andi %and3A_1533, %eq3A_1604 : vector<16xi1>
    tpu.vector_store_idx %arg13[%min3A_1541], %get3A_1528 masked %and3A_1605 : memref<31264xf32, #tpu.memory_space<vmem>>[vector<16xi32>], vector<16xf32>, vector<16xi1>
    %get3A_1606 = arith.constant 96 : index
    %get3A_1607 = tpu.vector_load %arg10[%get3A_1606] {strides = array<i32>} : memref<208xi32, #tpu.memory_space<vmem>>, vector<16xi32>,
    %get3A_1608 = arith.constant 96 : index
    %get3A_1609 = tpu.vector_load %arg11[%get3A_1608] {strides = array<i32>} : memref<208xf32, #tpu.memory_space<vmem>>, vector<16xf32>,
    %ge3A_1610 = vector.broadcast %mul3A_2 : i32 to vector<16xi32>
    %ge3A_1611 = arith.cmpi sge, %get3A_1607, %ge3A_1610 : vector<16xi32>
    %lt3A_1612 = vector.broadcast %min3A_5 : i32 to vector<16xi32>
    %lt3A_1613 = arith.cmpi slt, %get3A_1607, %lt3A_1612 : vector<16xi32>
    %and3A_1614 = arith.andi %ge3A_1611, %lt3A_1613 : vector<16xi1>
    %sub3A_1615 = vector.broadcast %mul3A_2 : i32 to vector<16xi32>
    %sub3A_1616 = arith.subi %get3A_1607, %sub3A_1615 : vector<16xi32>
    %jit3A_1617 = arith.constant 0 : i32
    %jit3A_1618 = arith.constant 31263 : i32
    %max3A_1619 = vector.broadcast %jit3A_1617 : i32 to vector<16xi32>
    %max3A_1620 = arith.maxsi %max3A_1619, %sub3A_1616 : vector<16xi32>
    %min3A_1621 = vector.broadcast %jit3A_1618 : i32 to vector<16xi32>
    %min3A_1622 = arith.minsi %min3A_1621, %max3A_1620 : vector<16xi32>
    %eq3A_1623 = arith.constant 0 : i32
    %eq3A_1624 = vector.broadcast %eq3A_1623 : i32 to vector<16xi32>
    %eq3A_1625 = arith.cmpi eq, %iota3A, %eq3A_1624 : vector<16xi32>
    %and3A_1626 = arith.andi %and3A_1614, %eq3A_1625 : vector<16xi1>
    tpu.vector_store_idx %arg13[%min3A_1622], %get3A_1609 masked %and3A_1626 : memref<31264xf32, #tpu.memory_space<vmem>>[vector<16xi32>], vector<16xf32>, vector<16xi1>
    %eq3A_1627 = arith.constant 1 : i32
    %eq3A_1628 = vector.broadcast %eq3A_1627 : i32 to vector<16xi32>
    %eq3A_1629 = arith.cmpi eq, %iota3A, %eq3A_1628 : vector<16xi32>
    %and3A_1630 = arith.andi %and3A_1614, %eq3A_1629 : vector<16xi1>
    tpu.vector_store_idx %arg13[%min3A_1622], %get3A_1609 masked %and3A_1630 : memref<31264xf32, #tpu.memory_space<vmem>>[vector<16xi32>], vector<16xf32>, vector<16xi1>
    %eq3A_1631 = arith.constant 2 : i32
    %eq3A_1632 = vector.broadcast %eq3A_1631 : i32 to vector<16xi32>
    %eq3A_1633 = arith.cmpi eq, %iota3A, %eq3A_1632 : vector<16xi32>
    %and3A_1634 = arith.andi %and3A_1614, %eq3A_1633 : vector<16xi1>
    tpu.vector_store_idx %arg13[%min3A_1622], %get3A_1609 masked %and3A_1634 : memref<31264xf32, #tpu.memory_space<vmem>>[vector<16xi32>], vector<16xf32>, vector<16xi1>
    %eq3A_1635 = arith.constant 3 : i32
    %eq3A_1636 = vector.broadcast %eq3A_1635 : i32 to vector<16xi32>
    %eq3A_1637 = arith.cmpi eq, %iota3A, %eq3A_1636 : vector<16xi32>
    %and3A_1638 = arith.andi %and3A_1614, %eq3A_1637 : vector<16xi1>
    tpu.vector_store_idx %arg13[%min3A_1622], %get3A_1609 masked %and3A_1638 : memref<31264xf32, #tpu.memory_space<vmem>>[vector<16xi32>], vector<16xf32>, vector<16xi1>
    %eq3A_1639 = arith.constant 4 : i32
    %eq3A_1640 = vector.broadcast %eq3A_1639 : i32 to vector<16xi32>
    %eq3A_1641 = arith.cmpi eq, %iota3A, %eq3A_1640 : vector<16xi32>
    %and3A_1642 = arith.andi %and3A_1614, %eq3A_1641 : vector<16xi1>
    tpu.vector_store_idx %arg13[%min3A_1622], %get3A_1609 masked %and3A_1642 : memref<31264xf32, #tpu.memory_space<vmem>>[vector<16xi32>], vector<16xf32>, vector<16xi1>
    %eq3A_1643 = arith.constant 5 : i32
    %eq3A_1644 = vector.broadcast %eq3A_1643 : i32 to vector<16xi32>
    %eq3A_1645 = arith.cmpi eq, %iota3A, %eq3A_1644 : vector<16xi32>
    %and3A_1646 = arith.andi %and3A_1614, %eq3A_1645 : vector<16xi1>
    tpu.vector_store_idx %arg13[%min3A_1622], %get3A_1609 masked %and3A_1646 : memref<31264xf32, #tpu.memory_space<vmem>>[vector<16xi32>], vector<16xf32>, vector<16xi1>
    %eq3A_1647 = arith.constant 6 : i32
    %eq3A_1648 = vector.broadcast %eq3A_1647 : i32 to vector<16xi32>
    %eq3A_1649 = arith.cmpi eq, %iota3A, %eq3A_1648 : vector<16xi32>
    %and3A_1650 = arith.andi %and3A_1614, %eq3A_1649 : vector<16xi1>
    tpu.vector_store_idx %arg13[%min3A_1622], %get3A_1609 masked %and3A_1650 : memref<31264xf32, #tpu.memory_space<vmem>>[vector<16xi32>], vector<16xf32>, vector<16xi1>
    %eq3A_1651 = arith.constant 7 : i32
    %eq3A_1652 = vector.broadcast %eq3A_1651 : i32 to vector<16xi32>
    %eq3A_1653 = arith.cmpi eq, %iota3A, %eq3A_1652 : vector<16xi32>
    %and3A_1654 = arith.andi %and3A_1614, %eq3A_1653 : vector<16xi1>
    tpu.vector_store_idx %arg13[%min3A_1622], %get3A_1609 masked %and3A_1654 : memref<31264xf32, #tpu.memory_space<vmem>>[vector<16xi32>], vector<16xf32>, vector<16xi1>
    %eq3A_1655 = arith.constant 8 : i32
    %eq3A_1656 = vector.broadcast %eq3A_1655 : i32 to vector<16xi32>
    %eq3A_1657 = arith.cmpi eq, %iota3A, %eq3A_1656 : vector<16xi32>
    %and3A_1658 = arith.andi %and3A_1614, %eq3A_1657 : vector<16xi1>
    tpu.vector_store_idx %arg13[%min3A_1622], %get3A_1609 masked %and3A_1658 : memref<31264xf32, #tpu.memory_space<vmem>>[vector<16xi32>], vector<16xf32>, vector<16xi1>
    %eq3A_1659 = arith.constant 9 : i32
    %eq3A_1660 = vector.broadcast %eq3A_1659 : i32 to vector<16xi32>
    %eq3A_1661 = arith.cmpi eq, %iota3A, %eq3A_1660 : vector<16xi32>
    %and3A_1662 = arith.andi %and3A_1614, %eq3A_1661 : vector<16xi1>
    tpu.vector_store_idx %arg13[%min3A_1622], %get3A_1609 masked %and3A_1662 : memref<31264xf32, #tpu.memory_space<vmem>>[vector<16xi32>], vector<16xf32>, vector<16xi1>
    %eq3A_1663 = arith.constant 10 : i32
    %eq3A_1664 = vector.broadcast %eq3A_1663 : i32 to vector<16xi32>
    %eq3A_1665 = arith.cmpi eq, %iota3A, %eq3A_1664 : vector<16xi32>
    %and3A_1666 = arith.andi %and3A_1614, %eq3A_1665 : vector<16xi1>
    tpu.vector_store_idx %arg13[%min3A_1622], %get3A_1609 masked %and3A_1666 : memref<31264xf32, #tpu.memory_space<vmem>>[vector<16xi32>], vector<16xf32>, vector<16xi1>
    %eq3A_1667 = arith.constant 11 : i32
    %eq3A_1668 = vector.broadcast %eq3A_1667 : i32 to vector<16xi32>
    %eq3A_1669 = arith.cmpi eq, %iota3A, %eq3A_1668 : vector<16xi32>
    %and3A_1670 = arith.andi %and3A_1614, %eq3A_1669 : vector<16xi1>
    tpu.vector_store_idx %arg13[%min3A_1622], %get3A_1609 masked %and3A_1670 : memref<31264xf32, #tpu.memory_space<vmem>>[vector<16xi32>], vector<16xf32>, vector<16xi1>
    %eq3A_1671 = arith.constant 12 : i32
    %eq3A_1672 = vector.broadcast %eq3A_1671 : i32 to vector<16xi32>
    %eq3A_1673 = arith.cmpi eq, %iota3A, %eq3A_1672 : vector<16xi32>
    %and3A_1674 = arith.andi %and3A_1614, %eq3A_1673 : vector<16xi1>
    tpu.vector_store_idx %arg13[%min3A_1622], %get3A_1609 masked %and3A_1674 : memref<31264xf32, #tpu.memory_space<vmem>>[vector<16xi32>], vector<16xf32>, vector<16xi1>
    %eq3A_1675 = arith.constant 13 : i32
    %eq3A_1676 = vector.broadcast %eq3A_1675 : i32 to vector<16xi32>
    %eq3A_1677 = arith.cmpi eq, %iota3A, %eq3A_1676 : vector<16xi32>
    %and3A_1678 = arith.andi %and3A_1614, %eq3A_1677 : vector<16xi1>
    tpu.vector_store_idx %arg13[%min3A_1622], %get3A_1609 masked %and3A_1678 : memref<31264xf32, #tpu.memory_space<vmem>>[vector<16xi32>], vector<16xf32>, vector<16xi1>
    %eq3A_1679 = arith.constant 14 : i32
    %eq3A_1680 = vector.broadcast %eq3A_1679 : i32 to vector<16xi32>
    %eq3A_1681 = arith.cmpi eq, %iota3A, %eq3A_1680 : vector<16xi32>
    %and3A_1682 = arith.andi %and3A_1614, %eq3A_1681 : vector<16xi1>
    tpu.vector_store_idx %arg13[%min3A_1622], %get3A_1609 masked %and3A_1682 : memref<31264xf32, #tpu.memory_space<vmem>>[vector<16xi32>], vector<16xf32>, vector<16xi1>
    %eq3A_1683 = arith.constant 15 : i32
    %eq3A_1684 = vector.broadcast %eq3A_1683 : i32 to vector<16xi32>
    %eq3A_1685 = arith.cmpi eq, %iota3A, %eq3A_1684 : vector<16xi32>
    %and3A_1686 = arith.andi %and3A_1614, %eq3A_1685 : vector<16xi1>
    tpu.vector_store_idx %arg13[%min3A_1622], %get3A_1609 masked %and3A_1686 : memref<31264xf32, #tpu.memory_space<vmem>>[vector<16xi32>], vector<16xf32>, vector<16xi1>
    %get3A_1687 = arith.constant 112 : index
    %get3A_1688 = tpu.vector_load %arg10[%get3A_1687] {strides = array<i32>} : memref<208xi32, #tpu.memory_space<vmem>>, vector<16xi32>,
    %get3A_1689 = arith.constant 112 : index
    %get3A_1690 = tpu.vector_load %arg11[%get3A_1689] {strides = array<i32>} : memref<208xf32, #tpu.memory_space<vmem>>, vector<16xf32>,
    %ge3A_1691 = vector.broadcast %mul3A_2 : i32 to vector<16xi32>
    %ge3A_1692 = arith.cmpi sge, %get3A_1688, %ge3A_1691 : vector<16xi32>
    %lt3A_1693 = vector.broadcast %min3A_5 : i32 to vector<16xi32>
    %lt3A_1694 = arith.cmpi slt, %get3A_1688, %lt3A_1693 : vector<16xi32>
    %and3A_1695 = arith.andi %ge3A_1692, %lt3A_1694 : vector<16xi1>
    %sub3A_1696 = vector.broadcast %mul3A_2 : i32 to vector<16xi32>
    %sub3A_1697 = arith.subi %get3A_1688, %sub3A_1696 : vector<16xi32>
    %jit3A_1698 = arith.constant 0 : i32
    %jit3A_1699 = arith.constant 31263 : i32
    %max3A_1700 = vector.broadcast %jit3A_1698 : i32 to vector<16xi32>
    %max3A_1701 = arith.maxsi %max3A_1700, %sub3A_1697 : vector<16xi32>
    %min3A_1702 = vector.broadcast %jit3A_1699 : i32 to vector<16xi32>
    %min3A_1703 = arith.minsi %min3A_1702, %max3A_1701 : vector<16xi32>
    %eq3A_1704 = arith.constant 0 : i32
    %eq3A_1705 = vector.broadcast %eq3A_1704 : i32 to vector<16xi32>
    %eq3A_1706 = arith.cmpi eq, %iota3A, %eq3A_1705 : vector<16xi32>
    %and3A_1707 = arith.andi %and3A_1695, %eq3A_1706 : vector<16xi1>
    tpu.vector_store_idx %arg13[%min3A_1703], %get3A_1690 masked %and3A_1707 : memref<31264xf32, #tpu.memory_space<vmem>>[vector<16xi32>], vector<16xf32>, vector<16xi1>
    %eq3A_1708 = arith.constant 1 : i32
    %eq3A_1709 = vector.broadcast %eq3A_1708 : i32 to vector<16xi32>
    %eq3A_1710 = arith.cmpi eq, %iota3A, %eq3A_1709 : vector<16xi32>
    %and3A_1711 = arith.andi %and3A_1695, %eq3A_1710 : vector<16xi1>
    tpu.vector_store_idx %arg13[%min3A_1703], %get3A_1690 masked %and3A_1711 : memref<31264xf32, #tpu.memory_space<vmem>>[vector<16xi32>], vector<16xf32>, vector<16xi1>
    %eq3A_1712 = arith.constant 2 : i32
    %eq3A_1713 = vector.broadcast %eq3A_1712 : i32 to vector<16xi32>
    %eq3A_1714 = arith.cmpi eq, %iota3A, %eq3A_1713 : vector<16xi32>
    %and3A_1715 = arith.andi %and3A_1695, %eq3A_1714 : vector<16xi1>
    tpu.vector_store_idx %arg13[%min3A_1703], %get3A_1690 masked %and3A_1715 : memref<31264xf32, #tpu.memory_space<vmem>>[vector<16xi32>], vector<16xf32>, vector<16xi1>
    %eq3A_1716 = arith.constant 3 : i32
    %eq3A_1717 = vector.broadcast %eq3A_1716 : i32 to vector<16xi32>
    %eq3A_1718 = arith.cmpi eq, %iota3A, %eq3A_1717 : vector<16xi32>
    %and3A_1719 = arith.andi %and3A_1695, %eq3A_1718 : vector<16xi1>
    tpu.vector_store_idx %arg13[%min3A_1703], %get3A_1690 masked %and3A_1719 : memref<31264xf32, #tpu.memory_space<vmem>>[vector<16xi32>], vector<16xf32>, vector<16xi1>
    %eq3A_1720 = arith.constant 4 : i32
    %eq3A_1721 = vector.broadcast %eq3A_1720 : i32 to vector<16xi32>
    %eq3A_1722 = arith.cmpi eq, %iota3A, %eq3A_1721 : vector<16xi32>
    %and3A_1723 = arith.andi %and3A_1695, %eq3A_1722 : vector<16xi1>
    tpu.vector_store_idx %arg13[%min3A_1703], %get3A_1690 masked %and3A_1723 : memref<31264xf32, #tpu.memory_space<vmem>>[vector<16xi32>], vector<16xf32>, vector<16xi1>
    %eq3A_1724 = arith.constant 5 : i32
    %eq3A_1725 = vector.broadcast %eq3A_1724 : i32 to vector<16xi32>
    %eq3A_1726 = arith.cmpi eq, %iota3A, %eq3A_1725 : vector<16xi32>
    %and3A_1727 = arith.andi %and3A_1695, %eq3A_1726 : vector<16xi1>
    tpu.vector_store_idx %arg13[%min3A_1703], %get3A_1690 masked %and3A_1727 : memref<31264xf32, #tpu.memory_space<vmem>>[vector<16xi32>], vector<16xf32>, vector<16xi1>
    %eq3A_1728 = arith.constant 6 : i32
    %eq3A_1729 = vector.broadcast %eq3A_1728 : i32 to vector<16xi32>
    %eq3A_1730 = arith.cmpi eq, %iota3A, %eq3A_1729 : vector<16xi32>
    %and3A_1731 = arith.andi %and3A_1695, %eq3A_1730 : vector<16xi1>
    tpu.vector_store_idx %arg13[%min3A_1703], %get3A_1690 masked %and3A_1731 : memref<31264xf32, #tpu.memory_space<vmem>>[vector<16xi32>], vector<16xf32>, vector<16xi1>
    %eq3A_1732 = arith.constant 7 : i32
    %eq3A_1733 = vector.broadcast %eq3A_1732 : i32 to vector<16xi32>
    %eq3A_1734 = arith.cmpi eq, %iota3A, %eq3A_1733 : vector<16xi32>
    %and3A_1735 = arith.andi %and3A_1695, %eq3A_1734 : vector<16xi1>
    tpu.vector_store_idx %arg13[%min3A_1703], %get3A_1690 masked %and3A_1735 : memref<31264xf32, #tpu.memory_space<vmem>>[vector<16xi32>], vector<16xf32>, vector<16xi1>
    %eq3A_1736 = arith.constant 8 : i32
    %eq3A_1737 = vector.broadcast %eq3A_1736 : i32 to vector<16xi32>
    %eq3A_1738 = arith.cmpi eq, %iota3A, %eq3A_1737 : vector<16xi32>
    %and3A_1739 = arith.andi %and3A_1695, %eq3A_1738 : vector<16xi1>
    tpu.vector_store_idx %arg13[%min3A_1703], %get3A_1690 masked %and3A_1739 : memref<31264xf32, #tpu.memory_space<vmem>>[vector<16xi32>], vector<16xf32>, vector<16xi1>
    %eq3A_1740 = arith.constant 9 : i32
    %eq3A_1741 = vector.broadcast %eq3A_1740 : i32 to vector<16xi32>
    %eq3A_1742 = arith.cmpi eq, %iota3A, %eq3A_1741 : vector<16xi32>
    %and3A_1743 = arith.andi %and3A_1695, %eq3A_1742 : vector<16xi1>
    tpu.vector_store_idx %arg13[%min3A_1703], %get3A_1690 masked %and3A_1743 : memref<31264xf32, #tpu.memory_space<vmem>>[vector<16xi32>], vector<16xf32>, vector<16xi1>
    %eq3A_1744 = arith.constant 10 : i32
    %eq3A_1745 = vector.broadcast %eq3A_1744 : i32 to vector<16xi32>
    %eq3A_1746 = arith.cmpi eq, %iota3A, %eq3A_1745 : vector<16xi32>
    %and3A_1747 = arith.andi %and3A_1695, %eq3A_1746 : vector<16xi1>
    tpu.vector_store_idx %arg13[%min3A_1703], %get3A_1690 masked %and3A_1747 : memref<31264xf32, #tpu.memory_space<vmem>>[vector<16xi32>], vector<16xf32>, vector<16xi1>
    %eq3A_1748 = arith.constant 11 : i32
    %eq3A_1749 = vector.broadcast %eq3A_1748 : i32 to vector<16xi32>
    %eq3A_1750 = arith.cmpi eq, %iota3A, %eq3A_1749 : vector<16xi32>
    %and3A_1751 = arith.andi %and3A_1695, %eq3A_1750 : vector<16xi1>
    tpu.vector_store_idx %arg13[%min3A_1703], %get3A_1690 masked %and3A_1751 : memref<31264xf32, #tpu.memory_space<vmem>>[vector<16xi32>], vector<16xf32>, vector<16xi1>
    %eq3A_1752 = arith.constant 12 : i32
    %eq3A_1753 = vector.broadcast %eq3A_1752 : i32 to vector<16xi32>
    %eq3A_1754 = arith.cmpi eq, %iota3A, %eq3A_1753 : vector<16xi32>
    %and3A_1755 = arith.andi %and3A_1695, %eq3A_1754 : vector<16xi1>
    tpu.vector_store_idx %arg13[%min3A_1703], %get3A_1690 masked %and3A_1755 : memref<31264xf32, #tpu.memory_space<vmem>>[vector<16xi32>], vector<16xf32>, vector<16xi1>
    %eq3A_1756 = arith.constant 13 : i32
    %eq3A_1757 = vector.broadcast %eq3A_1756 : i32 to vector<16xi32>
    %eq3A_1758 = arith.cmpi eq, %iota3A, %eq3A_1757 : vector<16xi32>
    %and3A_1759 = arith.andi %and3A_1695, %eq3A_1758 : vector<16xi1>
    tpu.vector_store_idx %arg13[%min3A_1703], %get3A_1690 masked %and3A_1759 : memref<31264xf32, #tpu.memory_space<vmem>>[vector<16xi32>], vector<16xf32>, vector<16xi1>
    %eq3A_1760 = arith.constant 14 : i32
    %eq3A_1761 = vector.broadcast %eq3A_1760 : i32 to vector<16xi32>
    %eq3A_1762 = arith.cmpi eq, %iota3A, %eq3A_1761 : vector<16xi32>
    %and3A_1763 = arith.andi %and3A_1695, %eq3A_1762 : vector<16xi1>
    tpu.vector_store_idx %arg13[%min3A_1703], %get3A_1690 masked %and3A_1763 : memref<31264xf32, #tpu.memory_space<vmem>>[vector<16xi32>], vector<16xf32>, vector<16xi1>
    %eq3A_1764 = arith.constant 15 : i32
    %eq3A_1765 = vector.broadcast %eq3A_1764 : i32 to vector<16xi32>
    %eq3A_1766 = arith.cmpi eq, %iota3A, %eq3A_1765 : vector<16xi32>
    %and3A_1767 = arith.andi %and3A_1695, %eq3A_1766 : vector<16xi1>
    tpu.vector_store_idx %arg13[%min3A_1703], %get3A_1690 masked %and3A_1767 : memref<31264xf32, #tpu.memory_space<vmem>>[vector<16xi32>], vector<16xf32>, vector<16xi1>
    %get3A_1768 = arith.constant 128 : index
    %get3A_1769 = tpu.vector_load %arg10[%get3A_1768] {strides = array<i32>} : memref<208xi32, #tpu.memory_space<vmem>>, vector<16xi32>,
    %get3A_1770 = arith.constant 128 : index
    %get3A_1771 = tpu.vector_load %arg11[%get3A_1770] {strides = array<i32>} : memref<208xf32, #tpu.memory_space<vmem>>, vector<16xf32>,
    %ge3A_1772 = vector.broadcast %mul3A_2 : i32 to vector<16xi32>
    %ge3A_1773 = arith.cmpi sge, %get3A_1769, %ge3A_1772 : vector<16xi32>
    %lt3A_1774 = vector.broadcast %min3A_5 : i32 to vector<16xi32>
    %lt3A_1775 = arith.cmpi slt, %get3A_1769, %lt3A_1774 : vector<16xi32>
    %and3A_1776 = arith.andi %ge3A_1773, %lt3A_1775 : vector<16xi1>
    %sub3A_1777 = vector.broadcast %mul3A_2 : i32 to vector<16xi32>
    %sub3A_1778 = arith.subi %get3A_1769, %sub3A_1777 : vector<16xi32>
    %jit3A_1779 = arith.constant 0 : i32
    %jit3A_1780 = arith.constant 31263 : i32
    %max3A_1781 = vector.broadcast %jit3A_1779 : i32 to vector<16xi32>
    %max3A_1782 = arith.maxsi %max3A_1781, %sub3A_1778 : vector<16xi32>
    %min3A_1783 = vector.broadcast %jit3A_1780 : i32 to vector<16xi32>
    %min3A_1784 = arith.minsi %min3A_1783, %max3A_1782 : vector<16xi32>
    %eq3A_1785 = arith.constant 0 : i32
    %eq3A_1786 = vector.broadcast %eq3A_1785 : i32 to vector<16xi32>
    %eq3A_1787 = arith.cmpi eq, %iota3A, %eq3A_1786 : vector<16xi32>
    %and3A_1788 = arith.andi %and3A_1776, %eq3A_1787 : vector<16xi1>
    tpu.vector_store_idx %arg13[%min3A_1784], %get3A_1771 masked %and3A_1788 : memref<31264xf32, #tpu.memory_space<vmem>>[vector<16xi32>], vector<16xf32>, vector<16xi1>
    %eq3A_1789 = arith.constant 1 : i32
    %eq3A_1790 = vector.broadcast %eq3A_1789 : i32 to vector<16xi32>
    %eq3A_1791 = arith.cmpi eq, %iota3A, %eq3A_1790 : vector<16xi32>
    %and3A_1792 = arith.andi %and3A_1776, %eq3A_1791 : vector<16xi1>
    tpu.vector_store_idx %arg13[%min3A_1784], %get3A_1771 masked %and3A_1792 : memref<31264xf32, #tpu.memory_space<vmem>>[vector<16xi32>], vector<16xf32>, vector<16xi1>
    %eq3A_1793 = arith.constant 2 : i32
    %eq3A_1794 = vector.broadcast %eq3A_1793 : i32 to vector<16xi32>
    %eq3A_1795 = arith.cmpi eq, %iota3A, %eq3A_1794 : vector<16xi32>
    %and3A_1796 = arith.andi %and3A_1776, %eq3A_1795 : vector<16xi1>
    tpu.vector_store_idx %arg13[%min3A_1784], %get3A_1771 masked %and3A_1796 : memref<31264xf32, #tpu.memory_space<vmem>>[vector<16xi32>], vector<16xf32>, vector<16xi1>
    %eq3A_1797 = arith.constant 3 : i32
    %eq3A_1798 = vector.broadcast %eq3A_1797 : i32 to vector<16xi32>
    %eq3A_1799 = arith.cmpi eq, %iota3A, %eq3A_1798 : vector<16xi32>
    %and3A_1800 = arith.andi %and3A_1776, %eq3A_1799 : vector<16xi1>
    tpu.vector_store_idx %arg13[%min3A_1784], %get3A_1771 masked %and3A_1800 : memref<31264xf32, #tpu.memory_space<vmem>>[vector<16xi32>], vector<16xf32>, vector<16xi1>
    %eq3A_1801 = arith.constant 4 : i32
    %eq3A_1802 = vector.broadcast %eq3A_1801 : i32 to vector<16xi32>
    %eq3A_1803 = arith.cmpi eq, %iota3A, %eq3A_1802 : vector<16xi32>
    %and3A_1804 = arith.andi %and3A_1776, %eq3A_1803 : vector<16xi1>
    tpu.vector_store_idx %arg13[%min3A_1784], %get3A_1771 masked %and3A_1804 : memref<31264xf32, #tpu.memory_space<vmem>>[vector<16xi32>], vector<16xf32>, vector<16xi1>
    %eq3A_1805 = arith.constant 5 : i32
    %eq3A_1806 = vector.broadcast %eq3A_1805 : i32 to vector<16xi32>
    %eq3A_1807 = arith.cmpi eq, %iota3A, %eq3A_1806 : vector<16xi32>
    %and3A_1808 = arith.andi %and3A_1776, %eq3A_1807 : vector<16xi1>
    tpu.vector_store_idx %arg13[%min3A_1784], %get3A_1771 masked %and3A_1808 : memref<31264xf32, #tpu.memory_space<vmem>>[vector<16xi32>], vector<16xf32>, vector<16xi1>
    %eq3A_1809 = arith.constant 6 : i32
    %eq3A_1810 = vector.broadcast %eq3A_1809 : i32 to vector<16xi32>
    %eq3A_1811 = arith.cmpi eq, %iota3A, %eq3A_1810 : vector<16xi32>
    %and3A_1812 = arith.andi %and3A_1776, %eq3A_1811 : vector<16xi1>
    tpu.vector_store_idx %arg13[%min3A_1784], %get3A_1771 masked %and3A_1812 : memref<31264xf32, #tpu.memory_space<vmem>>[vector<16xi32>], vector<16xf32>, vector<16xi1>
    %eq3A_1813 = arith.constant 7 : i32
    %eq3A_1814 = vector.broadcast %eq3A_1813 : i32 to vector<16xi32>
    %eq3A_1815 = arith.cmpi eq, %iota3A, %eq3A_1814 : vector<16xi32>
    %and3A_1816 = arith.andi %and3A_1776, %eq3A_1815 : vector<16xi1>
    tpu.vector_store_idx %arg13[%min3A_1784], %get3A_1771 masked %and3A_1816 : memref<31264xf32, #tpu.memory_space<vmem>>[vector<16xi32>], vector<16xf32>, vector<16xi1>
    %eq3A_1817 = arith.constant 8 : i32
    %eq3A_1818 = vector.broadcast %eq3A_1817 : i32 to vector<16xi32>
    %eq3A_1819 = arith.cmpi eq, %iota3A, %eq3A_1818 : vector<16xi32>
    %and3A_1820 = arith.andi %and3A_1776, %eq3A_1819 : vector<16xi1>
    tpu.vector_store_idx %arg13[%min3A_1784], %get3A_1771 masked %and3A_1820 : memref<31264xf32, #tpu.memory_space<vmem>>[vector<16xi32>], vector<16xf32>, vector<16xi1>
    %eq3A_1821 = arith.constant 9 : i32
    %eq3A_1822 = vector.broadcast %eq3A_1821 : i32 to vector<16xi32>
    %eq3A_1823 = arith.cmpi eq, %iota3A, %eq3A_1822 : vector<16xi32>
    %and3A_1824 = arith.andi %and3A_1776, %eq3A_1823 : vector<16xi1>
    tpu.vector_store_idx %arg13[%min3A_1784], %get3A_1771 masked %and3A_1824 : memref<31264xf32, #tpu.memory_space<vmem>>[vector<16xi32>], vector<16xf32>, vector<16xi1>
    %eq3A_1825 = arith.constant 10 : i32
    %eq3A_1826 = vector.broadcast %eq3A_1825 : i32 to vector<16xi32>
    %eq3A_1827 = arith.cmpi eq, %iota3A, %eq3A_1826 : vector<16xi32>
    %and3A_1828 = arith.andi %and3A_1776, %eq3A_1827 : vector<16xi1>
    tpu.vector_store_idx %arg13[%min3A_1784], %get3A_1771 masked %and3A_1828 : memref<31264xf32, #tpu.memory_space<vmem>>[vector<16xi32>], vector<16xf32>, vector<16xi1>
    %eq3A_1829 = arith.constant 11 : i32
    %eq3A_1830 = vector.broadcast %eq3A_1829 : i32 to vector<16xi32>
    %eq3A_1831 = arith.cmpi eq, %iota3A, %eq3A_1830 : vector<16xi32>
    %and3A_1832 = arith.andi %and3A_1776, %eq3A_1831 : vector<16xi1>
    tpu.vector_store_idx %arg13[%min3A_1784], %get3A_1771 masked %and3A_1832 : memref<31264xf32, #tpu.memory_space<vmem>>[vector<16xi32>], vector<16xf32>, vector<16xi1>
    %eq3A_1833 = arith.constant 12 : i32
    %eq3A_1834 = vector.broadcast %eq3A_1833 : i32 to vector<16xi32>
    %eq3A_1835 = arith.cmpi eq, %iota3A, %eq3A_1834 : vector<16xi32>
    %and3A_1836 = arith.andi %and3A_1776, %eq3A_1835 : vector<16xi1>
    tpu.vector_store_idx %arg13[%min3A_1784], %get3A_1771 masked %and3A_1836 : memref<31264xf32, #tpu.memory_space<vmem>>[vector<16xi32>], vector<16xf32>, vector<16xi1>
    %eq3A_1837 = arith.constant 13 : i32
    %eq3A_1838 = vector.broadcast %eq3A_1837 : i32 to vector<16xi32>
    %eq3A_1839 = arith.cmpi eq, %iota3A, %eq3A_1838 : vector<16xi32>
    %and3A_1840 = arith.andi %and3A_1776, %eq3A_1839 : vector<16xi1>
    tpu.vector_store_idx %arg13[%min3A_1784], %get3A_1771 masked %and3A_1840 : memref<31264xf32, #tpu.memory_space<vmem>>[vector<16xi32>], vector<16xf32>, vector<16xi1>
    %eq3A_1841 = arith.constant 14 : i32
    %eq3A_1842 = vector.broadcast %eq3A_1841 : i32 to vector<16xi32>
    %eq3A_1843 = arith.cmpi eq, %iota3A, %eq3A_1842 : vector<16xi32>
    %and3A_1844 = arith.andi %and3A_1776, %eq3A_1843 : vector<16xi1>
    tpu.vector_store_idx %arg13[%min3A_1784], %get3A_1771 masked %and3A_1844 : memref<31264xf32, #tpu.memory_space<vmem>>[vector<16xi32>], vector<16xf32>, vector<16xi1>
    %eq3A_1845 = arith.constant 15 : i32
    %eq3A_1846 = vector.broadcast %eq3A_1845 : i32 to vector<16xi32>
    %eq3A_1847 = arith.cmpi eq, %iota3A, %eq3A_1846 : vector<16xi32>
    %and3A_1848 = arith.andi %and3A_1776, %eq3A_1847 : vector<16xi1>
    tpu.vector_store_idx %arg13[%min3A_1784], %get3A_1771 masked %and3A_1848 : memref<31264xf32, #tpu.memory_space<vmem>>[vector<16xi32>], vector<16xf32>, vector<16xi1>
    %get3A_1849 = arith.constant 144 : index
    %get3A_1850 = tpu.vector_load %arg10[%get3A_1849] {strides = array<i32>} : memref<208xi32, #tpu.memory_space<vmem>>, vector<16xi32>,
    %get3A_1851 = arith.constant 144 : index
    %get3A_1852 = tpu.vector_load %arg11[%get3A_1851] {strides = array<i32>} : memref<208xf32, #tpu.memory_space<vmem>>, vector<16xf32>,
    %ge3A_1853 = vector.broadcast %mul3A_2 : i32 to vector<16xi32>
    %ge3A_1854 = arith.cmpi sge, %get3A_1850, %ge3A_1853 : vector<16xi32>
    %lt3A_1855 = vector.broadcast %min3A_5 : i32 to vector<16xi32>
    %lt3A_1856 = arith.cmpi slt, %get3A_1850, %lt3A_1855 : vector<16xi32>
    %and3A_1857 = arith.andi %ge3A_1854, %lt3A_1856 : vector<16xi1>
    %sub3A_1858 = vector.broadcast %mul3A_2 : i32 to vector<16xi32>
    %sub3A_1859 = arith.subi %get3A_1850, %sub3A_1858 : vector<16xi32>
    %jit3A_1860 = arith.constant 0 : i32
    %jit3A_1861 = arith.constant 31263 : i32
    %max3A_1862 = vector.broadcast %jit3A_1860 : i32 to vector<16xi32>
    %max3A_1863 = arith.maxsi %max3A_1862, %sub3A_1859 : vector<16xi32>
    %min3A_1864 = vector.broadcast %jit3A_1861 : i32 to vector<16xi32>
    %min3A_1865 = arith.minsi %min3A_1864, %max3A_1863 : vector<16xi32>
    %eq3A_1866 = arith.constant 0 : i32
    %eq3A_1867 = vector.broadcast %eq3A_1866 : i32 to vector<16xi32>
    %eq3A_1868 = arith.cmpi eq, %iota3A, %eq3A_1867 : vector<16xi32>
    %and3A_1869 = arith.andi %and3A_1857, %eq3A_1868 : vector<16xi1>
    tpu.vector_store_idx %arg13[%min3A_1865], %get3A_1852 masked %and3A_1869 : memref<31264xf32, #tpu.memory_space<vmem>>[vector<16xi32>], vector<16xf32>, vector<16xi1>
    %eq3A_1870 = arith.constant 1 : i32
    %eq3A_1871 = vector.broadcast %eq3A_1870 : i32 to vector<16xi32>
    %eq3A_1872 = arith.cmpi eq, %iota3A, %eq3A_1871 : vector<16xi32>
    %and3A_1873 = arith.andi %and3A_1857, %eq3A_1872 : vector<16xi1>
    tpu.vector_store_idx %arg13[%min3A_1865], %get3A_1852 masked %and3A_1873 : memref<31264xf32, #tpu.memory_space<vmem>>[vector<16xi32>], vector<16xf32>, vector<16xi1>
    %eq3A_1874 = arith.constant 2 : i32
    %eq3A_1875 = vector.broadcast %eq3A_1874 : i32 to vector<16xi32>
    %eq3A_1876 = arith.cmpi eq, %iota3A, %eq3A_1875 : vector<16xi32>
    %and3A_1877 = arith.andi %and3A_1857, %eq3A_1876 : vector<16xi1>
    tpu.vector_store_idx %arg13[%min3A_1865], %get3A_1852 masked %and3A_1877 : memref<31264xf32, #tpu.memory_space<vmem>>[vector<16xi32>], vector<16xf32>, vector<16xi1>
    %eq3A_1878 = arith.constant 3 : i32
    %eq3A_1879 = vector.broadcast %eq3A_1878 : i32 to vector<16xi32>
    %eq3A_1880 = arith.cmpi eq, %iota3A, %eq3A_1879 : vector<16xi32>
    %and3A_1881 = arith.andi %and3A_1857, %eq3A_1880 : vector<16xi1>
    tpu.vector_store_idx %arg13[%min3A_1865], %get3A_1852 masked %and3A_1881 : memref<31264xf32, #tpu.memory_space<vmem>>[vector<16xi32>], vector<16xf32>, vector<16xi1>
    %eq3A_1882 = arith.constant 4 : i32
    %eq3A_1883 = vector.broadcast %eq3A_1882 : i32 to vector<16xi32>
    %eq3A_1884 = arith.cmpi eq, %iota3A, %eq3A_1883 : vector<16xi32>
    %and3A_1885 = arith.andi %and3A_1857, %eq3A_1884 : vector<16xi1>
    tpu.vector_store_idx %arg13[%min3A_1865], %get3A_1852 masked %and3A_1885 : memref<31264xf32, #tpu.memory_space<vmem>>[vector<16xi32>], vector<16xf32>, vector<16xi1>
    %eq3A_1886 = arith.constant 5 : i32
    %eq3A_1887 = vector.broadcast %eq3A_1886 : i32 to vector<16xi32>
    %eq3A_1888 = arith.cmpi eq, %iota3A, %eq3A_1887 : vector<16xi32>
    %and3A_1889 = arith.andi %and3A_1857, %eq3A_1888 : vector<16xi1>
    tpu.vector_store_idx %arg13[%min3A_1865], %get3A_1852 masked %and3A_1889 : memref<31264xf32, #tpu.memory_space<vmem>>[vector<16xi32>], vector<16xf32>, vector<16xi1>
    %eq3A_1890 = arith.constant 6 : i32
    %eq3A_1891 = vector.broadcast %eq3A_1890 : i32 to vector<16xi32>
    %eq3A_1892 = arith.cmpi eq, %iota3A, %eq3A_1891 : vector<16xi32>
    %and3A_1893 = arith.andi %and3A_1857, %eq3A_1892 : vector<16xi1>
    tpu.vector_store_idx %arg13[%min3A_1865], %get3A_1852 masked %and3A_1893 : memref<31264xf32, #tpu.memory_space<vmem>>[vector<16xi32>], vector<16xf32>, vector<16xi1>
    %eq3A_1894 = arith.constant 7 : i32
    %eq3A_1895 = vector.broadcast %eq3A_1894 : i32 to vector<16xi32>
    %eq3A_1896 = arith.cmpi eq, %iota3A, %eq3A_1895 : vector<16xi32>
    %and3A_1897 = arith.andi %and3A_1857, %eq3A_1896 : vector<16xi1>
    tpu.vector_store_idx %arg13[%min3A_1865], %get3A_1852 masked %and3A_1897 : memref<31264xf32, #tpu.memory_space<vmem>>[vector<16xi32>], vector<16xf32>, vector<16xi1>
    %eq3A_1898 = arith.constant 8 : i32
    %eq3A_1899 = vector.broadcast %eq3A_1898 : i32 to vector<16xi32>
    %eq3A_1900 = arith.cmpi eq, %iota3A, %eq3A_1899 : vector<16xi32>
    %and3A_1901 = arith.andi %and3A_1857, %eq3A_1900 : vector<16xi1>
    tpu.vector_store_idx %arg13[%min3A_1865], %get3A_1852 masked %and3A_1901 : memref<31264xf32, #tpu.memory_space<vmem>>[vector<16xi32>], vector<16xf32>, vector<16xi1>
    %eq3A_1902 = arith.constant 9 : i32
    %eq3A_1903 = vector.broadcast %eq3A_1902 : i32 to vector<16xi32>
    %eq3A_1904 = arith.cmpi eq, %iota3A, %eq3A_1903 : vector<16xi32>
    %and3A_1905 = arith.andi %and3A_1857, %eq3A_1904 : vector<16xi1>
    tpu.vector_store_idx %arg13[%min3A_1865], %get3A_1852 masked %and3A_1905 : memref<31264xf32, #tpu.memory_space<vmem>>[vector<16xi32>], vector<16xf32>, vector<16xi1>
    %eq3A_1906 = arith.constant 10 : i32
    %eq3A_1907 = vector.broadcast %eq3A_1906 : i32 to vector<16xi32>
    %eq3A_1908 = arith.cmpi eq, %iota3A, %eq3A_1907 : vector<16xi32>
    %and3A_1909 = arith.andi %and3A_1857, %eq3A_1908 : vector<16xi1>
    tpu.vector_store_idx %arg13[%min3A_1865], %get3A_1852 masked %and3A_1909 : memref<31264xf32, #tpu.memory_space<vmem>>[vector<16xi32>], vector<16xf32>, vector<16xi1>
    %eq3A_1910 = arith.constant 11 : i32
    %eq3A_1911 = vector.broadcast %eq3A_1910 : i32 to vector<16xi32>
    %eq3A_1912 = arith.cmpi eq, %iota3A, %eq3A_1911 : vector<16xi32>
    %and3A_1913 = arith.andi %and3A_1857, %eq3A_1912 : vector<16xi1>
    tpu.vector_store_idx %arg13[%min3A_1865], %get3A_1852 masked %and3A_1913 : memref<31264xf32, #tpu.memory_space<vmem>>[vector<16xi32>], vector<16xf32>, vector<16xi1>
    %eq3A_1914 = arith.constant 12 : i32
    %eq3A_1915 = vector.broadcast %eq3A_1914 : i32 to vector<16xi32>
    %eq3A_1916 = arith.cmpi eq, %iota3A, %eq3A_1915 : vector<16xi32>
    %and3A_1917 = arith.andi %and3A_1857, %eq3A_1916 : vector<16xi1>
    tpu.vector_store_idx %arg13[%min3A_1865], %get3A_1852 masked %and3A_1917 : memref<31264xf32, #tpu.memory_space<vmem>>[vector<16xi32>], vector<16xf32>, vector<16xi1>
    %eq3A_1918 = arith.constant 13 : i32
    %eq3A_1919 = vector.broadcast %eq3A_1918 : i32 to vector<16xi32>
    %eq3A_1920 = arith.cmpi eq, %iota3A, %eq3A_1919 : vector<16xi32>
    %and3A_1921 = arith.andi %and3A_1857, %eq3A_1920 : vector<16xi1>
    tpu.vector_store_idx %arg13[%min3A_1865], %get3A_1852 masked %and3A_1921 : memref<31264xf32, #tpu.memory_space<vmem>>[vector<16xi32>], vector<16xf32>, vector<16xi1>
    %eq3A_1922 = arith.constant 14 : i32
    %eq3A_1923 = vector.broadcast %eq3A_1922 : i32 to vector<16xi32>
    %eq3A_1924 = arith.cmpi eq, %iota3A, %eq3A_1923 : vector<16xi32>
    %and3A_1925 = arith.andi %and3A_1857, %eq3A_1924 : vector<16xi1>
    tpu.vector_store_idx %arg13[%min3A_1865], %get3A_1852 masked %and3A_1925 : memref<31264xf32, #tpu.memory_space<vmem>>[vector<16xi32>], vector<16xf32>, vector<16xi1>
    %eq3A_1926 = arith.constant 15 : i32
    %eq3A_1927 = vector.broadcast %eq3A_1926 : i32 to vector<16xi32>
    %eq3A_1928 = arith.cmpi eq, %iota3A, %eq3A_1927 : vector<16xi32>
    %and3A_1929 = arith.andi %and3A_1857, %eq3A_1928 : vector<16xi1>
    tpu.vector_store_idx %arg13[%min3A_1865], %get3A_1852 masked %and3A_1929 : memref<31264xf32, #tpu.memory_space<vmem>>[vector<16xi32>], vector<16xf32>, vector<16xi1>
    %get3A_1930 = arith.constant 160 : index
    %get3A_1931 = tpu.vector_load %arg10[%get3A_1930] {strides = array<i32>} : memref<208xi32, #tpu.memory_space<vmem>>, vector<16xi32>,
    %get3A_1932 = arith.constant 160 : index
    %get3A_1933 = tpu.vector_load %arg11[%get3A_1932] {strides = array<i32>} : memref<208xf32, #tpu.memory_space<vmem>>, vector<16xf32>,
    %ge3A_1934 = vector.broadcast %mul3A_2 : i32 to vector<16xi32>
    %ge3A_1935 = arith.cmpi sge, %get3A_1931, %ge3A_1934 : vector<16xi32>
    %lt3A_1936 = vector.broadcast %min3A_5 : i32 to vector<16xi32>
    %lt3A_1937 = arith.cmpi slt, %get3A_1931, %lt3A_1936 : vector<16xi32>
    %and3A_1938 = arith.andi %ge3A_1935, %lt3A_1937 : vector<16xi1>
    %sub3A_1939 = vector.broadcast %mul3A_2 : i32 to vector<16xi32>
    %sub3A_1940 = arith.subi %get3A_1931, %sub3A_1939 : vector<16xi32>
    %jit3A_1941 = arith.constant 0 : i32
    %jit3A_1942 = arith.constant 31263 : i32
    %max3A_1943 = vector.broadcast %jit3A_1941 : i32 to vector<16xi32>
    %max3A_1944 = arith.maxsi %max3A_1943, %sub3A_1940 : vector<16xi32>
    %min3A_1945 = vector.broadcast %jit3A_1942 : i32 to vector<16xi32>
    %min3A_1946 = arith.minsi %min3A_1945, %max3A_1944 : vector<16xi32>
    %eq3A_1947 = arith.constant 0 : i32
    %eq3A_1948 = vector.broadcast %eq3A_1947 : i32 to vector<16xi32>
    %eq3A_1949 = arith.cmpi eq, %iota3A, %eq3A_1948 : vector<16xi32>
    %and3A_1950 = arith.andi %and3A_1938, %eq3A_1949 : vector<16xi1>
    tpu.vector_store_idx %arg13[%min3A_1946], %get3A_1933 masked %and3A_1950 : memref<31264xf32, #tpu.memory_space<vmem>>[vector<16xi32>], vector<16xf32>, vector<16xi1>
    %eq3A_1951 = arith.constant 1 : i32
    %eq3A_1952 = vector.broadcast %eq3A_1951 : i32 to vector<16xi32>
    %eq3A_1953 = arith.cmpi eq, %iota3A, %eq3A_1952 : vector<16xi32>
    %and3A_1954 = arith.andi %and3A_1938, %eq3A_1953 : vector<16xi1>
    tpu.vector_store_idx %arg13[%min3A_1946], %get3A_1933 masked %and3A_1954 : memref<31264xf32, #tpu.memory_space<vmem>>[vector<16xi32>], vector<16xf32>, vector<16xi1>
    %eq3A_1955 = arith.constant 2 : i32
    %eq3A_1956 = vector.broadcast %eq3A_1955 : i32 to vector<16xi32>
    %eq3A_1957 = arith.cmpi eq, %iota3A, %eq3A_1956 : vector<16xi32>
    %and3A_1958 = arith.andi %and3A_1938, %eq3A_1957 : vector<16xi1>
    tpu.vector_store_idx %arg13[%min3A_1946], %get3A_1933 masked %and3A_1958 : memref<31264xf32, #tpu.memory_space<vmem>>[vector<16xi32>], vector<16xf32>, vector<16xi1>
    %eq3A_1959 = arith.constant 3 : i32
    %eq3A_1960 = vector.broadcast %eq3A_1959 : i32 to vector<16xi32>
    %eq3A_1961 = arith.cmpi eq, %iota3A, %eq3A_1960 : vector<16xi32>
    %and3A_1962 = arith.andi %and3A_1938, %eq3A_1961 : vector<16xi1>
    tpu.vector_store_idx %arg13[%min3A_1946], %get3A_1933 masked %and3A_1962 : memref<31264xf32, #tpu.memory_space<vmem>>[vector<16xi32>], vector<16xf32>, vector<16xi1>
    %eq3A_1963 = arith.constant 4 : i32
    %eq3A_1964 = vector.broadcast %eq3A_1963 : i32 to vector<16xi32>
    %eq3A_1965 = arith.cmpi eq, %iota3A, %eq3A_1964 : vector<16xi32>
    %and3A_1966 = arith.andi %and3A_1938, %eq3A_1965 : vector<16xi1>
    tpu.vector_store_idx %arg13[%min3A_1946], %get3A_1933 masked %and3A_1966 : memref<31264xf32, #tpu.memory_space<vmem>>[vector<16xi32>], vector<16xf32>, vector<16xi1>
    %eq3A_1967 = arith.constant 5 : i32
    %eq3A_1968 = vector.broadcast %eq3A_1967 : i32 to vector<16xi32>
    %eq3A_1969 = arith.cmpi eq, %iota3A, %eq3A_1968 : vector<16xi32>
    %and3A_1970 = arith.andi %and3A_1938, %eq3A_1969 : vector<16xi1>
    tpu.vector_store_idx %arg13[%min3A_1946], %get3A_1933 masked %and3A_1970 : memref<31264xf32, #tpu.memory_space<vmem>>[vector<16xi32>], vector<16xf32>, vector<16xi1>
    %eq3A_1971 = arith.constant 6 : i32
    %eq3A_1972 = vector.broadcast %eq3A_1971 : i32 to vector<16xi32>
    %eq3A_1973 = arith.cmpi eq, %iota3A, %eq3A_1972 : vector<16xi32>
    %and3A_1974 = arith.andi %and3A_1938, %eq3A_1973 : vector<16xi1>
    tpu.vector_store_idx %arg13[%min3A_1946], %get3A_1933 masked %and3A_1974 : memref<31264xf32, #tpu.memory_space<vmem>>[vector<16xi32>], vector<16xf32>, vector<16xi1>
    %eq3A_1975 = arith.constant 7 : i32
    %eq3A_1976 = vector.broadcast %eq3A_1975 : i32 to vector<16xi32>
    %eq3A_1977 = arith.cmpi eq, %iota3A, %eq3A_1976 : vector<16xi32>
    %and3A_1978 = arith.andi %and3A_1938, %eq3A_1977 : vector<16xi1>
    tpu.vector_store_idx %arg13[%min3A_1946], %get3A_1933 masked %and3A_1978 : memref<31264xf32, #tpu.memory_space<vmem>>[vector<16xi32>], vector<16xf32>, vector<16xi1>
    %eq3A_1979 = arith.constant 8 : i32
    %eq3A_1980 = vector.broadcast %eq3A_1979 : i32 to vector<16xi32>
    %eq3A_1981 = arith.cmpi eq, %iota3A, %eq3A_1980 : vector<16xi32>
    %and3A_1982 = arith.andi %and3A_1938, %eq3A_1981 : vector<16xi1>
    tpu.vector_store_idx %arg13[%min3A_1946], %get3A_1933 masked %and3A_1982 : memref<31264xf32, #tpu.memory_space<vmem>>[vector<16xi32>], vector<16xf32>, vector<16xi1>
    %eq3A_1983 = arith.constant 9 : i32
    %eq3A_1984 = vector.broadcast %eq3A_1983 : i32 to vector<16xi32>
    %eq3A_1985 = arith.cmpi eq, %iota3A, %eq3A_1984 : vector<16xi32>
    %and3A_1986 = arith.andi %and3A_1938, %eq3A_1985 : vector<16xi1>
    tpu.vector_store_idx %arg13[%min3A_1946], %get3A_1933 masked %and3A_1986 : memref<31264xf32, #tpu.memory_space<vmem>>[vector<16xi32>], vector<16xf32>, vector<16xi1>
    %eq3A_1987 = arith.constant 10 : i32
    %eq3A_1988 = vector.broadcast %eq3A_1987 : i32 to vector<16xi32>
    %eq3A_1989 = arith.cmpi eq, %iota3A, %eq3A_1988 : vector<16xi32>
    %and3A_1990 = arith.andi %and3A_1938, %eq3A_1989 : vector<16xi1>
    tpu.vector_store_idx %arg13[%min3A_1946], %get3A_1933 masked %and3A_1990 : memref<31264xf32, #tpu.memory_space<vmem>>[vector<16xi32>], vector<16xf32>, vector<16xi1>
    %eq3A_1991 = arith.constant 11 : i32
    %eq3A_1992 = vector.broadcast %eq3A_1991 : i32 to vector<16xi32>
    %eq3A_1993 = arith.cmpi eq, %iota3A, %eq3A_1992 : vector<16xi32>
    %and3A_1994 = arith.andi %and3A_1938, %eq3A_1993 : vector<16xi1>
    tpu.vector_store_idx %arg13[%min3A_1946], %get3A_1933 masked %and3A_1994 : memref<31264xf32, #tpu.memory_space<vmem>>[vector<16xi32>], vector<16xf32>, vector<16xi1>
    %eq3A_1995 = arith.constant 12 : i32
    %eq3A_1996 = vector.broadcast %eq3A_1995 : i32 to vector<16xi32>
    %eq3A_1997 = arith.cmpi eq, %iota3A, %eq3A_1996 : vector<16xi32>
    %and3A_1998 = arith.andi %and3A_1938, %eq3A_1997 : vector<16xi1>
    tpu.vector_store_idx %arg13[%min3A_1946], %get3A_1933 masked %and3A_1998 : memref<31264xf32, #tpu.memory_space<vmem>>[vector<16xi32>], vector<16xf32>, vector<16xi1>
    %eq3A_1999 = arith.constant 13 : i32
    %eq3A_2000 = vector.broadcast %eq3A_1999 : i32 to vector<16xi32>
    %eq3A_2001 = arith.cmpi eq, %iota3A, %eq3A_2000 : vector<16xi32>
    %and3A_2002 = arith.andi %and3A_1938, %eq3A_2001 : vector<16xi1>
    tpu.vector_store_idx %arg13[%min3A_1946], %get3A_1933 masked %and3A_2002 : memref<31264xf32, #tpu.memory_space<vmem>>[vector<16xi32>], vector<16xf32>, vector<16xi1>
    %eq3A_2003 = arith.constant 14 : i32
    %eq3A_2004 = vector.broadcast %eq3A_2003 : i32 to vector<16xi32>
    %eq3A_2005 = arith.cmpi eq, %iota3A, %eq3A_2004 : vector<16xi32>
    %and3A_2006 = arith.andi %and3A_1938, %eq3A_2005 : vector<16xi1>
    tpu.vector_store_idx %arg13[%min3A_1946], %get3A_1933 masked %and3A_2006 : memref<31264xf32, #tpu.memory_space<vmem>>[vector<16xi32>], vector<16xf32>, vector<16xi1>
    %eq3A_2007 = arith.constant 15 : i32
    %eq3A_2008 = vector.broadcast %eq3A_2007 : i32 to vector<16xi32>
    %eq3A_2009 = arith.cmpi eq, %iota3A, %eq3A_2008 : vector<16xi32>
    %and3A_2010 = arith.andi %and3A_1938, %eq3A_2009 : vector<16xi1>
    tpu.vector_store_idx %arg13[%min3A_1946], %get3A_1933 masked %and3A_2010 : memref<31264xf32, #tpu.memory_space<vmem>>[vector<16xi32>], vector<16xf32>, vector<16xi1>
    %get3A_2011 = arith.constant 176 : index
    %get3A_2012 = tpu.vector_load %arg10[%get3A_2011] {strides = array<i32>} : memref<208xi32, #tpu.memory_space<vmem>>, vector<16xi32>,
    %get3A_2013 = arith.constant 176 : index
    %get3A_2014 = tpu.vector_load %arg11[%get3A_2013] {strides = array<i32>} : memref<208xf32, #tpu.memory_space<vmem>>, vector<16xf32>,
    %ge3A_2015 = vector.broadcast %mul3A_2 : i32 to vector<16xi32>
    %ge3A_2016 = arith.cmpi sge, %get3A_2012, %ge3A_2015 : vector<16xi32>
    %lt3A_2017 = vector.broadcast %min3A_5 : i32 to vector<16xi32>
    %lt3A_2018 = arith.cmpi slt, %get3A_2012, %lt3A_2017 : vector<16xi32>
    %and3A_2019 = arith.andi %ge3A_2016, %lt3A_2018 : vector<16xi1>
    %sub3A_2020 = vector.broadcast %mul3A_2 : i32 to vector<16xi32>
    %sub3A_2021 = arith.subi %get3A_2012, %sub3A_2020 : vector<16xi32>
    %jit3A_2022 = arith.constant 0 : i32
    %jit3A_2023 = arith.constant 31263 : i32
    %max3A_2024 = vector.broadcast %jit3A_2022 : i32 to vector<16xi32>
    %max3A_2025 = arith.maxsi %max3A_2024, %sub3A_2021 : vector<16xi32>
    %min3A_2026 = vector.broadcast %jit3A_2023 : i32 to vector<16xi32>
    %min3A_2027 = arith.minsi %min3A_2026, %max3A_2025 : vector<16xi32>
    %eq3A_2028 = arith.constant 0 : i32
    %eq3A_2029 = vector.broadcast %eq3A_2028 : i32 to vector<16xi32>
    %eq3A_2030 = arith.cmpi eq, %iota3A, %eq3A_2029 : vector<16xi32>
    %and3A_2031 = arith.andi %and3A_2019, %eq3A_2030 : vector<16xi1>
    tpu.vector_store_idx %arg13[%min3A_2027], %get3A_2014 masked %and3A_2031 : memref<31264xf32, #tpu.memory_space<vmem>>[vector<16xi32>], vector<16xf32>, vector<16xi1>
    %eq3A_2032 = arith.constant 1 : i32
    %eq3A_2033 = vector.broadcast %eq3A_2032 : i32 to vector<16xi32>
    %eq3A_2034 = arith.cmpi eq, %iota3A, %eq3A_2033 : vector<16xi32>
    %and3A_2035 = arith.andi %and3A_2019, %eq3A_2034 : vector<16xi1>
    tpu.vector_store_idx %arg13[%min3A_2027], %get3A_2014 masked %and3A_2035 : memref<31264xf32, #tpu.memory_space<vmem>>[vector<16xi32>], vector<16xf32>, vector<16xi1>
    %eq3A_2036 = arith.constant 2 : i32
    %eq3A_2037 = vector.broadcast %eq3A_2036 : i32 to vector<16xi32>
    %eq3A_2038 = arith.cmpi eq, %iota3A, %eq3A_2037 : vector<16xi32>
    %and3A_2039 = arith.andi %and3A_2019, %eq3A_2038 : vector<16xi1>
    tpu.vector_store_idx %arg13[%min3A_2027], %get3A_2014 masked %and3A_2039 : memref<31264xf32, #tpu.memory_space<vmem>>[vector<16xi32>], vector<16xf32>, vector<16xi1>
    %eq3A_2040 = arith.constant 3 : i32
    %eq3A_2041 = vector.broadcast %eq3A_2040 : i32 to vector<16xi32>
    %eq3A_2042 = arith.cmpi eq, %iota3A, %eq3A_2041 : vector<16xi32>
    %and3A_2043 = arith.andi %and3A_2019, %eq3A_2042 : vector<16xi1>
    tpu.vector_store_idx %arg13[%min3A_2027], %get3A_2014 masked %and3A_2043 : memref<31264xf32, #tpu.memory_space<vmem>>[vector<16xi32>], vector<16xf32>, vector<16xi1>
    %eq3A_2044 = arith.constant 4 : i32
    %eq3A_2045 = vector.broadcast %eq3A_2044 : i32 to vector<16xi32>
    %eq3A_2046 = arith.cmpi eq, %iota3A, %eq3A_2045 : vector<16xi32>
    %and3A_2047 = arith.andi %and3A_2019, %eq3A_2046 : vector<16xi1>
    tpu.vector_store_idx %arg13[%min3A_2027], %get3A_2014 masked %and3A_2047 : memref<31264xf32, #tpu.memory_space<vmem>>[vector<16xi32>], vector<16xf32>, vector<16xi1>
    %eq3A_2048 = arith.constant 5 : i32
    %eq3A_2049 = vector.broadcast %eq3A_2048 : i32 to vector<16xi32>
    %eq3A_2050 = arith.cmpi eq, %iota3A, %eq3A_2049 : vector<16xi32>
    %and3A_2051 = arith.andi %and3A_2019, %eq3A_2050 : vector<16xi1>
    tpu.vector_store_idx %arg13[%min3A_2027], %get3A_2014 masked %and3A_2051 : memref<31264xf32, #tpu.memory_space<vmem>>[vector<16xi32>], vector<16xf32>, vector<16xi1>
    %eq3A_2052 = arith.constant 6 : i32
    %eq3A_2053 = vector.broadcast %eq3A_2052 : i32 to vector<16xi32>
    %eq3A_2054 = arith.cmpi eq, %iota3A, %eq3A_2053 : vector<16xi32>
    %and3A_2055 = arith.andi %and3A_2019, %eq3A_2054 : vector<16xi1>
    tpu.vector_store_idx %arg13[%min3A_2027], %get3A_2014 masked %and3A_2055 : memref<31264xf32, #tpu.memory_space<vmem>>[vector<16xi32>], vector<16xf32>, vector<16xi1>
    %eq3A_2056 = arith.constant 7 : i32
    %eq3A_2057 = vector.broadcast %eq3A_2056 : i32 to vector<16xi32>
    %eq3A_2058 = arith.cmpi eq, %iota3A, %eq3A_2057 : vector<16xi32>
    %and3A_2059 = arith.andi %and3A_2019, %eq3A_2058 : vector<16xi1>
    tpu.vector_store_idx %arg13[%min3A_2027], %get3A_2014 masked %and3A_2059 : memref<31264xf32, #tpu.memory_space<vmem>>[vector<16xi32>], vector<16xf32>, vector<16xi1>
    %eq3A_2060 = arith.constant 8 : i32
    %eq3A_2061 = vector.broadcast %eq3A_2060 : i32 to vector<16xi32>
    %eq3A_2062 = arith.cmpi eq, %iota3A, %eq3A_2061 : vector<16xi32>
    %and3A_2063 = arith.andi %and3A_2019, %eq3A_2062 : vector<16xi1>
    tpu.vector_store_idx %arg13[%min3A_2027], %get3A_2014 masked %and3A_2063 : memref<31264xf32, #tpu.memory_space<vmem>>[vector<16xi32>], vector<16xf32>, vector<16xi1>
    %eq3A_2064 = arith.constant 9 : i32
    %eq3A_2065 = vector.broadcast %eq3A_2064 : i32 to vector<16xi32>
    %eq3A_2066 = arith.cmpi eq, %iota3A, %eq3A_2065 : vector<16xi32>
    %and3A_2067 = arith.andi %and3A_2019, %eq3A_2066 : vector<16xi1>
    tpu.vector_store_idx %arg13[%min3A_2027], %get3A_2014 masked %and3A_2067 : memref<31264xf32, #tpu.memory_space<vmem>>[vector<16xi32>], vector<16xf32>, vector<16xi1>
    %eq3A_2068 = arith.constant 10 : i32
    %eq3A_2069 = vector.broadcast %eq3A_2068 : i32 to vector<16xi32>
    %eq3A_2070 = arith.cmpi eq, %iota3A, %eq3A_2069 : vector<16xi32>
    %and3A_2071 = arith.andi %and3A_2019, %eq3A_2070 : vector<16xi1>
    tpu.vector_store_idx %arg13[%min3A_2027], %get3A_2014 masked %and3A_2071 : memref<31264xf32, #tpu.memory_space<vmem>>[vector<16xi32>], vector<16xf32>, vector<16xi1>
    %eq3A_2072 = arith.constant 11 : i32
    %eq3A_2073 = vector.broadcast %eq3A_2072 : i32 to vector<16xi32>
    %eq3A_2074 = arith.cmpi eq, %iota3A, %eq3A_2073 : vector<16xi32>
    %and3A_2075 = arith.andi %and3A_2019, %eq3A_2074 : vector<16xi1>
    tpu.vector_store_idx %arg13[%min3A_2027], %get3A_2014 masked %and3A_2075 : memref<31264xf32, #tpu.memory_space<vmem>>[vector<16xi32>], vector<16xf32>, vector<16xi1>
    %eq3A_2076 = arith.constant 12 : i32
    %eq3A_2077 = vector.broadcast %eq3A_2076 : i32 to vector<16xi32>
    %eq3A_2078 = arith.cmpi eq, %iota3A, %eq3A_2077 : vector<16xi32>
    %and3A_2079 = arith.andi %and3A_2019, %eq3A_2078 : vector<16xi1>
    tpu.vector_store_idx %arg13[%min3A_2027], %get3A_2014 masked %and3A_2079 : memref<31264xf32, #tpu.memory_space<vmem>>[vector<16xi32>], vector<16xf32>, vector<16xi1>
    %eq3A_2080 = arith.constant 13 : i32
    %eq3A_2081 = vector.broadcast %eq3A_2080 : i32 to vector<16xi32>
    %eq3A_2082 = arith.cmpi eq, %iota3A, %eq3A_2081 : vector<16xi32>
    %and3A_2083 = arith.andi %and3A_2019, %eq3A_2082 : vector<16xi1>
    tpu.vector_store_idx %arg13[%min3A_2027], %get3A_2014 masked %and3A_2083 : memref<31264xf32, #tpu.memory_space<vmem>>[vector<16xi32>], vector<16xf32>, vector<16xi1>
    %eq3A_2084 = arith.constant 14 : i32
    %eq3A_2085 = vector.broadcast %eq3A_2084 : i32 to vector<16xi32>
    %eq3A_2086 = arith.cmpi eq, %iota3A, %eq3A_2085 : vector<16xi32>
    %and3A_2087 = arith.andi %and3A_2019, %eq3A_2086 : vector<16xi1>
    tpu.vector_store_idx %arg13[%min3A_2027], %get3A_2014 masked %and3A_2087 : memref<31264xf32, #tpu.memory_space<vmem>>[vector<16xi32>], vector<16xf32>, vector<16xi1>
    %eq3A_2088 = arith.constant 15 : i32
    %eq3A_2089 = vector.broadcast %eq3A_2088 : i32 to vector<16xi32>
    %eq3A_2090 = arith.cmpi eq, %iota3A, %eq3A_2089 : vector<16xi32>
    %and3A_2091 = arith.andi %and3A_2019, %eq3A_2090 : vector<16xi1>
    tpu.vector_store_idx %arg13[%min3A_2027], %get3A_2014 masked %and3A_2091 : memref<31264xf32, #tpu.memory_space<vmem>>[vector<16xi32>], vector<16xf32>, vector<16xi1>
    %get3A_2092 = arith.constant 192 : index
    %get3A_2093 = tpu.vector_load %arg10[%get3A_2092] {strides = array<i32>} : memref<208xi32, #tpu.memory_space<vmem>>, vector<16xi32>,
    %get3A_2094 = arith.constant 192 : index
    %get3A_2095 = tpu.vector_load %arg11[%get3A_2094] {strides = array<i32>} : memref<208xf32, #tpu.memory_space<vmem>>, vector<16xf32>,
    %ge3A_2096 = vector.broadcast %mul3A_2 : i32 to vector<16xi32>
    %ge3A_2097 = arith.cmpi sge, %get3A_2093, %ge3A_2096 : vector<16xi32>
    %lt3A_2098 = vector.broadcast %min3A_5 : i32 to vector<16xi32>
    %lt3A_2099 = arith.cmpi slt, %get3A_2093, %lt3A_2098 : vector<16xi32>
    %and3A_2100 = arith.andi %ge3A_2097, %lt3A_2099 : vector<16xi1>
    %lt3A_2101 = arith.constant 8 : i32
    %lt3A_2102 = vector.broadcast %lt3A_2101 : i32 to vector<16xi32>
    %lt3A_2103 = arith.cmpi slt, %iota3A, %lt3A_2102 : vector<16xi32>
    %and3A_2104 = arith.andi %and3A_2100, %lt3A_2103 : vector<16xi1>
    %sub3A_2105 = vector.broadcast %mul3A_2 : i32 to vector<16xi32>
    %sub3A_2106 = arith.subi %get3A_2093, %sub3A_2105 : vector<16xi32>
    %jit3A_2107 = arith.constant 0 : i32
    %jit3A_2108 = arith.constant 31263 : i32
    %max3A_2109 = vector.broadcast %jit3A_2107 : i32 to vector<16xi32>
    %max3A_2110 = arith.maxsi %max3A_2109, %sub3A_2106 : vector<16xi32>
    %min3A_2111 = vector.broadcast %jit3A_2108 : i32 to vector<16xi32>
    %min3A_2112 = arith.minsi %min3A_2111, %max3A_2110 : vector<16xi32>
    %eq3A_2113 = arith.constant 0 : i32
    %eq3A_2114 = vector.broadcast %eq3A_2113 : i32 to vector<16xi32>
    %eq3A_2115 = arith.cmpi eq, %iota3A, %eq3A_2114 : vector<16xi32>
    %and3A_2116 = arith.andi %and3A_2104, %eq3A_2115 : vector<16xi1>
    tpu.vector_store_idx %arg13[%min3A_2112], %get3A_2095 masked %and3A_2116 : memref<31264xf32, #tpu.memory_space<vmem>>[vector<16xi32>], vector<16xf32>, vector<16xi1>
    %eq3A_2117 = arith.constant 1 : i32
    %eq3A_2118 = vector.broadcast %eq3A_2117 : i32 to vector<16xi32>
    %eq3A_2119 = arith.cmpi eq, %iota3A, %eq3A_2118 : vector<16xi32>
    %and3A_2120 = arith.andi %and3A_2104, %eq3A_2119 : vector<16xi1>
    tpu.vector_store_idx %arg13[%min3A_2112], %get3A_2095 masked %and3A_2120 : memref<31264xf32, #tpu.memory_space<vmem>>[vector<16xi32>], vector<16xf32>, vector<16xi1>
    %eq3A_2121 = arith.constant 2 : i32
    %eq3A_2122 = vector.broadcast %eq3A_2121 : i32 to vector<16xi32>
    %eq3A_2123 = arith.cmpi eq, %iota3A, %eq3A_2122 : vector<16xi32>
    %and3A_2124 = arith.andi %and3A_2104, %eq3A_2123 : vector<16xi1>
    tpu.vector_store_idx %arg13[%min3A_2112], %get3A_2095 masked %and3A_2124 : memref<31264xf32, #tpu.memory_space<vmem>>[vector<16xi32>], vector<16xf32>, vector<16xi1>
    %eq3A_2125 = arith.constant 3 : i32
    %eq3A_2126 = vector.broadcast %eq3A_2125 : i32 to vector<16xi32>
    %eq3A_2127 = arith.cmpi eq, %iota3A, %eq3A_2126 : vector<16xi32>
    %and3A_2128 = arith.andi %and3A_2104, %eq3A_2127 : vector<16xi1>
    tpu.vector_store_idx %arg13[%min3A_2112], %get3A_2095 masked %and3A_2128 : memref<31264xf32, #tpu.memory_space<vmem>>[vector<16xi32>], vector<16xf32>, vector<16xi1>
    %eq3A_2129 = arith.constant 4 : i32
    %eq3A_2130 = vector.broadcast %eq3A_2129 : i32 to vector<16xi32>
    %eq3A_2131 = arith.cmpi eq, %iota3A, %eq3A_2130 : vector<16xi32>
    %and3A_2132 = arith.andi %and3A_2104, %eq3A_2131 : vector<16xi1>
    tpu.vector_store_idx %arg13[%min3A_2112], %get3A_2095 masked %and3A_2132 : memref<31264xf32, #tpu.memory_space<vmem>>[vector<16xi32>], vector<16xf32>, vector<16xi1>
    %eq3A_2133 = arith.constant 5 : i32
    %eq3A_2134 = vector.broadcast %eq3A_2133 : i32 to vector<16xi32>
    %eq3A_2135 = arith.cmpi eq, %iota3A, %eq3A_2134 : vector<16xi32>
    %and3A_2136 = arith.andi %and3A_2104, %eq3A_2135 : vector<16xi1>
    tpu.vector_store_idx %arg13[%min3A_2112], %get3A_2095 masked %and3A_2136 : memref<31264xf32, #tpu.memory_space<vmem>>[vector<16xi32>], vector<16xf32>, vector<16xi1>
    %eq3A_2137 = arith.constant 6 : i32
    %eq3A_2138 = vector.broadcast %eq3A_2137 : i32 to vector<16xi32>
    %eq3A_2139 = arith.cmpi eq, %iota3A, %eq3A_2138 : vector<16xi32>
    %and3A_2140 = arith.andi %and3A_2104, %eq3A_2139 : vector<16xi1>
    tpu.vector_store_idx %arg13[%min3A_2112], %get3A_2095 masked %and3A_2140 : memref<31264xf32, #tpu.memory_space<vmem>>[vector<16xi32>], vector<16xf32>, vector<16xi1>
    %eq3A_2141 = arith.constant 7 : i32
    %eq3A_2142 = vector.broadcast %eq3A_2141 : i32 to vector<16xi32>
    %eq3A_2143 = arith.cmpi eq, %iota3A, %eq3A_2142 : vector<16xi32>
    %and3A_2144 = arith.andi %and3A_2104, %eq3A_2143 : vector<16xi1>
    tpu.vector_store_idx %arg13[%min3A_2112], %get3A_2095 masked %and3A_2144 : memref<31264xf32, #tpu.memory_space<vmem>>[vector<16xi32>], vector<16xf32>, vector<16xi1>
    %eq3A_2145 = arith.constant 8 : i32
    %eq3A_2146 = vector.broadcast %eq3A_2145 : i32 to vector<16xi32>
    %eq3A_2147 = arith.cmpi eq, %iota3A, %eq3A_2146 : vector<16xi32>
    %and3A_2148 = arith.andi %and3A_2104, %eq3A_2147 : vector<16xi1>
    tpu.vector_store_idx %arg13[%min3A_2112], %get3A_2095 masked %and3A_2148 : memref<31264xf32, #tpu.memory_space<vmem>>[vector<16xi32>], vector<16xf32>, vector<16xi1>
    %eq3A_2149 = arith.constant 9 : i32
    %eq3A_2150 = vector.broadcast %eq3A_2149 : i32 to vector<16xi32>
    %eq3A_2151 = arith.cmpi eq, %iota3A, %eq3A_2150 : vector<16xi32>
    %and3A_2152 = arith.andi %and3A_2104, %eq3A_2151 : vector<16xi1>
    tpu.vector_store_idx %arg13[%min3A_2112], %get3A_2095 masked %and3A_2152 : memref<31264xf32, #tpu.memory_space<vmem>>[vector<16xi32>], vector<16xf32>, vector<16xi1>
    %eq3A_2153 = arith.constant 10 : i32
    %eq3A_2154 = vector.broadcast %eq3A_2153 : i32 to vector<16xi32>
    %eq3A_2155 = arith.cmpi eq, %iota3A, %eq3A_2154 : vector<16xi32>
    %and3A_2156 = arith.andi %and3A_2104, %eq3A_2155 : vector<16xi1>
    tpu.vector_store_idx %arg13[%min3A_2112], %get3A_2095 masked %and3A_2156 : memref<31264xf32, #tpu.memory_space<vmem>>[vector<16xi32>], vector<16xf32>, vector<16xi1>
    %eq3A_2157 = arith.constant 11 : i32
    %eq3A_2158 = vector.broadcast %eq3A_2157 : i32 to vector<16xi32>
    %eq3A_2159 = arith.cmpi eq, %iota3A, %eq3A_2158 : vector<16xi32>
    %and3A_2160 = arith.andi %and3A_2104, %eq3A_2159 : vector<16xi1>
    tpu.vector_store_idx %arg13[%min3A_2112], %get3A_2095 masked %and3A_2160 : memref<31264xf32, #tpu.memory_space<vmem>>[vector<16xi32>], vector<16xf32>, vector<16xi1>
    %eq3A_2161 = arith.constant 12 : i32
    %eq3A_2162 = vector.broadcast %eq3A_2161 : i32 to vector<16xi32>
    %eq3A_2163 = arith.cmpi eq, %iota3A, %eq3A_2162 : vector<16xi32>
    %and3A_2164 = arith.andi %and3A_2104, %eq3A_2163 : vector<16xi1>
    tpu.vector_store_idx %arg13[%min3A_2112], %get3A_2095 masked %and3A_2164 : memref<31264xf32, #tpu.memory_space<vmem>>[vector<16xi32>], vector<16xf32>, vector<16xi1>
    %eq3A_2165 = arith.constant 13 : i32
    %eq3A_2166 = vector.broadcast %eq3A_2165 : i32 to vector<16xi32>
    %eq3A_2167 = arith.cmpi eq, %iota3A, %eq3A_2166 : vector<16xi32>
    %and3A_2168 = arith.andi %and3A_2104, %eq3A_2167 : vector<16xi1>
    tpu.vector_store_idx %arg13[%min3A_2112], %get3A_2095 masked %and3A_2168 : memref<31264xf32, #tpu.memory_space<vmem>>[vector<16xi32>], vector<16xf32>, vector<16xi1>
    %eq3A_2169 = arith.constant 14 : i32
    %eq3A_2170 = vector.broadcast %eq3A_2169 : i32 to vector<16xi32>
    %eq3A_2171 = arith.cmpi eq, %iota3A, %eq3A_2170 : vector<16xi32>
    %and3A_2172 = arith.andi %and3A_2104, %eq3A_2171 : vector<16xi1>
    tpu.vector_store_idx %arg13[%min3A_2112], %get3A_2095 masked %and3A_2172 : memref<31264xf32, #tpu.memory_space<vmem>>[vector<16xi32>], vector<16xf32>, vector<16xi1>
    %eq3A_2173 = arith.constant 15 : i32
    %eq3A_2174 = vector.broadcast %eq3A_2173 : i32 to vector<16xi32>
    %eq3A_2175 = arith.cmpi eq, %iota3A, %eq3A_2174 : vector<16xi32>
    %and3A_2176 = arith.andi %and3A_2104, %eq3A_2175 : vector<16xi1>
    tpu.vector_store_idx %arg13[%min3A_2112], %get3A_2095 masked %and3A_2176 : memref<31264xf32, #tpu.memory_space<vmem>>[vector<16xi32>], vector<16xf32>, vector<16xi1>
    %lt3A_2177 = arith.constant 31 : i32
    %lt3A_2178 = arith.cmpi slt, %add3A, %lt3A_2177 : i32
    %convert_element_type3A = arith.extui %lt3A_2178 : i1 to i32
    %cond3A = arith.constant 0 : i32
    %cond3A_2179 = arith.cmpi ne, %convert_element_type3A, %cond3A : i32
    scf.if %cond3A_2179 {
      "tpu.region"() ({
        %run_scoped3A = tpu.sem_alloc : memref<!tpu.dma_semaphore, #tpu.memory_space<semaphore_mem>>
        %dma_start3A = arith.constant 0 : i32
        %dma_start3A_2185 = tpu.memref_slice %arg12[%dma_start3A] : memref<31264xf32, #tpu.memory_space<vmem>> -> memref<31264xf32, #tpu.memory_space<vmem>>
        %dma_start3A_2186 = tpu.memref_slice %arg6[%mul3A_2] : memref<1000000xf32, #tpu.memory_space<hbm>> -> memref<31264xf32, #tpu.memory_space<hbm>>
        %dma_start3A_2187 = tpu.memref_slice %arg6[%mul3A_2] : memref<1000000xf32, #tpu.memory_space<hbm>> -> memref<31264xf32, #tpu.memory_space<hbm>>
        %dma_start3A_2188 = arith.constant 0 : i32
        %dma_start3A_2189 = tpu.memref_slice %arg12[%dma_start3A_2188] : memref<31264xf32, #tpu.memory_space<vmem>> -> memref<31264xf32, #tpu.memory_space<vmem>>
        tpu.enqueue_dma source(%dma_start3A_2189 : memref<31264xf32, #tpu.memory_space<vmem>>) target(%dma_start3A_2187 : memref<31264xf32, #tpu.memory_space<hbm>>) target_semaphore(%run_scoped3A : memref<!tpu.dma_semaphore, #tpu.memory_space<semaphore_mem>>)
        %dma_wait3A = arith.constant 0 : i32
        %dma_wait3A_2190 = tpu.memref_slice %arg12[%dma_wait3A] : memref<31264xf32, #tpu.memory_space<vmem>> -> memref<31264xf32, #tpu.memory_space<vmem>>
        %dma_wait3A_2191 = tpu.memref_slice %arg6[%mul3A_2] : memref<1000000xf32, #tpu.memory_space<hbm>> -> memref<31264xf32, #tpu.memory_space<hbm>>
        %dma_wait3A_2192 = tpu.memref_slice %arg6[%mul3A_2] : memref<1000000xf32, #tpu.memory_space<hbm>> -> memref<31264xf32, #tpu.memory_space<hbm>>
        %dma_wait3A_2193 = arith.constant 0 : i32
        %dma_wait3A_2194 = tpu.memref_slice %arg12[%dma_wait3A_2193] : memref<31264xf32, #tpu.memory_space<vmem>> -> memref<31264xf32, #tpu.memory_space<vmem>>
        tpu.wait_dma2 semaphore(%run_scoped3A : memref<!tpu.dma_semaphore, #tpu.memory_space<semaphore_mem>>) src(%dma_wait3A_2194 : memref<31264xf32, #tpu.memory_space<vmem>>) dst(%dma_wait3A_2192 : memref<31264xf32, #tpu.memory_space<hbm>>)
        tpu.yield
      }) : () -> ()
      "tpu.region"() ({
        %run_scoped3A = tpu.sem_alloc : memref<!tpu.dma_semaphore, #tpu.memory_space<semaphore_mem>>
        %dma_start3A = arith.constant 0 : i32
        %dma_start3A_2185 = tpu.memref_slice %arg13[%dma_start3A] : memref<31264xf32, #tpu.memory_space<vmem>> -> memref<31264xf32, #tpu.memory_space<vmem>>
        %dma_start3A_2186 = tpu.memref_slice %arg7[%mul3A_2] : memref<1000000xf32, #tpu.memory_space<hbm>> -> memref<31264xf32, #tpu.memory_space<hbm>>
        %dma_start3A_2187 = tpu.memref_slice %arg7[%mul3A_2] : memref<1000000xf32, #tpu.memory_space<hbm>> -> memref<31264xf32, #tpu.memory_space<hbm>>
        %dma_start3A_2188 = arith.constant 0 : i32
        %dma_start3A_2189 = tpu.memref_slice %arg13[%dma_start3A_2188] : memref<31264xf32, #tpu.memory_space<vmem>> -> memref<31264xf32, #tpu.memory_space<vmem>>
        tpu.enqueue_dma source(%dma_start3A_2189 : memref<31264xf32, #tpu.memory_space<vmem>>) target(%dma_start3A_2187 : memref<31264xf32, #tpu.memory_space<hbm>>) target_semaphore(%run_scoped3A : memref<!tpu.dma_semaphore, #tpu.memory_space<semaphore_mem>>)
        %dma_wait3A = arith.constant 0 : i32
        %dma_wait3A_2190 = tpu.memref_slice %arg13[%dma_wait3A] : memref<31264xf32, #tpu.memory_space<vmem>> -> memref<31264xf32, #tpu.memory_space<vmem>>
        %dma_wait3A_2191 = tpu.memref_slice %arg7[%mul3A_2] : memref<1000000xf32, #tpu.memory_space<hbm>> -> memref<31264xf32, #tpu.memory_space<hbm>>
        %dma_wait3A_2192 = tpu.memref_slice %arg7[%mul3A_2] : memref<1000000xf32, #tpu.memory_space<hbm>> -> memref<31264xf32, #tpu.memory_space<hbm>>
        %dma_wait3A_2193 = arith.constant 0 : i32
        %dma_wait3A_2194 = tpu.memref_slice %arg13[%dma_wait3A_2193] : memref<31264xf32, #tpu.memory_space<vmem>> -> memref<31264xf32, #tpu.memory_space<vmem>>
        tpu.wait_dma2 semaphore(%run_scoped3A : memref<!tpu.dma_semaphore, #tpu.memory_space<semaphore_mem>>) src(%dma_wait3A_2194 : memref<31264xf32, #tpu.memory_space<vmem>>) dst(%dma_wait3A_2192 : memref<31264xf32, #tpu.memory_space<hbm>>)
        tpu.yield
      }) : () -> ()
    } else {
    }
    %eq3A_2180 = arith.constant 31 : i32
    %eq3A_2181 = arith.cmpi eq, %add3A, %eq3A_2180 : i32
    %convert_element_type3A_2182 = arith.extui %eq3A_2181 : i1 to i32
    %cond3A_2183 = arith.constant 0 : i32
    %cond3A_2184 = arith.cmpi ne, %convert_element_type3A_2182, %cond3A_2183 : i32
    scf.if %cond3A_2184 {
      "tpu.region"() ({
        %run_scoped3A = tpu.sem_alloc : memref<!tpu.dma_semaphore, #tpu.memory_space<semaphore_mem>>
        %dma_start3A = arith.constant 0 : i32
        %dma_start3A_2185 = tpu.memref_slice %arg12[%dma_start3A] : memref<31264xf32, #tpu.memory_space<vmem>> -> memref<30816xf32, #tpu.memory_space<vmem>>
        %dma_start3A_2186 = tpu.memref_slice %arg6[%mul3A_2] : memref<1000000xf32, #tpu.memory_space<hbm>> -> memref<30816xf32, #tpu.memory_space<hbm>>
        %dma_start3A_2187 = tpu.memref_slice %arg6[%mul3A_2] : memref<1000000xf32, #tpu.memory_space<hbm>> -> memref<30816xf32, #tpu.memory_space<hbm>>
        %dma_start3A_2188 = arith.constant 0 : i32
        %dma_start3A_2189 = tpu.memref_slice %arg12[%dma_start3A_2188] : memref<31264xf32, #tpu.memory_space<vmem>> -> memref<30816xf32, #tpu.memory_space<vmem>>
        tpu.enqueue_dma source(%dma_start3A_2189 : memref<30816xf32, #tpu.memory_space<vmem>>) target(%dma_start3A_2187 : memref<30816xf32, #tpu.memory_space<hbm>>) target_semaphore(%run_scoped3A : memref<!tpu.dma_semaphore, #tpu.memory_space<semaphore_mem>>)
        %dma_wait3A = arith.constant 0 : i32
        %dma_wait3A_2190 = tpu.memref_slice %arg12[%dma_wait3A] : memref<31264xf32, #tpu.memory_space<vmem>> -> memref<30816xf32, #tpu.memory_space<vmem>>
        %dma_wait3A_2191 = tpu.memref_slice %arg6[%mul3A_2] : memref<1000000xf32, #tpu.memory_space<hbm>> -> memref<30816xf32, #tpu.memory_space<hbm>>
        %dma_wait3A_2192 = tpu.memref_slice %arg6[%mul3A_2] : memref<1000000xf32, #tpu.memory_space<hbm>> -> memref<30816xf32, #tpu.memory_space<hbm>>
        %dma_wait3A_2193 = arith.constant 0 : i32
        %dma_wait3A_2194 = tpu.memref_slice %arg12[%dma_wait3A_2193] : memref<31264xf32, #tpu.memory_space<vmem>> -> memref<30816xf32, #tpu.memory_space<vmem>>
        tpu.wait_dma2 semaphore(%run_scoped3A : memref<!tpu.dma_semaphore, #tpu.memory_space<semaphore_mem>>) src(%dma_wait3A_2194 : memref<30816xf32, #tpu.memory_space<vmem>>) dst(%dma_wait3A_2192 : memref<30816xf32, #tpu.memory_space<hbm>>)
        tpu.yield
      }) : () -> ()
      "tpu.region"() ({
        %run_scoped3A = tpu.sem_alloc : memref<!tpu.dma_semaphore, #tpu.memory_space<semaphore_mem>>
        %dma_start3A = arith.constant 0 : i32
        %dma_start3A_2185 = tpu.memref_slice %arg13[%dma_start3A] : memref<31264xf32, #tpu.memory_space<vmem>> -> memref<30816xf32, #tpu.memory_space<vmem>>
        %dma_start3A_2186 = tpu.memref_slice %arg7[%mul3A_2] : memref<1000000xf32, #tpu.memory_space<hbm>> -> memref<30816xf32, #tpu.memory_space<hbm>>
        %dma_start3A_2187 = tpu.memref_slice %arg7[%mul3A_2] : memref<1000000xf32, #tpu.memory_space<hbm>> -> memref<30816xf32, #tpu.memory_space<hbm>>
        %dma_start3A_2188 = arith.constant 0 : i32
        %dma_start3A_2189 = tpu.memref_slice %arg13[%dma_start3A_2188] : memref<31264xf32, #tpu.memory_space<vmem>> -> memref<30816xf32, #tpu.memory_space<vmem>>
        tpu.enqueue_dma source(%dma_start3A_2189 : memref<30816xf32, #tpu.memory_space<vmem>>) target(%dma_start3A_2187 : memref<30816xf32, #tpu.memory_space<hbm>>) target_semaphore(%run_scoped3A : memref<!tpu.dma_semaphore, #tpu.memory_space<semaphore_mem>>)
        %dma_wait3A = arith.constant 0 : i32
        %dma_wait3A_2190 = tpu.memref_slice %arg13[%dma_wait3A] : memref<31264xf32, #tpu.memory_space<vmem>> -> memref<30816xf32, #tpu.memory_space<vmem>>
        %dma_wait3A_2191 = tpu.memref_slice %arg7[%mul3A_2] : memref<1000000xf32, #tpu.memory_space<hbm>> -> memref<30816xf32, #tpu.memory_space<hbm>>
        %dma_wait3A_2192 = tpu.memref_slice %arg7[%mul3A_2] : memref<1000000xf32, #tpu.memory_space<hbm>> -> memref<30816xf32, #tpu.memory_space<hbm>>
        %dma_wait3A_2193 = arith.constant 0 : i32
        %dma_wait3A_2194 = tpu.memref_slice %arg13[%dma_wait3A_2193] : memref<31264xf32, #tpu.memory_space<vmem>> -> memref<30816xf32, #tpu.memory_space<vmem>>
        tpu.wait_dma2 semaphore(%run_scoped3A : memref<!tpu.dma_semaphore, #tpu.memory_space<semaphore_mem>>) src(%dma_wait3A_2194 : memref<30816xf32, #tpu.memory_space<vmem>>) dst(%dma_wait3A_2192 : memref<30816xf32, #tpu.memory_space<hbm>>)
        tpu.yield
      }) : () -> ()
    } else {
    }
    return
  }
}

</mosaic_0001>

<sc_bundles>
// kernel: kernel.3.cloned.1.call-start
scs
__scs_entry_jumppad:
0x0: {  	(pc) =	sbr.rel $0x88, $3  }
0x1: {  	(tag) =	ssettag $0x0;
	lr =	simm.s32 $0x1  }
0x2: {  	[smem:$0x3F9D] =	sst lr;
	_ =	strace $0xD0000000  }
0x3: {  	_ = 	snop  }
0x4: {  	_ = 	snop  }
0x5: {  	_ = 	snop  }
0x6: {  	_ = 	snop  }
0x7: {  	_ = 	snop  }
__scs_overlays_trampoline_lowered:
0x8: {  	[smem:$0x3FAC] =	sst s0  }
0x9: {  	[smem:$0x3FAD] =	sst s1  }
0xa: {  	[smem:$0x3FAE] =	sst s2  }
0xb: {  	[smem:$0x3FAF] =	sst s3  }
0xc: {  	[smem:$0x3FB0] =	sst s4  }
0xd: {  	[smem:$0x3FB1] =	sst s5  }
0xe: {  	[smem:$0x3FB2] =	sst s6  }
0xf: {  	[smem:$0x3FB3] =	sst s7  }
0x10: {  	[smem:$0x3FB4] =	sst s8  }
0x11: {  	[smem:$0x3FB5] =	sst s9;
	s0 =	simm.s32 @!p0 $0x0  }
0x12: {  	s1 =	sld [smem:$0x3F9B];
	s0 =	simm.s32 @p0 $0x1  }
0x13: {  	[smem:$0x3FB6] =	sst s0;
	s0 =	simm.s32 @!p1 $0x0  }
0x14: {  	s2 =	sld [smem:$0x3F9A];
	s0 =	simm.s32 @p1 $0x1  }
0x15: {  	[smem:$0x3FB7] =	sst s0;
	s0 =	simm.s32 @!p2 $0x0  }
0x16: {  	s3 =	sld [smem:$0x3FDB];
	s0 =	simm.s32 @p2 $0x1  }
0x17: {  	s4 =	simm.s32 $0x1BF5;
	[smem:$0x3FB9] =	sst s0  }
0x18: {  	s0 =	sld [smem:$0x3F9C];
	_ =	swait.ge [sflag:s4], $0x0  }
0x19: {  	s7 =	sld [smem:$0x3F9D]  }
0x1a: {  	s8 =	sadd.s32 $0xFFFFE003, lr  }
0x1b: {  	s9 =	sadd.s32 $0xFFFFFEF7, lr;
	s5 =	simm.s32 $0xFFFFFFFF;
	p2 =	slt.u32 s8, $0xFFFFF086  }
0x1c: {  	p1 =	slt.u32 s9, $0xF7A;
	s5 =	simm.s32 @!p2 $0x0  }
0x1d: {  	s5 =	simm.s32 @p1 $0x1;
	p0 =	seq.s32 s7, s2  }
0x1e: {  	s7 =	smul.u32 @!p0 $0xF7A, s2;
	p2 =	seq.s32 @!p0 s5, $0x0  }
0x1f: {  	s9 =	smul.u32 $0xF7A, s1;
	s8 =	simm.s32 @!p0 $0x1BF5;
	p2 =	por !p2, p0  }
0x20: {  	[sflag:s8] =	ssyncset.s32 @!p0 $0xFFFFF086;
	s6 =	sadd.s32 @!p0 s3, s7;
	s7 =	simm.s32 @!p0 $0x108  }
0x21: {  	s3 =	sadd.s32 s3, s9;
	s6 =	sadd.s32 @!p0 $0x88, s6;
	s7 =	simm.s32 @p2 $0x1082  }
0x22: {  	[simem:s7], [sflag:s8] =	dma.local @!p0 [hbm:s6], $0xF7A  }
0x23: {  	s9 =	sor.u32 $0xD0000000, s2;
	s6 =	simm.s32 $0x108;
	_ =	swait.ge @!p0 [sflag:s8], $0x0  }
0x24: {  	s3 =	sadd.s32 $0x88, s3;
	s6 =	simm.s32 @!p1 $0x1082;
	[sflag:s4] =	ssyncset.s32 $0xFFFFF086  }
0x25: {  	[simem:s6], [sflag:s4] =	dma.local [hbm:s3], $0xF7A  }
0x26: {  	[smem:$0x3F9D] =	sst s1;
	(tag) =	ssettag s2;
	_ =	strace s9  }
0x27: {  	s1 =	sld [smem:$0x3FAD]  }
0x28: {  	s2 =	sld [smem:$0x3FAE]  }
0x29: {  	s4 =	sld [smem:$0x3FB0]  }
0x2a: {  	p0 =	seq.s32 s5, $0x0;
	s5 =	sld [smem:$0x3FB1]  }
0x2b: {  	s6 =	sld [smem:$0x3FB2]  }
0x2c: {  	s7 =	sld [smem:$0x3FB3]  }
0x2d: {  	s3 =	simm.s32 $0x108;
	s8 =	sld [smem:$0x3FB4]  }
0x2e: {  	s3 =	simm.s32 @!p0 $0x1082;
	s9 =	sld [smem:$0x3FB5]  }
0x2f: {  	lr =	sadd.s32 s0, s3;
	s0 =	sld [smem:$0x3FAC]  }
0x30: {  	s3 =	sld [smem:$0x3FAF]  }
0x31: {  	[smem:$0x3FB8] =	sst s10  }
0x32: {  	s10 =	sld [smem:$0x3FB6];
	_ =	sdelay $0x3  }
0x33: {  	p0 =	seq.s32 s10, $0x1;
	s10 =	sld [smem:$0x3FB8];
	_ =	sdelay $0x3  }
0x34: {  	[smem:$0x3FB8] =	sst s10  }
0x35: {  	s10 =	sld [smem:$0x3FB7];
	_ =	sdelay $0x3  }
0x36: {  	p1 =	seq.s32 s10, $0x1;
	s10 =	sld [smem:$0x3FB8];
	_ =	sdelay $0x3  }
0x37: {  	[smem:$0x3FB8] =	sst s10  }
0x38: {  	s10 =	sld [smem:$0x3FB9]  }
0x39: {  	_ = 	snop;
	(pc) =	sbr.ind lr, $3  }
0x3a: {  	_ = 	snop  }
0x3b: {  	_ = 	snop  }
0x3c: {  	p2 =	seq.s32 s10, $0x1;
	s10 =	sld [smem:$0x3FB8]  }
0x3d: {  	_ =	shalt  }
0x3e: {  	_ =	shalt  }
0x3f: {  	_ =	shalt  }
0x40: {  	_ =	shalt  }
0x41: {  	_ =	shalt  }
0x42: {  	_ =	shalt  }
0x43: {  	_ =	shalt  }
0x44: {  	_ =	shalt  }
0x45: {  	_ =	shalt  }
0x46: {  	_ =	shalt  }
0x47: {  	_ =	shalt  }
0x48: {  	_ =	shalt  }
0x49: {  	_ =	shalt  }
0x4a: {  	_ =	shalt  }
0x4b: {  	_ =	shalt  }
0x4c: {  	_ =	shalt  }
0x4d: {  	_ =	shalt  }
0x4e: {  	_ =	shalt  }
0x4f: {  	_ =	shalt  }
0x50: {  	_ =	shalt  }
0x51: {  	_ =	shalt  }
0x52: {  	_ =	shalt  }
0x53: {  	_ =	shalt  }
0x54: {  	_ =	shalt  }
0x55: {  	_ =	shalt  }
0x56: {  	_ =	shalt  }
0x57: {  	_ =	shalt  }
0x58: {  	_ =	shalt  }
0x59: {  	_ =	shalt  }
0x5a: {  	_ =	shalt  }
0x5b: {  	_ =	shalt  }
0x5c: {  	_ =	shalt  }
0x5d: {  	_ =	shalt  }
0x5e: {  	_ =	shalt  }
0x5f: {  	_ =	shalt  }
0x60: {  	_ =	shalt  }
0x61: {  	_ =	shalt  }
0x62: {  	_ =	shalt  }
0x63: {  	_ =	shalt  }
0x64: {  	_ =	shalt  }
0x65: {  	_ =	shalt  }
0x66: {  	_ =	shalt  }
0x67: {  	_ =	shalt  }
0x68: {  	_ =	shalt  }
0x69: {  	_ =	shalt  }
0x6a: {  	_ =	shalt  }
0x6b: {  	_ =	shalt  }
0x6c: {  	_ =	shalt  }
0x6d: {  	_ =	shalt  }
0x6e: {  	_ =	shalt  }
0x6f: {  	_ =	shalt  }
0x70: {  	_ =	shalt  }
0x71: {  	_ =	shalt  }
0x72: {  	_ =	shalt  }
0x73: {  	_ =	shalt  }
0x74: {  	_ =	shalt  }
0x75: {  	_ =	shalt  }
0x76: {  	_ =	shalt  }
0x77: {  	_ =	shalt  }
0x78: {  	_ =	shalt  }
0x79: {  	_ =	shalt  }
0x7a: {  	_ =	shalt  }
0x7b: {  	_ =	shalt  }
0x7c: {  	_ =	shalt  }
0x7d: {  	_ =	shalt  }
0x7e: {  	_ =	shalt  }
0x7f: {  	_ =	shalt  }
0x80: {  	_ =	shalt  }
0x81: {  	_ =	shalt  }
0x82: {  	_ =	shalt  }
0x83: {  	_ =	shalt  }
0x84: {  	_ =	shalt  }
0x85: {  	_ =	shalt  }
0x86: {  	_ =	shalt  }
0x87: {  	_ =	shalt  }
.Lfunc_end0:
.L_simem_size_0:
called_computation_lowered:
.L_overlay_start_0:
0x88: {  	s2 =	sld [smem:$0x3FD9]  }
0x89: {  	s3 =	sld [smem:$0x3FFE];
	_ =	sdelay $0x1  }
0x8a: {  	s1 =	srdreg.scid  }
0x8b: {  	s0 =	sand.u32 $0x1, s1  }
0x8c: {  	s14 =	sshll.u32 s0, $0xA;
	s2 =	sadd.s32 s3, s2  }
0x8d: {  	s2 =	sadd.s32 s2, s14  }
0x8e: {  	[smem:$0x3FC4] =	sst s2  }
0x8f: {  	_ = 	snop  }
0x90: {  	s2 =	sld [smem:$0x3FD0];
	_ =	sdelay $0x2  }
0x91: {  	s15 =	simm.s32 $0xA;
	s4 =	simm.s32 $0x10  }
0x92: {  	[smem:s4], [sflag:s15] =	dma.local [hbm:s2], $0x1  }
0x93: {  	_ =	swait.eq [sflag:s15], $0x1  }
0x94: {  	[sflag:s15] =	ssyncset.done $0x0  }
0x95: {  	s16 =	sld [smem:$0x10];
	[sflag:s15] =	ssyncadd.s32 $0xFFFFFFFF  }
0x96: {  	s17 =	sld [smem:$0x11];
	(tm) =	ssettm $0x1  }
0x97: {  	s18 =	sld [smem:$0x3FFB];
	_ =	sdelay $0x3  }
0x98: {  	_ =	strace s18  }
0x99: {  	s4 =	sld [smem:$0x3FFC];
	_ =	sdelay $0x3  }
0x9a: {  	_ =	strace s4  }
0x9b: {  	s4 =	sld [smem:$0x3FFD];
	_ =	sdelay $0x3  }
0x9c: {  	_ =	strace s4  }
0x9d: {  	_ =	strace $0x8FFFFFFF  }
0x9e: {  	s19 =	sld [smem:$0x3FDB];
	_ =	sdelay $0x1  }
0x9f: {  	s5 =	simm.s32 $_scs_section_size  }
0xa0: {  	s6 =	simm.s32 $_size__tile_overlayer_lowered;
	s7 =	simm.s32 $_tile_overlayer_lowered  }
0xa1: {  	s22 =	simm.s32 $0x1BFF;
	s21 =	sshll.u32 s7, $0x1;
	s4 =	sadd.s32 s5, s19  }
0xa2: {  	s8 =	simm.s32 $0x0;
	s20 =	sshll.u32 s6, $0x1;
	s6 =	sadd.s32 s21, s4  }
0xa3: {  	[timem:s8], [sflag:s22] =	dma.local [hbm:s6], s20  }
0xa4: {  	_ =	swait.ge [sflag:s22], s20  }
0xa5: {  	s5 =	ssub.s32 $0x0, s20;
	[sflag:s22] =	ssyncset.done $0x0  }
0xa6: {  	[sflag:s22] =	ssyncadd.s32 s5;
	_ =	sdelay $0x1  }
0xa7: {  	s23 =	simm.s32 $0x1B8B  }
0xa8: {  	_ =	swait.ge [sflag:s23], $0x1  }
0xa9: {  	[sflag:s23] =	ssyncset.done $0x0  }
0xaa: {  	s25 =	simm.s32 $0x1B8E;
	s24 =	sld [smem:$0x3FFE];
	[sflag:s23] =	ssyncadd.s32 $0xFFFFFFFF  }
0xab: {  	s26 =	simm.s32 $execute0_lowered;
	[smem:$0x3FD2] =	sst s25  }
0xac: {  	s6 =	sshll.u32 s26, $0x1;
	_ =	strace $0x80000046;
	[dreg:$0x1] =	wrdreg $0xFFFFFFFF  }
0xad: {  	s28 =	simm.s32 $_size_execute0_lowered;
	s4 =	sadd.s32 s4, s6;
	[dreg:$0x0] =	wrdreg $0x0  }
0xae: {  	s6 =	sshll.u32 s28, $0x1;
	[dreg:$0x2] =	wrdreg s4  }
0xaf: {  	[dreg:$0x3] =	wrdreg s6  }
0xb0: {  	[dreg:$0x4] =	wrdreg $0xC0  }
0xb1: {  	_ =	task [dreg:s8], $0x5FFFF  }
0xb2: {  	[dreg:$0x1] =	wrdreg $0xFFFFFFFF  }
0xb3: {  	[dreg:$0x0] =	wrdreg $0x60  }
0xb4: {  	[dreg:$0x2] =	wrdreg s24  }
0xb5: {  	[dreg:$0x3] =	wrdreg s16  }
0xb6: {  	[dreg:$0x4] =	wrdreg s17  }
0xb7: {  	[dreg:$0x5] =	wrdreg $0x9  }
0xb8: {  	_ =	task.clear_ibuf [dreg:s8], $0x6FFFF;
	_ =	strace $0x90000046  }
0xb9: {  	s29 =	simm.s32 $0x9;
	_ =	strace $0x80000048  }
0xba: {  	_ =	swait.ge [sflag:s29], $0x1  }
0xbb: {  	[sflag:s29] =	ssyncadd.s32 $0xFFFFFFFF  }
0xbc: {  	_ =	strace $0x90000048  }
0xbd: {  	_ =	sfence  }
0xbe: {  	s30 =	sld [smem:$0x0];
	_ =	sdelay $0x2  }
0xbf: {  	s31 =	sshll.u32 s1, $0xD;
	s1 =	sshrl.u32 s1, $0x2  }
0xc0: {  	s3 =	sand.u32 $0x4000, s31;
	s1 =	sadd.s32 s1, s30  }
0xc1: {  	s0 =	sor.u32 s3, s0;
	s1 =	sshll.u32 s1, $0x11  }
0xc2: {  	s0 =	sor.u32 s1, s0  }
0xc3: {  	s0 =	sadd.s32 $0x8F2B, s0  }
0xc4: {  	[sflag:s0] =	ssyncadd.remote.s32 $0x1  }
0xc5: {  	_ =	sfence.sel $0xFFFF  }
0xc6: {  	[dreg:$0x0] =	wrdreg $0xFFFFFFFF;
	(pc) =	sbr.abs _section_cstart, $3  }
0xc7: {  	[dreg:$0x1] =	wrdreg $0xFFFFFFFF  }
0xc8: {  	_ =	task.clear_ibuf [dreg:s8], $0x2FFFF;
	_ =	strace $0x9FFFFFFF  }
0xc9: {  	(tm) =	ssettm $0x7FFFFFFF  }
tec
execute0_lowered:
.L_overlay_start_1:
0x0: {  	(tag) =	ssettag $0x1  }
0x1: {  	s1 =	srdreg.scid;
	s6 =	rddreg [dreg:$0x0]  }
0x2: {  	s0 =	stileid.u32;
	s11 =	rddreg [dreg:$0x1]  }
0x3: {  	s12 =	rddreg [dreg:$0x2];
	s7 =	sand.u32 $0x1, s1;
	s26 =	sshll.u32 s0, $0x1  }
0x4: {  	s2 =	simm.s32 $0x0;
	s8 =	simm.s32 $0x1;
	s20 =	sor.u32 s7, s26  }
0x5: {  	s17 =	simm.s32 $0x100;
	s1 =	rddreg [dreg:$0x3];
	s9 =	smul.u32 $0x7A20, s20  }
0x6: {  	s18 =	simm.s32 $0x200;
	s19 =	simm.s32 $0x300;
	[smem:$0x7FF] =	sst s2  }
0x7: {  	s4 =	sadd.s32 $0xA00, s6;
	s7 =	ssub.s32 $0x2, s7;
	s3 =	smin.u32 s9, $0xEC820  }
0x8: {  	_ =	strace $0x80000047;
	s30 =	sshrl.u32 s7, $0x1;
	s10 =	sadd.s32 $0x7A20, s3  }
0x9: {  	p2 =	seq.s32 s20, $0x1F;
	s20 =	simm.s32 $0x400;
	s5 =	ssub.s32 s10, s9  }
0xa: {  	s31 =	sshrl.u32 s9, $0x3;
	s3 =	sadd.s32 $0x600, s6;
	s21 =	sshra.s32 s5, $0x4  }
0xb: {  	v0 =	vmov s9;
	v1 =	vmov s10;
	s9 =	sadd.s32 s11, s31;
	s10 =	sadd.s32 s12, s31;
	p0 =	sgt.s32 s21, $0x0  }
0xc: {  	s13 =	sshra.s32 s5, $0x1F;
	s14 =	sshrl.u32 s5, $0x5;
	s8 =	simm.s32 @!p0 $0x0  }
0xd: {  	s11 =	sadd.s32 $0x1D93C, s11;
	s28 =	sand.u32 $0x1, s14;
	s8 =	sadd.s32 s8, s13  }
0xe: {  	s12 =	sadd.s32 $0x1D93C, s12;
	p1 =	seq.s32 s28, $0x1;
	p6 =	sne.s32 s8, $0x1  }
0xf: {  	s5 =	sadd.s32 $0x800, s6;
	s29 =	sshrl.u32 s21, $0x1E;
	p0 =	por !p1, !p6  }
0x10: {  	s13 =	simm.s32 $0x1;
	s8 =	sadd.s32 s29, s21;
	p0 =	por !p0, !p0  }
0x11: {  	s6 =	sadd.s32 $0xC00, s6;
	s8 =	sshra.s32 s8, $0x2;
	s13 =	simm.s32 @!p0 $0x0  }
.Ltmp0:
0x12: {  	s14 =	ssub.s32 s7, s30;
	s7 =	ssub.s32 s8, s13;
	(pc) =	sbr.rel .LBB2_1-.Ltmp0, $4  }
0x13: {  	s8 =	simm.s32 $0x1;
	s13 =	smax.u32 s14, $0x1;
	s15 =	sshll.u32 s7, $0x8  }
0x14: {  	vm0 =	vmmov $0x1;
	v4 =	vimm.s32 $0x0;
	s22 =	sshll.u32 s7, $0x2;
	p0 =	slt.s32 s7, $0x1;
	s16 =	sshra.s32 s15, $0x2  }
0x15: {  	v4 =	vsel vm0, $0xFFFFFFFF, v4;
	s14 =	ssub.s32 s21, s22;
	p1 =	sle.s32 s21, s22;
	s21 =	simm.s32 $0x7E80  }
0x16: {  	v2 =	vimm.f32 $0.0e+00;
	v3 =	vimm.f32 $NaN;
	[tilespmem:$0x1FFF0] =	vst v4;
	s22 =	simm.s32 $0x0;
	s15 =	sadd.s32 $0x400, s16;
	s16 =	sadd.s32 $0x7E80, s16  }
.LBB2_8:
0x17: {  	v4 =	vld [tilespmem:$0x0];
	_ =	sdelay $0x1  }
0x18: {  	v5 =	vld [tilespmem:$0x1FFF0];
	_ =	sdelay $0x2  }
0x19: {  	vm8 =	vge.s32 v4, v0;
	vm9 =	vlt.s32 v4, v1;
	v4 =	vsub.s32 v4, v0  }
0x1a: {  	vm0 =	vgt.s32 v4, $0x0  }
0x1b: {  	vm8 =	vmand vm8, vm9;
	v4 =	vnsel vm0, $0x0, v4;
	vm0 =	vnez.u8 v5  }
0x1c: {  	vm2 =	vcmask $0x704;
	vm9 =	vmand vm8, vm0  }
0x1d: {  	vm3 =	vcmask $0xB08;
	v5 =	vld [tilespmem:$0x100];
	vm10 =	vmand vm8, vm2;
	v4 =	vmin.u32 v4, $0x7A1F  }
0x1e: {  	vm4 =	vcmask $0xF0C;
	vm11 =	vmand vm8, vm3  }
0x1f: {  	vm5 =	vcmask $0x1310;
	vm12 =	vmand vm8, vm4  }
0x20: {  	vm6 =	vcmask $0x1714;
	vm13 =	vmand vm8, vm5  }
0x21: {  	vm14 =	vmand vm8, vm6;
	vm2 =	vcmask $0x1B18  }
0x22: {  	vm1 =	vcmask $0x1F1C;
	[tilespmem:v4+s20+$0x0] =	vst.idx.msk vm9, v5;
	vm9 =	vmand vm8, vm2  }
0x23: {  	vm7 =	vcmask $0x2320;
	[tilespmem:v4+s20+$0x0] =	vst.idx.msk vm10, v5;
	vm10 =	vmand vm8, vm1  }
0x24: {  	vm3 =	vcmask $0x2724;
	[tilespmem:v4+s20+$0x0] =	vst.idx.msk vm11, v5;
	vm11 =	vmand vm8, vm7  }
0x25: {  	vm1 =	vcmask $0x2B28;
	[tilespmem:v4+s20+$0x0] =	vst.idx.msk vm12, v5;
	vm12 =	vmand vm8, vm3  }
0x26: {  	[tilespmem:v4+s20+$0x0] =	vst.idx.msk vm13, v5;
	vm13 =	vmand vm8, vm1;
	vm1 =	vcmask $0x2F2C  }
0x27: {  	vm15 =	vcmask $0x3330;
	[tilespmem:v4+s20+$0x0] =	vst.idx.msk vm14, v5;
	vm14 =	vmand vm8, vm1  }
0x28: {  	vm1 =	vcmask $0x3734;
	[tilespmem:v4+s20+$0x0] =	vst.idx.msk vm9, v5;
	vm9 =	vmand vm8, vm15  }
0x29: {  	vm15 =	vcmask $0x3B38;
	[tilespmem:v4+s20+$0x0] =	vst.idx.msk vm10, v5;
	vm10 =	vmand vm8, vm1  }
0x2a: {  	vm1 =	vcmask $0x3F3C;
	[tilespmem:v4+s20+$0x0] =	vst.idx.msk vm11, v5;
	vm11 =	vmand vm8, vm15  }
0x2b: {  	vm8 =	vmand vm8, vm1;
	[tilespmem:v4+s20+$0x0] =	vst.idx.msk vm12, v5  }
0x2c: {  	[tilespmem:v4+s20+$0x0] =	vst.idx.msk vm13, v5  }
0x2d: {  	[tilespmem:v4+s20+$0x0] =	vst.idx.msk vm14, v5  }
0x2e: {  	[tilespmem:v4+s20+$0x0] =	vst.idx.msk vm9, v5  }
0x2f: {  	[tilespmem:v4+s20+$0x0] =	vst.idx.msk vm10, v5  }
0x30: {  	[tilespmem:v4+s20+$0x0] =	vst.idx.msk vm11, v5  }
0x31: {  	[tilespmem:v4+s20+$0x0] =	vst.idx.msk vm8, v5  }
0x32: {  	v4 =	vld [tilespmem:$0x10];
	_ =	sdelay $0x4  }
0x33: {  	vm15 =	vge.s32 v4, v0;
	vm1 =	vlt.s32 v4, v1;
	v4 =	vsub.s32 v4, v0  }
0x34: {  	vm8 =	vmand vm15, vm1;
	vm12 =	vgt.s32 v4, $0x0  }
0x35: {  	vm15 =	vcmask $0x704;
	v4 =	vnsel vm12, $0x0, v4;
	vm9 =	vmand vm8, vm0  }
0x36: {  	v5 =	vld [tilespmem:$0x110];
	vm1 =	vcmask $0xB08;
	vm10 =	vmand vm8, vm15;
	v4 =	vmin.u32 v4, $0x7A1F  }
0x37: {  	vm11 =	vmand vm8, vm1  }
0x38: {  	vm12 =	vmand vm8, vm4  }
0x39: {  	vm13 =	vmand vm8, vm5  }
0x3a: {  	vm14 =	vmand vm8, vm6  }
0x3b: {  	[tilespmem:v4+s20+$0x0] =	vst.idx.msk vm9, v5;
	vm9 =	vmand vm8, vm2;
	vm2 =	vcmask $0x1F1C  }
0x3c: {  	[tilespmem:v4+s20+$0x0] =	vst.idx.msk vm10, v5;
	vm10 =	vmand vm8, vm2  }
0x3d: {  	[tilespmem:v4+s20+$0x0] =	vst.idx.msk vm11, v5;
	vm11 =	vmand vm8, vm7  }
0x3e: {  	[tilespmem:v4+s20+$0x0] =	vst.idx.msk vm12, v5;
	vm12 =	vmand vm8, vm3  }
0x3f: {  	[tilespmem:v4+s20+$0x0] =	vst.idx.msk vm13, v5;
	vm13 =	vcmask $0x2B28  }
0x40: {  	vm13 =	vmand vm8, vm13;
	[tilespmem:v4+s20+$0x0] =	vst.idx.msk vm14, v5;
	vm14 =	vcmask $0x2F2C  }
0x41: {  	vm14 =	vmand vm8, vm14;
	[tilespmem:v4+s20+$0x0] =	vst.idx.msk vm9, v5;
	vm9 =	vcmask $0x3330  }
0x42: {  	vm9 =	vmand vm8, vm9;
	[tilespmem:v4+s20+$0x0] =	vst.idx.msk vm10, v5;
	vm10 =	vcmask $0x3734  }
0x43: {  	vm10 =	vmand vm8, vm10;
	[tilespmem:v4+s20+$0x0] =	vst.idx.msk vm11, v5;
	vm11 =	vcmask $0x3B38  }
0x44: {  	vm11 =	vmand vm8, vm11;
	[tilespmem:v4+s20+$0x0] =	vst.idx.msk vm12, v5;
	vm12 =	vcmask $0x3F3C  }
0x45: {  	vm8 =	vmand vm8, vm12  }
0x46: {  	[tilespmem:v4+s20+$0x0] =	vst.idx.msk vm13, v5  }
0x47: {  	[tilespmem:v4+s20+$0x0] =	vst.idx.msk vm14, v5  }
0x48: {  	[tilespmem:v4+s20+$0x0] =	vst.idx.msk vm9, v5  }
0x49: {  	[tilespmem:v4+s20+$0x0] =	vst.idx.msk vm10, v5  }
0x4a: {  	[tilespmem:v4+s20+$0x0] =	vst.idx.msk vm11, v5  }
0x4b: {  	[tilespmem:v4+s20+$0x0] =	vst.idx.msk vm8, v5  }
0x4c: {  	v4 =	vld [tilespmem:$0x20];
	_ =	sdelay $0x4  }
0x4d: {  	vm13 =	vge.s32 v4, v0;
	vm14 =	vlt.s32 v4, v1;
	v4 =	vsub.s32 v4, v0  }
0x4e: {  	vm8 =	vmand vm13, vm14;
	vm7 =	vgt.s32 v4, $0x0  }
0x4f: {  	v4 =	vnsel vm7, $0x0, v4;
	vm9 =	vmand vm8, vm0  }
0x50: {  	v5 =	vld [tilespmem:$0x120];
	vm10 =	vmand vm8, vm15;
	v4 =	vmin.u32 v4, $0x7A1F  }
0x51: {  	vm11 =	vmand vm8, vm1;
	_ =	sdelay $0x1  }
0x52: {  	vm12 =	vmand vm8, vm4  }
0x53: {  	vm13 =	vmand vm8, vm5  }
0x54: {  	vm14 =	vmand vm8, vm6;
	[tilespmem:v4+s20+$0x0] =	vst.idx.msk vm9, v5;
	vm9 =	vcmask $0x1B18  }
0x55: {  	vm9 =	vmand vm8, vm9;
	[tilespmem:v4+s20+$0x0] =	vst.idx.msk vm10, v5  }
0x56: {  	vm10 =	vmand vm8, vm2;
	[tilespmem:v4+s20+$0x0] =	vst.idx.msk vm11, v5;
	vm11 =	vcmask $0x2320  }
0x57: {  	vm11 =	vmand vm8, vm11  }
0x58: {  	[tilespmem:v4+s20+$0x0] =	vst.idx.msk vm12, v5;
	vm12 =	vmand vm8, vm3  }
0x59: {  	[tilespmem:v4+s20+$0x0] =	vst.idx.msk vm13, v5;
	vm13 =	vcmask $0x2B28  }
0x5a: {  	vm13 =	vmand vm8, vm13;
	[tilespmem:v4+s20+$0x0] =	vst.idx.msk vm14, v5;
	vm14 =	vcmask $0x2F2C  }
0x5b: {  	vm14 =	vmand vm8, vm14;
	[tilespmem:v4+s20+$0x0] =	vst.idx.msk vm9, v5;
	vm9 =	vcmask $0x3330  }
0x5c: {  	vm9 =	vmand vm8, vm9;
	[tilespmem:v4+s20+$0x0] =	vst.idx.msk vm10, v5;
	vm10 =	vcmask $0x3734  }
0x5d: {  	vm10 =	vmand vm8, vm10;
	[tilespmem:v4+s20+$0x0] =	vst.idx.msk vm11, v5;
	vm11 =	vcmask $0x3B38  }
0x5e: {  	vm11 =	vmand vm8, vm11;
	[tilespmem:v4+s20+$0x0] =	vst.idx.msk vm12, v5;
	vm12 =	vcmask $0x3F3C  }
0x5f: {  	vm8 =	vmand vm8, vm12  }
0x60: {  	[tilespmem:v4+s20+$0x0] =	vst.idx.msk vm13, v5  }
0x61: {  	[tilespmem:v4+s20+$0x0] =	vst.idx.msk vm14, v5  }
0x62: {  	[tilespmem:v4+s20+$0x0] =	vst.idx.msk vm9, v5  }
0x63: {  	[tilespmem:v4+s20+$0x0] =	vst.idx.msk vm10, v5  }
0x64: {  	[tilespmem:v4+s20+$0x0] =	vst.idx.msk vm11, v5  }
0x65: {  	[tilespmem:v4+s20+$0x0] =	vst.idx.msk vm8, v5  }
0x66: {  	v4 =	vld [tilespmem:$0x30];
	_ =	sdelay $0x4  }
0x67: {  	vm12 =	vge.s32 v4, v0;
	vm13 =	vlt.s32 v4, v1;
	v4 =	vsub.s32 v4, v0  }
0x68: {  	vm7 =	vmmov vm0;
	vm8 =	vmand vm12, vm13;
	vm14 =	vgt.s32 v4, $0x0  }
0x69: {  	v4 =	vnsel vm14, $0x0, v4;
	vm0 =	vmand vm8, vm7  }
0x6a: {  	v5 =	vld [tilespmem:$0x130];
	vm10 =	vmand vm8, vm15;
	v4 =	vmin.u32 v4, $0x7A1F  }
0x6b: {  	vm11 =	vmand vm8, vm1;
	_ =	sdelay $0x1  }
0x6c: {  	vm12 =	vmand vm8, vm4  }
0x6d: {  	vm13 =	vmand vm8, vm5  }
0x6e: {  	vm9 =	vcmask $0x1B18;
	vm14 =	vmand vm8, vm6;
	[tilespmem:v4+s20+$0x0] =	vst.idx.msk vm0, v5  }
0x6f: {  	vm9 =	vmand vm8, vm9;
	[tilespmem:v4+s20+$0x0] =	vst.idx.msk vm10, v5  }
0x70: {  	vm10 =	vmand vm8, vm2;
	[tilespmem:v4+s20+$0x0] =	vst.idx.msk vm11, v5;
	vm11 =	vcmask $0x2320  }
0x71: {  	vm11 =	vmand vm8, vm11  }
0x72: {  	[tilespmem:v4+s20+$0x0] =	vst.idx.msk vm12, v5;
	vm12 =	vmand vm8, vm3  }
0x73: {  	[tilespmem:v4+s20+$0x0] =	vst.idx.msk vm13, v5;
	vm13 =	vcmask $0x2B28  }
0x74: {  	vm13 =	vmand vm8, vm13;
	[tilespmem:v4+s20+$0x0] =	vst.idx.msk vm14, v5;
	vm14 =	vcmask $0x2F2C  }
0x75: {  	vm14 =	vmand vm8, vm14;
	[tilespmem:v4+s20+$0x0] =	vst.idx.msk vm9, v5;
	vm9 =	vcmask $0x3330  }
0x76: {  	vm9 =	vmand vm8, vm9;
	[tilespmem:v4+s20+$0x0] =	vst.idx.msk vm10, v5;
	vm10 =	vcmask $0x3734  }
0x77: {  	vm10 =	vmand vm8, vm10;
	[tilespmem:v4+s20+$0x0] =	vst.idx.msk vm11, v5;
	vm11 =	vcmask $0x3B38  }
0x78: {  	vm11 =	vmand vm8, vm11;
	[tilespmem:v4+s20+$0x0] =	vst.idx.msk vm12, v5;
	vm12 =	vcmask $0x3F3C  }
0x79: {  	vm8 =	vmand vm8, vm12  }
0x7a: {  	[tilespmem:v4+s20+$0x0] =	vst.idx.msk vm13, v5  }
0x7b: {  	[tilespmem:v4+s20+$0x0] =	vst.idx.msk vm14, v5  }
0x7c: {  	[tilespmem:v4+s20+$0x0] =	vst.idx.msk vm9, v5  }
0x7d: {  	[tilespmem:v4+s20+$0x0] =	vst.idx.msk vm10, v5  }
0x7e: {  	[tilespmem:v4+s20+$0x0] =	vst.idx.msk vm11, v5  }
0x7f: {  	[tilespmem:v4+s20+$0x0] =	vst.idx.msk vm8, v5  }
0x80: {  	v4 =	vld [tilespmem:$0x40];
	_ =	sdelay $0x4  }
0x81: {  	vm12 =	vge.s32 v4, v0;
	vm13 =	vlt.s32 v4, v1;
	v4 =	vsub.s32 v4, v0  }
0x82: {  	vm8 =	vmand vm12, vm13;
	vm14 =	vgt.s32 v4, $0x0  }
0x83: {  	v4 =	vnsel vm14, $0x0, v4;
	vm0 =	vmand vm8, vm7  }
0x84: {  	v5 =	vld [tilespmem:$0x140];
	vm10 =	vmand vm8, vm15;
	v4 =	vmin.u32 v4, $0x7A1F  }
0x85: {  	vm11 =	vmand vm8, vm1;
	_ =	sdelay $0x1  }
0x86: {  	vm12 =	vmand vm8, vm4  }
0x87: {  	vm13 =	vmand vm8, vm5  }
0x88: {  	vm9 =	vcmask $0x1B18;
	vm14 =	vmand vm8, vm6;
	[tilespmem:v4+s20+$0x0] =	vst.idx.msk vm0, v5  }
0x89: {  	vm9 =	vmand vm8, vm9;
	[tilespmem:v4+s20+$0x0] =	vst.idx.msk vm10, v5  }
0x8a: {  	vm10 =	vmand vm8, vm2;
	[tilespmem:v4+s20+$0x0] =	vst.idx.msk vm11, v5;
	vm11 =	vcmask $0x2320  }
0x8b: {  	vm11 =	vmand vm8, vm11  }
0x8c: {  	[tilespmem:v4+s20+$0x0] =	vst.idx.msk vm12, v5;
	vm12 =	vmand vm8, vm3  }
0x8d: {  	[tilespmem:v4+s20+$0x0] =	vst.idx.msk vm13, v5;
	vm13 =	vcmask $0x2B28  }
0x8e: {  	vm13 =	vmand vm8, vm13;
	[tilespmem:v4+s20+$0x0] =	vst.idx.msk vm14, v5;
	vm14 =	vcmask $0x2F2C  }
0x8f: {  	vm14 =	vmand vm8, vm14;
	[tilespmem:v4+s20+$0x0] =	vst.idx.msk vm9, v5;
	vm9 =	vcmask $0x3330  }
0x90: {  	vm9 =	vmand vm8, vm9;
	[tilespmem:v4+s20+$0x0] =	vst.idx.msk vm10, v5;
	vm10 =	vcmask $0x3734  }
0x91: {  	vm10 =	vmand vm8, vm10;
	[tilespmem:v4+s20+$0x0] =	vst.idx.msk vm11, v5;
	vm11 =	vcmask $0x3B38  }
0x92: {  	vm11 =	vmand vm8, vm11;
	[tilespmem:v4+s20+$0x0] =	vst.idx.msk vm12, v5;
	vm12 =	vcmask $0x3F3C  }
0x93: {  	vm8 =	vmand vm8, vm12  }
0x94: {  	[tilespmem:v4+s20+$0x0] =	vst.idx.msk vm13, v5  }
0x95: {  	[tilespmem:v4+s20+$0x0] =	vst.idx.msk vm14, v5  }
0x96: {  	[tilespmem:v4+s20+$0x0] =	vst.idx.msk vm9, v5  }
0x97: {  	[tilespmem:v4+s20+$0x0] =	vst.idx.msk vm10, v5  }
0x98: {  	[tilespmem:v4+s20+$0x0] =	vst.idx.msk vm11, v5  }
0x99: {  	[tilespmem:v4+s20+$0x0] =	vst.idx.msk vm8, v5  }
0x9a: {  	v4 =	vld [tilespmem:$0x50];
	_ =	sdelay $0x4  }
0x9b: {  	vm12 =	vge.s32 v4, v0;
	vm13 =	vlt.s32 v4, v1;
	v4 =	vsub.s32 v4, v0  }
0x9c: {  	vm8 =	vmand vm12, vm13;
	vm14 =	vgt.s32 v4, $0x0  }
0x9d: {  	v4 =	vnsel vm14, $0x0, v4;
	vm0 =	vmand vm8, vm7  }
0x9e: {  	v5 =	vld [tilespmem:$0x150];
	vm10 =	vmand vm8, vm15;
	v4 =	vmin.u32 v4, $0x7A1F  }
0x9f: {  	vm11 =	vmand vm8, vm1;
	_ =	sdelay $0x1  }
0xa0: {  	vm12 =	vmand vm8, vm4  }
0xa1: {  	vm13 =	vmand vm8, vm5  }
0xa2: {  	vm9 =	vcmask $0x1B18;
	vm14 =	vmand vm8, vm6;
	[tilespmem:v4+s20+$0x0] =	vst.idx.msk vm0, v5  }
0xa3: {  	vm9 =	vmand vm8, vm9;
	[tilespmem:v4+s20+$0x0] =	vst.idx.msk vm10, v5  }
0xa4: {  	vm10 =	vmand vm8, vm2;
	[tilespmem:v4+s20+$0x0] =	vst.idx.msk vm11, v5;
	vm11 =	vcmask $0x2320  }
0xa5: {  	vm11 =	vmand vm8, vm11  }
0xa6: {  	[tilespmem:v4+s20+$0x0] =	vst.idx.msk vm12, v5;
	vm12 =	vmand vm8, vm3  }
0xa7: {  	[tilespmem:v4+s20+$0x0] =	vst.idx.msk vm13, v5;
	vm13 =	vcmask $0x2B28  }
0xa8: {  	vm13 =	vmand vm8, vm13;
	[tilespmem:v4+s20+$0x0] =	vst.idx.msk vm14, v5;
	vm14 =	vcmask $0x2F2C  }
0xa9: {  	vm14 =	vmand vm8, vm14;
	[tilespmem:v4+s20+$0x0] =	vst.idx.msk vm9, v5;
	vm9 =	vcmask $0x3330  }
0xaa: {  	vm9 =	vmand vm8, vm9;
	[tilespmem:v4+s20+$0x0] =	vst.idx.msk vm10, v5;
	vm10 =	vcmask $0x3734  }
0xab: {  	vm10 =	vmand vm8, vm10;
	[tilespmem:v4+s20+$0x0] =	vst.idx.msk vm11, v5;
	vm11 =	vcmask $0x3B38  }
0xac: {  	vm11 =	vmand vm8, vm11;
	[tilespmem:v4+s20+$0x0] =	vst.idx.msk vm12, v5;
	vm12 =	vcmask $0x3F3C  }
0xad: {  	vm8 =	vmand vm8, vm12  }
0xae: {  	[tilespmem:v4+s20+$0x0] =	vst.idx.msk vm13, v5  }
0xaf: {  	[tilespmem:v4+s20+$0x0] =	vst.idx.msk vm14, v5  }
0xb0: {  	[tilespmem:v4+s20+$0x0] =	vst.idx.msk vm9, v5  }
0xb1: {  	[tilespmem:v4+s20+$0x0] =	vst.idx.msk vm10, v5  }
0xb2: {  	[tilespmem:v4+s20+$0x0] =	vst.idx.msk vm11, v5  }
0xb3: {  	[tilespmem:v4+s20+$0x0] =	vst.idx.msk vm8, v5  }
0xb4: {  	v4 =	vld [tilespmem:$0x60];
	_ =	sdelay $0x4  }
0xb5: {  	vm12 =	vge.s32 v4, v0;
	vm13 =	vlt.s32 v4, v1;
	v4 =	vsub.s32 v4, v0  }
0xb6: {  	vm8 =	vmand vm12, vm13;
	vm14 =	vgt.s32 v4, $0x0  }
0xb7: {  	v4 =	vnsel vm14, $0x0, v4;
	vm0 =	vmand vm8, vm7  }
0xb8: {  	v5 =	vld [tilespmem:$0x160];
	vm10 =	vmand vm8, vm15;
	v4 =	vmin.u32 v4, $0x7A1F  }
0xb9: {  	vm11 =	vmand vm8, vm1;
	_ =	sdelay $0x1  }
0xba: {  	vm12 =	vmand vm8, vm4  }
0xbb: {  	vm13 =	vmand vm8, vm5  }
0xbc: {  	vm9 =	vcmask $0x1B18;
	vm14 =	vmand vm8, vm6;
	[tilespmem:v4+s20+$0x0] =	vst.idx.msk vm0, v5  }
0xbd: {  	vm9 =	vmand vm8, vm9;
	[tilespmem:v4+s20+$0x0] =	vst.idx.msk vm10, v5  }
0xbe: {  	vm10 =	vmand vm8, vm2;
	[tilespmem:v4+s20+$0x0] =	vst.idx.msk vm11, v5;
	vm11 =	vcmask $0x2320  }
0xbf: {  	vm11 =	vmand vm8, vm11  }
0xc0: {  	[tilespmem:v4+s20+$0x0] =	vst.idx.msk vm12, v5;
	vm12 =	vmand vm8, vm3  }
0xc1: {  	[tilespmem:v4+s20+$0x0] =	vst.idx.msk vm13, v5;
	vm13 =	vcmask $0x2B28  }
0xc2: {  	vm13 =	vmand vm8, vm13;
	[tilespmem:v4+s20+$0x0] =	vst.idx.msk vm14, v5;
	vm14 =	vcmask $0x2F2C  }
0xc3: {  	vm14 =	vmand vm8, vm14;
	[tilespmem:v4+s20+$0x0] =	vst.idx.msk vm9, v5;
	vm9 =	vcmask $0x3330  }
0xc4: {  	vm9 =	vmand vm8, vm9;
	[tilespmem:v4+s20+$0x0] =	vst.idx.msk vm10, v5;
	vm10 =	vcmask $0x3734  }
0xc5: {  	vm10 =	vmand vm8, vm10;
	[tilespmem:v4+s20+$0x0] =	vst.idx.msk vm11, v5;
	vm11 =	vcmask $0x3B38  }
0xc6: {  	vm11 =	vmand vm8, vm11;
	[tilespmem:v4+s20+$0x0] =	vst.idx.msk vm12, v5;
	vm12 =	vcmask $0x3F3C  }
0xc7: {  	vm8 =	vmand vm8, vm12  }
0xc8: {  	[tilespmem:v4+s20+$0x0] =	vst.idx.msk vm13, v5  }
0xc9: {  	[tilespmem:v4+s20+$0x0] =	vst.idx.msk vm14, v5  }
0xca: {  	[tilespmem:v4+s20+$0x0] =	vst.idx.msk vm9, v5  }
0xcb: {  	[tilespmem:v4+s20+$0x0] =	vst.idx.msk vm10, v5  }
0xcc: {  	[tilespmem:v4+s20+$0x0] =	vst.idx.msk vm11, v5  }
0xcd: {  	[tilespmem:v4+s20+$0x0] =	vst.idx.msk vm8, v5  }
0xce: {  	v4 =	vld [tilespmem:$0x70];
	_ =	sdelay $0x4  }
0xcf: {  	vm12 =	vge.s32 v4, v0;
	vm13 =	vlt.s32 v4, v1;
	v4 =	vsub.s32 v4, v0  }
0xd0: {  	vm8 =	vmand vm12, vm13;
	vm14 =	vgt.s32 v4, $0x0  }
0xd1: {  	v4 =	vnsel vm14, $0x0, v4;
	vm0 =	vmand vm8, vm7  }
0xd2: {  	v5 =	vld [tilespmem:$0x170];
	vm10 =	vmand vm8, vm15;
	v4 =	vmin.u32 v4, $0x7A1F  }
0xd3: {  	vm11 =	vmand vm8, vm1;
	_ =	sdelay $0x1  }
0xd4: {  	vm12 =	vmand vm8, vm4  }
0xd5: {  	vm13 =	vmand vm8, vm5  }
0xd6: {  	vm9 =	vcmask $0x1B18;
	vm14 =	vmand vm8, vm6;
	[tilespmem:v4+s20+$0x0] =	vst.idx.msk vm0, v5  }
0xd7: {  	vm9 =	vmand vm8, vm9;
	[tilespmem:v4+s20+$0x0] =	vst.idx.msk vm10, v5  }
0xd8: {  	vm10 =	vmand vm8, vm2;
	[tilespmem:v4+s20+$0x0] =	vst.idx.msk vm11, v5;
	vm11 =	vcmask $0x2320  }
0xd9: {  	vm11 =	vmand vm8, vm11  }
0xda: {  	[tilespmem:v4+s20+$0x0] =	vst.idx.msk vm12, v5;
	vm12 =	vmand vm8, vm3  }
0xdb: {  	[tilespmem:v4+s20+$0x0] =	vst.idx.msk vm13, v5;
	vm13 =	vcmask $0x2B28  }
0xdc: {  	vm13 =	vmand vm8, vm13;
	[tilespmem:v4+s20+$0x0] =	vst.idx.msk vm14, v5;
	vm14 =	vcmask $0x2F2C  }
0xdd: {  	vm14 =	vmand vm8, vm14;
	[tilespmem:v4+s20+$0x0] =	vst.idx.msk vm9, v5;
	vm9 =	vcmask $0x3330  }
0xde: {  	vm9 =	vmand vm8, vm9;
	[tilespmem:v4+s20+$0x0] =	vst.idx.msk vm10, v5;
	vm10 =	vcmask $0x3734  }
0xdf: {  	vm10 =	vmand vm8, vm10;
	[tilespmem:v4+s20+$0x0] =	vst.idx.msk vm11, v5;
	vm11 =	vcmask $0x3B38  }
0xe0: {  	vm11 =	vmand vm8, vm11;
	[tilespmem:v4+s20+$0x0] =	vst.idx.msk vm12, v5;
	vm12 =	vcmask $0x3F3C  }
0xe1: {  	vm8 =	vmand vm8, vm12  }
0xe2: {  	[tilespmem:v4+s20+$0x0] =	vst.idx.msk vm13, v5  }
0xe3: {  	[tilespmem:v4+s20+$0x0] =	vst.idx.msk vm14, v5  }
0xe4: {  	[tilespmem:v4+s20+$0x0] =	vst.idx.msk vm9, v5  }
0xe5: {  	[tilespmem:v4+s20+$0x0] =	vst.idx.msk vm10, v5  }
0xe6: {  	[tilespmem:v4+s20+$0x0] =	vst.idx.msk vm11, v5  }
0xe7: {  	[tilespmem:v4+s20+$0x0] =	vst.idx.msk vm8, v5  }
0xe8: {  	v4 =	vld [tilespmem:$0x80];
	_ =	sdelay $0x4  }
0xe9: {  	vm12 =	vge.s32 v4, v0;
	vm13 =	vlt.s32 v4, v1;
	v4 =	vsub.s32 v4, v0  }
0xea: {  	vm8 =	vmand vm12, vm13;
	vm14 =	vgt.s32 v4, $0x0  }
0xeb: {  	v4 =	vnsel vm14, $0x0, v4;
	vm0 =	vmand vm8, vm7  }
0xec: {  	v5 =	vld [tilespmem:$0x180];
	vm10 =	vmand vm8, vm15;
	v4 =	vmin.u32 v4, $0x7A1F  }
0xed: {  	vm11 =	vmand vm8, vm1;
	_ =	sdelay $0x1  }
0xee: {  	vm12 =	vmand vm8, vm4  }
0xef: {  	vm13 =	vmand vm8, vm5  }
0xf0: {  	vm9 =	vcmask $0x1B18;
	vm14 =	vmand vm8, vm6;
	[tilespmem:v4+s20+$0x0] =	vst.idx.msk vm0, v5  }
0xf1: {  	vm9 =	vmand vm8, vm9;
	[tilespmem:v4+s20+$0x0] =	vst.idx.msk vm10, v5  }
0xf2: {  	vm10 =	vmand vm8, vm2;
	[tilespmem:v4+s20+$0x0] =	vst.idx.msk vm11, v5;
	vm11 =	vcmask $0x2320  }
0xf3: {  	vm11 =	vmand vm8, vm11  }
0xf4: {  	[tilespmem:v4+s20+$0x0] =	vst.idx.msk vm12, v5;
	vm12 =	vmand vm8, vm3  }
0xf5: {  	[tilespmem:v4+s20+$0x0] =	vst.idx.msk vm13, v5;
	vm13 =	vcmask $0x2B28  }
0xf6: {  	vm13 =	vmand vm8, vm13;
	[tilespmem:v4+s20+$0x0] =	vst.idx.msk vm14, v5;
	vm14 =	vcmask $0x2F2C  }
0xf7: {  	vm14 =	vmand vm8, vm14;
	[tilespmem:v4+s20+$0x0] =	vst.idx.msk vm9, v5;
	vm9 =	vcmask $0x3330  }
0xf8: {  	vm9 =	vmand vm8, vm9;
	[tilespmem:v4+s20+$0x0] =	vst.idx.msk vm10, v5;
	vm10 =	vcmask $0x3734  }
0xf9: {  	vm10 =	vmand vm8, vm10;
	[tilespmem:v4+s20+$0x0] =	vst.idx.msk vm11, v5;
	vm11 =	vcmask $0x3B38  }
0xfa: {  	vm11 =	vmand vm8, vm11;
	[tilespmem:v4+s20+$0x0] =	vst.idx.msk vm12, v5;
	vm12 =	vcmask $0x3F3C  }
0xfb: {  	vm8 =	vmand vm8, vm12  }
0xfc: {  	[tilespmem:v4+s20+$0x0] =	vst.idx.msk vm13, v5  }
0xfd: {  	[tilespmem:v4+s20+$0x0] =	vst.idx.msk vm14, v5  }
0xfe: {  	[tilespmem:v4+s20+$0x0] =	vst.idx.msk vm9, v5  }
0xff: {  	[tilespmem:v4+s20+$0x0] =	vst.idx.msk vm10, v5  }
0x100: {  	[tilespmem:v4+s20+$0x0] =	vst.idx.msk vm11, v5  }
0x101: {  	[tilespmem:v4+s20+$0x0] =	vst.idx.msk vm8, v5  }
0x102: {  	v4 =	vld [tilespmem:$0x90];
	_ =	sdelay $0x4  }
0x103: {  	vm12 =	vge.s32 v4, v0;
	vm13 =	vlt.s32 v4, v1;
	v4 =	vsub.s32 v4, v0  }
0x104: {  	vm8 =	vmand vm12, vm13;
	vm14 =	vgt.s32 v4, $0x0  }
0x105: {  	v4 =	vnsel vm14, $0x0, v4;
	vm0 =	vmand vm8, vm7  }
0x106: {  	v5 =	vld [tilespmem:$0x190];
	vm10 =	vmand vm8, vm15;
	v4 =	vmin.u32 v4, $0x7A1F  }
0x107: {  	vm11 =	vmand vm8, vm1;
	_ =	sdelay $0x1  }
0x108: {  	vm12 =	vmand vm8, vm4  }
0x109: {  	vm13 =	vmand vm8, vm5  }
0x10a: {  	vm9 =	vcmask $0x1B18;
	vm14 =	vmand vm8, vm6;
	[tilespmem:v4+s20+$0x0] =	vst.idx.msk vm0, v5  }
0x10b: {  	vm9 =	vmand vm8, vm9;
	[tilespmem:v4+s20+$0x0] =	vst.idx.msk vm10, v5  }
0x10c: {  	vm10 =	vmand vm8, vm2;
	[tilespmem:v4+s20+$0x0] =	vst.idx.msk vm11, v5;
	vm11 =	vcmask $0x2320  }
0x10d: {  	vm11 =	vmand vm8, vm11  }
0x10e: {  	[tilespmem:v4+s20+$0x0] =	vst.idx.msk vm12, v5;
	vm12 =	vmand vm8, vm3  }
0x10f: {  	[tilespmem:v4+s20+$0x0] =	vst.idx.msk vm13, v5;
	vm13 =	vcmask $0x2B28  }
0x110: {  	vm13 =	vmand vm8, vm13;
	[tilespmem:v4+s20+$0x0] =	vst.idx.msk vm14, v5;
	vm14 =	vcmask $0x2F2C  }
0x111: {  	vm14 =	vmand vm8, vm14;
	[tilespmem:v4+s20+$0x0] =	vst.idx.msk vm9, v5;
	vm9 =	vcmask $0x3330  }
0x112: {  	vm9 =	vmand vm8, vm9;
	[tilespmem:v4+s20+$0x0] =	vst.idx.msk vm10, v5;
	vm10 =	vcmask $0x3734  }
0x113: {  	vm10 =	vmand vm8, vm10;
	[tilespmem:v4+s20+$0x0] =	vst.idx.msk vm11, v5;
	vm11 =	vcmask $0x3B38  }
0x114: {  	vm11 =	vmand vm8, vm11;
	[tilespmem:v4+s20+$0x0] =	vst.idx.msk vm12, v5;
	vm12 =	vcmask $0x3F3C  }
0x115: {  	vm8 =	vmand vm8, vm12  }
0x116: {  	[tilespmem:v4+s20+$0x0] =	vst.idx.msk vm13, v5  }
0x117: {  	[tilespmem:v4+s20+$0x0] =	vst.idx.msk vm14, v5  }
0x118: {  	[tilespmem:v4+s20+$0x0] =	vst.idx.msk vm9, v5  }
0x119: {  	[tilespmem:v4+s20+$0x0] =	vst.idx.msk vm10, v5  }
0x11a: {  	[tilespmem:v4+s20+$0x0] =	vst.idx.msk vm11, v5  }
0x11b: {  	[tilespmem:v4+s20+$0x0] =	vst.idx.msk vm8, v5  }
0x11c: {  	v4 =	vld [tilespmem:$0xA0];
	_ =	sdelay $0x4  }
0x11d: {  	vm12 =	vge.s32 v4, v0;
	vm13 =	vlt.s32 v4, v1;
	v4 =	vsub.s32 v4, v0  }
0x11e: {  	vm8 =	vmand vm12, vm13;
	vm14 =	vgt.s32 v4, $0x0  }
0x11f: {  	v4 =	vnsel vm14, $0x0, v4;
	vm0 =	vmand vm8, vm7  }
0x120: {  	v5 =	vld [tilespmem:$0x1A0];
	vm10 =	vmand vm8, vm15;
	v4 =	vmin.u32 v4, $0x7A1F  }
0x121: {  	vm11 =	vmand vm8, vm1;
	_ =	sdelay $0x1  }
0x122: {  	vm12 =	vmand vm8, vm4  }
0x123: {  	vm13 =	vmand vm8, vm5  }
0x124: {  	vm9 =	vcmask $0x1B18;
	vm14 =	vmand vm8, vm6;
	[tilespmem:v4+s20+$0x0] =	vst.idx.msk vm0, v5  }
0x125: {  	vm9 =	vmand vm8, vm9;
	[tilespmem:v4+s20+$0x0] =	vst.idx.msk vm10, v5  }
0x126: {  	vm10 =	vmand vm8, vm2;
	[tilespmem:v4+s20+$0x0] =	vst.idx.msk vm11, v5;
	vm11 =	vcmask $0x2320  }
0x127: {  	vm11 =	vmand vm8, vm11  }
0x128: {  	vm0 =	vcmask $0x2B28;
	[tilespmem:v4+s20+$0x0] =	vst.idx.msk vm12, v5;
	vm12 =	vmand vm8, vm3  }
0x129: {  	[tilespmem:v4+s20+$0x0] =	vst.idx.msk vm13, v5;
	vm13 =	vmand vm8, vm0;
	vm0 =	vcmask $0x2F2C  }
0x12a: {  	[tilespmem:v4+s20+$0x0] =	vst.idx.msk vm14, v5;
	vm14 =	vmand vm8, vm0;
	vm0 =	vcmask $0x3330  }
0x12b: {  	[tilespmem:v4+s20+$0x0] =	vst.idx.msk vm9, v5;
	vm9 =	vmand vm8, vm0;
	vm0 =	vcmask $0x3734  }
0x12c: {  	[tilespmem:v4+s20+$0x0] =	vst.idx.msk vm10, v5;
	vm10 =	vmand vm8, vm0;
	vm0 =	vcmask $0x3B38  }
0x12d: {  	[tilespmem:v4+s20+$0x0] =	vst.idx.msk vm11, v5;
	vm11 =	vmand vm8, vm0;
	vm0 =	vcmask $0x3F3C  }
0x12e: {  	[tilespmem:v4+s20+$0x0] =	vst.idx.msk vm12, v5;
	vm8 =	vmand vm8, vm0  }
0x12f: {  	[tilespmem:v4+s20+$0x0] =	vst.idx.msk vm13, v5  }
0x130: {  	[tilespmem:v4+s20+$0x0] =	vst.idx.msk vm14, v5  }
0x131: {  	[tilespmem:v4+s20+$0x0] =	vst.idx.msk vm9, v5  }
0x132: {  	[tilespmem:v4+s20+$0x0] =	vst.idx.msk vm10, v5  }
0x133: {  	[tilespmem:v4+s20+$0x0] =	vst.idx.msk vm11, v5  }
0x134: {  	[tilespmem:v4+s20+$0x0] =	vst.idx.msk vm8, v5  }
0x135: {  	v4 =	vld [tilespmem:$0xB0];
	_ =	sdelay $0x4  }
0x136: {  	vm13 =	vge.s32 v4, v0;
	vm14 =	vlt.s32 v4, v1;
	v4 =	vsub.s32 v4, v0  }
0x137: {  	vm8 =	vmand vm13, vm14;
	vm12 =	vgt.s32 v4, $0x0  }
0x138: {  	v4 =	vnsel vm12, $0x0, v4;
	vm9 =	vmand vm8, vm7  }
0x139: {  	v5 =	vld [tilespmem:$0x1B0];
	vm10 =	vmand vm8, vm15;
	v4 =	vmin.u32 v4, $0x7A1F  }
0x13a: {  	vm11 =	vmand vm8, vm1;
	_ =	sdelay $0x1  }
0x13b: {  	vm12 =	vmand vm8, vm4  }
0x13c: {  	vm13 =	vmand vm8, vm5  }
0x13d: {  	vm14 =	vmand vm8, vm6;
	[tilespmem:v4+s20+$0x0] =	vst.idx.msk vm9, v5;
	vm9 =	vcmask $0x1B18  }
0x13e: {  	vm9 =	vmand vm8, vm9;
	[tilespmem:v4+s20+$0x0] =	vst.idx.msk vm10, v5  }
0x13f: {  	vm10 =	vmand vm8, vm2;
	[tilespmem:v4+s20+$0x0] =	vst.idx.msk vm11, v5;
	vm11 =	vcmask $0x2320  }
0x140: {  	vm11 =	vmand vm8, vm11  }
0x141: {  	[tilespmem:v4+s20+$0x0] =	vst.idx.msk vm12, v5  }
0x142: {  	vm12 =	vmand vm8, vm3;
	[tilespmem:v4+s20+$0x0] =	vst.idx.msk vm13, v5;
	vm13 =	vcmask $0x2B28  }
0x143: {  	vm13 =	vmand vm8, vm13;
	[tilespmem:v4+s20+$0x0] =	vst.idx.msk vm14, v5;
	vm14 =	vcmask $0x2F2C  }
0x144: {  	vm14 =	vmand vm8, vm14;
	[tilespmem:v4+s20+$0x0] =	vst.idx.msk vm9, v5;
	vm9 =	vcmask $0x3330  }
0x145: {  	vm9 =	vmand vm8, vm9;
	[tilespmem:v4+s20+$0x0] =	vst.idx.msk vm10, v5;
	vm10 =	vcmask $0x3734  }
0x146: {  	vm10 =	vmand vm8, vm10;
	[tilespmem:v4+s20+$0x0] =	vst.idx.msk vm11, v5;
	vm11 =	vcmask $0x3B38  }
0x147: {  	vm11 =	vmand vm8, vm11  }
0x148: {  	[tilespmem:v4+s20+$0x0] =	vst.idx.msk vm12, v5;
	vm8 =	vmand vm8, vm0  }
0x149: {  	[tilespmem:v4+s20+$0x0] =	vst.idx.msk vm13, v5  }
0x14a: {  	[tilespmem:v4+s20+$0x0] =	vst.idx.msk vm14, v5  }
0x14b: {  	[tilespmem:v4+s20+$0x0] =	vst.idx.msk vm9, v5  }
0x14c: {  	[tilespmem:v4+s20+$0x0] =	vst.idx.msk vm10, v5  }
0x14d: {  	[tilespmem:v4+s20+$0x0] =	vst.idx.msk vm11, v5  }
0x14e: {  	[tilespmem:v4+s20+$0x0] =	vst.idx.msk vm8, v5  }
0x14f: {  	v4 =	vld [tilespmem:$0xC0];
	_ =	sdelay $0x4  }
0x150: {  	vm13 =	vge.s32 v4, v0;
	vm14 =	vlt.s32 v4, v1;
	v4 =	vsub.s32 v4, v0  }
0x151: {  	vm8 =	vmand vm13, vm14;
	vm0 =	vgt.s32 v4, $0x0  }
0x152: {  	v4 =	vnsel vm0, $0x0, v4;
	vm9 =	vmand vm8, vm7  }
0x153: {  	v5 =	vld [tilespmem:$0x1C0];
	vm10 =	vmand vm8, vm15;
	v4 =	vmin.u32 v4, $0x7A1F  }
0x154: {  	vm11 =	vmand vm8, vm1  }
0x155: {  	vm12 =	vmand vm8, vm4  }
0x156: {  	vm13 =	vmand vm8, vm5  }
0x157: {  	vm0 =	vmmov vm1;
	vm14 =	vmand vm8, vm6;
	vm1 =	vcmask $0x1B18  }
0x158: {  	[tilespmem:v4+s20+$0x0] =	vst.idx.msk vm9, v5;
	vm9 =	vmand vm8, vm1  }
0x159: {  	vm8 =	vmand vm8, vm2;
	[tilespmem:v4+s20+$0x0] =	vst.idx.msk vm10, v5  }
0x15a: {  	vm1 =	vmxor vm1, vm1;
	[tilespmem:v4+s20+$0x0] =	vst.idx.msk vm11, v5  }
0x15b: {  	[tilespmem:v4+s20+$0x0] =	vst.idx.msk vm12, v5  }
0x15c: {  	[tilespmem:v4+s20+$0x0] =	vst.idx.msk vm13, v5  }
0x15d: {  	[tilespmem:v4+s20+$0x0] =	vst.idx.msk vm14, v5  }
0x15e: {  	[tilespmem:v4+s20+$0x0] =	vst.idx.msk vm9, v5  }
0x15f: {  	[tilespmem:v4+s20+$0x0] =	vst.idx.msk vm8, v5  }
0x160: {  	[tilespmem:v4+s20+$0x0] =	vst.idx.msk vm1, v5  }
0x161: {  	[tilespmem:v4+s20+$0x0] =	vst.idx.msk vm1, v5  }
0x162: {  	[tilespmem:v4+s20+$0x0] =	vst.idx.msk vm1, v5  }
0x163: {  	[tilespmem:v4+s20+$0x0] =	vst.idx.msk vm1, v5  }
0x164: {  	[tilespmem:v4+s20+$0x0] =	vst.idx.msk vm1, v5  }
0x165: {  	[tilespmem:v4+s20+$0x0] =	vst.idx.msk vm1, v5  }
0x166: {  	[tilespmem:v4+s20+$0x0] =	vst.idx.msk vm1, v5  }
0x167: {  	[tilespmem:v4+s20+$0x0] =	vst.idx.msk vm1, v5  }
0x168: {  	v4 =	vld [tilespmem:$0x200];
	_ =	sdelay $0x4  }
0x169: {  	vm12 =	vge.s32 v4, v0;
	vm13 =	vlt.s32 v4, v1;
	v4 =	vsub.s32 v4, v0  }
0x16a: {  	vm8 =	vmand vm12, vm13;
	vm14 =	vgt.s32 v4, $0x0  }
0x16b: {  	v4 =	vnsel vm14, $0x0, v4;
	vm9 =	vmand vm8, vm7  }
0x16c: {  	v5 =	vld [tilespmem:$0x300];
	vm10 =	vmand vm8, vm15;
	v4 =	vmin.u32 v4, $0x7A1F  }
0x16d: {  	vm0 =	vmand vm8, vm0  }
0x16e: {  	vm1 =	vmand vm8, vm4  }
0x16f: {  	vm13 =	vmand vm8, vm5  }
0x170: {  	vm14 =	vmand vm8, vm6;
	vm6 =	vcmask $0x1B18  }
0x171: {  	[tilespmem:v4+s21+$0x0] =	vst.idx.msk vm9, v5;
	vm9 =	vmand vm8, vm6  }
0x172: {  	vm15 =	vcmask $0x2320;
	[tilespmem:v4+s21+$0x0] =	vst.idx.msk vm10, v5;
	vm10 =	vmand vm8, vm2  }
0x173: {  	vm11 =	vmand vm8, vm15;
	[tilespmem:v4+s21+$0x0] =	vst.idx.msk vm0, v5  }
0x174: {  	[tilespmem:v4+s21+$0x0] =	vst.idx.msk vm1, v5  }
0x175: {  	vm12 =	vmand vm8, vm3;
	vm2 =	vcmask $0x2B28;
	[tilespmem:v4+s21+$0x0] =	vst.idx.msk vm13, v5  }
0x176: {  	vm1 =	vmmov vm3;
	vm3 =	vcmask $0x2F2C;
	vm13 =	vmand vm8, vm2;
	[tilespmem:v4+s21+$0x0] =	vst.idx.msk vm14, v5  }
0x177: {  	vm4 =	vcmask $0x3330;
	vm14 =	vmand vm8, vm3;
	[tilespmem:v4+s21+$0x0] =	vst.idx.msk vm9, v5  }
0x178: {  	vm5 =	vcmask $0x3734;
	vm9 =	vmand vm8, vm4;
	[tilespmem:v4+s21+$0x0] =	vst.idx.msk vm10, v5  }
0x179: {  	vm10 =	vmand vm8, vm5;
	[tilespmem:v4+s21+$0x0] =	vst.idx.msk vm11, v5;
	vm11 =	vcmask $0x3B38  }
0x17a: {  	vm0 =	vcmask $0x3F3C;
	vm11 =	vmand vm8, vm11  }
0x17b: {  	[tilespmem:v4+s21+$0x0] =	vst.idx.msk vm12, v5;
	vm8 =	vmand vm8, vm0  }
0x17c: {  	[tilespmem:v4+s21+$0x0] =	vst.idx.msk vm13, v5  }
0x17d: {  	[tilespmem:v4+s21+$0x0] =	vst.idx.msk vm14, v5  }
0x17e: {  	[tilespmem:v4+s21+$0x0] =	vst.idx.msk vm9, v5  }
0x17f: {  	[tilespmem:v4+s21+$0x0] =	vst.idx.msk vm10, v5  }
0x180: {  	[tilespmem:v4+s21+$0x0] =	vst.idx.msk vm11, v5  }
0x181: {  	[tilespmem:v4+s21+$0x0] =	vst.idx.msk vm8, v5  }
0x182: {  	v4 =	vld [tilespmem:$0x210];
	_ =	sdelay $0x4  }
0x183: {  	vm13 =	vge.s32 v4, v0;
	vm14 =	vlt.s32 v4, v1;
	v4 =	vsub.s32 v4, v0  }
0x184: {  	vm8 =	vmand vm13, vm14;
	vm0 =	vgt.s32 v4, $0x0  }
0x185: {  	vm10 =	vcmask $0x704;
	v4 =	vnsel vm0, $0x0, v4;
	vm9 =	vmand vm8, vm7  }
0x186: {  	vm11 =	vcmask $0xB08;
	v5 =	vld [tilespmem:$0x310];
	vm10 =	vmand vm8, vm10;
	v4 =	vmin.u32 v4, $0x7A1F  }
0x187: {  	vm12 =	vcmask $0xF0C;
	vm11 =	vmand vm8, vm11  }
0x188: {  	vm13 =	vcmask $0x1310;
	vm12 =	vmand vm8, vm12  }
0x189: {  	vm14 =	vcmask $0x1714;
	vm13 =	vmand vm8, vm13  }
0x18a: {  	vm14 =	vmand vm8, vm14  }
0x18b: {  	vm0 =	vcmask $0x1F1C;
	[tilespmem:v4+s21+$0x0] =	vst.idx.msk vm9, v5;
	vm9 =	vmand vm8, vm6  }
0x18c: {  	[tilespmem:v4+s21+$0x0] =	vst.idx.msk vm10, v5;
	vm10 =	vmand vm8, vm0  }
0x18d: {  	vm0 =	vmand vm8, vm15;
	[tilespmem:v4+s21+$0x0] =	vst.idx.msk vm11, v5  }
0x18e: {  	[tilespmem:v4+s21+$0x0] =	vst.idx.msk vm12, v5;
	vm12 =	vmand vm8, vm1  }
0x18f: {  	[tilespmem:v4+s21+$0x0] =	vst.idx.msk vm13, v5  }
0x190: {  	vm13 =	vmand vm8, vm2;
	[tilespmem:v4+s21+$0x0] =	vst.idx.msk vm14, v5  }
0x191: {  	vm14 =	vmand vm8, vm3;
	[tilespmem:v4+s21+$0x0] =	vst.idx.msk vm9, v5  }
0x192: {  	vm9 =	vmand vm8, vm4;
	[tilespmem:v4+s21+$0x0] =	vst.idx.msk vm10, v5  }
0x193: {  	vm11 =	vcmask $0x3B38;
	vm10 =	vmand vm8, vm5;
	[tilespmem:v4+s21+$0x0] =	vst.idx.msk vm0, v5  }
0x194: {  	vm11 =	vmand vm8, vm11;
	[tilespmem:v4+s21+$0x0] =	vst.idx.msk vm12, v5;
	vm12 =	vcmask $0x3F3C  }
0x195: {  	vm8 =	vmand vm8, vm12  }
0x196: {  	[tilespmem:v4+s21+$0x0] =	vst.idx.msk vm13, v5  }
0x197: {  	[tilespmem:v4+s21+$0x0] =	vst.idx.msk vm14, v5  }
0x198: {  	[tilespmem:v4+s21+$0x0] =	vst.idx.msk vm9, v5  }
0x199: {  	[tilespmem:v4+s21+$0x0] =	vst.idx.msk vm10, v5  }
0x19a: {  	[tilespmem:v4+s21+$0x0] =	vst.idx.msk vm11, v5  }
0x19b: {  	[tilespmem:v4+s21+$0x0] =	vst.idx.msk vm8, v5  }
0x19c: {  	v4 =	vld [tilespmem:$0x220];
	_ =	sdelay $0x4  }
0x19d: {  	vm13 =	vge.s32 v4, v0;
	vm14 =	vlt.s32 v4, v1;
	v4 =	vsub.s32 v4, v0  }
0x19e: {  	vm8 =	vmand vm13, vm14;
	vm0 =	vgt.s32 v4, $0x0  }
0x19f: {  	vm10 =	vcmask $0x704;
	v4 =	vnsel vm0, $0x0, v4;
	vm9 =	vmand vm8, vm7  }
0x1a0: {  	v5 =	vld [tilespmem:$0x320];
	vm10 =	vmand vm8, vm10;
	v4 =	vmin.u32 v4, $0x7A1F  }
0x1a1: {  	vm11 =	vcmask $0xB08  }
0x1a2: {  	vm12 =	vcmask $0xF0C;
	vm11 =	vmand vm8, vm11  }
0x1a3: {  	vm13 =	vcmask $0x1310;
	vm12 =	vmand vm8, vm12  }
0x1a4: {  	vm14 =	vcmask $0x1714;
	vm13 =	vmand vm8, vm13  }
0x1a5: {  	vm14 =	vmand vm8, vm14;
	[tilespmem:v4+s21+$0x0] =	vst.idx.msk vm9, v5  }
0x1a6: {  	vm9 =	vmand vm8, vm6;
	[tilespmem:v4+s21+$0x0] =	vst.idx.msk vm10, v5;
	vm10 =	vcmask $0x1F1C  }
0x1a7: {  	vm10 =	vmand vm8, vm10  }
0x1a8: {  	vm0 =	vmand vm8, vm15;
	[tilespmem:v4+s21+$0x0] =	vst.idx.msk vm11, v5  }
0x1a9: {  	vm6 =	vmand vm8, vm1;
	[tilespmem:v4+s21+$0x0] =	vst.idx.msk vm12, v5  }
0x1aa: {  	[tilespmem:v4+s21+$0x0] =	vst.idx.msk vm13, v5  }
0x1ab: {  	vm13 =	vmand vm8, vm2;
	[tilespmem:v4+s21+$0x0] =	vst.idx.msk vm14, v5  }
0x1ac: {  	vm14 =	vmand vm8, vm3;
	[tilespmem:v4+s21+$0x0] =	vst.idx.msk vm9, v5  }
0x1ad: {  	vm9 =	vmand vm8, vm4;
	[tilespmem:v4+s21+$0x0] =	vst.idx.msk vm10, v5  }
0x1ae: {  	vm11 =	vcmask $0x3B38;
	vm10 =	vmand vm8, vm5;
	[tilespmem:v4+s21+$0x0] =	vst.idx.msk vm0, v5  }
0x1af: {  	vm2 =	vmand vm8, vm11;
	[tilespmem:v4+s21+$0x0] =	vst.idx.msk vm6, v5;
	vm6 =	vcmask $0x3F3C  }
0x1b0: {  	vm8 =	vmand vm8, vm6  }
0x1b1: {  	[tilespmem:v4+s21+$0x0] =	vst.idx.msk vm13, v5  }
0x1b2: {  	[tilespmem:v4+s21+$0x0] =	vst.idx.msk vm14, v5  }
0x1b3: {  	[tilespmem:v4+s21+$0x0] =	vst.idx.msk vm9, v5  }
0x1b4: {  	[tilespmem:v4+s21+$0x0] =	vst.idx.msk vm10, v5  }
0x1b5: {  	[tilespmem:v4+s21+$0x0] =	vst.idx.msk vm2, v5  }
0x1b6: {  	[tilespmem:v4+s21+$0x0] =	vst.idx.msk vm8, v5  }
0x1b7: {  	v4 =	vld [tilespmem:$0x230];
	_ =	sdelay $0x4  }
0x1b8: {  	vm3 =	vge.s32 v4, v0;
	vm4 =	vlt.s32 v4, v1;
	v4 =	vsub.s32 v4, v0  }
0x1b9: {  	vm8 =	vmand vm3, vm4;
	vm5 =	vgt.s32 v4, $0x0  }
0x1ba: {  	vm4 =	vcmask $0x704;
	v4 =	vnsel vm5, $0x0, v4;
	vm9 =	vmand vm8, vm7  }
0x1bb: {  	v5 =	vld [tilespmem:$0x330];
	vm10 =	vmand vm8, vm4;
	v4 =	vmin.u32 v4, $0x7A1F  }
0x1bc: {  	vm1 =	vcmask $0xB08  }
0x1bd: {  	vm2 =	vcmask $0xF0C;
	vm11 =	vmand vm8, vm1  }
0x1be: {  	vm3 =	vcmask $0x1310;
	vm12 =	vmand vm8, vm2  }
0x1bf: {  	vm13 =	vmand vm8, vm3;
	vm5 =	vcmask $0x1714  }
0x1c0: {  	vm14 =	vmand vm8, vm5;
	[tilespmem:v4+s21+$0x0] =	vst.idx.msk vm9, v5;
	vm9 =	vcmask $0x1B18  }
0x1c1: {  	vm9 =	vmand vm8, vm9;
	[tilespmem:v4+s21+$0x0] =	vst.idx.msk vm10, v5;
	vm10 =	vcmask $0x1F1C  }
0x1c2: {  	vm10 =	vmand vm8, vm10  }
0x1c3: {  	[tilespmem:v4+s21+$0x0] =	vst.idx.msk vm11, v5;
	vm11 =	vmand vm8, vm15  }
0x1c4: {  	[tilespmem:v4+s21+$0x0] =	vst.idx.msk vm12, v5;
	vm12 =	vcmask $0x2724  }
0x1c5: {  	vm12 =	vmand vm8, vm12;
	[tilespmem:v4+s21+$0x0] =	vst.idx.msk vm13, v5;
	vm13 =	vcmask $0x2B28  }
0x1c6: {  	vm13 =	vmand vm8, vm13;
	[tilespmem:v4+s21+$0x0] =	vst.idx.msk vm14, v5;
	vm14 =	vcmask $0x2F2C  }
0x1c7: {  	vm14 =	vmand vm8, vm14;
	[tilespmem:v4+s21+$0x0] =	vst.idx.msk vm9, v5;
	vm9 =	vcmask $0x3330  }
0x1c8: {  	vm9 =	vmand vm8, vm9;
	[tilespmem:v4+s21+$0x0] =	vst.idx.msk vm10, v5;
	vm10 =	vcmask $0x3734  }
0x1c9: {  	vm10 =	vmand vm8, vm10;
	[tilespmem:v4+s21+$0x0] =	vst.idx.msk vm11, v5;
	vm11 =	vcmask $0x3B38  }
0x1ca: {  	vm0 =	vmand vm8, vm11  }
0x1cb: {  	[tilespmem:v4+s21+$0x0] =	vst.idx.msk vm12, v5;
	vm8 =	vmand vm8, vm6  }
0x1cc: {  	[tilespmem:v4+s21+$0x0] =	vst.idx.msk vm13, v5  }
0x1cd: {  	[tilespmem:v4+s21+$0x0] =	vst.idx.msk vm14, v5  }
0x1ce: {  	[tilespmem:v4+s21+$0x0] =	vst.idx.msk vm9, v5  }
0x1cf: {  	[tilespmem:v4+s21+$0x0] =	vst.idx.msk vm10, v5  }
0x1d0: {  	[tilespmem:v4+s21+$0x0] =	vst.idx.msk vm0, v5  }
0x1d1: {  	[tilespmem:v4+s21+$0x0] =	vst.idx.msk vm8, v5  }
0x1d2: {  	v4 =	vld [tilespmem:$0x240];
	_ =	sdelay $0x4  }
0x1d3: {  	vm13 =	vge.s32 v4, v0;
	vm14 =	vlt.s32 v4, v1;
	v4 =	vsub.s32 v4, v0  }
0x1d4: {  	vm8 =	vmand vm13, vm14;
	vm0 =	vgt.s32 v4, $0x0  }
0x1d5: {  	v4 =	vnsel vm0, $0x0, v4;
	vm6 =	vmand vm8, vm7  }
0x1d6: {  	v5 =	vld [tilespmem:$0x340];
	v4 =	vmin.u32 v4, $0x7A1F  }
0x1d7: {  	vm0 =	vmand vm8, vm4  }
0x1d8: {  	vm11 =	vmand vm8, vm1  }
0x1d9: {  	vm12 =	vmand vm8, vm2  }
0x1da: {  	vm13 =	vmand vm8, vm3  }
0x1db: {  	vm14 =	vmand vm8, vm5;
	[tilespmem:v4+s21+$0x0] =	vst.idx.msk vm6, v5;
	vm6 =	vcmask $0x1B18  }
0x1dc: {  	vm5 =	vcmask $0x1F1C;
	vm9 =	vmand vm8, vm6  }
0x1dd: {  	vm10 =	vmand vm8, vm5;
	[tilespmem:v4+s21+$0x0] =	vst.idx.msk vm0, v5  }
0x1de: {  	vm1 =	vcmask $0x2724;
	[tilespmem:v4+s21+$0x0] =	vst.idx.msk vm11, v5;
	vm11 =	vmand vm8, vm15  }
0x1df: {  	[tilespmem:v4+s21+$0x0] =	vst.idx.msk vm12, v5;
	vm12 =	vmand vm8, vm1  }
0x1e0: {  	vm2 =	vcmask $0x2B28;
	[tilespmem:v4+s21+$0x0] =	vst.idx.msk vm13, v5  }
0x1e1: {  	vm3 =	vcmask $0x2F2C;
	vm13 =	vmand vm8, vm2;
	[tilespmem:v4+s21+$0x0] =	vst.idx.msk vm14, v5  }
0x1e2: {  	vm14 =	vmand vm8, vm3;
	[tilespmem:v4+s21+$0x0] =	vst.idx.msk vm9, v5;
	vm9 =	vcmask $0x3330  }
0x1e3: {  	vm5 =	vcmask $0x3734;
	vm9 =	vmand vm8, vm9;
	[tilespmem:v4+s21+$0x0] =	vst.idx.msk vm10, v5  }
0x1e4: {  	vm0 =	vcmask $0x3B38;
	vm10 =	vmand vm8, vm5;
	[tilespmem:v4+s21+$0x0] =	vst.idx.msk vm11, v5  }
0x1e5: {  	vm11 =	vmand vm8, vm0;
	[tilespmem:v4+s21+$0x0] =	vst.idx.msk vm12, v5;
	vm12 =	vcmask $0x3F3C  }
0x1e6: {  	vm8 =	vmand vm8, vm12  }
0x1e7: {  	[tilespmem:v4+s21+$0x0] =	vst.idx.msk vm13, v5  }
0x1e8: {  	[tilespmem:v4+s21+$0x0] =	vst.idx.msk vm14, v5  }
0x1e9: {  	[tilespmem:v4+s21+$0x0] =	vst.idx.msk vm9, v5  }
0x1ea: {  	[tilespmem:v4+s21+$0x0] =	vst.idx.msk vm10, v5  }
0x1eb: {  	[tilespmem:v4+s21+$0x0] =	vst.idx.msk vm11, v5  }
0x1ec: {  	[tilespmem:v4+s21+$0x0] =	vst.idx.msk vm8, v5  }
0x1ed: {  	v4 =	vld [tilespmem:$0x250];
	_ =	sdelay $0x4  }
0x1ee: {  	vm14 =	vge.s32 v4, v0;
	vm12 =	vlt.s32 v4, v1;
	v4 =	vsub.s32 v4, v0  }
0x1ef: {  	vm8 =	vmand vm14, vm12;
	vm13 =	vgt.s32 v4, $0x0  }
0x1f0: {  	v4 =	vnsel vm13, $0x0, v4;
	vm9 =	vmand vm8, vm7  }
0x1f1: {  	v5 =	vld [tilespmem:$0x350];
	vm10 =	vmand vm8, vm4;
	v4 =	vmin.u32 v4, $0x7A1F  }
0x1f2: {  	vm14 =	vcmask $0xB08  }
0x1f3: {  	vm12 =	vcmask $0xF0C;
	vm11 =	vmand vm8, vm14  }
0x1f4: {  	vm12 =	vmand vm8, vm12;
	vm13 =	vcmask $0x1310  }
0x1f5: {  	vm14 =	vcmask $0x1714;
	vm13 =	vmand vm8, vm13  }
0x1f6: {  	vm14 =	vmand vm8, vm14;
	[tilespmem:v4+s21+$0x0] =	vst.idx.msk vm9, v5  }
0x1f7: {  	vm9 =	vmand vm8, vm6;
	[tilespmem:v4+s21+$0x0] =	vst.idx.msk vm10, v5;
	vm10 =	vcmask $0x1F1C  }
0x1f8: {  	vm10 =	vmand vm8, vm10  }
0x1f9: {  	[tilespmem:v4+s21+$0x0] =	vst.idx.msk vm11, v5;
	vm11 =	vmand vm8, vm15  }
0x1fa: {  	[tilespmem:v4+s21+$0x0] =	vst.idx.msk vm12, v5;
	vm12 =	vmand vm8, vm1  }
0x1fb: {  	[tilespmem:v4+s21+$0x0] =	vst.idx.msk vm13, v5;
	vm13 =	vmand vm8, vm2  }
0x1fc: {  	vm6 =	vcmask $0x3330;
	[tilespmem:v4+s21+$0x0] =	vst.idx.msk vm14, v5;
	vm14 =	vmand vm8, vm3  }
0x1fd: {  	[tilespmem:v4+s21+$0x0] =	vst.idx.msk vm9, v5;
	vm9 =	vmand vm8, vm6  }
0x1fe: {  	[tilespmem:v4+s21+$0x0] =	vst.idx.msk vm10, v5;
	vm10 =	vmand vm8, vm5  }
0x1ff: {  	vm15 =	vcmask $0x3F3C;
	vm5 =	vmand vm8, vm0;
	[tilespmem:v4+s21+$0x0] =	vst.idx.msk vm11, v5  }
0x200: {  	vm8 =	vmand vm8, vm15;
	[tilespmem:v4+s21+$0x0] =	vst.idx.msk vm12, v5  }
0x201: {  	[tilespmem:v4+s21+$0x0] =	vst.idx.msk vm13, v5  }
0x202: {  	[tilespmem:v4+s21+$0x0] =	vst.idx.msk vm14, v5  }
0x203: {  	[tilespmem:v4+s21+$0x0] =	vst.idx.msk vm9, v5  }
0x204: {  	[tilespmem:v4+s21+$0x0] =	vst.idx.msk vm10, v5  }
0x205: {  	[tilespmem:v4+s21+$0x0] =	vst.idx.msk vm5, v5  }
0x206: {  	[tilespmem:v4+s21+$0x0] =	vst.idx.msk vm8, v5  }
0x207: {  	v4 =	vld [tilespmem:$0x260];
	_ =	sdelay $0x3  }
0x208: {  	vm1 =	vmmov vm2  }
0x209: {  	vm2 =	vge.s32 v4, v0;
	vm3 =	vlt.s32 v4, v1;
	v4 =	vsub.s32 v4, v0  }
0x20a: {  	vm8 =	vmand vm2, vm3;
	vm5 =	vgt.s32 v4, $0x0  }
0x20b: {  	vm3 =	vmmov vm4;
	v4 =	vnsel vm5, $0x0, v4;
	vm9 =	vmand vm8, vm7  }
0x20c: {  	v5 =	vld [tilespmem:$0x360];
	vm10 =	vmand vm8, vm4;
	vm4 =	vcmask $0xB08;
	v4 =	vmin.u32 v4, $0x7A1F  }
0x20d: {  	vm11 =	vmand vm8, vm4  }
0x20e: {  	vm5 =	vcmask $0xF0C  }
0x20f: {  	vm15 =	vcmask $0x1310;
	vm12 =	vmand vm8, vm5  }
0x210: {  	vm2 =	vcmask $0x1714;
	vm13 =	vmand vm8, vm15  }
0x211: {  	vm14 =	vmand vm8, vm2;
	[tilespmem:v4+s21+$0x0] =	vst.idx.msk vm9, v5;
	vm9 =	vcmask $0x1B18  }
0x212: {  	vm9 =	vmand vm8, vm9;
	[tilespmem:v4+s21+$0x0] =	vst.idx.msk vm10, v5;
	vm10 =	vcmask $0x1F1C  }
0x213: {  	vm10 =	vmand vm8, vm10;
	[tilespmem:v4+s21+$0x0] =	vst.idx.msk vm11, v5;
	vm11 =	vcmask $0x2320  }
0x214: {  	vm11 =	vmand vm8, vm11  }
0x215: {  	[tilespmem:v4+s21+$0x0] =	vst.idx.msk vm12, v5;
	vm12 =	vcmask $0x2724  }
0x216: {  	vm12 =	vmand vm8, vm12;
	[tilespmem:v4+s21+$0x0] =	vst.idx.msk vm13, v5  }
0x217: {  	vm13 =	vmand vm8, vm1;
	[tilespmem:v4+s21+$0x0] =	vst.idx.msk vm14, v5;
	vm14 =	vcmask $0x2F2C  }
0x218: {  	vm14 =	vmand vm8, vm14;
	[tilespmem:v4+s21+$0x0] =	vst.idx.msk vm9, v5  }
0x219: {  	vm9 =	vmand vm8, vm6;
	[tilespmem:v4+s21+$0x0] =	vst.idx.msk vm10, v5;
	vm10 =	vcmask $0x3734  }
0x21a: {  	vm10 =	vmand vm8, vm10;
	[tilespmem:v4+s21+$0x0] =	vst.idx.msk vm11, v5;
	vm11 =	vcmask $0x3B38  }
0x21b: {  	vm0 =	vcmask $0x3F3C;
	vm11 =	vmand vm8, vm11  }
0x21c: {  	[tilespmem:v4+s21+$0x0] =	vst.idx.msk vm12, v5;
	vm8 =	vmand vm8, vm0  }
0x21d: {  	[tilespmem:v4+s21+$0x0] =	vst.idx.msk vm13, v5  }
0x21e: {  	[tilespmem:v4+s21+$0x0] =	vst.idx.msk vm14, v5  }
0x21f: {  	[tilespmem:v4+s21+$0x0] =	vst.idx.msk vm9, v5  }
0x220: {  	[tilespmem:v4+s21+$0x0] =	vst.idx.msk vm10, v5  }
0x221: {  	[tilespmem:v4+s21+$0x0] =	vst.idx.msk vm11, v5  }
0x222: {  	[tilespmem:v4+s21+$0x0] =	vst.idx.msk vm8, v5  }
0x223: {  	v4 =	vld [tilespmem:$0x270];
	_ =	sdelay $0x4  }
0x224: {  	vm13 =	vge.s32 v4, v0;
	vm14 =	vlt.s32 v4, v1;
	v4 =	vsub.s32 v4, v0  }
0x225: {  	vm8 =	vmand vm13, vm14;
	vm1 =	vgt.s32 v4, $0x0  }
0x226: {  	v4 =	vnsel vm1, $0x0, v4;
	vm9 =	vmand vm8, vm7  }
0x227: {  	v5 =	vld [tilespmem:$0x370];
	vm10 =	vmand vm8, vm3;
	v4 =	vmin.u32 v4, $0x7A1F  }
0x228: {  	vm11 =	vmand vm8, vm4  }
0x229: {  	vm12 =	vmand vm8, vm5  }
0x22a: {  	vm13 =	vmand vm8, vm15  }
0x22b: {  	vm14 =	vmand vm8, vm2  }
0x22c: {  	[tilespmem:v4+s21+$0x0] =	vst.idx.msk vm9, v5;
	vm9 =	vcmask $0x1B18  }
0x22d: {  	vm9 =	vmand vm8, vm9;
	[tilespmem:v4+s21+$0x0] =	vst.idx.msk vm10, v5;
	vm10 =	vcmask $0x1F1C  }
0x22e: {  	vm10 =	vmand vm8, vm10;
	[tilespmem:v4+s21+$0x0] =	vst.idx.msk vm11, v5;
	vm11 =	vcmask $0x2320  }
0x22f: {  	vm11 =	vmand vm8, vm11;
	[tilespmem:v4+s21+$0x0] =	vst.idx.msk vm12, v5;
	vm12 =	vcmask $0x2724  }
0x230: {  	vm5 =	vcmask $0x2B28;
	vm12 =	vmand vm8, vm12;
	[tilespmem:v4+s21+$0x0] =	vst.idx.msk vm13, v5  }
0x231: {  	vm13 =	vmand vm8, vm5;
	[tilespmem:v4+s21+$0x0] =	vst.idx.msk vm14, v5;
	vm14 =	vcmask $0x2F2C  }
0x232: {  	vm14 =	vmand vm8, vm14  }
0x233: {  	vm1 =	vmmov vm15;
	vm15 =	vcmask $0x3734;
	[tilespmem:v4+s21+$0x0] =	vst.idx.msk vm9, v5;
	vm9 =	vmand vm8, vm6  }
0x234: {  	[tilespmem:v4+s21+$0x0] =	vst.idx.msk vm10, v5;
	vm10 =	vmand vm8, vm15;
	vm15 =	vcmask $0x3B38  }
0x235: {  	[tilespmem:v4+s21+$0x0] =	vst.idx.msk vm11, v5;
	vm11 =	vmand vm8, vm15  }
0x236: {  	vm8 =	vmand vm8, vm0;
	[tilespmem:v4+s21+$0x0] =	vst.idx.msk vm12, v5  }
0x237: {  	[tilespmem:v4+s21+$0x0] =	vst.idx.msk vm13, v5  }
0x238: {  	[tilespmem:v4+s21+$0x0] =	vst.idx.msk vm14, v5  }
0x239: {  	[tilespmem:v4+s21+$0x0] =	vst.idx.msk vm9, v5  }
0x23a: {  	[tilespmem:v4+s21+$0x0] =	vst.idx.msk vm10, v5  }
0x23b: {  	[tilespmem:v4+s21+$0x0] =	vst.idx.msk vm11, v5  }
0x23c: {  	[tilespmem:v4+s21+$0x0] =	vst.idx.msk vm8, v5  }
0x23d: {  	v4 =	vld [tilespmem:$0x280];
	_ =	sdelay $0x4  }
0x23e: {  	vm0 =	vge.s32 v4, v0;
	vm12 =	vlt.s32 v4, v1;
	v4 =	vsub.s32 v4, v0  }
0x23f: {  	vm8 =	vmand vm0, vm12;
	vm13 =	vgt.s32 v4, $0x0  }
0x240: {  	v4 =	vnsel vm13, $0x0, v4;
	vm9 =	vmand vm8, vm7  }
0x241: {  	v5 =	vld [tilespmem:$0x380];
	vm10 =	vmand vm8, vm3;
	v4 =	vmin.u32 v4, $0x7A1F  }
0x242: {  	vm14 =	vcmask $0xF0C;
	vm11 =	vmand vm8, vm4  }
0x243: {  	vm12 =	vmand vm8, vm14;
	_ =	sdelay $0x1  }
0x244: {  	vm13 =	vmand vm8, vm1  }
0x245: {  	vm14 =	vmand vm8, vm2;
	[tilespmem:v4+s21+$0x0] =	vst.idx.msk vm9, v5;
	vm9 =	vcmask $0x1B18  }
0x246: {  	vm9 =	vmand vm8, vm9;
	[tilespmem:v4+s21+$0x0] =	vst.idx.msk vm10, v5;
	vm10 =	vcmask $0x1F1C  }
0x247: {  	vm10 =	vmand vm8, vm10;
	[tilespmem:v4+s21+$0x0] =	vst.idx.msk vm11, v5;
	vm11 =	vcmask $0x2320  }
0x248: {  	vm11 =	vmand vm8, vm11;
	[tilespmem:v4+s21+$0x0] =	vst.idx.msk vm12, v5;
	vm12 =	vcmask $0x2724  }
0x249: {  	vm12 =	vmand vm8, vm12  }
0x24a: {  	[tilespmem:v4+s21+$0x0] =	vst.idx.msk vm13, v5  }
0x24b: {  	vm13 =	vmand vm8, vm5;
	vm5 =	vcmask $0x2F2C;
	[tilespmem:v4+s21+$0x0] =	vst.idx.msk vm14, v5  }
0x24c: {  	vm14 =	vmand vm8, vm5;
	[tilespmem:v4+s21+$0x0] =	vst.idx.msk vm9, v5  }
0x24d: {  	vm9 =	vmand vm8, vm6;
	[tilespmem:v4+s21+$0x0] =	vst.idx.msk vm10, v5;
	vm10 =	vcmask $0x3734  }
0x24e: {  	vm10 =	vmand vm8, vm10;
	[tilespmem:v4+s21+$0x0] =	vst.idx.msk vm11, v5  }
0x24f: {  	vm0 =	vmand vm8, vm15;
	[tilespmem:v4+s21+$0x0] =	vst.idx.msk vm12, v5;
	vm12 =	vcmask $0x3F3C  }
0x250: {  	vm8 =	vmand vm8, vm12  }
0x251: {  	[tilespmem:v4+s21+$0x0] =	vst.idx.msk vm13, v5  }
0x252: {  	[tilespmem:v4+s21+$0x0] =	vst.idx.msk vm14, v5  }
0x253: {  	[tilespmem:v4+s21+$0x0] =	vst.idx.msk vm9, v5  }
0x254: {  	[tilespmem:v4+s21+$0x0] =	vst.idx.msk vm10, v5  }
0x255: {  	[tilespmem:v4+s21+$0x0] =	vst.idx.msk vm0, v5  }
0x256: {  	[tilespmem:v4+s21+$0x0] =	vst.idx.msk vm8, v5  }
0x257: {  	v4 =	vld [tilespmem:$0x290];
	_ =	sdelay $0x4  }
0x258: {  	vm15 =	vge.s32 v4, v0;
	vm0 =	vlt.s32 v4, v1;
	v4 =	vsub.s32 v4, v0  }
0x259: {  	vm8 =	vmand vm15, vm0;
	vm5 =	vgt.s32 v4, $0x0  }
0x25a: {  	v4 =	vnsel vm5, $0x0, v4;
	vm9 =	vmand vm8, vm7  }
0x25b: {  	v5 =	vld [tilespmem:$0x390];
	vm10 =	vmand vm8, vm3;
	v4 =	vmin.u32 v4, $0x7A1F  }
0x25c: {  	vm11 =	vmand vm8, vm4  }
0x25d: {  	vm5 =	vmmov vm3;
	vm3 =	vmmov vm4;
	vm4 =	vcmask $0xF0C  }
0x25e: {  	vm12 =	vmand vm8, vm4  }
0x25f: {  	vm13 =	vmand vm8, vm1  }
0x260: {  	vm14 =	vmand vm8, vm2;
	[tilespmem:v4+s21+$0x0] =	vst.idx.msk vm9, v5;
	vm9 =	vcmask $0x1B18  }
0x261: {  	vm9 =	vmand vm8, vm9;
	[tilespmem:v4+s21+$0x0] =	vst.idx.msk vm10, v5;
	vm10 =	vcmask $0x1F1C  }
0x262: {  	vm10 =	vmand vm8, vm10;
	[tilespmem:v4+s21+$0x0] =	vst.idx.msk vm11, v5;
	vm11 =	vcmask $0x2320  }
0x263: {  	vm11 =	vmand vm8, vm11  }
0x264: {  	[tilespmem:v4+s21+$0x0] =	vst.idx.msk vm12, v5;
	vm12 =	vcmask $0x2724  }
0x265: {  	vm12 =	vmand vm8, vm12;
	[tilespmem:v4+s21+$0x0] =	vst.idx.msk vm13, v5;
	vm13 =	vcmask $0x2B28  }
0x266: {  	vm13 =	vmand vm8, vm13;
	[tilespmem:v4+s21+$0x0] =	vst.idx.msk vm14, v5;
	vm14 =	vcmask $0x2F2C  }
0x267: {  	vm14 =	vmand vm8, vm14;
	[tilespmem:v4+s21+$0x0] =	vst.idx.msk vm9, v5  }
0x268: {  	vm9 =	vmand vm8, vm6;
	[tilespmem:v4+s21+$0x0] =	vst.idx.msk vm10, v5;
	vm10 =	vcmask $0x3734  }
0x269: {  	vm15 =	vmmov vm1;
	vm10 =	vmand vm8, vm10;
	[tilespmem:v4+s21+$0x0] =	vst.idx.msk vm11, v5;
	vm11 =	vcmask $0x3B38  }
0x26a: {  	vm1 =	vmmov vm2;
	vm2 =	vcmask $0x3F3C;
	vm11 =	vmand vm8, vm11  }
0x26b: {  	[tilespmem:v4+s21+$0x0] =	vst.idx.msk vm12, v5;
	vm8 =	vmand vm8, vm2  }
0x26c: {  	[tilespmem:v4+s21+$0x0] =	vst.idx.msk vm13, v5  }
0x26d: {  	[tilespmem:v4+s21+$0x0] =	vst.idx.msk vm14, v5  }
0x26e: {  	[tilespmem:v4+s21+$0x0] =	vst.idx.msk vm9, v5  }
0x26f: {  	[tilespmem:v4+s21+$0x0] =	vst.idx.msk vm10, v5  }
0x270: {  	[tilespmem:v4+s21+$0x0] =	vst.idx.msk vm11, v5  }
0x271: {  	[tilespmem:v4+s21+$0x0] =	vst.idx.msk vm8, v5  }
0x272: {  	v4 =	vld [tilespmem:$0x2A0];
	_ =	sdelay $0x4  }
0x273: {  	vm12 =	vge.s32 v4, v0;
	vm13 =	vlt.s32 v4, v1;
	v4 =	vsub.s32 v4, v0  }
0x274: {  	vm8 =	vmand vm12, vm13;
	vm14 =	vgt.s32 v4, $0x0  }
0x275: {  	v4 =	vnsel vm14, $0x0, v4;
	vm9 =	vmand vm8, vm7  }
0x276: {  	v5 =	vld [tilespmem:$0x3A0];
	vm0 =	vmand vm8, vm5;
	v4 =	vmin.u32 v4, $0x7A1F  }
0x277: {  	vm11 =	vmand vm8, vm3  }
0x278: {  	vm12 =	vmand vm8, vm4  }
0x279: {  	vm13 =	vmand vm8, vm15  }
0x27a: {  	vm6 =	vcmask $0x1B18;
	vm14 =	vmand vm8, vm1  }
0x27b: {  	vm4 =	vmmov vm1;
	vm1 =	vcmask $0x1F1C;
	[tilespmem:v4+s21+$0x0] =	vst.idx.msk vm9, v5;
	vm9 =	vmand vm8, vm6  }
0x27c: {  	vm10 =	vmand vm8, vm1;
	[tilespmem:v4+s21+$0x0] =	vst.idx.msk vm0, v5;
	vm0 =	vcmask $0x2320  }
0x27d: {  	[tilespmem:v4+s21+$0x0] =	vst.idx.msk vm11, v5;
	vm11 =	vmand vm8, vm0;
	vm0 =	vcmask $0x2724  }
0x27e: {  	[tilespmem:v4+s21+$0x0] =	vst.idx.msk vm12, v5;
	vm12 =	vmand vm8, vm0;
	vm0 =	vcmask $0x2B28  }
0x27f: {  	[tilespmem:v4+s21+$0x0] =	vst.idx.msk vm13, v5;
	vm13 =	vmand vm8, vm0;
	vm0 =	vcmask $0x2F2C  }
0x280: {  	[tilespmem:v4+s21+$0x0] =	vst.idx.msk vm14, v5;
	vm0 =	vmand vm8, vm0;
	vm14 =	vcmask $0x3330  }
0x281: {  	[tilespmem:v4+s21+$0x0] =	vst.idx.msk vm9, v5;
	vm9 =	vmand vm8, vm14;
	vm14 =	vcmask $0x3734  }
0x282: {  	[tilespmem:v4+s21+$0x0] =	vst.idx.msk vm10, v5;
	vm10 =	vmand vm8, vm14;
	vm14 =	vcmask $0x3B38  }
0x283: {  	[tilespmem:v4+s21+$0x0] =	vst.idx.msk vm11, v5;
	vm11 =	vmand vm8, vm14  }
0x284: {  	vm8 =	vmand vm8, vm2;
	[tilespmem:v4+s21+$0x0] =	vst.idx.msk vm12, v5  }
0x285: {  	[tilespmem:v4+s21+$0x0] =	vst.idx.msk vm13, v5  }
0x286: {  	[tilespmem:v4+s21+$0x0] =	vst.idx.msk vm0, v5  }
0x287: {  	[tilespmem:v4+s21+$0x0] =	vst.idx.msk vm9, v5  }
0x288: {  	[tilespmem:v4+s21+$0x0] =	vst.idx.msk vm10, v5  }
0x289: {  	[tilespmem:v4+s21+$0x0] =	vst.idx.msk vm11, v5  }
0x28a: {  	[tilespmem:v4+s21+$0x0] =	vst.idx.msk vm8, v5  }
0x28b: {  	v4 =	vld [tilespmem:$0x2B0];
	_ =	sdelay $0x4  }
0x28c: {  	vm0 =	vge.s32 v4, v0;
	vm12 =	vlt.s32 v4, v1;
	v4 =	vsub.s32 v4, v0  }
0x28d: {  	vm8 =	vmand vm0, vm12;
	vm13 =	vgt.s32 v4, $0x0  }
0x28e: {  	v4 =	vnsel vm13, $0x0, v4;
	vm9 =	vmand vm8, vm7  }
0x28f: {  	v5 =	vld [tilespmem:$0x3B0];
	vm10 =	vmand vm8, vm5;
	v4 =	vmin.u32 v4, $0x7A1F  }
0x290: {  	vm14 =	vcmask $0xF0C;
	vm11 =	vmand vm8, vm3  }
0x291: {  	vm12 =	vmand vm8, vm14  }
0x292: {  	vm13 =	vmand vm8, vm15  }
0x293: {  	vm14 =	vmand vm8, vm4  }
0x294: {  	[tilespmem:v4+s21+$0x0] =	vst.idx.msk vm9, v5;
	vm9 =	vmand vm8, vm6  }
0x295: {  	[tilespmem:v4+s21+$0x0] =	vst.idx.msk vm10, v5;
	vm10 =	vmand vm8, vm1  }
0x296: {  	vm0 =	vcmask $0x2320;
	[tilespmem:v4+s21+$0x0] =	vst.idx.msk vm11, v5  }
0x297: {  	vm11 =	vmand vm8, vm0;
	vm0 =	vcmask $0x2724;
	[tilespmem:v4+s21+$0x0] =	vst.idx.msk vm12, v5  }
0x298: {  	vm12 =	vmand vm8, vm0;
	vm0 =	vcmask $0x2B28;
	[tilespmem:v4+s21+$0x0] =	vst.idx.msk vm13, v5  }
0x299: {  	vm13 =	vmand vm8, vm0;
	[tilespmem:v4+s21+$0x0] =	vst.idx.msk vm14, v5;
	vm14 =	vcmask $0x2F2C  }
0x29a: {  	vm0 =	vcmask $0x3330;
	vm14 =	vmand vm8, vm14;
	[tilespmem:v4+s21+$0x0] =	vst.idx.msk vm9, v5  }
0x29b: {  	vm9 =	vmand vm8, vm0;
	[tilespmem:v4+s21+$0x0] =	vst.idx.msk vm10, v5;
	vm10 =	vcmask $0x3734  }
0x29c: {  	vm0 =	vcmask $0x3B38;
	vm10 =	vmand vm8, vm10  }
0x29d: {  	[tilespmem:v4+s21+$0x0] =	vst.idx.msk vm11, v5;
	vm11 =	vmand vm8, vm0  }
0x29e: {  	vm8 =	vmand vm8, vm2;
	[tilespmem:v4+s21+$0x0] =	vst.idx.msk vm12, v5  }
0x29f: {  	[tilespmem:v4+s21+$0x0] =	vst.idx.msk vm13, v5  }
0x2a0: {  	[tilespmem:v4+s21+$0x0] =	vst.idx.msk vm14, v5  }
0x2a1: {  	[tilespmem:v4+s21+$0x0] =	vst.idx.msk vm9, v5  }
0x2a2: {  	[tilespmem:v4+s21+$0x0] =	vst.idx.msk vm10, v5  }
0x2a3: {  	[tilespmem:v4+s21+$0x0] =	vst.idx.msk vm11, v5  }
0x2a4: {  	[tilespmem:v4+s21+$0x0] =	vst.idx.msk vm8, v5  }
0x2a5: {  	v4 =	vld [tilespmem:$0x2C0];
	_ =	sdelay $0x4  }
0x2a6: {  	vm14 =	vge.s32 v4, v0;
	vm0 =	vlt.s32 v4, v1;
	v4 =	vsub.s32 v4, v0  }
0x2a7: {  	vm8 =	vmand vm14, vm0;
	vm2 =	vgt.s32 v4, $0x0  }
0x2a8: {  	v4 =	vnsel vm2, $0x0, v4;
	vm9 =	vmand vm8, vm7  }
0x2a9: {  	v5 =	vld [tilespmem:$0x3C0];
	vm7 =	vmand vm8, vm5;
	v4 =	vmin.u32 v4, $0x7A1F  }
0x2aa: {  	vm0 =	vcmask $0xF0C;
	vm11 =	vmand vm8, vm3  }
0x2ab: {  	vm2 =	vmand vm8, vm0  }
0x2ac: {  	vm3 =	vmand vm8, vm15  }
0x2ad: {  	vm5 =	vmand vm8, vm4  }
0x2ae: {  	vm15 =	vmand vm8, vm6;
	[tilespmem:v4+s21+$0x0] =	vst.idx.msk vm9, v5  }
0x2af: {  	vm8 =	vmand vm8, vm1;
	[tilespmem:v4+s21+$0x0] =	vst.idx.msk vm7, v5  }
0x2b0: {  	vm0 =	vmxor vm0, vm0;
	[tilespmem:v4+s21+$0x0] =	vst.idx.msk vm11, v5  }
0x2b1: {  	[tilespmem:v4+s21+$0x0] =	vst.idx.msk vm2, v5  }
0x2b2: {  	[tilespmem:v4+s21+$0x0] =	vst.idx.msk vm3, v5  }
0x2b3: {  	[tilespmem:v4+s21+$0x0] =	vst.idx.msk vm5, v5  }
0x2b4: {  	[tilespmem:v4+s21+$0x0] =	vst.idx.msk vm15, v5  }
0x2b5: {  	[tilespmem:v4+s21+$0x0] =	vst.idx.msk vm8, v5  }
0x2b6: {  	[tilespmem:v4+s21+$0x0] =	vst.idx.msk vm0, v5  }
0x2b7: {  	[tilespmem:v4+s21+$0x0] =	vst.idx.msk vm0, v5  }
0x2b8: {  	[tilespmem:v4+s21+$0x0] =	vst.idx.msk vm0, v5  }
0x2b9: {  	[tilespmem:v4+s21+$0x0] =	vst.idx.msk vm0, v5  }
0x2ba: {  	[tilespmem:v4+s21+$0x0] =	vst.idx.msk vm0, v5  }
0x2bb: {  	[tilespmem:v4+s21+$0x0] =	vst.idx.msk vm0, v5  }
0x2bc: {  	[tilespmem:v4+s21+$0x0] =	vst.idx.msk vm0, v5  }
0x2bd: {  	s23 =	simm.s32 @p2 $0x0;
	s24 =	simm.s32 @p2 $0x400;
	[tilespmem:v4+s21+$0x0] =	vst.idx.msk vm0, v5  }
0x2be: {  	[hbm4b:s11+s23] =	stream.linear.scatter @p2 [tilespmem:s24], [sflag:$0x1], $0x7860, $0x38;
	[tilespmem:$0xF900] =	vst v63  }
0x2bf: {  	s24 =	simm.s32 @p2 $0x1  }
0x2c0: {  	_ =	swait.ge @p2 [sflag:s24], $0x7860  }
0x2c1: {  	[sflag:s24] =	ssyncset.done @p2 $0x0  }
0x2c2: {  	s25 =	simm.s32 @p2 $0x7E80;
	[sflag:s24] =	ssyncadd.s32 @p2 $0xFFFF87A0  }
0x2c3: {  	[hbm4b:s12+s23] =	stream.linear.scatter @p2 [tilespmem:s25], [sflag:$0x1], $0x7860, $0x38;
	[tilespmem:$0xF900] =	vst v63  }
0x2c4: {  	_ =	swait.ge @p2 [sflag:s24], $0x7860  }
0x2c5: {  	[sflag:s24] =	ssyncset.done @p2 $0x0  }
0x2c6: {  	s23 =	simm.s32 @!p2 $0x0;
	[sflag:s24] =	ssyncadd.s32 @p2 $0xFFFF87A0;
	s24 =	simm.s32 @!p2 $0x400  }
0x2c7: {  	[hbm4b:s9+s23] =	stream.linear.scatter @!p2 [tilespmem:s24], [sflag:$0x1], $0x7A20, $0x38;
	[tilespmem:$0xF900] =	vst v63  }
0x2c8: {  	s24 =	simm.s32 @!p2 $0x1  }
0x2c9: {  	s22 =	sadd.s32 $0x1, s22;
	_ =	swait.ge @!p2 [sflag:s24], $0x7A20  }
0x2ca: {  	p3 =	sne.s32 s22, s13;
	[sflag:s24] =	ssyncset.done @!p2 $0x0  }
.Ltmp1:
0x2cb: {  	s25 =	simm.s32 @!p2 $0x7E80;
	[sflag:s24] =	ssyncadd.s32 @!p2 $0xFFFF85E0;
	(pc) =	sbr.rel @!p3 .LBB2_9-.Ltmp1, $4  }
0x2cc: {  	[hbm4b:s10+s23] =	stream.linear.scatter @!p2 [tilespmem:s25], [sflag:$0x1], $0x7A20, $0x38;
	[tilespmem:$0xF900] =	vst v63  }
0x2cd: {  	_ =	swait.ge @!p2 [sflag:s24], $0x7A20  }
0x2ce: {  	[sflag:s24] =	ssyncset.done @!p2 $0x0  }
0x2cf: {  	[sflag:s24] =	ssyncadd.s32 @!p2 $0xFFFF85E0  }
.LBB2_1:
0x2d0: {  	[tilespmem:s2], [sflag:$0x1] =	stream.linear.gather [hbm4b:s3+s2], $0x100, $0x38;
	[tilespmem:$0xF900] =	vst v63  }
0x2d1: {  	_ =	swait.ge [sflag:s8], $0x100  }
0x2d2: {  	[sflag:s8] =	ssyncset.done $0x0  }
0x2d3: {  	[sflag:s8] =	ssyncadd.s32 $0xFFFFFF00  }
0x2d4: {  	[tilespmem:s17], [sflag:$0x1] =	stream.linear.gather [hbm4b:s4+s2], $0x100, $0x38;
	[tilespmem:$0xF900] =	vst v63  }
0x2d5: {  	_ =	swait.ge [sflag:s8], $0x100  }
0x2d6: {  	[sflag:s8] =	ssyncset.done $0x0  }
0x2d7: {  	[sflag:s8] =	ssyncadd.s32 $0xFFFFFF00  }
0x2d8: {  	[tilespmem:s18], [sflag:$0x1] =	stream.linear.gather [hbm4b:s5+s2], $0x100, $0x38;
	[tilespmem:$0xF900] =	vst v63  }
0x2d9: {  	_ =	swait.ge [sflag:s8], $0x100  }
0x2da: {  	[sflag:s8] =	ssyncset.done $0x0  }
.Ltmp2:
0x2db: {  	[sflag:s8] =	ssyncadd.s32 $0xFFFFFF00;
	(pc) =	sbr.rel @p0 .LBB2_5-.Ltmp2, $4  }
0x2dc: {  	[tilespmem:s19], [sflag:$0x1] =	stream.linear.gather [hbm4b:s6+s2], $0x100, $0x38;
	[tilespmem:$0xF900] =	vst v63  }
0x2dd: {  	_ =	swait.ge [sflag:s8], $0x100  }
0x2de: {  	[sflag:s8] =	ssyncset.done $0x0  }
0x2df: {  	[sflag:s8] =	ssyncadd.s32 $0xFFFFFF00  }
0x2e0: {  	s23 =	simm.s32 $0x420;
	p3 =	sne.s32 s7, $0x1  }
.Ltmp3:
0x2e1: {  	[tilespmem:s23+$0xFFFFFFE0] =	vst v2;
	(pc) =	sbr.rel @!p3 .LBB2_4-.Ltmp3, $4  }
0x2e2: {  	[tilespmem:s23+$0xFFFFFFF0] =	vst v2  }
0x2e3: {  	[tilespmem:s23+$0x0] =	vst v2  }
0x2e4: {  	s24 =	simm.s32 $0x7EA0;
	[tilespmem:s23+$0x10] =	vst v2  }
0x2e5: {  	s25 =	sadd.s32 $0xFFFFFFFF, s7;
	[tilespmem:s24+$0x10] =	vst v3  }
.LBB2_3:
0x2e6: {  	p3 =	sne.s32 s25, $0x1;
	[tilespmem:s24+$0xFFFFFFE0] =	vst v3  }
0x2e7: {  	[tilespmem:s24+$0xFFFFFFF0] =	vst v3  }
0x2e8: {  	s23 =	sadd.s32 $0x40, s23;
	[tilespmem:s24+$0x0] =	vst v3  }
.Ltmp4:
0x2e9: {  	[tilespmem:s23+$0xFFFFFFE0] =	vst v2;
	(pc) =	sbr.rel @p3 .LBB2_3-.Ltmp4, $4  }
0x2ea: {  	[tilespmem:s23+$0xFFFFFFF0] =	vst v2  }
0x2eb: {  	[tilespmem:s23+$0x0] =	vst v2  }
0x2ec: {  	s24 =	sadd.s32 $0x40, s24;
	[tilespmem:s23+$0x10] =	vst v2  }
0x2ed: {  	s25 =	sadd.s32 $0xFFFFFFFF, s25;
	[tilespmem:s24+$0x10] =	vst v3  }
.LBB2_4:
0x2ee: {  	[tilespmem:s24+$0xFFFFFFE0] =	vst v3  }
0x2ef: {  	[tilespmem:s24+$0xFFFFFFF0] =	vst v3  }
0x2f0: {  	[tilespmem:s24+$0x0] =	vst v3  }
.LBB2_5:
.Ltmp5:
0x2f1: {  	(pc) =	sbr.rel @p1 .LBB2_8-.Ltmp5, $1  }
0x2f2: {  	_ =	sdelay $0x3  }
0x2f3: {  	p3 =	sne.s32 s14, $0x1  }
.Ltmp6:
0x2f4: {  	_ = 	snop;
	(pc) =	sbr.rel @!p3 .LBB2_8-.Ltmp6, $3  }
0x2f5: {  	_ =	sdelay $0x1  }
0x2f6: {  	[tilespmem:s15+$0x0] =	vst v2  }
0x2f7: {  	s23 =	sadd.s32 $0xFFFFFFFF, s14;
	s24 =	sadd.s32 $0x10, s15;
	s25 =	smov.u32 s16;
	[tilespmem:s16+$0x0] =	vst v3  }
.LBB2_7:
0x2f8: {  	[tilespmem:s24+$0x0] =	vst v2;
	s25 =	sadd.s32 $0x10, s25;
	p3 =	sne.s32 s23, $0x1  }
.Ltmp7:
0x2f9: {  	s23 =	sadd.s32 $0xFFFFFFFF, s23;
	[tilespmem:s25+$0x0] =	vst v3;
	(pc) =	sbr.rel @p3 .LBB2_7-.Ltmp7, $2  }
0x2fa: {  	_ =	sdelay $0x2  }
0x2fb: {  	s24 =	sadd.s32 $0x10, s24  }
.Ltmp8:
0x2fc: {  	_ = 	snop;
	(pc) =	sbr.rel .LBB2_8-.Ltmp8, $1  }
0x2fd: {  	_ =	sdelay $0x3  }
.LBB2_9:
0x2fe: {  	_ =	sfence.sel $0x180000  }
0x2ff: {  	[bflag:$0x0] =	sbarrier.arrive $0xFFFF  }
0x300: {  	p0 =	sne.s32 s0, $0x0;
	_ =	strace $0x90000047  }
0x301: {  	s0 =	sadd.s32 @!p0 $0x100000, s1;
	[bflag:$0x2] =	sbarrier.arrive $0xFFFF  }
0x302: {  	[sflag:s0] =	ssyncadd.tile.s32 @!p0 $0x1;
	_ =	shalt  }
.Lfunc_end2:
_tile_overlayer_lowered:
.L_overlay_start_2:
0x303: {  	(tag) =	ssettag $0x2  }
0x304: {  	s0 =	rddreg [dreg:$0x0];
	s2 =	stileid.u32  }
0x305: {  	s1 =	rddreg [dreg:$0x1];
	p0 =	sne.s32 s2, $0x0  }
0x306: {  	s3 =	rddreg [dreg:$0x2];
	[bflag:$0x3] =	sbarrier.arrive $0xFFFF;
	s2 =	simm.s32 @!p0 $0x1C01  }
0x307: {  	[timem:s3], [sflag:s2] =	dma.local @!p0 [hbm:s0], s1  }
0x308: {  	s0 =	simm.s32 @!p0 $0x1  }
0x309: {  	_ =	swait.ge @!p0 [sflag:s0], s1  }
0x30a: {  	s1 =	ssub.s32 @!p0 $0x0, s1;
	[sflag:s0] =	ssyncset.done @!p0 $0x0  }
0x30b: {  	[sflag:s0] =	ssyncadd.s32 @!p0 s1  }
0x30c: {  	[bflag:$0x3] =	sbarrier.arrive $0xFFFF  }
0x30d: {  	_ =	shalt  }

</sc_bundles>
